<compile_context>
chip_gen: v7x
topology: tpu7x:2x2x1
jax: 0.10.2.dev20260603
libtpu: 0.0.44.dev20260713+nightly
codegen_flags: <defaults>
</compile_context>

<pallas_src>
import functools

import jax
import jax.numpy as jnp
from jax import lax
from jax.experimental import pallas as pl
from jax.experimental.pallas import tpu as pltpu
from jax.experimental.pallas import tpu_sc as plsc

V, D = 1_000_000, 32
B, L = 16384, 50
NTOT = B * L
NC, NS = 2, 16
NW = NC * NS
PER_W = NTOT // NW
CHUNK = 640
G = CHUNK // 128
NCHUNK = PER_W // CHUNK
NTJ = NTOT // 128
OROWS = NTOT * D // 128


def _sc_gather(idx_flat, table):
    mesh = plsc.VectorSubcoreMesh(core_axis_name="c", subcore_axis_name="s")

    @functools.partial(
        pl.kernel,
        out_type=jax.ShapeDtypeStruct((OROWS, 128), jnp.float32),
        mesh=mesh,
        scratch_types=[
            pltpu.VMEM((2, CHUNK), jnp.int32),
            pltpu.VMEM((2, CHUNK, D), jnp.float32),
            pltpu.VMEM((2, D, G * 128 + 1), jnp.float32),
            pltpu.SemaphoreType.DMA,
            pltpu.SemaphoreType.DMA,
            pltpu.SemaphoreType.DMA,
            pltpu.SemaphoreType.DMA,
        ],
        compiler_params=pltpu.CompilerParams(use_tc_tiling_on_sc=False,
                                             needs_layout_passes=False),
    )
    def k(idx_hbm, table_hbm, out_hbm, idx_v, rows_v, stage_v,
          gsem0, gsem1, osem0, osem1):
        gsem = (gsem0, gsem1)
        osem = (osem0, osem1)
        wid = lax.axis_index("s") * NC + lax.axis_index("c")
        wbase = wid * PER_W
        lane = lax.iota(jnp.int32, 16)

        def fire_gathers(buf, chunk):
            base = wbase + chunk * CHUNK
            pltpu.sync_copy(idx_hbm.at[pl.ds(base, CHUNK)], idx_v.at[buf])
            for j in range(G):
                pltpu.async_copy(
                    table_hbm.at[idx_v.at[buf].at[pl.ds(j * 128, 128)]],
                    rows_v.at[buf].at[pl.ds(j * 128, 128)], gsem[buf])

        def wait_gathers(buf):
            for j in range(G):
                pltpu.make_async_copy(
                    table_hbm.at[idx_v.at[buf].at[pl.ds(j * 128, 128)]],
                    rows_v.at[buf].at[pl.ds(j * 128, 128)], gsem[buf]).wait()

        dlo = lane
        dhi = lane + 16

        def transpose(buf):
            @plsc.parallel_loop(0, CHUNK, unroll=4)
            def tent(e):
                ev = jnp.full((16,), 0, jnp.int32) + e
                v0 = rows_v.at[buf][e, pl.ds(0, 16)]
                plsc.store_scatter(stage_v.at[buf], [dlo, ev], v0)
                v1 = rows_v.at[buf][e, pl.ds(16, 16)]
                plsc.store_scatter(stage_v.at[buf], [dhi, ev], v1)

        def fire_writeback(buf, chunk):
            tj0 = (wbase + chunk * CHUNK) // 128
            for ci in range(4):
                for t in range(G):
                    pltpu.async_copy(
                        stage_v.at[buf].at[pl.ds(ci * 8, 8),
                                           pl.ds(t * 128, 128)],
                        out_hbm.at[pl.ds(8 * (ci * NTJ + tj0 + t), 8)],
                        osem[buf])

        def wait_writeback(buf, chunk):
            tj0 = (wbase + chunk * CHUNK) // 128
            for ci in range(4):
                for t in range(G):
                    pltpu.make_async_copy(
                        stage_v.at[buf].at[pl.ds(ci * 8, 8),
                                           pl.ds(t * 128, 128)],
                        out_hbm.at[pl.ds(8 * (ci * NTJ + tj0 + t), 8)],
                        osem[buf]).wait()

        fire_gathers(0, 0)

        def body(i2, _):
            for b in range(2):
                i = 2 * i2 + b
                nbuf = 1 - b

                @pl.when(i >= 1)
                def _():
                    wait_writeback(nbuf, i - 1)

                @pl.when(i + 1 < NCHUNK)
                def _():
                    fire_gathers(nbuf, i + 1)

                wait_gathers(b)
                transpose(b)
                fire_writeback(b, i)
            return ()

        lax.fori_loop(0, NCHUNK // 2, body, (), unroll=False)
        wait_writeback((NCHUNK - 1) % 2, NCHUNK - 1)

    return k(idx_flat, table)


def kernel(idx, table):
    t = _sc_gather(idx.reshape(-1), table)
    return t.reshape(4, NTJ, 8, 128).transpose(1, 3, 0, 2).reshape(NTOT, D)

# --- scband reference (transcript-rebuilt; emitter-appended) ---
"""Pipeline reference for scband-static-embedder-83253646065751 (READ-ONLY COPY).

The authoritative reference and input builder live on the scoring server;
editing this copy changes nothing except your own understanding.
"""

import jax, jax.numpy as jnp
import numpy as np

V, D = 1000000, 32
B, L = 16384, 50


def span_reps_static(emb, strategy):
    # Faithful stand-in for the repo's span_reps_static helper.
    # 'none' is a pass-through representation strategy; other common
    # strategies operate on (start, end) token pairs.
    if strategy == 'none':
        return emb
    if strategy == 'avg':
        return 0.5 * (emb[0::2] + emb[1::2])
    if strategy == 'diff':
        return emb[1::2] - emb[0::2]
    raise ValueError('unknown rep_strategy: %s' % strategy)


def setup_inputs(seed: int = 0) -> dict:
    key = jax.random.key(seed)
    k1, k2 = jax.random.split(key)
    idx = jax.random.randint(k1, (B, L), 0, V, dtype=jnp.int32)
    # Learned/pretrained embedding table (args.embedding == 'random' -> nn.Embedding(V, D))
    table = jax.random.normal(k2, (V, D), dtype=jnp.float32) * 0.02
    return {"idx": idx, "table": table}


def reference(idx, table):
    # emb = self.emb(idx).view(-1, self.D)
    emb = jnp.take(table, idx, axis=0).reshape(-1, D)
    # emb = span_reps_static(emb, self.args.rep_strategy)
    emb = span_reps_static(emb, 'none')
    return emb

if __name__ == "__main__":
    import jax
    _d = setup_inputs()
    print(jax.jit(kernel)(*tuple(_d.values())))

</pallas_src>

<mosaic_0001>
#map = affine_map<(d0, d1) -> (0)>
#map1 = affine_map<(d0, d1) -> (0, 0)>
module attributes {stable_mosaic.version = 14 : i64} {
  func.func @k(%arg0: i32, %arg1: i32, %arg2: memref<819200xi32, #tpu.memory_space<hbm>>, %arg3: memref<1000000x32xf32, #tpu.memory_space<hbm>>, %arg4: memref<204800x128xf32, #tpu.memory_space<hbm>>, %arg5: memref<2x640xi32, #tpu.memory_space<vmem>>, %arg6: memref<2x640x32xf32, #tpu.memory_space<vmem>>, %arg7: memref<2x32x641xf32, #tpu.memory_space<vmem>>, %arg8: memref<!tpu.dma_semaphore, #tpu.memory_space<semaphore_mem>>, %arg9: memref<!tpu.dma_semaphore, #tpu.memory_space<semaphore_mem>>, %arg10: memref<!tpu.dma_semaphore, #tpu.memory_space<semaphore_mem>>, %arg11: memref<!tpu.dma_semaphore, #tpu.memory_space<semaphore_mem>>) attributes {dimension_semantics = [#tpu.dimension_semantics<core_parallel>, #tpu.dimension_semantics<subcore_parallel>], iteration_bounds = array<i64: 2, 16>, scalar_prefetch = 0 : i64, scratch_operands = 7 : i64, tpu.core_type = #tpu.core_type<sc_vector_subcore>, window_params = [{transform_indices = #map}, {transform_indices = #map1}, {transform_indices = #map1}]} {
    %mul3A = arith.constant 2 : i32
    %mul3A_0 = arith.muli %arg1, %mul3A : i32
    %add3A = arith.addi %mul3A_0, %arg0 : i32
    %mul3A_1 = arith.constant 25600 : i32
    %mul3A_2 = arith.muli %add3A, %mul3A_1 : i32
    %iota3A = tpu.iota {dimensions = array<i32: 0>} : vector<16xi32>
    %add3A_3 = arith.constant 16 : i32
    %add3A_4 = vector.broadcast %add3A_3 : i32 to vector<16xi32>
    %add3A_5 = arith.addi %iota3A, %add3A_4 : vector<16xi32>
    %add3A_6 = arith.constant 0 : i32
    %add3A_7 = arith.addi %mul3A_2, %add3A_6 : i32
    %run_scoped3A = arith.constant 0 : i32
    "tpu.region"() ({
      %run_scoped3A_613 = tpu.sem_alloc : memref<!tpu.dma_semaphore, #tpu.memory_space<semaphore_mem>>
      %dma_start3A_614 = arith.constant 0 : i32
      %dma_start3A_615 = tpu.memref_slice %arg5[%run_scoped3A, %dma_start3A_614] : memref<2x640xi32, #tpu.memory_space<vmem>> -> memref<1x640xi32, #tpu.memory_space<vmem>>
      %dma_start3A_616 = tpu.memref_squeeze %dma_start3A_615 : memref<1x640xi32, #tpu.memory_space<vmem>> -> memref<640xi32, #tpu.memory_space<vmem>>
      %dma_start3A_617 = tpu.memref_slice %arg2[%add3A_7] : memref<819200xi32, #tpu.memory_space<hbm>> -> memref<640xi32, #tpu.memory_space<hbm>>
      %dma_start3A_618 = arith.constant 0 : i32
      %dma_start3A_619 = tpu.memref_slice %arg5[%run_scoped3A, %dma_start3A_618] : memref<2x640xi32, #tpu.memory_space<vmem>> -> memref<1x640xi32, #tpu.memory_space<vmem>>
      %dma_start3A_620 = tpu.memref_squeeze %dma_start3A_619 : memref<1x640xi32, #tpu.memory_space<vmem>> -> memref<640xi32, #tpu.memory_space<vmem>>
      %dma_start3A_621 = tpu.memref_slice %arg2[%add3A_7] : memref<819200xi32, #tpu.memory_space<hbm>> -> memref<640xi32, #tpu.memory_space<hbm>>
      tpu.enqueue_dma source(%dma_start3A_621 : memref<640xi32, #tpu.memory_space<hbm>>) target(%dma_start3A_620 : memref<640xi32, #tpu.memory_space<vmem>>) target_semaphore(%run_scoped3A_613 : memref<!tpu.dma_semaphore, #tpu.memory_space<semaphore_mem>>)
      %dma_wait3A_622 = arith.constant 0 : i32
      %dma_wait3A_623 = tpu.memref_slice %arg5[%run_scoped3A, %dma_wait3A_622] : memref<2x640xi32, #tpu.memory_space<vmem>> -> memref<1x640xi32, #tpu.memory_space<vmem>>
      %dma_wait3A_624 = tpu.memref_squeeze %dma_wait3A_623 : memref<1x640xi32, #tpu.memory_space<vmem>> -> memref<640xi32, #tpu.memory_space<vmem>>
      %dma_wait3A_625 = tpu.memref_slice %arg2[%add3A_7] : memref<819200xi32, #tpu.memory_space<hbm>> -> memref<640xi32, #tpu.memory_space<hbm>>
      %dma_wait3A_626 = arith.constant 0 : i32
      %dma_wait3A_627 = tpu.memref_slice %arg5[%run_scoped3A, %dma_wait3A_626] : memref<2x640xi32, #tpu.memory_space<vmem>> -> memref<1x640xi32, #tpu.memory_space<vmem>>
      %dma_wait3A_628 = tpu.memref_squeeze %dma_wait3A_627 : memref<1x640xi32, #tpu.memory_space<vmem>> -> memref<640xi32, #tpu.memory_space<vmem>>
      %dma_wait3A_629 = tpu.memref_slice %arg2[%add3A_7] : memref<819200xi32, #tpu.memory_space<hbm>> -> memref<640xi32, #tpu.memory_space<hbm>>
      tpu.wait_dma2 semaphore(%run_scoped3A_613 : memref<!tpu.dma_semaphore, #tpu.memory_space<semaphore_mem>>) src(%dma_wait3A_629 : memref<640xi32, #tpu.memory_space<hbm>>) dst(%dma_wait3A_628 : memref<640xi32, #tpu.memory_space<vmem>>)
      tpu.yield
    }) : () -> ()
    %dma_start3A = arith.constant 0 : i32
    %dma_start3A_8 = arith.constant 0 : i32
    %dma_start3A_9 = arith.constant 0 : i32
    %dma_start3A_10 = arith.constant 0 : i32
    %dma_start3A_11 = tpu.memref_slice %arg6[%dma_start3A_8, %dma_start3A_9, %dma_start3A_10] : memref<2x640x32xf32, #tpu.memory_space<vmem>> -> memref<1x640x32xf32, #tpu.memory_space<vmem>>
    %dma_start3A_12 = tpu.memref_squeeze %dma_start3A_11 : memref<1x640x32xf32, #tpu.memory_space<vmem>> -> memref<640x32xf32, #tpu.memory_space<vmem>>
    %dma_start3A_13 = arith.constant 0 : i32
    %dma_start3A_14 = arith.constant 0 : i32
    %dma_start3A_15 = tpu.memref_slice %dma_start3A_12[%dma_start3A_13, %dma_start3A_14] : memref<640x32xf32, #tpu.memory_space<vmem>> -> memref<128x32xf32, #tpu.memory_space<vmem>>
    %dma_start3A_16 = arith.constant 0 : i32
    %dma_start3A_17 = tpu.memref_slice %arg5[%dma_start3A, %dma_start3A_16] : memref<2x640xi32, #tpu.memory_space<vmem>> -> memref<1x640xi32, #tpu.memory_space<vmem>>
    %dma_start3A_18 = tpu.memref_squeeze %dma_start3A_17 : memref<1x640xi32, #tpu.memory_space<vmem>> -> memref<640xi32, #tpu.memory_space<vmem>>
    %dma_start3A_19 = arith.constant 0 : i32
    %dma_start3A_20 = tpu.memref_slice %dma_start3A_18[%dma_start3A_19] : memref<640xi32, #tpu.memory_space<vmem>> -> memref<128xi32, #tpu.memory_space<vmem>>
    %dma_start3A_21 = arith.constant 0 : i32
    %dma_start3A_22 = arith.constant 0 : i32
    %dma_start3A_23 = tpu.memref_slice %arg3[%dma_start3A_21, %dma_start3A_22] : memref<1000000x32xf32, #tpu.memory_space<hbm>> -> memref<1000000x32xf32, #tpu.memory_space<hbm>>
    tpu.enqueue_indirect_dma source(%dma_start3A_23 : memref<1000000x32xf32, #tpu.memory_space<hbm>>) target(%dma_start3A_15 : memref<128x32xf32, #tpu.memory_space<vmem>>) offsets(%dma_start3A_20 : memref<128xi32, #tpu.memory_space<vmem>>) semaphore(%arg8 : memref<!tpu.dma_semaphore, #tpu.memory_space<semaphore_mem>>)
    %dma_start3A_24 = arith.constant 0 : i32
    %dma_start3A_25 = arith.constant 0 : i32
    %dma_start3A_26 = arith.constant 0 : i32
    %dma_start3A_27 = arith.constant 0 : i32
    %dma_start3A_28 = tpu.memref_slice %arg6[%dma_start3A_25, %dma_start3A_26, %dma_start3A_27] : memref<2x640x32xf32, #tpu.memory_space<vmem>> -> memref<1x640x32xf32, #tpu.memory_space<vmem>>
    %dma_start3A_29 = tpu.memref_squeeze %dma_start3A_28 : memref<1x640x32xf32, #tpu.memory_space<vmem>> -> memref<640x32xf32, #tpu.memory_space<vmem>>
    %dma_start3A_30 = arith.constant 128 : i32
    %dma_start3A_31 = arith.constant 0 : i32
    %dma_start3A_32 = tpu.memref_slice %dma_start3A_29[%dma_start3A_30, %dma_start3A_31] : memref<640x32xf32, #tpu.memory_space<vmem>> -> memref<128x32xf32, #tpu.memory_space<vmem>>
    %dma_start3A_33 = arith.constant 0 : i32
    %dma_start3A_34 = tpu.memref_slice %arg5[%dma_start3A_24, %dma_start3A_33] : memref<2x640xi32, #tpu.memory_space<vmem>> -> memref<1x640xi32, #tpu.memory_space<vmem>>
    %dma_start3A_35 = tpu.memref_squeeze %dma_start3A_34 : memref<1x640xi32, #tpu.memory_space<vmem>> -> memref<640xi32, #tpu.memory_space<vmem>>
    %dma_start3A_36 = arith.constant 128 : i32
    %dma_start3A_37 = tpu.memref_slice %dma_start3A_35[%dma_start3A_36] : memref<640xi32, #tpu.memory_space<vmem>> -> memref<128xi32, #tpu.memory_space<vmem>>
    %dma_start3A_38 = arith.constant 0 : i32
    %dma_start3A_39 = arith.constant 0 : i32
    %dma_start3A_40 = tpu.memref_slice %arg3[%dma_start3A_38, %dma_start3A_39] : memref<1000000x32xf32, #tpu.memory_space<hbm>> -> memref<1000000x32xf32, #tpu.memory_space<hbm>>
    tpu.enqueue_indirect_dma source(%dma_start3A_40 : memref<1000000x32xf32, #tpu.memory_space<hbm>>) target(%dma_start3A_32 : memref<128x32xf32, #tpu.memory_space<vmem>>) offsets(%dma_start3A_37 : memref<128xi32, #tpu.memory_space<vmem>>) semaphore(%arg8 : memref<!tpu.dma_semaphore, #tpu.memory_space<semaphore_mem>>)
    %dma_start3A_41 = arith.constant 0 : i32
    %dma_start3A_42 = arith.constant 0 : i32
    %dma_start3A_43 = arith.constant 0 : i32
    %dma_start3A_44 = arith.constant 0 : i32
    %dma_start3A_45 = tpu.memref_slice %arg6[%dma_start3A_42, %dma_start3A_43, %dma_start3A_44] : memref<2x640x32xf32, #tpu.memory_space<vmem>> -> memref<1x640x32xf32, #tpu.memory_space<vmem>>
    %dma_start3A_46 = tpu.memref_squeeze %dma_start3A_45 : memref<1x640x32xf32, #tpu.memory_space<vmem>> -> memref<640x32xf32, #tpu.memory_space<vmem>>
    %dma_start3A_47 = arith.constant 256 : i32
    %dma_start3A_48 = arith.constant 0 : i32
    %dma_start3A_49 = tpu.memref_slice %dma_start3A_46[%dma_start3A_47, %dma_start3A_48] : memref<640x32xf32, #tpu.memory_space<vmem>> -> memref<128x32xf32, #tpu.memory_space<vmem>>
    %dma_start3A_50 = arith.constant 0 : i32
    %dma_start3A_51 = tpu.memref_slice %arg5[%dma_start3A_41, %dma_start3A_50] : memref<2x640xi32, #tpu.memory_space<vmem>> -> memref<1x640xi32, #tpu.memory_space<vmem>>
    %dma_start3A_52 = tpu.memref_squeeze %dma_start3A_51 : memref<1x640xi32, #tpu.memory_space<vmem>> -> memref<640xi32, #tpu.memory_space<vmem>>
    %dma_start3A_53 = arith.constant 256 : i32
    %dma_start3A_54 = tpu.memref_slice %dma_start3A_52[%dma_start3A_53] : memref<640xi32, #tpu.memory_space<vmem>> -> memref<128xi32, #tpu.memory_space<vmem>>
    %dma_start3A_55 = arith.constant 0 : i32
    %dma_start3A_56 = arith.constant 0 : i32
    %dma_start3A_57 = tpu.memref_slice %arg3[%dma_start3A_55, %dma_start3A_56] : memref<1000000x32xf32, #tpu.memory_space<hbm>> -> memref<1000000x32xf32, #tpu.memory_space<hbm>>
    tpu.enqueue_indirect_dma source(%dma_start3A_57 : memref<1000000x32xf32, #tpu.memory_space<hbm>>) target(%dma_start3A_49 : memref<128x32xf32, #tpu.memory_space<vmem>>) offsets(%dma_start3A_54 : memref<128xi32, #tpu.memory_space<vmem>>) semaphore(%arg8 : memref<!tpu.dma_semaphore, #tpu.memory_space<semaphore_mem>>)
    %dma_start3A_58 = arith.constant 0 : i32
    %dma_start3A_59 = arith.constant 0 : i32
    %dma_start3A_60 = arith.constant 0 : i32
    %dma_start3A_61 = arith.constant 0 : i32
    %dma_start3A_62 = tpu.memref_slice %arg6[%dma_start3A_59, %dma_start3A_60, %dma_start3A_61] : memref<2x640x32xf32, #tpu.memory_space<vmem>> -> memref<1x640x32xf32, #tpu.memory_space<vmem>>
    %dma_start3A_63 = tpu.memref_squeeze %dma_start3A_62 : memref<1x640x32xf32, #tpu.memory_space<vmem>> -> memref<640x32xf32, #tpu.memory_space<vmem>>
    %dma_start3A_64 = arith.constant 384 : i32
    %dma_start3A_65 = arith.constant 0 : i32
    %dma_start3A_66 = tpu.memref_slice %dma_start3A_63[%dma_start3A_64, %dma_start3A_65] : memref<640x32xf32, #tpu.memory_space<vmem>> -> memref<128x32xf32, #tpu.memory_space<vmem>>
    %dma_start3A_67 = arith.constant 0 : i32
    %dma_start3A_68 = tpu.memref_slice %arg5[%dma_start3A_58, %dma_start3A_67] : memref<2x640xi32, #tpu.memory_space<vmem>> -> memref<1x640xi32, #tpu.memory_space<vmem>>
    %dma_start3A_69 = tpu.memref_squeeze %dma_start3A_68 : memref<1x640xi32, #tpu.memory_space<vmem>> -> memref<640xi32, #tpu.memory_space<vmem>>
    %dma_start3A_70 = arith.constant 384 : i32
    %dma_start3A_71 = tpu.memref_slice %dma_start3A_69[%dma_start3A_70] : memref<640xi32, #tpu.memory_space<vmem>> -> memref<128xi32, #tpu.memory_space<vmem>>
    %dma_start3A_72 = arith.constant 0 : i32
    %dma_start3A_73 = arith.constant 0 : i32
    %dma_start3A_74 = tpu.memref_slice %arg3[%dma_start3A_72, %dma_start3A_73] : memref<1000000x32xf32, #tpu.memory_space<hbm>> -> memref<1000000x32xf32, #tpu.memory_space<hbm>>
    tpu.enqueue_indirect_dma source(%dma_start3A_74 : memref<1000000x32xf32, #tpu.memory_space<hbm>>) target(%dma_start3A_66 : memref<128x32xf32, #tpu.memory_space<vmem>>) offsets(%dma_start3A_71 : memref<128xi32, #tpu.memory_space<vmem>>) semaphore(%arg8 : memref<!tpu.dma_semaphore, #tpu.memory_space<semaphore_mem>>)
    %dma_start3A_75 = arith.constant 0 : i32
    %dma_start3A_76 = arith.constant 0 : i32
    %dma_start3A_77 = arith.constant 0 : i32
    %dma_start3A_78 = arith.constant 0 : i32
    %dma_start3A_79 = tpu.memref_slice %arg6[%dma_start3A_76, %dma_start3A_77, %dma_start3A_78] : memref<2x640x32xf32, #tpu.memory_space<vmem>> -> memref<1x640x32xf32, #tpu.memory_space<vmem>>
    %dma_start3A_80 = tpu.memref_squeeze %dma_start3A_79 : memref<1x640x32xf32, #tpu.memory_space<vmem>> -> memref<640x32xf32, #tpu.memory_space<vmem>>
    %dma_start3A_81 = arith.constant 512 : i32
    %dma_start3A_82 = arith.constant 0 : i32
    %dma_start3A_83 = tpu.memref_slice %dma_start3A_80[%dma_start3A_81, %dma_start3A_82] : memref<640x32xf32, #tpu.memory_space<vmem>> -> memref<128x32xf32, #tpu.memory_space<vmem>>
    %dma_start3A_84 = arith.constant 0 : i32
    %dma_start3A_85 = tpu.memref_slice %arg5[%dma_start3A_75, %dma_start3A_84] : memref<2x640xi32, #tpu.memory_space<vmem>> -> memref<1x640xi32, #tpu.memory_space<vmem>>
    %dma_start3A_86 = tpu.memref_squeeze %dma_start3A_85 : memref<1x640xi32, #tpu.memory_space<vmem>> -> memref<640xi32, #tpu.memory_space<vmem>>
    %dma_start3A_87 = arith.constant 512 : i32
    %dma_start3A_88 = tpu.memref_slice %dma_start3A_86[%dma_start3A_87] : memref<640xi32, #tpu.memory_space<vmem>> -> memref<128xi32, #tpu.memory_space<vmem>>
    %dma_start3A_89 = arith.constant 0 : i32
    %dma_start3A_90 = arith.constant 0 : i32
    %dma_start3A_91 = tpu.memref_slice %arg3[%dma_start3A_89, %dma_start3A_90] : memref<1000000x32xf32, #tpu.memory_space<hbm>> -> memref<1000000x32xf32, #tpu.memory_space<hbm>>
    tpu.enqueue_indirect_dma source(%dma_start3A_91 : memref<1000000x32xf32, #tpu.memory_space<hbm>>) target(%dma_start3A_83 : memref<128x32xf32, #tpu.memory_space<vmem>>) offsets(%dma_start3A_88 : memref<128xi32, #tpu.memory_space<vmem>>) semaphore(%arg8 : memref<!tpu.dma_semaphore, #tpu.memory_space<semaphore_mem>>)
    %scan3A = arith.constant 0 : i32
    %scan3A_92 = arith.constant 20 : i32
    %scan3A_93 = arith.addi %scan3A, %scan3A_92 : i32
    %scan3A_94 = arith.constant 1 : i32
    scf.for %scan3A_613 = %scan3A to %scan3A_93 step %scan3A_94  : i32 {
      %mul3A_614 = arith.constant 2 : i32
      %mul3A_615 = arith.muli %mul3A_614, %scan3A_613 : i32
      %add3A_616 = arith.constant 0 : i32
      %add3A_617 = arith.addi %mul3A_615, %add3A_616 : i32
      %ge3A = arith.constant 1 : i32
      %ge3A_618 = arith.cmpi sge, %add3A_617, %ge3A : i32
      %convert_element_type3A = arith.extui %ge3A_618 : i1 to i32
      %cond3A = arith.constant 0 : i32
      %cond3A_619 = arith.cmpi ne, %convert_element_type3A, %cond3A : i32
      scf.if %cond3A_619 {
        %sub3A_1871 = arith.constant 1 : i32
        %sub3A_1872 = arith.subi %add3A_617, %sub3A_1871 : i32
        %mul3A_1873 = arith.constant 640 : i32
        %mul3A_1874 = arith.muli %sub3A_1872, %mul3A_1873 : i32
        %add3A_1875 = arith.addi %mul3A_2, %mul3A_1874 : i32
        %jit3A_1876 = arith.constant 128 : i32
        %div3A_1877 = arith.divsi %add3A_1875, %jit3A_1876 : i32
        %sign3A_1878 = arith.constant 0 : i32
        %sign3A_1879 = arith.cmpi sgt, %add3A_1875, %sign3A_1878 : i32
        %sign3A_1880 = arith.extui %sign3A_1879 : i1 to i32
        %sign3A_1881 = arith.constant 0 : i32
        %sign3A_1882 = arith.cmpi slt, %add3A_1875, %sign3A_1881 : i32
        %sign3A_1883 = arith.extui %sign3A_1882 : i1 to i32
        %sign3A_1884 = arith.subi %sign3A_1880, %sign3A_1883 : i32
        %sign3A_1885 = arith.constant 0 : i32
        %sign3A_1886 = arith.cmpi sgt, %jit3A_1876, %sign3A_1885 : i32
        %sign3A_1887 = arith.extui %sign3A_1886 : i1 to i32
        %sign3A_1888 = arith.constant 0 : i32
        %sign3A_1889 = arith.cmpi slt, %jit3A_1876, %sign3A_1888 : i32
        %sign3A_1890 = arith.extui %sign3A_1889 : i1 to i32
        %sign3A_1891 = arith.subi %sign3A_1887, %sign3A_1890 : i32
        %ne3A_1892 = arith.cmpi ne, %sign3A_1884, %sign3A_1891 : i32
        %rem3A_1893 = arith.remsi %add3A_1875, %jit3A_1876 : i32
        %ne3A_1894 = arith.constant 0 : i32
        %ne3A_1895 = arith.cmpi ne, %rem3A_1893, %ne3A_1894 : i32
        %and3A_1896 = arith.andi %ne3A_1892, %ne3A_1895 : i1
        %sub3A_1897 = arith.constant 1 : i32
        %sub3A_1898 = arith.subi %div3A_1877, %sub3A_1897 : i32
        %select_n3A_1899 = arith.select %and3A_1896, %sub3A_1898, %div3A_1877 : i32
        %add3A_1900 = arith.constant 0 : i32
        %add3A_1901 = arith.addi %add3A_1900, %select_n3A_1899 : i32
        %add3A_1902 = arith.constant 0 : i32
        %add3A_1903 = arith.addi %add3A_1901, %add3A_1902 : i32
        %mul3A_1904 = arith.constant 8 : i32
        %mul3A_1905 = arith.muli %mul3A_1904, %add3A_1903 : i32
        %dma_wait3A_1906 = arith.constant 1 : i32
        %dma_wait3A_1907 = arith.constant 0 : i32
        %dma_wait3A_1908 = arith.constant 0 : i32
        %dma_wait3A_1909 = tpu.memref_slice %arg7[%dma_wait3A_1906, %dma_wait3A_1907, %dma_wait3A_1908] : memref<2x32x641xf32, #tpu.memory_space<vmem>> -> memref<1x32x641xf32, #tpu.memory_space<vmem>>
        %dma_wait3A_1910 = tpu.memref_squeeze %dma_wait3A_1909 : memref<1x32x641xf32, #tpu.memory_space<vmem>> -> memref<32x641xf32, #tpu.memory_space<vmem>>
        %dma_wait3A_1911 = arith.constant 0 : i32
        %dma_wait3A_1912 = arith.constant 0 : i32
        %dma_wait3A_1913 = tpu.memref_slice %dma_wait3A_1910[%dma_wait3A_1911, %dma_wait3A_1912] : memref<32x641xf32, #tpu.memory_space<vmem>> -> memref<8x128xf32, #tpu.memory_space<vmem>>
        %dma_wait3A_1914 = arith.constant 0 : i32
        %dma_wait3A_1915 = tpu.memref_slice %arg4[%mul3A_1905, %dma_wait3A_1914] : memref<204800x128xf32, #tpu.memory_space<hbm>> -> memref<8x128xf32, #tpu.memory_space<hbm>>
        %dma_wait3A_1916 = arith.constant 0 : i32
        %dma_wait3A_1917 = tpu.memref_slice %arg4[%mul3A_1905, %dma_wait3A_1916] : memref<204800x128xf32, #tpu.memory_space<hbm>> -> memref<8x128xf32, #tpu.memory_space<hbm>>
        %dma_wait3A_1918 = arith.constant 0 : i32
        %dma_wait3A_1919 = arith.constant 0 : i32
        %dma_wait3A_1920 = tpu.memref_slice %arg7[%dma_wait3A_1906, %dma_wait3A_1918, %dma_wait3A_1919] : memref<2x32x641xf32, #tpu.memory_space<vmem>> -> memref<1x32x641xf32, #tpu.memory_space<vmem>>
        %dma_wait3A_1921 = tpu.memref_squeeze %dma_wait3A_1920 : memref<1x32x641xf32, #tpu.memory_space<vmem>> -> memref<32x641xf32, #tpu.memory_space<vmem>>
        %dma_wait3A_1922 = arith.constant 0 : i32
        %dma_wait3A_1923 = arith.constant 0 : i32
        %dma_wait3A_1924 = tpu.memref_slice %dma_wait3A_1921[%dma_wait3A_1922, %dma_wait3A_1923] : memref<32x641xf32, #tpu.memory_space<vmem>> -> memref<8x128xf32, #tpu.memory_space<vmem>>
        tpu.wait_dma2 semaphore(%arg11 : memref<!tpu.dma_semaphore, #tpu.memory_space<semaphore_mem>>) src(%dma_wait3A_1924 : memref<8x128xf32, #tpu.memory_space<vmem>>) dst(%dma_wait3A_1917 : memref<8x128xf32, #tpu.memory_space<hbm>>)
        %add3A_1925 = arith.constant 0 : i32
        %add3A_1926 = arith.addi %add3A_1925, %select_n3A_1899 : i32
        %add3A_1927 = arith.constant 1 : i32
        %add3A_1928 = arith.addi %add3A_1926, %add3A_1927 : i32
        %mul3A_1929 = arith.constant 8 : i32
        %mul3A_1930 = arith.muli %mul3A_1929, %add3A_1928 : i32
        %dma_wait3A_1931 = arith.constant 1 : i32
        %dma_wait3A_1932 = arith.constant 0 : i32
        %dma_wait3A_1933 = arith.constant 0 : i32
        %dma_wait3A_1934 = tpu.memref_slice %arg7[%dma_wait3A_1931, %dma_wait3A_1932, %dma_wait3A_1933] : memref<2x32x641xf32, #tpu.memory_space<vmem>> -> memref<1x32x641xf32, #tpu.memory_space<vmem>>
        %dma_wait3A_1935 = tpu.memref_squeeze %dma_wait3A_1934 : memref<1x32x641xf32, #tpu.memory_space<vmem>> -> memref<32x641xf32, #tpu.memory_space<vmem>>
        %dma_wait3A_1936 = arith.constant 0 : i32
        %dma_wait3A_1937 = arith.constant 128 : i32
        %dma_wait3A_1938 = tpu.memref_slice %dma_wait3A_1935[%dma_wait3A_1936, %dma_wait3A_1937] : memref<32x641xf32, #tpu.memory_space<vmem>> -> memref<8x128xf32, #tpu.memory_space<vmem>>
        %dma_wait3A_1939 = arith.constant 0 : i32
        %dma_wait3A_1940 = tpu.memref_slice %arg4[%mul3A_1930, %dma_wait3A_1939] : memref<204800x128xf32, #tpu.memory_space<hbm>> -> memref<8x128xf32, #tpu.memory_space<hbm>>
        %dma_wait3A_1941 = arith.constant 0 : i32
        %dma_wait3A_1942 = tpu.memref_slice %arg4[%mul3A_1930, %dma_wait3A_1941] : memref<204800x128xf32, #tpu.memory_space<hbm>> -> memref<8x128xf32, #tpu.memory_space<hbm>>
        %dma_wait3A_1943 = arith.constant 0 : i32
        %dma_wait3A_1944 = arith.constant 0 : i32
        %dma_wait3A_1945 = tpu.memref_slice %arg7[%dma_wait3A_1931, %dma_wait3A_1943, %dma_wait3A_1944] : memref<2x32x641xf32, #tpu.memory_space<vmem>> -> memref<1x32x641xf32, #tpu.memory_space<vmem>>
        %dma_wait3A_1946 = tpu.memref_squeeze %dma_wait3A_1945 : memref<1x32x641xf32, #tpu.memory_space<vmem>> -> memref<32x641xf32, #tpu.memory_space<vmem>>
        %dma_wait3A_1947 = arith.constant 0 : i32
        %dma_wait3A_1948 = arith.constant 128 : i32
        %dma_wait3A_1949 = tpu.memref_slice %dma_wait3A_1946[%dma_wait3A_1947, %dma_wait3A_1948] : memref<32x641xf32, #tpu.memory_space<vmem>> -> memref<8x128xf32, #tpu.memory_space<vmem>>
        tpu.wait_dma2 semaphore(%arg11 : memref<!tpu.dma_semaphore, #tpu.memory_space<semaphore_mem>>) src(%dma_wait3A_1949 : memref<8x128xf32, #tpu.memory_space<vmem>>) dst(%dma_wait3A_1942 : memref<8x128xf32, #tpu.memory_space<hbm>>)
        %add3A_1950 = arith.constant 0 : i32
        %add3A_1951 = arith.addi %add3A_1950, %select_n3A_1899 : i32
        %add3A_1952 = arith.constant 2 : i32
        %add3A_1953 = arith.addi %add3A_1951, %add3A_1952 : i32
        %mul3A_1954 = arith.constant 8 : i32
        %mul3A_1955 = arith.muli %mul3A_1954, %add3A_1953 : i32
        %dma_wait3A_1956 = arith.constant 1 : i32
        %dma_wait3A_1957 = arith.constant 0 : i32
        %dma_wait3A_1958 = arith.constant 0 : i32
        %dma_wait3A_1959 = tpu.memref_slice %arg7[%dma_wait3A_1956, %dma_wait3A_1957, %dma_wait3A_1958] : memref<2x32x641xf32, #tpu.memory_space<vmem>> -> memref<1x32x641xf32, #tpu.memory_space<vmem>>
        %dma_wait3A_1960 = tpu.memref_squeeze %dma_wait3A_1959 : memref<1x32x641xf32, #tpu.memory_space<vmem>> -> memref<32x641xf32, #tpu.memory_space<vmem>>
        %dma_wait3A_1961 = arith.constant 0 : i32
        %dma_wait3A_1962 = arith.constant 256 : i32
        %dma_wait3A_1963 = tpu.memref_slice %dma_wait3A_1960[%dma_wait3A_1961, %dma_wait3A_1962] : memref<32x641xf32, #tpu.memory_space<vmem>> -> memref<8x128xf32, #tpu.memory_space<vmem>>
        %dma_wait3A_1964 = arith.constant 0 : i32
        %dma_wait3A_1965 = tpu.memref_slice %arg4[%mul3A_1955, %dma_wait3A_1964] : memref<204800x128xf32, #tpu.memory_space<hbm>> -> memref<8x128xf32, #tpu.memory_space<hbm>>
        %dma_wait3A_1966 = arith.constant 0 : i32
        %dma_wait3A_1967 = tpu.memref_slice %arg4[%mul3A_1955, %dma_wait3A_1966] : memref<204800x128xf32, #tpu.memory_space<hbm>> -> memref<8x128xf32, #tpu.memory_space<hbm>>
        %dma_wait3A_1968 = arith.constant 0 : i32
        %dma_wait3A_1969 = arith.constant 0 : i32
        %dma_wait3A_1970 = tpu.memref_slice %arg7[%dma_wait3A_1956, %dma_wait3A_1968, %dma_wait3A_1969] : memref<2x32x641xf32, #tpu.memory_space<vmem>> -> memref<1x32x641xf32, #tpu.memory_space<vmem>>
        %dma_wait3A_1971 = tpu.memref_squeeze %dma_wait3A_1970 : memref<1x32x641xf32, #tpu.memory_space<vmem>> -> memref<32x641xf32, #tpu.memory_space<vmem>>
        %dma_wait3A_1972 = arith.constant 0 : i32
        %dma_wait3A_1973 = arith.constant 256 : i32
        %dma_wait3A_1974 = tpu.memref_slice %dma_wait3A_1971[%dma_wait3A_1972, %dma_wait3A_1973] : memref<32x641xf32, #tpu.memory_space<vmem>> -> memref<8x128xf32, #tpu.memory_space<vmem>>
        tpu.wait_dma2 semaphore(%arg11 : memref<!tpu.dma_semaphore, #tpu.memory_space<semaphore_mem>>) src(%dma_wait3A_1974 : memref<8x128xf32, #tpu.memory_space<vmem>>) dst(%dma_wait3A_1967 : memref<8x128xf32, #tpu.memory_space<hbm>>)
        %add3A_1975 = arith.constant 0 : i32
        %add3A_1976 = arith.addi %add3A_1975, %select_n3A_1899 : i32
        %add3A_1977 = arith.constant 3 : i32
        %add3A_1978 = arith.addi %add3A_1976, %add3A_1977 : i32
        %mul3A_1979 = arith.constant 8 : i32
        %mul3A_1980 = arith.muli %mul3A_1979, %add3A_1978 : i32
        %dma_wait3A_1981 = arith.constant 1 : i32
        %dma_wait3A_1982 = arith.constant 0 : i32
        %dma_wait3A_1983 = arith.constant 0 : i32
        %dma_wait3A_1984 = tpu.memref_slice %arg7[%dma_wait3A_1981, %dma_wait3A_1982, %dma_wait3A_1983] : memref<2x32x641xf32, #tpu.memory_space<vmem>> -> memref<1x32x641xf32, #tpu.memory_space<vmem>>
        %dma_wait3A_1985 = tpu.memref_squeeze %dma_wait3A_1984 : memref<1x32x641xf32, #tpu.memory_space<vmem>> -> memref<32x641xf32, #tpu.memory_space<vmem>>
        %dma_wait3A_1986 = arith.constant 0 : i32
        %dma_wait3A_1987 = arith.constant 384 : i32
        %dma_wait3A_1988 = tpu.memref_slice %dma_wait3A_1985[%dma_wait3A_1986, %dma_wait3A_1987] : memref<32x641xf32, #tpu.memory_space<vmem>> -> memref<8x128xf32, #tpu.memory_space<vmem>>
        %dma_wait3A_1989 = arith.constant 0 : i32
        %dma_wait3A_1990 = tpu.memref_slice %arg4[%mul3A_1980, %dma_wait3A_1989] : memref<204800x128xf32, #tpu.memory_space<hbm>> -> memref<8x128xf32, #tpu.memory_space<hbm>>
        %dma_wait3A_1991 = arith.constant 0 : i32
        %dma_wait3A_1992 = tpu.memref_slice %arg4[%mul3A_1980, %dma_wait3A_1991] : memref<204800x128xf32, #tpu.memory_space<hbm>> -> memref<8x128xf32, #tpu.memory_space<hbm>>
        %dma_wait3A_1993 = arith.constant 0 : i32
        %dma_wait3A_1994 = arith.constant 0 : i32
        %dma_wait3A_1995 = tpu.memref_slice %arg7[%dma_wait3A_1981, %dma_wait3A_1993, %dma_wait3A_1994] : memref<2x32x641xf32, #tpu.memory_space<vmem>> -> memref<1x32x641xf32, #tpu.memory_space<vmem>>
        %dma_wait3A_1996 = tpu.memref_squeeze %dma_wait3A_1995 : memref<1x32x641xf32, #tpu.memory_space<vmem>> -> memref<32x641xf32, #tpu.memory_space<vmem>>
        %dma_wait3A_1997 = arith.constant 0 : i32
        %dma_wait3A_1998 = arith.constant 384 : i32
        %dma_wait3A_1999 = tpu.memref_slice %dma_wait3A_1996[%dma_wait3A_1997, %dma_wait3A_1998] : memref<32x641xf32, #tpu.memory_space<vmem>> -> memref<8x128xf32, #tpu.memory_space<vmem>>
        tpu.wait_dma2 semaphore(%arg11 : memref<!tpu.dma_semaphore, #tpu.memory_space<semaphore_mem>>) src(%dma_wait3A_1999 : memref<8x128xf32, #tpu.memory_space<vmem>>) dst(%dma_wait3A_1992 : memref<8x128xf32, #tpu.memory_space<hbm>>)
        %add3A_2000 = arith.constant 0 : i32
        %add3A_2001 = arith.addi %add3A_2000, %select_n3A_1899 : i32
        %add3A_2002 = arith.constant 4 : i32
        %add3A_2003 = arith.addi %add3A_2001, %add3A_2002 : i32
        %mul3A_2004 = arith.constant 8 : i32
        %mul3A_2005 = arith.muli %mul3A_2004, %add3A_2003 : i32
        %dma_wait3A_2006 = arith.constant 1 : i32
        %dma_wait3A_2007 = arith.constant 0 : i32
        %dma_wait3A_2008 = arith.constant 0 : i32
        %dma_wait3A_2009 = tpu.memref_slice %arg7[%dma_wait3A_2006, %dma_wait3A_2007, %dma_wait3A_2008] : memref<2x32x641xf32, #tpu.memory_space<vmem>> -> memref<1x32x641xf32, #tpu.memory_space<vmem>>
        %dma_wait3A_2010 = tpu.memref_squeeze %dma_wait3A_2009 : memref<1x32x641xf32, #tpu.memory_space<vmem>> -> memref<32x641xf32, #tpu.memory_space<vmem>>
        %dma_wait3A_2011 = arith.constant 0 : i32
        %dma_wait3A_2012 = arith.constant 512 : i32
        %dma_wait3A_2013 = tpu.memref_slice %dma_wait3A_2010[%dma_wait3A_2011, %dma_wait3A_2012] : memref<32x641xf32, #tpu.memory_space<vmem>> -> memref<8x128xf32, #tpu.memory_space<vmem>>
        %dma_wait3A_2014 = arith.constant 0 : i32
        %dma_wait3A_2015 = tpu.memref_slice %arg4[%mul3A_2005, %dma_wait3A_2014] : memref<204800x128xf32, #tpu.memory_space<hbm>> -> memref<8x128xf32, #tpu.memory_space<hbm>>
        %dma_wait3A_2016 = arith.constant 0 : i32
        %dma_wait3A_2017 = tpu.memref_slice %arg4[%mul3A_2005, %dma_wait3A_2016] : memref<204800x128xf32, #tpu.memory_space<hbm>> -> memref<8x128xf32, #tpu.memory_space<hbm>>
        %dma_wait3A_2018 = arith.constant 0 : i32
        %dma_wait3A_2019 = arith.constant 0 : i32
        %dma_wait3A_2020 = tpu.memref_slice %arg7[%dma_wait3A_2006, %dma_wait3A_2018, %dma_wait3A_2019] : memref<2x32x641xf32, #tpu.memory_space<vmem>> -> memref<1x32x641xf32, #tpu.memory_space<vmem>>
        %dma_wait3A_2021 = tpu.memref_squeeze %dma_wait3A_2020 : memref<1x32x641xf32, #tpu.memory_space<vmem>> -> memref<32x641xf32, #tpu.memory_space<vmem>>
        %dma_wait3A_2022 = arith.constant 0 : i32
        %dma_wait3A_2023 = arith.constant 512 : i32
        %dma_wait3A_2024 = tpu.memref_slice %dma_wait3A_2021[%dma_wait3A_2022, %dma_wait3A_2023] : memref<32x641xf32, #tpu.memory_space<vmem>> -> memref<8x128xf32, #tpu.memory_space<vmem>>
        tpu.wait_dma2 semaphore(%arg11 : memref<!tpu.dma_semaphore, #tpu.memory_space<semaphore_mem>>) src(%dma_wait3A_2024 : memref<8x128xf32, #tpu.memory_space<vmem>>) dst(%dma_wait3A_2017 : memref<8x128xf32, #tpu.memory_space<hbm>>)
        %add3A_2025 = arith.constant 6400 : i32
        %add3A_2026 = arith.addi %add3A_2025, %select_n3A_1899 : i32
        %add3A_2027 = arith.constant 0 : i32
        %add3A_2028 = arith.addi %add3A_2026, %add3A_2027 : i32
        %mul3A_2029 = arith.constant 8 : i32
        %mul3A_2030 = arith.muli %mul3A_2029, %add3A_2028 : i32
        %dma_wait3A_2031 = arith.constant 1 : i32
        %dma_wait3A_2032 = arith.constant 0 : i32
        %dma_wait3A_2033 = arith.constant 0 : i32
        %dma_wait3A_2034 = tpu.memref_slice %arg7[%dma_wait3A_2031, %dma_wait3A_2032, %dma_wait3A_2033] : memref<2x32x641xf32, #tpu.memory_space<vmem>> -> memref<1x32x641xf32, #tpu.memory_space<vmem>>
        %dma_wait3A_2035 = tpu.memref_squeeze %dma_wait3A_2034 : memref<1x32x641xf32, #tpu.memory_space<vmem>> -> memref<32x641xf32, #tpu.memory_space<vmem>>
        %dma_wait3A_2036 = arith.constant 8 : i32
        %dma_wait3A_2037 = arith.constant 0 : i32
        %dma_wait3A_2038 = tpu.memref_slice %dma_wait3A_2035[%dma_wait3A_2036, %dma_wait3A_2037] : memref<32x641xf32, #tpu.memory_space<vmem>> -> memref<8x128xf32, #tpu.memory_space<vmem>>
        %dma_wait3A_2039 = arith.constant 0 : i32
        %dma_wait3A_2040 = tpu.memref_slice %arg4[%mul3A_2030, %dma_wait3A_2039] : memref<204800x128xf32, #tpu.memory_space<hbm>> -> memref<8x128xf32, #tpu.memory_space<hbm>>
        %dma_wait3A_2041 = arith.constant 0 : i32
        %dma_wait3A_2042 = tpu.memref_slice %arg4[%mul3A_2030, %dma_wait3A_2041] : memref<204800x128xf32, #tpu.memory_space<hbm>> -> memref<8x128xf32, #tpu.memory_space<hbm>>
        %dma_wait3A_2043 = arith.constant 0 : i32
        %dma_wait3A_2044 = arith.constant 0 : i32
        %dma_wait3A_2045 = tpu.memref_slice %arg7[%dma_wait3A_2031, %dma_wait3A_2043, %dma_wait3A_2044] : memref<2x32x641xf32, #tpu.memory_space<vmem>> -> memref<1x32x641xf32, #tpu.memory_space<vmem>>
        %dma_wait3A_2046 = tpu.memref_squeeze %dma_wait3A_2045 : memref<1x32x641xf32, #tpu.memory_space<vmem>> -> memref<32x641xf32, #tpu.memory_space<vmem>>
        %dma_wait3A_2047 = arith.constant 8 : i32
        %dma_wait3A_2048 = arith.constant 0 : i32
        %dma_wait3A_2049 = tpu.memref_slice %dma_wait3A_2046[%dma_wait3A_2047, %dma_wait3A_2048] : memref<32x641xf32, #tpu.memory_space<vmem>> -> memref<8x128xf32, #tpu.memory_space<vmem>>
        tpu.wait_dma2 semaphore(%arg11 : memref<!tpu.dma_semaphore, #tpu.memory_space<semaphore_mem>>) src(%dma_wait3A_2049 : memref<8x128xf32, #tpu.memory_space<vmem>>) dst(%dma_wait3A_2042 : memref<8x128xf32, #tpu.memory_space<hbm>>)
        %add3A_2050 = arith.constant 6400 : i32
        %add3A_2051 = arith.addi %add3A_2050, %select_n3A_1899 : i32
        %add3A_2052 = arith.constant 1 : i32
        %add3A_2053 = arith.addi %add3A_2051, %add3A_2052 : i32
        %mul3A_2054 = arith.constant 8 : i32
        %mul3A_2055 = arith.muli %mul3A_2054, %add3A_2053 : i32
        %dma_wait3A_2056 = arith.constant 1 : i32
        %dma_wait3A_2057 = arith.constant 0 : i32
        %dma_wait3A_2058 = arith.constant 0 : i32
        %dma_wait3A_2059 = tpu.memref_slice %arg7[%dma_wait3A_2056, %dma_wait3A_2057, %dma_wait3A_2058] : memref<2x32x641xf32, #tpu.memory_space<vmem>> -> memref<1x32x641xf32, #tpu.memory_space<vmem>>
        %dma_wait3A_2060 = tpu.memref_squeeze %dma_wait3A_2059 : memref<1x32x641xf32, #tpu.memory_space<vmem>> -> memref<32x641xf32, #tpu.memory_space<vmem>>
        %dma_wait3A_2061 = arith.constant 8 : i32
        %dma_wait3A_2062 = arith.constant 128 : i32
        %dma_wait3A_2063 = tpu.memref_slice %dma_wait3A_2060[%dma_wait3A_2061, %dma_wait3A_2062] : memref<32x641xf32, #tpu.memory_space<vmem>> -> memref<8x128xf32, #tpu.memory_space<vmem>>
        %dma_wait3A_2064 = arith.constant 0 : i32
        %dma_wait3A_2065 = tpu.memref_slice %arg4[%mul3A_2055, %dma_wait3A_2064] : memref<204800x128xf32, #tpu.memory_space<hbm>> -> memref<8x128xf32, #tpu.memory_space<hbm>>
        %dma_wait3A_2066 = arith.constant 0 : i32
        %dma_wait3A_2067 = tpu.memref_slice %arg4[%mul3A_2055, %dma_wait3A_2066] : memref<204800x128xf32, #tpu.memory_space<hbm>> -> memref<8x128xf32, #tpu.memory_space<hbm>>
        %dma_wait3A_2068 = arith.constant 0 : i32
        %dma_wait3A_2069 = arith.constant 0 : i32
        %dma_wait3A_2070 = tpu.memref_slice %arg7[%dma_wait3A_2056, %dma_wait3A_2068, %dma_wait3A_2069] : memref<2x32x641xf32, #tpu.memory_space<vmem>> -> memref<1x32x641xf32, #tpu.memory_space<vmem>>
        %dma_wait3A_2071 = tpu.memref_squeeze %dma_wait3A_2070 : memref<1x32x641xf32, #tpu.memory_space<vmem>> -> memref<32x641xf32, #tpu.memory_space<vmem>>
        %dma_wait3A_2072 = arith.constant 8 : i32
        %dma_wait3A_2073 = arith.constant 128 : i32
        %dma_wait3A_2074 = tpu.memref_slice %dma_wait3A_2071[%dma_wait3A_2072, %dma_wait3A_2073] : memref<32x641xf32, #tpu.memory_space<vmem>> -> memref<8x128xf32, #tpu.memory_space<vmem>>
        tpu.wait_dma2 semaphore(%arg11 : memref<!tpu.dma_semaphore, #tpu.memory_space<semaphore_mem>>) src(%dma_wait3A_2074 : memref<8x128xf32, #tpu.memory_space<vmem>>) dst(%dma_wait3A_2067 : memref<8x128xf32, #tpu.memory_space<hbm>>)
        %add3A_2075 = arith.constant 6400 : i32
        %add3A_2076 = arith.addi %add3A_2075, %select_n3A_1899 : i32
        %add3A_2077 = arith.constant 2 : i32
        %add3A_2078 = arith.addi %add3A_2076, %add3A_2077 : i32
        %mul3A_2079 = arith.constant 8 : i32
        %mul3A_2080 = arith.muli %mul3A_2079, %add3A_2078 : i32
        %dma_wait3A_2081 = arith.constant 1 : i32
        %dma_wait3A_2082 = arith.constant 0 : i32
        %dma_wait3A_2083 = arith.constant 0 : i32
        %dma_wait3A_2084 = tpu.memref_slice %arg7[%dma_wait3A_2081, %dma_wait3A_2082, %dma_wait3A_2083] : memref<2x32x641xf32, #tpu.memory_space<vmem>> -> memref<1x32x641xf32, #tpu.memory_space<vmem>>
        %dma_wait3A_2085 = tpu.memref_squeeze %dma_wait3A_2084 : memref<1x32x641xf32, #tpu.memory_space<vmem>> -> memref<32x641xf32, #tpu.memory_space<vmem>>
        %dma_wait3A_2086 = arith.constant 8 : i32
        %dma_wait3A_2087 = arith.constant 256 : i32
        %dma_wait3A_2088 = tpu.memref_slice %dma_wait3A_2085[%dma_wait3A_2086, %dma_wait3A_2087] : memref<32x641xf32, #tpu.memory_space<vmem>> -> memref<8x128xf32, #tpu.memory_space<vmem>>
        %dma_wait3A_2089 = arith.constant 0 : i32
        %dma_wait3A_2090 = tpu.memref_slice %arg4[%mul3A_2080, %dma_wait3A_2089] : memref<204800x128xf32, #tpu.memory_space<hbm>> -> memref<8x128xf32, #tpu.memory_space<hbm>>
        %dma_wait3A_2091 = arith.constant 0 : i32
        %dma_wait3A_2092 = tpu.memref_slice %arg4[%mul3A_2080, %dma_wait3A_2091] : memref<204800x128xf32, #tpu.memory_space<hbm>> -> memref<8x128xf32, #tpu.memory_space<hbm>>
        %dma_wait3A_2093 = arith.constant 0 : i32
        %dma_wait3A_2094 = arith.constant 0 : i32
        %dma_wait3A_2095 = tpu.memref_slice %arg7[%dma_wait3A_2081, %dma_wait3A_2093, %dma_wait3A_2094] : memref<2x32x641xf32, #tpu.memory_space<vmem>> -> memref<1x32x641xf32, #tpu.memory_space<vmem>>
        %dma_wait3A_2096 = tpu.memref_squeeze %dma_wait3A_2095 : memref<1x32x641xf32, #tpu.memory_space<vmem>> -> memref<32x641xf32, #tpu.memory_space<vmem>>
        %dma_wait3A_2097 = arith.constant 8 : i32
        %dma_wait3A_2098 = arith.constant 256 : i32
        %dma_wait3A_2099 = tpu.memref_slice %dma_wait3A_2096[%dma_wait3A_2097, %dma_wait3A_2098] : memref<32x641xf32, #tpu.memory_space<vmem>> -> memref<8x128xf32, #tpu.memory_space<vmem>>
        tpu.wait_dma2 semaphore(%arg11 : memref<!tpu.dma_semaphore, #tpu.memory_space<semaphore_mem>>) src(%dma_wait3A_2099 : memref<8x128xf32, #tpu.memory_space<vmem>>) dst(%dma_wait3A_2092 : memref<8x128xf32, #tpu.memory_space<hbm>>)
        %add3A_2100 = arith.constant 6400 : i32
        %add3A_2101 = arith.addi %add3A_2100, %select_n3A_1899 : i32
        %add3A_2102 = arith.constant 3 : i32
        %add3A_2103 = arith.addi %add3A_2101, %add3A_2102 : i32
        %mul3A_2104 = arith.constant 8 : i32
        %mul3A_2105 = arith.muli %mul3A_2104, %add3A_2103 : i32
        %dma_wait3A_2106 = arith.constant 1 : i32
        %dma_wait3A_2107 = arith.constant 0 : i32
        %dma_wait3A_2108 = arith.constant 0 : i32
        %dma_wait3A_2109 = tpu.memref_slice %arg7[%dma_wait3A_2106, %dma_wait3A_2107, %dma_wait3A_2108] : memref<2x32x641xf32, #tpu.memory_space<vmem>> -> memref<1x32x641xf32, #tpu.memory_space<vmem>>
        %dma_wait3A_2110 = tpu.memref_squeeze %dma_wait3A_2109 : memref<1x32x641xf32, #tpu.memory_space<vmem>> -> memref<32x641xf32, #tpu.memory_space<vmem>>
        %dma_wait3A_2111 = arith.constant 8 : i32
        %dma_wait3A_2112 = arith.constant 384 : i32
        %dma_wait3A_2113 = tpu.memref_slice %dma_wait3A_2110[%dma_wait3A_2111, %dma_wait3A_2112] : memref<32x641xf32, #tpu.memory_space<vmem>> -> memref<8x128xf32, #tpu.memory_space<vmem>>
        %dma_wait3A_2114 = arith.constant 0 : i32
        %dma_wait3A_2115 = tpu.memref_slice %arg4[%mul3A_2105, %dma_wait3A_2114] : memref<204800x128xf32, #tpu.memory_space<hbm>> -> memref<8x128xf32, #tpu.memory_space<hbm>>
        %dma_wait3A_2116 = arith.constant 0 : i32
        %dma_wait3A_2117 = tpu.memref_slice %arg4[%mul3A_2105, %dma_wait3A_2116] : memref<204800x128xf32, #tpu.memory_space<hbm>> -> memref<8x128xf32, #tpu.memory_space<hbm>>
        %dma_wait3A_2118 = arith.constant 0 : i32
        %dma_wait3A_2119 = arith.constant 0 : i32
        %dma_wait3A_2120 = tpu.memref_slice %arg7[%dma_wait3A_2106, %dma_wait3A_2118, %dma_wait3A_2119] : memref<2x32x641xf32, #tpu.memory_space<vmem>> -> memref<1x32x641xf32, #tpu.memory_space<vmem>>
        %dma_wait3A_2121 = tpu.memref_squeeze %dma_wait3A_2120 : memref<1x32x641xf32, #tpu.memory_space<vmem>> -> memref<32x641xf32, #tpu.memory_space<vmem>>
        %dma_wait3A_2122 = arith.constant 8 : i32
        %dma_wait3A_2123 = arith.constant 384 : i32
        %dma_wait3A_2124 = tpu.memref_slice %dma_wait3A_2121[%dma_wait3A_2122, %dma_wait3A_2123] : memref<32x641xf32, #tpu.memory_space<vmem>> -> memref<8x128xf32, #tpu.memory_space<vmem>>
        tpu.wait_dma2 semaphore(%arg11 : memref<!tpu.dma_semaphore, #tpu.memory_space<semaphore_mem>>) src(%dma_wait3A_2124 : memref<8x128xf32, #tpu.memory_space<vmem>>) dst(%dma_wait3A_2117 : memref<8x128xf32, #tpu.memory_space<hbm>>)
        %add3A_2125 = arith.constant 6400 : i32
        %add3A_2126 = arith.addi %add3A_2125, %select_n3A_1899 : i32
        %add3A_2127 = arith.constant 4 : i32
        %add3A_2128 = arith.addi %add3A_2126, %add3A_2127 : i32
        %mul3A_2129 = arith.constant 8 : i32
        %mul3A_2130 = arith.muli %mul3A_2129, %add3A_2128 : i32
        %dma_wait3A_2131 = arith.constant 1 : i32
        %dma_wait3A_2132 = arith.constant 0 : i32
        %dma_wait3A_2133 = arith.constant 0 : i32
        %dma_wait3A_2134 = tpu.memref_slice %arg7[%dma_wait3A_2131, %dma_wait3A_2132, %dma_wait3A_2133] : memref<2x32x641xf32, #tpu.memory_space<vmem>> -> memref<1x32x641xf32, #tpu.memory_space<vmem>>
        %dma_wait3A_2135 = tpu.memref_squeeze %dma_wait3A_2134 : memref<1x32x641xf32, #tpu.memory_space<vmem>> -> memref<32x641xf32, #tpu.memory_space<vmem>>
        %dma_wait3A_2136 = arith.constant 8 : i32
        %dma_wait3A_2137 = arith.constant 512 : i32
        %dma_wait3A_2138 = tpu.memref_slice %dma_wait3A_2135[%dma_wait3A_2136, %dma_wait3A_2137] : memref<32x641xf32, #tpu.memory_space<vmem>> -> memref<8x128xf32, #tpu.memory_space<vmem>>
        %dma_wait3A_2139 = arith.constant 0 : i32
        %dma_wait3A_2140 = tpu.memref_slice %arg4[%mul3A_2130, %dma_wait3A_2139] : memref<204800x128xf32, #tpu.memory_space<hbm>> -> memref<8x128xf32, #tpu.memory_space<hbm>>
        %dma_wait3A_2141 = arith.constant 0 : i32
        %dma_wait3A_2142 = tpu.memref_slice %arg4[%mul3A_2130, %dma_wait3A_2141] : memref<204800x128xf32, #tpu.memory_space<hbm>> -> memref<8x128xf32, #tpu.memory_space<hbm>>
        %dma_wait3A_2143 = arith.constant 0 : i32
        %dma_wait3A_2144 = arith.constant 0 : i32
        %dma_wait3A_2145 = tpu.memref_slice %arg7[%dma_wait3A_2131, %dma_wait3A_2143, %dma_wait3A_2144] : memref<2x32x641xf32, #tpu.memory_space<vmem>> -> memref<1x32x641xf32, #tpu.memory_space<vmem>>
        %dma_wait3A_2146 = tpu.memref_squeeze %dma_wait3A_2145 : memref<1x32x641xf32, #tpu.memory_space<vmem>> -> memref<32x641xf32, #tpu.memory_space<vmem>>
        %dma_wait3A_2147 = arith.constant 8 : i32
        %dma_wait3A_2148 = arith.constant 512 : i32
        %dma_wait3A_2149 = tpu.memref_slice %dma_wait3A_2146[%dma_wait3A_2147, %dma_wait3A_2148] : memref<32x641xf32, #tpu.memory_space<vmem>> -> memref<8x128xf32, #tpu.memory_space<vmem>>
        tpu.wait_dma2 semaphore(%arg11 : memref<!tpu.dma_semaphore, #tpu.memory_space<semaphore_mem>>) src(%dma_wait3A_2149 : memref<8x128xf32, #tpu.memory_space<vmem>>) dst(%dma_wait3A_2142 : memref<8x128xf32, #tpu.memory_space<hbm>>)
        %add3A_2150 = arith.constant 12800 : i32
        %add3A_2151 = arith.addi %add3A_2150, %select_n3A_1899 : i32
        %add3A_2152 = arith.constant 0 : i32
        %add3A_2153 = arith.addi %add3A_2151, %add3A_2152 : i32
        %mul3A_2154 = arith.constant 8 : i32
        %mul3A_2155 = arith.muli %mul3A_2154, %add3A_2153 : i32
        %dma_wait3A_2156 = arith.constant 1 : i32
        %dma_wait3A_2157 = arith.constant 0 : i32
        %dma_wait3A_2158 = arith.constant 0 : i32
        %dma_wait3A_2159 = tpu.memref_slice %arg7[%dma_wait3A_2156, %dma_wait3A_2157, %dma_wait3A_2158] : memref<2x32x641xf32, #tpu.memory_space<vmem>> -> memref<1x32x641xf32, #tpu.memory_space<vmem>>
        %dma_wait3A_2160 = tpu.memref_squeeze %dma_wait3A_2159 : memref<1x32x641xf32, #tpu.memory_space<vmem>> -> memref<32x641xf32, #tpu.memory_space<vmem>>
        %dma_wait3A_2161 = arith.constant 16 : i32
        %dma_wait3A_2162 = arith.constant 0 : i32
        %dma_wait3A_2163 = tpu.memref_slice %dma_wait3A_2160[%dma_wait3A_2161, %dma_wait3A_2162] : memref<32x641xf32, #tpu.memory_space<vmem>> -> memref<8x128xf32, #tpu.memory_space<vmem>>
        %dma_wait3A_2164 = arith.constant 0 : i32
        %dma_wait3A_2165 = tpu.memref_slice %arg4[%mul3A_2155, %dma_wait3A_2164] : memref<204800x128xf32, #tpu.memory_space<hbm>> -> memref<8x128xf32, #tpu.memory_space<hbm>>
        %dma_wait3A_2166 = arith.constant 0 : i32
        %dma_wait3A_2167 = tpu.memref_slice %arg4[%mul3A_2155, %dma_wait3A_2166] : memref<204800x128xf32, #tpu.memory_space<hbm>> -> memref<8x128xf32, #tpu.memory_space<hbm>>
        %dma_wait3A_2168 = arith.constant 0 : i32
        %dma_wait3A_2169 = arith.constant 0 : i32
        %dma_wait3A_2170 = tpu.memref_slice %arg7[%dma_wait3A_2156, %dma_wait3A_2168, %dma_wait3A_2169] : memref<2x32x641xf32, #tpu.memory_space<vmem>> -> memref<1x32x641xf32, #tpu.memory_space<vmem>>
        %dma_wait3A_2171 = tpu.memref_squeeze %dma_wait3A_2170 : memref<1x32x641xf32, #tpu.memory_space<vmem>> -> memref<32x641xf32, #tpu.memory_space<vmem>>
        %dma_wait3A_2172 = arith.constant 16 : i32
        %dma_wait3A_2173 = arith.constant 0 : i32
        %dma_wait3A_2174 = tpu.memref_slice %dma_wait3A_2171[%dma_wait3A_2172, %dma_wait3A_2173] : memref<32x641xf32, #tpu.memory_space<vmem>> -> memref<8x128xf32, #tpu.memory_space<vmem>>
        tpu.wait_dma2 semaphore(%arg11 : memref<!tpu.dma_semaphore, #tpu.memory_space<semaphore_mem>>) src(%dma_wait3A_2174 : memref<8x128xf32, #tpu.memory_space<vmem>>) dst(%dma_wait3A_2167 : memref<8x128xf32, #tpu.memory_space<hbm>>)
        %add3A_2175 = arith.constant 12800 : i32
        %add3A_2176 = arith.addi %add3A_2175, %select_n3A_1899 : i32
        %add3A_2177 = arith.constant 1 : i32
        %add3A_2178 = arith.addi %add3A_2176, %add3A_2177 : i32
        %mul3A_2179 = arith.constant 8 : i32
        %mul3A_2180 = arith.muli %mul3A_2179, %add3A_2178 : i32
        %dma_wait3A_2181 = arith.constant 1 : i32
        %dma_wait3A_2182 = arith.constant 0 : i32
        %dma_wait3A_2183 = arith.constant 0 : i32
        %dma_wait3A_2184 = tpu.memref_slice %arg7[%dma_wait3A_2181, %dma_wait3A_2182, %dma_wait3A_2183] : memref<2x32x641xf32, #tpu.memory_space<vmem>> -> memref<1x32x641xf32, #tpu.memory_space<vmem>>
        %dma_wait3A_2185 = tpu.memref_squeeze %dma_wait3A_2184 : memref<1x32x641xf32, #tpu.memory_space<vmem>> -> memref<32x641xf32, #tpu.memory_space<vmem>>
        %dma_wait3A_2186 = arith.constant 16 : i32
        %dma_wait3A_2187 = arith.constant 128 : i32
        %dma_wait3A_2188 = tpu.memref_slice %dma_wait3A_2185[%dma_wait3A_2186, %dma_wait3A_2187] : memref<32x641xf32, #tpu.memory_space<vmem>> -> memref<8x128xf32, #tpu.memory_space<vmem>>
        %dma_wait3A_2189 = arith.constant 0 : i32
        %dma_wait3A_2190 = tpu.memref_slice %arg4[%mul3A_2180, %dma_wait3A_2189] : memref<204800x128xf32, #tpu.memory_space<hbm>> -> memref<8x128xf32, #tpu.memory_space<hbm>>
        %dma_wait3A_2191 = arith.constant 0 : i32
        %dma_wait3A_2192 = tpu.memref_slice %arg4[%mul3A_2180, %dma_wait3A_2191] : memref<204800x128xf32, #tpu.memory_space<hbm>> -> memref<8x128xf32, #tpu.memory_space<hbm>>
        %dma_wait3A_2193 = arith.constant 0 : i32
        %dma_wait3A_2194 = arith.constant 0 : i32
        %dma_wait3A_2195 = tpu.memref_slice %arg7[%dma_wait3A_2181, %dma_wait3A_2193, %dma_wait3A_2194] : memref<2x32x641xf32, #tpu.memory_space<vmem>> -> memref<1x32x641xf32, #tpu.memory_space<vmem>>
        %dma_wait3A_2196 = tpu.memref_squeeze %dma_wait3A_2195 : memref<1x32x641xf32, #tpu.memory_space<vmem>> -> memref<32x641xf32, #tpu.memory_space<vmem>>
        %dma_wait3A_2197 = arith.constant 16 : i32
        %dma_wait3A_2198 = arith.constant 128 : i32
        %dma_wait3A_2199 = tpu.memref_slice %dma_wait3A_2196[%dma_wait3A_2197, %dma_wait3A_2198] : memref<32x641xf32, #tpu.memory_space<vmem>> -> memref<8x128xf32, #tpu.memory_space<vmem>>
        tpu.wait_dma2 semaphore(%arg11 : memref<!tpu.dma_semaphore, #tpu.memory_space<semaphore_mem>>) src(%dma_wait3A_2199 : memref<8x128xf32, #tpu.memory_space<vmem>>) dst(%dma_wait3A_2192 : memref<8x128xf32, #tpu.memory_space<hbm>>)
        %add3A_2200 = arith.constant 12800 : i32
        %add3A_2201 = arith.addi %add3A_2200, %select_n3A_1899 : i32
        %add3A_2202 = arith.constant 2 : i32
        %add3A_2203 = arith.addi %add3A_2201, %add3A_2202 : i32
        %mul3A_2204 = arith.constant 8 : i32
        %mul3A_2205 = arith.muli %mul3A_2204, %add3A_2203 : i32
        %dma_wait3A_2206 = arith.constant 1 : i32
        %dma_wait3A_2207 = arith.constant 0 : i32
        %dma_wait3A_2208 = arith.constant 0 : i32
        %dma_wait3A_2209 = tpu.memref_slice %arg7[%dma_wait3A_2206, %dma_wait3A_2207, %dma_wait3A_2208] : memref<2x32x641xf32, #tpu.memory_space<vmem>> -> memref<1x32x641xf32, #tpu.memory_space<vmem>>
        %dma_wait3A_2210 = tpu.memref_squeeze %dma_wait3A_2209 : memref<1x32x641xf32, #tpu.memory_space<vmem>> -> memref<32x641xf32, #tpu.memory_space<vmem>>
        %dma_wait3A_2211 = arith.constant 16 : i32
        %dma_wait3A_2212 = arith.constant 256 : i32
        %dma_wait3A_2213 = tpu.memref_slice %dma_wait3A_2210[%dma_wait3A_2211, %dma_wait3A_2212] : memref<32x641xf32, #tpu.memory_space<vmem>> -> memref<8x128xf32, #tpu.memory_space<vmem>>
        %dma_wait3A_2214 = arith.constant 0 : i32
        %dma_wait3A_2215 = tpu.memref_slice %arg4[%mul3A_2205, %dma_wait3A_2214] : memref<204800x128xf32, #tpu.memory_space<hbm>> -> memref<8x128xf32, #tpu.memory_space<hbm>>
        %dma_wait3A_2216 = arith.constant 0 : i32
        %dma_wait3A_2217 = tpu.memref_slice %arg4[%mul3A_2205, %dma_wait3A_2216] : memref<204800x128xf32, #tpu.memory_space<hbm>> -> memref<8x128xf32, #tpu.memory_space<hbm>>
        %dma_wait3A_2218 = arith.constant 0 : i32
        %dma_wait3A_2219 = arith.constant 0 : i32
        %dma_wait3A_2220 = tpu.memref_slice %arg7[%dma_wait3A_2206, %dma_wait3A_2218, %dma_wait3A_2219] : memref<2x32x641xf32, #tpu.memory_space<vmem>> -> memref<1x32x641xf32, #tpu.memory_space<vmem>>
        %dma_wait3A_2221 = tpu.memref_squeeze %dma_wait3A_2220 : memref<1x32x641xf32, #tpu.memory_space<vmem>> -> memref<32x641xf32, #tpu.memory_space<vmem>>
        %dma_wait3A_2222 = arith.constant 16 : i32
        %dma_wait3A_2223 = arith.constant 256 : i32
        %dma_wait3A_2224 = tpu.memref_slice %dma_wait3A_2221[%dma_wait3A_2222, %dma_wait3A_2223] : memref<32x641xf32, #tpu.memory_space<vmem>> -> memref<8x128xf32, #tpu.memory_space<vmem>>
        tpu.wait_dma2 semaphore(%arg11 : memref<!tpu.dma_semaphore, #tpu.memory_space<semaphore_mem>>) src(%dma_wait3A_2224 : memref<8x128xf32, #tpu.memory_space<vmem>>) dst(%dma_wait3A_2217 : memref<8x128xf32, #tpu.memory_space<hbm>>)
        %add3A_2225 = arith.constant 12800 : i32
        %add3A_2226 = arith.addi %add3A_2225, %select_n3A_1899 : i32
        %add3A_2227 = arith.constant 3 : i32
        %add3A_2228 = arith.addi %add3A_2226, %add3A_2227 : i32
        %mul3A_2229 = arith.constant 8 : i32
        %mul3A_2230 = arith.muli %mul3A_2229, %add3A_2228 : i32
        %dma_wait3A_2231 = arith.constant 1 : i32
        %dma_wait3A_2232 = arith.constant 0 : i32
        %dma_wait3A_2233 = arith.constant 0 : i32
        %dma_wait3A_2234 = tpu.memref_slice %arg7[%dma_wait3A_2231, %dma_wait3A_2232, %dma_wait3A_2233] : memref<2x32x641xf32, #tpu.memory_space<vmem>> -> memref<1x32x641xf32, #tpu.memory_space<vmem>>
        %dma_wait3A_2235 = tpu.memref_squeeze %dma_wait3A_2234 : memref<1x32x641xf32, #tpu.memory_space<vmem>> -> memref<32x641xf32, #tpu.memory_space<vmem>>
        %dma_wait3A_2236 = arith.constant 16 : i32
        %dma_wait3A_2237 = arith.constant 384 : i32
        %dma_wait3A_2238 = tpu.memref_slice %dma_wait3A_2235[%dma_wait3A_2236, %dma_wait3A_2237] : memref<32x641xf32, #tpu.memory_space<vmem>> -> memref<8x128xf32, #tpu.memory_space<vmem>>
        %dma_wait3A_2239 = arith.constant 0 : i32
        %dma_wait3A_2240 = tpu.memref_slice %arg4[%mul3A_2230, %dma_wait3A_2239] : memref<204800x128xf32, #tpu.memory_space<hbm>> -> memref<8x128xf32, #tpu.memory_space<hbm>>
        %dma_wait3A_2241 = arith.constant 0 : i32
        %dma_wait3A_2242 = tpu.memref_slice %arg4[%mul3A_2230, %dma_wait3A_2241] : memref<204800x128xf32, #tpu.memory_space<hbm>> -> memref<8x128xf32, #tpu.memory_space<hbm>>
        %dma_wait3A_2243 = arith.constant 0 : i32
        %dma_wait3A_2244 = arith.constant 0 : i32
        %dma_wait3A_2245 = tpu.memref_slice %arg7[%dma_wait3A_2231, %dma_wait3A_2243, %dma_wait3A_2244] : memref<2x32x641xf32, #tpu.memory_space<vmem>> -> memref<1x32x641xf32, #tpu.memory_space<vmem>>
        %dma_wait3A_2246 = tpu.memref_squeeze %dma_wait3A_2245 : memref<1x32x641xf32, #tpu.memory_space<vmem>> -> memref<32x641xf32, #tpu.memory_space<vmem>>
        %dma_wait3A_2247 = arith.constant 16 : i32
        %dma_wait3A_2248 = arith.constant 384 : i32
        %dma_wait3A_2249 = tpu.memref_slice %dma_wait3A_2246[%dma_wait3A_2247, %dma_wait3A_2248] : memref<32x641xf32, #tpu.memory_space<vmem>> -> memref<8x128xf32, #tpu.memory_space<vmem>>
        tpu.wait_dma2 semaphore(%arg11 : memref<!tpu.dma_semaphore, #tpu.memory_space<semaphore_mem>>) src(%dma_wait3A_2249 : memref<8x128xf32, #tpu.memory_space<vmem>>) dst(%dma_wait3A_2242 : memref<8x128xf32, #tpu.memory_space<hbm>>)
        %add3A_2250 = arith.constant 12800 : i32
        %add3A_2251 = arith.addi %add3A_2250, %select_n3A_1899 : i32
        %add3A_2252 = arith.constant 4 : i32
        %add3A_2253 = arith.addi %add3A_2251, %add3A_2252 : i32
        %mul3A_2254 = arith.constant 8 : i32
        %mul3A_2255 = arith.muli %mul3A_2254, %add3A_2253 : i32
        %dma_wait3A_2256 = arith.constant 1 : i32
        %dma_wait3A_2257 = arith.constant 0 : i32
        %dma_wait3A_2258 = arith.constant 0 : i32
        %dma_wait3A_2259 = tpu.memref_slice %arg7[%dma_wait3A_2256, %dma_wait3A_2257, %dma_wait3A_2258] : memref<2x32x641xf32, #tpu.memory_space<vmem>> -> memref<1x32x641xf32, #tpu.memory_space<vmem>>
        %dma_wait3A_2260 = tpu.memref_squeeze %dma_wait3A_2259 : memref<1x32x641xf32, #tpu.memory_space<vmem>> -> memref<32x641xf32, #tpu.memory_space<vmem>>
        %dma_wait3A_2261 = arith.constant 16 : i32
        %dma_wait3A_2262 = arith.constant 512 : i32
        %dma_wait3A_2263 = tpu.memref_slice %dma_wait3A_2260[%dma_wait3A_2261, %dma_wait3A_2262] : memref<32x641xf32, #tpu.memory_space<vmem>> -> memref<8x128xf32, #tpu.memory_space<vmem>>
        %dma_wait3A_2264 = arith.constant 0 : i32
        %dma_wait3A_2265 = tpu.memref_slice %arg4[%mul3A_2255, %dma_wait3A_2264] : memref<204800x128xf32, #tpu.memory_space<hbm>> -> memref<8x128xf32, #tpu.memory_space<hbm>>
        %dma_wait3A_2266 = arith.constant 0 : i32
        %dma_wait3A_2267 = tpu.memref_slice %arg4[%mul3A_2255, %dma_wait3A_2266] : memref<204800x128xf32, #tpu.memory_space<hbm>> -> memref<8x128xf32, #tpu.memory_space<hbm>>
        %dma_wait3A_2268 = arith.constant 0 : i32
        %dma_wait3A_2269 = arith.constant 0 : i32
        %dma_wait3A_2270 = tpu.memref_slice %arg7[%dma_wait3A_2256, %dma_wait3A_2268, %dma_wait3A_2269] : memref<2x32x641xf32, #tpu.memory_space<vmem>> -> memref<1x32x641xf32, #tpu.memory_space<vmem>>
        %dma_wait3A_2271 = tpu.memref_squeeze %dma_wait3A_2270 : memref<1x32x641xf32, #tpu.memory_space<vmem>> -> memref<32x641xf32, #tpu.memory_space<vmem>>
        %dma_wait3A_2272 = arith.constant 16 : i32
        %dma_wait3A_2273 = arith.constant 512 : i32
        %dma_wait3A_2274 = tpu.memref_slice %dma_wait3A_2271[%dma_wait3A_2272, %dma_wait3A_2273] : memref<32x641xf32, #tpu.memory_space<vmem>> -> memref<8x128xf32, #tpu.memory_space<vmem>>
        tpu.wait_dma2 semaphore(%arg11 : memref<!tpu.dma_semaphore, #tpu.memory_space<semaphore_mem>>) src(%dma_wait3A_2274 : memref<8x128xf32, #tpu.memory_space<vmem>>) dst(%dma_wait3A_2267 : memref<8x128xf32, #tpu.memory_space<hbm>>)
        %add3A_2275 = arith.constant 19200 : i32
        %add3A_2276 = arith.addi %add3A_2275, %select_n3A_1899 : i32
        %add3A_2277 = arith.constant 0 : i32
        %add3A_2278 = arith.addi %add3A_2276, %add3A_2277 : i32
        %mul3A_2279 = arith.constant 8 : i32
        %mul3A_2280 = arith.muli %mul3A_2279, %add3A_2278 : i32
        %dma_wait3A_2281 = arith.constant 1 : i32
        %dma_wait3A_2282 = arith.constant 0 : i32
        %dma_wait3A_2283 = arith.constant 0 : i32
        %dma_wait3A_2284 = tpu.memref_slice %arg7[%dma_wait3A_2281, %dma_wait3A_2282, %dma_wait3A_2283] : memref<2x32x641xf32, #tpu.memory_space<vmem>> -> memref<1x32x641xf32, #tpu.memory_space<vmem>>
        %dma_wait3A_2285 = tpu.memref_squeeze %dma_wait3A_2284 : memref<1x32x641xf32, #tpu.memory_space<vmem>> -> memref<32x641xf32, #tpu.memory_space<vmem>>
        %dma_wait3A_2286 = arith.constant 24 : i32
        %dma_wait3A_2287 = arith.constant 0 : i32
        %dma_wait3A_2288 = tpu.memref_slice %dma_wait3A_2285[%dma_wait3A_2286, %dma_wait3A_2287] : memref<32x641xf32, #tpu.memory_space<vmem>> -> memref<8x128xf32, #tpu.memory_space<vmem>>
        %dma_wait3A_2289 = arith.constant 0 : i32
        %dma_wait3A_2290 = tpu.memref_slice %arg4[%mul3A_2280, %dma_wait3A_2289] : memref<204800x128xf32, #tpu.memory_space<hbm>> -> memref<8x128xf32, #tpu.memory_space<hbm>>
        %dma_wait3A_2291 = arith.constant 0 : i32
        %dma_wait3A_2292 = tpu.memref_slice %arg4[%mul3A_2280, %dma_wait3A_2291] : memref<204800x128xf32, #tpu.memory_space<hbm>> -> memref<8x128xf32, #tpu.memory_space<hbm>>
        %dma_wait3A_2293 = arith.constant 0 : i32
        %dma_wait3A_2294 = arith.constant 0 : i32
        %dma_wait3A_2295 = tpu.memref_slice %arg7[%dma_wait3A_2281, %dma_wait3A_2293, %dma_wait3A_2294] : memref<2x32x641xf32, #tpu.memory_space<vmem>> -> memref<1x32x641xf32, #tpu.memory_space<vmem>>
        %dma_wait3A_2296 = tpu.memref_squeeze %dma_wait3A_2295 : memref<1x32x641xf32, #tpu.memory_space<vmem>> -> memref<32x641xf32, #tpu.memory_space<vmem>>
        %dma_wait3A_2297 = arith.constant 24 : i32
        %dma_wait3A_2298 = arith.constant 0 : i32
        %dma_wait3A_2299 = tpu.memref_slice %dma_wait3A_2296[%dma_wait3A_2297, %dma_wait3A_2298] : memref<32x641xf32, #tpu.memory_space<vmem>> -> memref<8x128xf32, #tpu.memory_space<vmem>>
        tpu.wait_dma2 semaphore(%arg11 : memref<!tpu.dma_semaphore, #tpu.memory_space<semaphore_mem>>) src(%dma_wait3A_2299 : memref<8x128xf32, #tpu.memory_space<vmem>>) dst(%dma_wait3A_2292 : memref<8x128xf32, #tpu.memory_space<hbm>>)
        %add3A_2300 = arith.constant 19200 : i32
        %add3A_2301 = arith.addi %add3A_2300, %select_n3A_1899 : i32
        %add3A_2302 = arith.constant 1 : i32
        %add3A_2303 = arith.addi %add3A_2301, %add3A_2302 : i32
        %mul3A_2304 = arith.constant 8 : i32
        %mul3A_2305 = arith.muli %mul3A_2304, %add3A_2303 : i32
        %dma_wait3A_2306 = arith.constant 1 : i32
        %dma_wait3A_2307 = arith.constant 0 : i32
        %dma_wait3A_2308 = arith.constant 0 : i32
        %dma_wait3A_2309 = tpu.memref_slice %arg7[%dma_wait3A_2306, %dma_wait3A_2307, %dma_wait3A_2308] : memref<2x32x641xf32, #tpu.memory_space<vmem>> -> memref<1x32x641xf32, #tpu.memory_space<vmem>>
        %dma_wait3A_2310 = tpu.memref_squeeze %dma_wait3A_2309 : memref<1x32x641xf32, #tpu.memory_space<vmem>> -> memref<32x641xf32, #tpu.memory_space<vmem>>
        %dma_wait3A_2311 = arith.constant 24 : i32
        %dma_wait3A_2312 = arith.constant 128 : i32
        %dma_wait3A_2313 = tpu.memref_slice %dma_wait3A_2310[%dma_wait3A_2311, %dma_wait3A_2312] : memref<32x641xf32, #tpu.memory_space<vmem>> -> memref<8x128xf32, #tpu.memory_space<vmem>>
        %dma_wait3A_2314 = arith.constant 0 : i32
        %dma_wait3A_2315 = tpu.memref_slice %arg4[%mul3A_2305, %dma_wait3A_2314] : memref<204800x128xf32, #tpu.memory_space<hbm>> -> memref<8x128xf32, #tpu.memory_space<hbm>>
        %dma_wait3A_2316 = arith.constant 0 : i32
        %dma_wait3A_2317 = tpu.memref_slice %arg4[%mul3A_2305, %dma_wait3A_2316] : memref<204800x128xf32, #tpu.memory_space<hbm>> -> memref<8x128xf32, #tpu.memory_space<hbm>>
        %dma_wait3A_2318 = arith.constant 0 : i32
        %dma_wait3A_2319 = arith.constant 0 : i32
        %dma_wait3A_2320 = tpu.memref_slice %arg7[%dma_wait3A_2306, %dma_wait3A_2318, %dma_wait3A_2319] : memref<2x32x641xf32, #tpu.memory_space<vmem>> -> memref<1x32x641xf32, #tpu.memory_space<vmem>>
        %dma_wait3A_2321 = tpu.memref_squeeze %dma_wait3A_2320 : memref<1x32x641xf32, #tpu.memory_space<vmem>> -> memref<32x641xf32, #tpu.memory_space<vmem>>
        %dma_wait3A_2322 = arith.constant 24 : i32
        %dma_wait3A_2323 = arith.constant 128 : i32
        %dma_wait3A_2324 = tpu.memref_slice %dma_wait3A_2321[%dma_wait3A_2322, %dma_wait3A_2323] : memref<32x641xf32, #tpu.memory_space<vmem>> -> memref<8x128xf32, #tpu.memory_space<vmem>>
        tpu.wait_dma2 semaphore(%arg11 : memref<!tpu.dma_semaphore, #tpu.memory_space<semaphore_mem>>) src(%dma_wait3A_2324 : memref<8x128xf32, #tpu.memory_space<vmem>>) dst(%dma_wait3A_2317 : memref<8x128xf32, #tpu.memory_space<hbm>>)
        %add3A_2325 = arith.constant 19200 : i32
        %add3A_2326 = arith.addi %add3A_2325, %select_n3A_1899 : i32
        %add3A_2327 = arith.constant 2 : i32
        %add3A_2328 = arith.addi %add3A_2326, %add3A_2327 : i32
        %mul3A_2329 = arith.constant 8 : i32
        %mul3A_2330 = arith.muli %mul3A_2329, %add3A_2328 : i32
        %dma_wait3A_2331 = arith.constant 1 : i32
        %dma_wait3A_2332 = arith.constant 0 : i32
        %dma_wait3A_2333 = arith.constant 0 : i32
        %dma_wait3A_2334 = tpu.memref_slice %arg7[%dma_wait3A_2331, %dma_wait3A_2332, %dma_wait3A_2333] : memref<2x32x641xf32, #tpu.memory_space<vmem>> -> memref<1x32x641xf32, #tpu.memory_space<vmem>>
        %dma_wait3A_2335 = tpu.memref_squeeze %dma_wait3A_2334 : memref<1x32x641xf32, #tpu.memory_space<vmem>> -> memref<32x641xf32, #tpu.memory_space<vmem>>
        %dma_wait3A_2336 = arith.constant 24 : i32
        %dma_wait3A_2337 = arith.constant 256 : i32
        %dma_wait3A_2338 = tpu.memref_slice %dma_wait3A_2335[%dma_wait3A_2336, %dma_wait3A_2337] : memref<32x641xf32, #tpu.memory_space<vmem>> -> memref<8x128xf32, #tpu.memory_space<vmem>>
        %dma_wait3A_2339 = arith.constant 0 : i32
        %dma_wait3A_2340 = tpu.memref_slice %arg4[%mul3A_2330, %dma_wait3A_2339] : memref<204800x128xf32, #tpu.memory_space<hbm>> -> memref<8x128xf32, #tpu.memory_space<hbm>>
        %dma_wait3A_2341 = arith.constant 0 : i32
        %dma_wait3A_2342 = tpu.memref_slice %arg4[%mul3A_2330, %dma_wait3A_2341] : memref<204800x128xf32, #tpu.memory_space<hbm>> -> memref<8x128xf32, #tpu.memory_space<hbm>>
        %dma_wait3A_2343 = arith.constant 0 : i32
        %dma_wait3A_2344 = arith.constant 0 : i32
        %dma_wait3A_2345 = tpu.memref_slice %arg7[%dma_wait3A_2331, %dma_wait3A_2343, %dma_wait3A_2344] : memref<2x32x641xf32, #tpu.memory_space<vmem>> -> memref<1x32x641xf32, #tpu.memory_space<vmem>>
        %dma_wait3A_2346 = tpu.memref_squeeze %dma_wait3A_2345 : memref<1x32x641xf32, #tpu.memory_space<vmem>> -> memref<32x641xf32, #tpu.memory_space<vmem>>
        %dma_wait3A_2347 = arith.constant 24 : i32
        %dma_wait3A_2348 = arith.constant 256 : i32
        %dma_wait3A_2349 = tpu.memref_slice %dma_wait3A_2346[%dma_wait3A_2347, %dma_wait3A_2348] : memref<32x641xf32, #tpu.memory_space<vmem>> -> memref<8x128xf32, #tpu.memory_space<vmem>>
        tpu.wait_dma2 semaphore(%arg11 : memref<!tpu.dma_semaphore, #tpu.memory_space<semaphore_mem>>) src(%dma_wait3A_2349 : memref<8x128xf32, #tpu.memory_space<vmem>>) dst(%dma_wait3A_2342 : memref<8x128xf32, #tpu.memory_space<hbm>>)
        %add3A_2350 = arith.constant 19200 : i32
        %add3A_2351 = arith.addi %add3A_2350, %select_n3A_1899 : i32
        %add3A_2352 = arith.constant 3 : i32
        %add3A_2353 = arith.addi %add3A_2351, %add3A_2352 : i32
        %mul3A_2354 = arith.constant 8 : i32
        %mul3A_2355 = arith.muli %mul3A_2354, %add3A_2353 : i32
        %dma_wait3A_2356 = arith.constant 1 : i32
        %dma_wait3A_2357 = arith.constant 0 : i32
        %dma_wait3A_2358 = arith.constant 0 : i32
        %dma_wait3A_2359 = tpu.memref_slice %arg7[%dma_wait3A_2356, %dma_wait3A_2357, %dma_wait3A_2358] : memref<2x32x641xf32, #tpu.memory_space<vmem>> -> memref<1x32x641xf32, #tpu.memory_space<vmem>>
        %dma_wait3A_2360 = tpu.memref_squeeze %dma_wait3A_2359 : memref<1x32x641xf32, #tpu.memory_space<vmem>> -> memref<32x641xf32, #tpu.memory_space<vmem>>
        %dma_wait3A_2361 = arith.constant 24 : i32
        %dma_wait3A_2362 = arith.constant 384 : i32
        %dma_wait3A_2363 = tpu.memref_slice %dma_wait3A_2360[%dma_wait3A_2361, %dma_wait3A_2362] : memref<32x641xf32, #tpu.memory_space<vmem>> -> memref<8x128xf32, #tpu.memory_space<vmem>>
        %dma_wait3A_2364 = arith.constant 0 : i32
        %dma_wait3A_2365 = tpu.memref_slice %arg4[%mul3A_2355, %dma_wait3A_2364] : memref<204800x128xf32, #tpu.memory_space<hbm>> -> memref<8x128xf32, #tpu.memory_space<hbm>>
        %dma_wait3A_2366 = arith.constant 0 : i32
        %dma_wait3A_2367 = tpu.memref_slice %arg4[%mul3A_2355, %dma_wait3A_2366] : memref<204800x128xf32, #tpu.memory_space<hbm>> -> memref<8x128xf32, #tpu.memory_space<hbm>>
        %dma_wait3A_2368 = arith.constant 0 : i32
        %dma_wait3A_2369 = arith.constant 0 : i32
        %dma_wait3A_2370 = tpu.memref_slice %arg7[%dma_wait3A_2356, %dma_wait3A_2368, %dma_wait3A_2369] : memref<2x32x641xf32, #tpu.memory_space<vmem>> -> memref<1x32x641xf32, #tpu.memory_space<vmem>>
        %dma_wait3A_2371 = tpu.memref_squeeze %dma_wait3A_2370 : memref<1x32x641xf32, #tpu.memory_space<vmem>> -> memref<32x641xf32, #tpu.memory_space<vmem>>
        %dma_wait3A_2372 = arith.constant 24 : i32
        %dma_wait3A_2373 = arith.constant 384 : i32
        %dma_wait3A_2374 = tpu.memref_slice %dma_wait3A_2371[%dma_wait3A_2372, %dma_wait3A_2373] : memref<32x641xf32, #tpu.memory_space<vmem>> -> memref<8x128xf32, #tpu.memory_space<vmem>>
        tpu.wait_dma2 semaphore(%arg11 : memref<!tpu.dma_semaphore, #tpu.memory_space<semaphore_mem>>) src(%dma_wait3A_2374 : memref<8x128xf32, #tpu.memory_space<vmem>>) dst(%dma_wait3A_2367 : memref<8x128xf32, #tpu.memory_space<hbm>>)
        %add3A_2375 = arith.constant 19200 : i32
        %add3A_2376 = arith.addi %add3A_2375, %select_n3A_1899 : i32
        %add3A_2377 = arith.constant 4 : i32
        %add3A_2378 = arith.addi %add3A_2376, %add3A_2377 : i32
        %mul3A_2379 = arith.constant 8 : i32
        %mul3A_2380 = arith.muli %mul3A_2379, %add3A_2378 : i32
        %dma_wait3A_2381 = arith.constant 1 : i32
        %dma_wait3A_2382 = arith.constant 0 : i32
        %dma_wait3A_2383 = arith.constant 0 : i32
        %dma_wait3A_2384 = tpu.memref_slice %arg7[%dma_wait3A_2381, %dma_wait3A_2382, %dma_wait3A_2383] : memref<2x32x641xf32, #tpu.memory_space<vmem>> -> memref<1x32x641xf32, #tpu.memory_space<vmem>>
        %dma_wait3A_2385 = tpu.memref_squeeze %dma_wait3A_2384 : memref<1x32x641xf32, #tpu.memory_space<vmem>> -> memref<32x641xf32, #tpu.memory_space<vmem>>
        %dma_wait3A_2386 = arith.constant 24 : i32
        %dma_wait3A_2387 = arith.constant 512 : i32
        %dma_wait3A_2388 = tpu.memref_slice %dma_wait3A_2385[%dma_wait3A_2386, %dma_wait3A_2387] : memref<32x641xf32, #tpu.memory_space<vmem>> -> memref<8x128xf32, #tpu.memory_space<vmem>>
        %dma_wait3A_2389 = arith.constant 0 : i32
        %dma_wait3A_2390 = tpu.memref_slice %arg4[%mul3A_2380, %dma_wait3A_2389] : memref<204800x128xf32, #tpu.memory_space<hbm>> -> memref<8x128xf32, #tpu.memory_space<hbm>>
        %dma_wait3A_2391 = arith.constant 0 : i32
        %dma_wait3A_2392 = tpu.memref_slice %arg4[%mul3A_2380, %dma_wait3A_2391] : memref<204800x128xf32, #tpu.memory_space<hbm>> -> memref<8x128xf32, #tpu.memory_space<hbm>>
        %dma_wait3A_2393 = arith.constant 0 : i32
        %dma_wait3A_2394 = arith.constant 0 : i32
        %dma_wait3A_2395 = tpu.memref_slice %arg7[%dma_wait3A_2381, %dma_wait3A_2393, %dma_wait3A_2394] : memref<2x32x641xf32, #tpu.memory_space<vmem>> -> memref<1x32x641xf32, #tpu.memory_space<vmem>>
        %dma_wait3A_2396 = tpu.memref_squeeze %dma_wait3A_2395 : memref<1x32x641xf32, #tpu.memory_space<vmem>> -> memref<32x641xf32, #tpu.memory_space<vmem>>
        %dma_wait3A_2397 = arith.constant 24 : i32
        %dma_wait3A_2398 = arith.constant 512 : i32
        %dma_wait3A_2399 = tpu.memref_slice %dma_wait3A_2396[%dma_wait3A_2397, %dma_wait3A_2398] : memref<32x641xf32, #tpu.memory_space<vmem>> -> memref<8x128xf32, #tpu.memory_space<vmem>>
        tpu.wait_dma2 semaphore(%arg11 : memref<!tpu.dma_semaphore, #tpu.memory_space<semaphore_mem>>) src(%dma_wait3A_2399 : memref<8x128xf32, #tpu.memory_space<vmem>>) dst(%dma_wait3A_2392 : memref<8x128xf32, #tpu.memory_space<hbm>>)
      } else {
      }
      %add3A_620 = arith.constant 1 : i32
      %add3A_621 = arith.addi %add3A_617, %add3A_620 : i32
      %lt3A = arith.constant 40 : i32
      %lt3A_622 = arith.cmpi slt, %add3A_621, %lt3A : i32
      %convert_element_type3A_623 = arith.extui %lt3A_622 : i1 to i32
      %cond3A_624 = arith.constant 0 : i32
      %cond3A_625 = arith.cmpi ne, %convert_element_type3A_623, %cond3A_624 : i32
      scf.if %cond3A_625 {
        %add3A_1871 = arith.constant 1 : i32
        %add3A_1872 = arith.addi %add3A_617, %add3A_1871 : i32
        %mul3A_1873 = arith.constant 640 : i32
        %mul3A_1874 = arith.muli %add3A_1872, %mul3A_1873 : i32
        %add3A_1875 = arith.addi %mul3A_2, %mul3A_1874 : i32
        %run_scoped3A_1876 = arith.constant 1 : i32
        "tpu.region"() ({
          %run_scoped3A_1962 = tpu.sem_alloc : memref<!tpu.dma_semaphore, #tpu.memory_space<semaphore_mem>>
          %dma_start3A_1963 = arith.constant 0 : i32
          %dma_start3A_1964 = tpu.memref_slice %arg5[%run_scoped3A_1876, %dma_start3A_1963] : memref<2x640xi32, #tpu.memory_space<vmem>> -> memref<1x640xi32, #tpu.memory_space<vmem>>
          %dma_start3A_1965 = tpu.memref_squeeze %dma_start3A_1964 : memref<1x640xi32, #tpu.memory_space<vmem>> -> memref<640xi32, #tpu.memory_space<vmem>>
          %dma_start3A_1966 = tpu.memref_slice %arg2[%add3A_1875] : memref<819200xi32, #tpu.memory_space<hbm>> -> memref<640xi32, #tpu.memory_space<hbm>>
          %dma_start3A_1967 = arith.constant 0 : i32
          %dma_start3A_1968 = tpu.memref_slice %arg5[%run_scoped3A_1876, %dma_start3A_1967] : memref<2x640xi32, #tpu.memory_space<vmem>> -> memref<1x640xi32, #tpu.memory_space<vmem>>
          %dma_start3A_1969 = tpu.memref_squeeze %dma_start3A_1968 : memref<1x640xi32, #tpu.memory_space<vmem>> -> memref<640xi32, #tpu.memory_space<vmem>>
          %dma_start3A_1970 = tpu.memref_slice %arg2[%add3A_1875] : memref<819200xi32, #tpu.memory_space<hbm>> -> memref<640xi32, #tpu.memory_space<hbm>>
          tpu.enqueue_dma source(%dma_start3A_1970 : memref<640xi32, #tpu.memory_space<hbm>>) target(%dma_start3A_1969 : memref<640xi32, #tpu.memory_space<vmem>>) target_semaphore(%run_scoped3A_1962 : memref<!tpu.dma_semaphore, #tpu.memory_space<semaphore_mem>>)
          %dma_wait3A_1971 = arith.constant 0 : i32
          %dma_wait3A_1972 = tpu.memref_slice %arg5[%run_scoped3A_1876, %dma_wait3A_1971] : memref<2x640xi32, #tpu.memory_space<vmem>> -> memref<1x640xi32, #tpu.memory_space<vmem>>
          %dma_wait3A_1973 = tpu.memref_squeeze %dma_wait3A_1972 : memref<1x640xi32, #tpu.memory_space<vmem>> -> memref<640xi32, #tpu.memory_space<vmem>>
          %dma_wait3A_1974 = tpu.memref_slice %arg2[%add3A_1875] : memref<819200xi32, #tpu.memory_space<hbm>> -> memref<640xi32, #tpu.memory_space<hbm>>
          %dma_wait3A_1975 = arith.constant 0 : i32
          %dma_wait3A_1976 = tpu.memref_slice %arg5[%run_scoped3A_1876, %dma_wait3A_1975] : memref<2x640xi32, #tpu.memory_space<vmem>> -> memref<1x640xi32, #tpu.memory_space<vmem>>
          %dma_wait3A_1977 = tpu.memref_squeeze %dma_wait3A_1976 : memref<1x640xi32, #tpu.memory_space<vmem>> -> memref<640xi32, #tpu.memory_space<vmem>>
          %dma_wait3A_1978 = tpu.memref_slice %arg2[%add3A_1875] : memref<819200xi32, #tpu.memory_space<hbm>> -> memref<640xi32, #tpu.memory_space<hbm>>
          tpu.wait_dma2 semaphore(%run_scoped3A_1962 : memref<!tpu.dma_semaphore, #tpu.memory_space<semaphore_mem>>) src(%dma_wait3A_1978 : memref<640xi32, #tpu.memory_space<hbm>>) dst(%dma_wait3A_1977 : memref<640xi32, #tpu.memory_space<vmem>>)
          tpu.yield
        }) : () -> ()
        %dma_start3A_1877 = arith.constant 1 : i32
        %dma_start3A_1878 = arith.constant 1 : i32
        %dma_start3A_1879 = arith.constant 0 : i32
        %dma_start3A_1880 = arith.constant 0 : i32
        %dma_start3A_1881 = tpu.memref_slice %arg6[%dma_start3A_1878, %dma_start3A_1879, %dma_start3A_1880] : memref<2x640x32xf32, #tpu.memory_space<vmem>> -> memref<1x640x32xf32, #tpu.memory_space<vmem>>
        %dma_start3A_1882 = tpu.memref_squeeze %dma_start3A_1881 : memref<1x640x32xf32, #tpu.memory_space<vmem>> -> memref<640x32xf32, #tpu.memory_space<vmem>>
        %dma_start3A_1883 = arith.constant 0 : i32
        %dma_start3A_1884 = arith.constant 0 : i32
        %dma_start3A_1885 = tpu.memref_slice %dma_start3A_1882[%dma_start3A_1883, %dma_start3A_1884] : memref<640x32xf32, #tpu.memory_space<vmem>> -> memref<128x32xf32, #tpu.memory_space<vmem>>
        %dma_start3A_1886 = arith.constant 0 : i32
        %dma_start3A_1887 = tpu.memref_slice %arg5[%dma_start3A_1877, %dma_start3A_1886] : memref<2x640xi32, #tpu.memory_space<vmem>> -> memref<1x640xi32, #tpu.memory_space<vmem>>
        %dma_start3A_1888 = tpu.memref_squeeze %dma_start3A_1887 : memref<1x640xi32, #tpu.memory_space<vmem>> -> memref<640xi32, #tpu.memory_space<vmem>>
        %dma_start3A_1889 = arith.constant 0 : i32
        %dma_start3A_1890 = tpu.memref_slice %dma_start3A_1888[%dma_start3A_1889] : memref<640xi32, #tpu.memory_space<vmem>> -> memref<128xi32, #tpu.memory_space<vmem>>
        %dma_start3A_1891 = arith.constant 0 : i32
        %dma_start3A_1892 = arith.constant 0 : i32
        %dma_start3A_1893 = tpu.memref_slice %arg3[%dma_start3A_1891, %dma_start3A_1892] : memref<1000000x32xf32, #tpu.memory_space<hbm>> -> memref<1000000x32xf32, #tpu.memory_space<hbm>>
        tpu.enqueue_indirect_dma source(%dma_start3A_1893 : memref<1000000x32xf32, #tpu.memory_space<hbm>>) target(%dma_start3A_1885 : memref<128x32xf32, #tpu.memory_space<vmem>>) offsets(%dma_start3A_1890 : memref<128xi32, #tpu.memory_space<vmem>>) semaphore(%arg9 : memref<!tpu.dma_semaphore, #tpu.memory_space<semaphore_mem>>)
        %dma_start3A_1894 = arith.constant 1 : i32
        %dma_start3A_1895 = arith.constant 1 : i32
        %dma_start3A_1896 = arith.constant 0 : i32
        %dma_start3A_1897 = arith.constant 0 : i32
        %dma_start3A_1898 = tpu.memref_slice %arg6[%dma_start3A_1895, %dma_start3A_1896, %dma_start3A_1897] : memref<2x640x32xf32, #tpu.memory_space<vmem>> -> memref<1x640x32xf32, #tpu.memory_space<vmem>>
        %dma_start3A_1899 = tpu.memref_squeeze %dma_start3A_1898 : memref<1x640x32xf32, #tpu.memory_space<vmem>> -> memref<640x32xf32, #tpu.memory_space<vmem>>
        %dma_start3A_1900 = arith.constant 128 : i32
        %dma_start3A_1901 = arith.constant 0 : i32
        %dma_start3A_1902 = tpu.memref_slice %dma_start3A_1899[%dma_start3A_1900, %dma_start3A_1901] : memref<640x32xf32, #tpu.memory_space<vmem>> -> memref<128x32xf32, #tpu.memory_space<vmem>>
        %dma_start3A_1903 = arith.constant 0 : i32
        %dma_start3A_1904 = tpu.memref_slice %arg5[%dma_start3A_1894, %dma_start3A_1903] : memref<2x640xi32, #tpu.memory_space<vmem>> -> memref<1x640xi32, #tpu.memory_space<vmem>>
        %dma_start3A_1905 = tpu.memref_squeeze %dma_start3A_1904 : memref<1x640xi32, #tpu.memory_space<vmem>> -> memref<640xi32, #tpu.memory_space<vmem>>
        %dma_start3A_1906 = arith.constant 128 : i32
        %dma_start3A_1907 = tpu.memref_slice %dma_start3A_1905[%dma_start3A_1906] : memref<640xi32, #tpu.memory_space<vmem>> -> memref<128xi32, #tpu.memory_space<vmem>>
        %dma_start3A_1908 = arith.constant 0 : i32
        %dma_start3A_1909 = arith.constant 0 : i32
        %dma_start3A_1910 = tpu.memref_slice %arg3[%dma_start3A_1908, %dma_start3A_1909] : memref<1000000x32xf32, #tpu.memory_space<hbm>> -> memref<1000000x32xf32, #tpu.memory_space<hbm>>
        tpu.enqueue_indirect_dma source(%dma_start3A_1910 : memref<1000000x32xf32, #tpu.memory_space<hbm>>) target(%dma_start3A_1902 : memref<128x32xf32, #tpu.memory_space<vmem>>) offsets(%dma_start3A_1907 : memref<128xi32, #tpu.memory_space<vmem>>) semaphore(%arg9 : memref<!tpu.dma_semaphore, #tpu.memory_space<semaphore_mem>>)
        %dma_start3A_1911 = arith.constant 1 : i32
        %dma_start3A_1912 = arith.constant 1 : i32
        %dma_start3A_1913 = arith.constant 0 : i32
        %dma_start3A_1914 = arith.constant 0 : i32
        %dma_start3A_1915 = tpu.memref_slice %arg6[%dma_start3A_1912, %dma_start3A_1913, %dma_start3A_1914] : memref<2x640x32xf32, #tpu.memory_space<vmem>> -> memref<1x640x32xf32, #tpu.memory_space<vmem>>
        %dma_start3A_1916 = tpu.memref_squeeze %dma_start3A_1915 : memref<1x640x32xf32, #tpu.memory_space<vmem>> -> memref<640x32xf32, #tpu.memory_space<vmem>>
        %dma_start3A_1917 = arith.constant 256 : i32
        %dma_start3A_1918 = arith.constant 0 : i32
        %dma_start3A_1919 = tpu.memref_slice %dma_start3A_1916[%dma_start3A_1917, %dma_start3A_1918] : memref<640x32xf32, #tpu.memory_space<vmem>> -> memref<128x32xf32, #tpu.memory_space<vmem>>
        %dma_start3A_1920 = arith.constant 0 : i32
        %dma_start3A_1921 = tpu.memref_slice %arg5[%dma_start3A_1911, %dma_start3A_1920] : memref<2x640xi32, #tpu.memory_space<vmem>> -> memref<1x640xi32, #tpu.memory_space<vmem>>
        %dma_start3A_1922 = tpu.memref_squeeze %dma_start3A_1921 : memref<1x640xi32, #tpu.memory_space<vmem>> -> memref<640xi32, #tpu.memory_space<vmem>>
        %dma_start3A_1923 = arith.constant 256 : i32
        %dma_start3A_1924 = tpu.memref_slice %dma_start3A_1922[%dma_start3A_1923] : memref<640xi32, #tpu.memory_space<vmem>> -> memref<128xi32, #tpu.memory_space<vmem>>
        %dma_start3A_1925 = arith.constant 0 : i32
        %dma_start3A_1926 = arith.constant 0 : i32
        %dma_start3A_1927 = tpu.memref_slice %arg3[%dma_start3A_1925, %dma_start3A_1926] : memref<1000000x32xf32, #tpu.memory_space<hbm>> -> memref<1000000x32xf32, #tpu.memory_space<hbm>>
        tpu.enqueue_indirect_dma source(%dma_start3A_1927 : memref<1000000x32xf32, #tpu.memory_space<hbm>>) target(%dma_start3A_1919 : memref<128x32xf32, #tpu.memory_space<vmem>>) offsets(%dma_start3A_1924 : memref<128xi32, #tpu.memory_space<vmem>>) semaphore(%arg9 : memref<!tpu.dma_semaphore, #tpu.memory_space<semaphore_mem>>)
        %dma_start3A_1928 = arith.constant 1 : i32
        %dma_start3A_1929 = arith.constant 1 : i32
        %dma_start3A_1930 = arith.constant 0 : i32
        %dma_start3A_1931 = arith.constant 0 : i32
        %dma_start3A_1932 = tpu.memref_slice %arg6[%dma_start3A_1929, %dma_start3A_1930, %dma_start3A_1931] : memref<2x640x32xf32, #tpu.memory_space<vmem>> -> memref<1x640x32xf32, #tpu.memory_space<vmem>>
        %dma_start3A_1933 = tpu.memref_squeeze %dma_start3A_1932 : memref<1x640x32xf32, #tpu.memory_space<vmem>> -> memref<640x32xf32, #tpu.memory_space<vmem>>
        %dma_start3A_1934 = arith.constant 384 : i32
        %dma_start3A_1935 = arith.constant 0 : i32
        %dma_start3A_1936 = tpu.memref_slice %dma_start3A_1933[%dma_start3A_1934, %dma_start3A_1935] : memref<640x32xf32, #tpu.memory_space<vmem>> -> memref<128x32xf32, #tpu.memory_space<vmem>>
        %dma_start3A_1937 = arith.constant 0 : i32
        %dma_start3A_1938 = tpu.memref_slice %arg5[%dma_start3A_1928, %dma_start3A_1937] : memref<2x640xi32, #tpu.memory_space<vmem>> -> memref<1x640xi32, #tpu.memory_space<vmem>>
        %dma_start3A_1939 = tpu.memref_squeeze %dma_start3A_1938 : memref<1x640xi32, #tpu.memory_space<vmem>> -> memref<640xi32, #tpu.memory_space<vmem>>
        %dma_start3A_1940 = arith.constant 384 : i32
        %dma_start3A_1941 = tpu.memref_slice %dma_start3A_1939[%dma_start3A_1940] : memref<640xi32, #tpu.memory_space<vmem>> -> memref<128xi32, #tpu.memory_space<vmem>>
        %dma_start3A_1942 = arith.constant 0 : i32
        %dma_start3A_1943 = arith.constant 0 : i32
        %dma_start3A_1944 = tpu.memref_slice %arg3[%dma_start3A_1942, %dma_start3A_1943] : memref<1000000x32xf32, #tpu.memory_space<hbm>> -> memref<1000000x32xf32, #tpu.memory_space<hbm>>
        tpu.enqueue_indirect_dma source(%dma_start3A_1944 : memref<1000000x32xf32, #tpu.memory_space<hbm>>) target(%dma_start3A_1936 : memref<128x32xf32, #tpu.memory_space<vmem>>) offsets(%dma_start3A_1941 : memref<128xi32, #tpu.memory_space<vmem>>) semaphore(%arg9 : memref<!tpu.dma_semaphore, #tpu.memory_space<semaphore_mem>>)
        %dma_start3A_1945 = arith.constant 1 : i32
        %dma_start3A_1946 = arith.constant 1 : i32
        %dma_start3A_1947 = arith.constant 0 : i32
        %dma_start3A_1948 = arith.constant 0 : i32
        %dma_start3A_1949 = tpu.memref_slice %arg6[%dma_start3A_1946, %dma_start3A_1947, %dma_start3A_1948] : memref<2x640x32xf32, #tpu.memory_space<vmem>> -> memref<1x640x32xf32, #tpu.memory_space<vmem>>
        %dma_start3A_1950 = tpu.memref_squeeze %dma_start3A_1949 : memref<1x640x32xf32, #tpu.memory_space<vmem>> -> memref<640x32xf32, #tpu.memory_space<vmem>>
        %dma_start3A_1951 = arith.constant 512 : i32
        %dma_start3A_1952 = arith.constant 0 : i32
        %dma_start3A_1953 = tpu.memref_slice %dma_start3A_1950[%dma_start3A_1951, %dma_start3A_1952] : memref<640x32xf32, #tpu.memory_space<vmem>> -> memref<128x32xf32, #tpu.memory_space<vmem>>
        %dma_start3A_1954 = arith.constant 0 : i32
        %dma_start3A_1955 = tpu.memref_slice %arg5[%dma_start3A_1945, %dma_start3A_1954] : memref<2x640xi32, #tpu.memory_space<vmem>> -> memref<1x640xi32, #tpu.memory_space<vmem>>
        %dma_start3A_1956 = tpu.memref_squeeze %dma_start3A_1955 : memref<1x640xi32, #tpu.memory_space<vmem>> -> memref<640xi32, #tpu.memory_space<vmem>>
        %dma_start3A_1957 = arith.constant 512 : i32
        %dma_start3A_1958 = tpu.memref_slice %dma_start3A_1956[%dma_start3A_1957] : memref<640xi32, #tpu.memory_space<vmem>> -> memref<128xi32, #tpu.memory_space<vmem>>
        %dma_start3A_1959 = arith.constant 0 : i32
        %dma_start3A_1960 = arith.constant 0 : i32
        %dma_start3A_1961 = tpu.memref_slice %arg3[%dma_start3A_1959, %dma_start3A_1960] : memref<1000000x32xf32, #tpu.memory_space<hbm>> -> memref<1000000x32xf32, #tpu.memory_space<hbm>>
        tpu.enqueue_indirect_dma source(%dma_start3A_1961 : memref<1000000x32xf32, #tpu.memory_space<hbm>>) target(%dma_start3A_1953 : memref<128x32xf32, #tpu.memory_space<vmem>>) offsets(%dma_start3A_1958 : memref<128xi32, #tpu.memory_space<vmem>>) semaphore(%arg9 : memref<!tpu.dma_semaphore, #tpu.memory_space<semaphore_mem>>)
      } else {
      }
      %dma_wait3A_626 = arith.constant 0 : i32
      %dma_wait3A_627 = arith.constant 0 : i32
      %dma_wait3A_628 = arith.constant 0 : i32
      %dma_wait3A_629 = arith.constant 0 : i32
      %dma_wait3A_630 = tpu.memref_slice %arg6[%dma_wait3A_627, %dma_wait3A_628, %dma_wait3A_629] : memref<2x640x32xf32, #tpu.memory_space<vmem>> -> memref<1x640x32xf32, #tpu.memory_space<vmem>>
      %dma_wait3A_631 = tpu.memref_squeeze %dma_wait3A_630 : memref<1x640x32xf32, #tpu.memory_space<vmem>> -> memref<640x32xf32, #tpu.memory_space<vmem>>
      %dma_wait3A_632 = arith.constant 0 : i32
      %dma_wait3A_633 = arith.constant 0 : i32
      %dma_wait3A_634 = tpu.memref_slice %dma_wait3A_631[%dma_wait3A_632, %dma_wait3A_633] : memref<640x32xf32, #tpu.memory_space<vmem>> -> memref<128x32xf32, #tpu.memory_space<vmem>>
      %dma_wait3A_635 = arith.constant 0 : i32
      %dma_wait3A_636 = tpu.memref_slice %arg5[%dma_wait3A_626, %dma_wait3A_635] : memref<2x640xi32, #tpu.memory_space<vmem>> -> memref<1x640xi32, #tpu.memory_space<vmem>>
      %dma_wait3A_637 = tpu.memref_squeeze %dma_wait3A_636 : memref<1x640xi32, #tpu.memory_space<vmem>> -> memref<640xi32, #tpu.memory_space<vmem>>
      %dma_wait3A_638 = arith.constant 0 : i32
      %dma_wait3A_639 = tpu.memref_slice %dma_wait3A_637[%dma_wait3A_638] : memref<640xi32, #tpu.memory_space<vmem>> -> memref<128xi32, #tpu.memory_space<vmem>>
      %dma_wait3A_640 = arith.constant 0 : i32
      %dma_wait3A_641 = arith.constant 0 : i32
      %dma_wait3A_642 = tpu.memref_slice %arg3[%dma_wait3A_640, %dma_wait3A_641] : memref<1000000x32xf32, #tpu.memory_space<hbm>> -> memref<1000000x32xf32, #tpu.memory_space<hbm>>
      tpu.wait_indirect_dma semaphore(%arg8 : memref<!tpu.dma_semaphore, #tpu.memory_space<semaphore_mem>>) src(%dma_wait3A_642 : memref<1000000x32xf32, #tpu.memory_space<hbm>>) dst(%dma_wait3A_634 : memref<128x32xf32, #tpu.memory_space<vmem>>)
      %dma_wait3A_643 = arith.constant 0 : i32
      %dma_wait3A_644 = arith.constant 0 : i32
      %dma_wait3A_645 = arith.constant 0 : i32
      %dma_wait3A_646 = arith.constant 0 : i32
      %dma_wait3A_647 = tpu.memref_slice %arg6[%dma_wait3A_644, %dma_wait3A_645, %dma_wait3A_646] : memref<2x640x32xf32, #tpu.memory_space<vmem>> -> memref<1x640x32xf32, #tpu.memory_space<vmem>>
      %dma_wait3A_648 = tpu.memref_squeeze %dma_wait3A_647 : memref<1x640x32xf32, #tpu.memory_space<vmem>> -> memref<640x32xf32, #tpu.memory_space<vmem>>
      %dma_wait3A_649 = arith.constant 128 : i32
      %dma_wait3A_650 = arith.constant 0 : i32
      %dma_wait3A_651 = tpu.memref_slice %dma_wait3A_648[%dma_wait3A_649, %dma_wait3A_650] : memref<640x32xf32, #tpu.memory_space<vmem>> -> memref<128x32xf32, #tpu.memory_space<vmem>>
      %dma_wait3A_652 = arith.constant 0 : i32
      %dma_wait3A_653 = tpu.memref_slice %arg5[%dma_wait3A_643, %dma_wait3A_652] : memref<2x640xi32, #tpu.memory_space<vmem>> -> memref<1x640xi32, #tpu.memory_space<vmem>>
      %dma_wait3A_654 = tpu.memref_squeeze %dma_wait3A_653 : memref<1x640xi32, #tpu.memory_space<vmem>> -> memref<640xi32, #tpu.memory_space<vmem>>
      %dma_wait3A_655 = arith.constant 128 : i32
      %dma_wait3A_656 = tpu.memref_slice %dma_wait3A_654[%dma_wait3A_655] : memref<640xi32, #tpu.memory_space<vmem>> -> memref<128xi32, #tpu.memory_space<vmem>>
      %dma_wait3A_657 = arith.constant 0 : i32
      %dma_wait3A_658 = arith.constant 0 : i32
      %dma_wait3A_659 = tpu.memref_slice %arg3[%dma_wait3A_657, %dma_wait3A_658] : memref<1000000x32xf32, #tpu.memory_space<hbm>> -> memref<1000000x32xf32, #tpu.memory_space<hbm>>
      tpu.wait_indirect_dma semaphore(%arg8 : memref<!tpu.dma_semaphore, #tpu.memory_space<semaphore_mem>>) src(%dma_wait3A_659 : memref<1000000x32xf32, #tpu.memory_space<hbm>>) dst(%dma_wait3A_651 : memref<128x32xf32, #tpu.memory_space<vmem>>)
      %dma_wait3A_660 = arith.constant 0 : i32
      %dma_wait3A_661 = arith.constant 0 : i32
      %dma_wait3A_662 = arith.constant 0 : i32
      %dma_wait3A_663 = arith.constant 0 : i32
      %dma_wait3A_664 = tpu.memref_slice %arg6[%dma_wait3A_661, %dma_wait3A_662, %dma_wait3A_663] : memref<2x640x32xf32, #tpu.memory_space<vmem>> -> memref<1x640x32xf32, #tpu.memory_space<vmem>>
      %dma_wait3A_665 = tpu.memref_squeeze %dma_wait3A_664 : memref<1x640x32xf32, #tpu.memory_space<vmem>> -> memref<640x32xf32, #tpu.memory_space<vmem>>
      %dma_wait3A_666 = arith.constant 256 : i32
      %dma_wait3A_667 = arith.constant 0 : i32
      %dma_wait3A_668 = tpu.memref_slice %dma_wait3A_665[%dma_wait3A_666, %dma_wait3A_667] : memref<640x32xf32, #tpu.memory_space<vmem>> -> memref<128x32xf32, #tpu.memory_space<vmem>>
      %dma_wait3A_669 = arith.constant 0 : i32
      %dma_wait3A_670 = tpu.memref_slice %arg5[%dma_wait3A_660, %dma_wait3A_669] : memref<2x640xi32, #tpu.memory_space<vmem>> -> memref<1x640xi32, #tpu.memory_space<vmem>>
      %dma_wait3A_671 = tpu.memref_squeeze %dma_wait3A_670 : memref<1x640xi32, #tpu.memory_space<vmem>> -> memref<640xi32, #tpu.memory_space<vmem>>
      %dma_wait3A_672 = arith.constant 256 : i32
      %dma_wait3A_673 = tpu.memref_slice %dma_wait3A_671[%dma_wait3A_672] : memref<640xi32, #tpu.memory_space<vmem>> -> memref<128xi32, #tpu.memory_space<vmem>>
      %dma_wait3A_674 = arith.constant 0 : i32
      %dma_wait3A_675 = arith.constant 0 : i32
      %dma_wait3A_676 = tpu.memref_slice %arg3[%dma_wait3A_674, %dma_wait3A_675] : memref<1000000x32xf32, #tpu.memory_space<hbm>> -> memref<1000000x32xf32, #tpu.memory_space<hbm>>
      tpu.wait_indirect_dma semaphore(%arg8 : memref<!tpu.dma_semaphore, #tpu.memory_space<semaphore_mem>>) src(%dma_wait3A_676 : memref<1000000x32xf32, #tpu.memory_space<hbm>>) dst(%dma_wait3A_668 : memref<128x32xf32, #tpu.memory_space<vmem>>)
      %dma_wait3A_677 = arith.constant 0 : i32
      %dma_wait3A_678 = arith.constant 0 : i32
      %dma_wait3A_679 = arith.constant 0 : i32
      %dma_wait3A_680 = arith.constant 0 : i32
      %dma_wait3A_681 = tpu.memref_slice %arg6[%dma_wait3A_678, %dma_wait3A_679, %dma_wait3A_680] : memref<2x640x32xf32, #tpu.memory_space<vmem>> -> memref<1x640x32xf32, #tpu.memory_space<vmem>>
      %dma_wait3A_682 = tpu.memref_squeeze %dma_wait3A_681 : memref<1x640x32xf32, #tpu.memory_space<vmem>> -> memref<640x32xf32, #tpu.memory_space<vmem>>
      %dma_wait3A_683 = arith.constant 384 : i32
      %dma_wait3A_684 = arith.constant 0 : i32
      %dma_wait3A_685 = tpu.memref_slice %dma_wait3A_682[%dma_wait3A_683, %dma_wait3A_684] : memref<640x32xf32, #tpu.memory_space<vmem>> -> memref<128x32xf32, #tpu.memory_space<vmem>>
      %dma_wait3A_686 = arith.constant 0 : i32
      %dma_wait3A_687 = tpu.memref_slice %arg5[%dma_wait3A_677, %dma_wait3A_686] : memref<2x640xi32, #tpu.memory_space<vmem>> -> memref<1x640xi32, #tpu.memory_space<vmem>>
      %dma_wait3A_688 = tpu.memref_squeeze %dma_wait3A_687 : memref<1x640xi32, #tpu.memory_space<vmem>> -> memref<640xi32, #tpu.memory_space<vmem>>
      %dma_wait3A_689 = arith.constant 384 : i32
      %dma_wait3A_690 = tpu.memref_slice %dma_wait3A_688[%dma_wait3A_689] : memref<640xi32, #tpu.memory_space<vmem>> -> memref<128xi32, #tpu.memory_space<vmem>>
      %dma_wait3A_691 = arith.constant 0 : i32
      %dma_wait3A_692 = arith.constant 0 : i32
      %dma_wait3A_693 = tpu.memref_slice %arg3[%dma_wait3A_691, %dma_wait3A_692] : memref<1000000x32xf32, #tpu.memory_space<hbm>> -> memref<1000000x32xf32, #tpu.memory_space<hbm>>
      tpu.wait_indirect_dma semaphore(%arg8 : memref<!tpu.dma_semaphore, #tpu.memory_space<semaphore_mem>>) src(%dma_wait3A_693 : memref<1000000x32xf32, #tpu.memory_space<hbm>>) dst(%dma_wait3A_685 : memref<128x32xf32, #tpu.memory_space<vmem>>)
      %dma_wait3A_694 = arith.constant 0 : i32
      %dma_wait3A_695 = arith.constant 0 : i32
      %dma_wait3A_696 = arith.constant 0 : i32
      %dma_wait3A_697 = arith.constant 0 : i32
      %dma_wait3A_698 = tpu.memref_slice %arg6[%dma_wait3A_695, %dma_wait3A_696, %dma_wait3A_697] : memref<2x640x32xf32, #tpu.memory_space<vmem>> -> memref<1x640x32xf32, #tpu.memory_space<vmem>>
      %dma_wait3A_699 = tpu.memref_squeeze %dma_wait3A_698 : memref<1x640x32xf32, #tpu.memory_space<vmem>> -> memref<640x32xf32, #tpu.memory_space<vmem>>
      %dma_wait3A_700 = arith.constant 512 : i32
      %dma_wait3A_701 = arith.constant 0 : i32
      %dma_wait3A_702 = tpu.memref_slice %dma_wait3A_699[%dma_wait3A_700, %dma_wait3A_701] : memref<640x32xf32, #tpu.memory_space<vmem>> -> memref<128x32xf32, #tpu.memory_space<vmem>>
      %dma_wait3A_703 = arith.constant 0 : i32
      %dma_wait3A_704 = tpu.memref_slice %arg5[%dma_wait3A_694, %dma_wait3A_703] : memref<2x640xi32, #tpu.memory_space<vmem>> -> memref<1x640xi32, #tpu.memory_space<vmem>>
      %dma_wait3A_705 = tpu.memref_squeeze %dma_wait3A_704 : memref<1x640xi32, #tpu.memory_space<vmem>> -> memref<640xi32, #tpu.memory_space<vmem>>
      %dma_wait3A_706 = arith.constant 512 : i32
      %dma_wait3A_707 = tpu.memref_slice %dma_wait3A_705[%dma_wait3A_706] : memref<640xi32, #tpu.memory_space<vmem>> -> memref<128xi32, #tpu.memory_space<vmem>>
      %dma_wait3A_708 = arith.constant 0 : i32
      %dma_wait3A_709 = arith.constant 0 : i32
      %dma_wait3A_710 = tpu.memref_slice %arg3[%dma_wait3A_708, %dma_wait3A_709] : memref<1000000x32xf32, #tpu.memory_space<hbm>> -> memref<1000000x32xf32, #tpu.memory_space<hbm>>
      tpu.wait_indirect_dma semaphore(%arg8 : memref<!tpu.dma_semaphore, #tpu.memory_space<semaphore_mem>>) src(%dma_wait3A_710 : memref<1000000x32xf32, #tpu.memory_space<hbm>>) dst(%dma_wait3A_702 : memref<128x32xf32, #tpu.memory_space<vmem>>)
      %parallel_loop3A = arith.constant 0 : i32
      %parallel_loop3A_711 = arith.constant 640 : i32
      %parallel_loop3A_712 = arith.constant 1 : i32
      scf.for %parallel_loop3A_1871 = %parallel_loop3A to %parallel_loop3A_711 step %parallel_loop3A_712  : i32 {
        %parallel_loop3A_1872 = arith.constant 0 : i32
        %parallel_loop3A_1873 = vector.broadcast %parallel_loop3A_1872 : i32 to vector<16xi32>
        %parallel_loop3A_1874 = vector.broadcast %parallel_loop3A_1871 : i32 to vector<16xi32>
        %parallel_loop3A_1875 = arith.addi %parallel_loop3A_1873, %parallel_loop3A_1874 : vector<16xi32>
        %parallel_loop3A_1876 = arith.constant 0 : i32
        %parallel_loop3A_1877 = arith.constant 0 : i32
        %parallel_loop3A_1878 = arith.constant 0 : i32
        %parallel_loop3A_1879 = tpu.memref_slice %arg6[%parallel_loop3A_1876, %parallel_loop3A_1877, %parallel_loop3A_1878] : memref<2x640x32xf32, #tpu.memory_space<vmem>> -> memref<1x640x32xf32, #tpu.memory_space<vmem>>
        %parallel_loop3A_1880 = tpu.memref_squeeze %parallel_loop3A_1879 : memref<1x640x32xf32, #tpu.memory_space<vmem>> -> memref<640x32xf32, #tpu.memory_space<vmem>>
        %parallel_loop3A_1881 = arith.index_cast %parallel_loop3A_1871 : i32 to index
        %parallel_loop3A_1882 = arith.constant 0 : index
        %parallel_loop3A_1883 = tpu.vector_load %parallel_loop3A_1880[%parallel_loop3A_1881, %parallel_loop3A_1882] {strides = array<i32>} : memref<640x32xf32, #tpu.memory_space<vmem>>, vector<16xf32>,
        %parallel_loop3A_1884 = arith.constant 0 : i32
        %parallel_loop3A_1885 = arith.constant 0 : i32
        %parallel_loop3A_1886 = arith.constant 0 : i32
        %parallel_loop3A_1887 = tpu.memref_slice %arg7[%parallel_loop3A_1884, %parallel_loop3A_1885, %parallel_loop3A_1886] : memref<2x32x641xf32, #tpu.memory_space<vmem>> -> memref<1x32x641xf32, #tpu.memory_space<vmem>>
        %parallel_loop3A_1888 = tpu.memref_squeeze %parallel_loop3A_1887 : memref<1x32x641xf32, #tpu.memory_space<vmem>> -> memref<32x641xf32, #tpu.memory_space<vmem>>
        tpu.vector_store_idx %parallel_loop3A_1888[%iota3A, %parallel_loop3A_1875], %parallel_loop3A_1883 : memref<32x641xf32, #tpu.memory_space<vmem>>[vector<16xi32>, vector<16xi32>], vector<16xf32>,
        %parallel_loop3A_1889 = arith.constant 0 : i32
        %parallel_loop3A_1890 = arith.constant 0 : i32
        %parallel_loop3A_1891 = arith.constant 0 : i32
        %parallel_loop3A_1892 = tpu.memref_slice %arg6[%parallel_loop3A_1889, %parallel_loop3A_1890, %parallel_loop3A_1891] : memref<2x640x32xf32, #tpu.memory_space<vmem>> -> memref<1x640x32xf32, #tpu.memory_space<vmem>>
        %parallel_loop3A_1893 = tpu.memref_squeeze %parallel_loop3A_1892 : memref<1x640x32xf32, #tpu.memory_space<vmem>> -> memref<640x32xf32, #tpu.memory_space<vmem>>
        %parallel_loop3A_1894 = arith.index_cast %parallel_loop3A_1871 : i32 to index
        %parallel_loop3A_1895 = arith.constant 16 : index
        %parallel_loop3A_1896 = tpu.vector_load %parallel_loop3A_1893[%parallel_loop3A_1894, %parallel_loop3A_1895] {strides = array<i32>} : memref<640x32xf32, #tpu.memory_space<vmem>>, vector<16xf32>,
        %parallel_loop3A_1897 = arith.constant 0 : i32
        %parallel_loop3A_1898 = arith.constant 0 : i32
        %parallel_loop3A_1899 = arith.constant 0 : i32
        %parallel_loop3A_1900 = tpu.memref_slice %arg7[%parallel_loop3A_1897, %parallel_loop3A_1898, %parallel_loop3A_1899] : memref<2x32x641xf32, #tpu.memory_space<vmem>> -> memref<1x32x641xf32, #tpu.memory_space<vmem>>
        %parallel_loop3A_1901 = tpu.memref_squeeze %parallel_loop3A_1900 : memref<1x32x641xf32, #tpu.memory_space<vmem>> -> memref<32x641xf32, #tpu.memory_space<vmem>>
        tpu.vector_store_idx %parallel_loop3A_1901[%add3A_5, %parallel_loop3A_1875], %parallel_loop3A_1896 : memref<32x641xf32, #tpu.memory_space<vmem>>[vector<16xi32>, vector<16xi32>], vector<16xf32>,
      } {sc.loop_unroll_factor = 4 : i64, sc.parallel_access}
      %mul3A_713 = arith.constant 640 : i32
      %mul3A_714 = arith.muli %add3A_617, %mul3A_713 : i32
      %add3A_715 = arith.addi %mul3A_2, %mul3A_714 : i32
      %jit3A_716 = arith.constant 128 : i32
      %div3A_717 = arith.divsi %add3A_715, %jit3A_716 : i32
      %sign3A_718 = arith.constant 0 : i32
      %sign3A_719 = arith.cmpi sgt, %add3A_715, %sign3A_718 : i32
      %sign3A_720 = arith.extui %sign3A_719 : i1 to i32
      %sign3A_721 = arith.constant 0 : i32
      %sign3A_722 = arith.cmpi slt, %add3A_715, %sign3A_721 : i32
      %sign3A_723 = arith.extui %sign3A_722 : i1 to i32
      %sign3A_724 = arith.subi %sign3A_720, %sign3A_723 : i32
      %sign3A_725 = arith.constant 0 : i32
      %sign3A_726 = arith.cmpi sgt, %jit3A_716, %sign3A_725 : i32
      %sign3A_727 = arith.extui %sign3A_726 : i1 to i32
      %sign3A_728 = arith.constant 0 : i32
      %sign3A_729 = arith.cmpi slt, %jit3A_716, %sign3A_728 : i32
      %sign3A_730 = arith.extui %sign3A_729 : i1 to i32
      %sign3A_731 = arith.subi %sign3A_727, %sign3A_730 : i32
      %ne3A_732 = arith.cmpi ne, %sign3A_724, %sign3A_731 : i32
      %rem3A_733 = arith.remsi %add3A_715, %jit3A_716 : i32
      %ne3A_734 = arith.constant 0 : i32
      %ne3A_735 = arith.cmpi ne, %rem3A_733, %ne3A_734 : i32
      %and3A_736 = arith.andi %ne3A_732, %ne3A_735 : i1
      %sub3A_737 = arith.constant 1 : i32
      %sub3A_738 = arith.subi %div3A_717, %sub3A_737 : i32
      %select_n3A_739 = arith.select %and3A_736, %sub3A_738, %div3A_717 : i32
      %add3A_740 = arith.constant 0 : i32
      %add3A_741 = arith.addi %add3A_740, %select_n3A_739 : i32
      %add3A_742 = arith.constant 0 : i32
      %add3A_743 = arith.addi %add3A_741, %add3A_742 : i32
      %mul3A_744 = arith.constant 8 : i32
      %mul3A_745 = arith.muli %mul3A_744, %add3A_743 : i32
      %dma_start3A_746 = arith.constant 0 : i32
      %dma_start3A_747 = arith.constant 0 : i32
      %dma_start3A_748 = arith.constant 0 : i32
      %dma_start3A_749 = tpu.memref_slice %arg7[%dma_start3A_746, %dma_start3A_747, %dma_start3A_748] : memref<2x32x641xf32, #tpu.memory_space<vmem>> -> memref<1x32x641xf32, #tpu.memory_space<vmem>>
      %dma_start3A_750 = tpu.memref_squeeze %dma_start3A_749 : memref<1x32x641xf32, #tpu.memory_space<vmem>> -> memref<32x641xf32, #tpu.memory_space<vmem>>
      %dma_start3A_751 = arith.constant 0 : i32
      %dma_start3A_752 = arith.constant 0 : i32
      %dma_start3A_753 = tpu.memref_slice %dma_start3A_750[%dma_start3A_751, %dma_start3A_752] : memref<32x641xf32, #tpu.memory_space<vmem>> -> memref<8x128xf32, #tpu.memory_space<vmem>>
      %dma_start3A_754 = arith.constant 0 : i32
      %dma_start3A_755 = tpu.memref_slice %arg4[%mul3A_745, %dma_start3A_754] : memref<204800x128xf32, #tpu.memory_space<hbm>> -> memref<8x128xf32, #tpu.memory_space<hbm>>
      %dma_start3A_756 = arith.constant 0 : i32
      %dma_start3A_757 = tpu.memref_slice %arg4[%mul3A_745, %dma_start3A_756] : memref<204800x128xf32, #tpu.memory_space<hbm>> -> memref<8x128xf32, #tpu.memory_space<hbm>>
      %dma_start3A_758 = arith.constant 0 : i32
      %dma_start3A_759 = arith.constant 0 : i32
      %dma_start3A_760 = tpu.memref_slice %arg7[%dma_start3A_746, %dma_start3A_758, %dma_start3A_759] : memref<2x32x641xf32, #tpu.memory_space<vmem>> -> memref<1x32x641xf32, #tpu.memory_space<vmem>>
      %dma_start3A_761 = tpu.memref_squeeze %dma_start3A_760 : memref<1x32x641xf32, #tpu.memory_space<vmem>> -> memref<32x641xf32, #tpu.memory_space<vmem>>
      %dma_start3A_762 = arith.constant 0 : i32
      %dma_start3A_763 = arith.constant 0 : i32
      %dma_start3A_764 = tpu.memref_slice %dma_start3A_761[%dma_start3A_762, %dma_start3A_763] : memref<32x641xf32, #tpu.memory_space<vmem>> -> memref<8x128xf32, #tpu.memory_space<vmem>>
      tpu.enqueue_dma source(%dma_start3A_764 : memref<8x128xf32, #tpu.memory_space<vmem>>) target(%dma_start3A_757 : memref<8x128xf32, #tpu.memory_space<hbm>>) target_semaphore(%arg10 : memref<!tpu.dma_semaphore, #tpu.memory_space<semaphore_mem>>)
      %add3A_765 = arith.constant 0 : i32
      %add3A_766 = arith.addi %add3A_765, %select_n3A_739 : i32
      %add3A_767 = arith.constant 1 : i32
      %add3A_768 = arith.addi %add3A_766, %add3A_767 : i32
      %mul3A_769 = arith.constant 8 : i32
      %mul3A_770 = arith.muli %mul3A_769, %add3A_768 : i32
      %dma_start3A_771 = arith.constant 0 : i32
      %dma_start3A_772 = arith.constant 0 : i32
      %dma_start3A_773 = arith.constant 0 : i32
      %dma_start3A_774 = tpu.memref_slice %arg7[%dma_start3A_771, %dma_start3A_772, %dma_start3A_773] : memref<2x32x641xf32, #tpu.memory_space<vmem>> -> memref<1x32x641xf32, #tpu.memory_space<vmem>>
      %dma_start3A_775 = tpu.memref_squeeze %dma_start3A_774 : memref<1x32x641xf32, #tpu.memory_space<vmem>> -> memref<32x641xf32, #tpu.memory_space<vmem>>
      %dma_start3A_776 = arith.constant 0 : i32
      %dma_start3A_777 = arith.constant 128 : i32
      %dma_start3A_778 = tpu.memref_slice %dma_start3A_775[%dma_start3A_776, %dma_start3A_777] : memref<32x641xf32, #tpu.memory_space<vmem>> -> memref<8x128xf32, #tpu.memory_space<vmem>>
      %dma_start3A_779 = arith.constant 0 : i32
      %dma_start3A_780 = tpu.memref_slice %arg4[%mul3A_770, %dma_start3A_779] : memref<204800x128xf32, #tpu.memory_space<hbm>> -> memref<8x128xf32, #tpu.memory_space<hbm>>
      %dma_start3A_781 = arith.constant 0 : i32
      %dma_start3A_782 = tpu.memref_slice %arg4[%mul3A_770, %dma_start3A_781] : memref<204800x128xf32, #tpu.memory_space<hbm>> -> memref<8x128xf32, #tpu.memory_space<hbm>>
      %dma_start3A_783 = arith.constant 0 : i32
      %dma_start3A_784 = arith.constant 0 : i32
      %dma_start3A_785 = tpu.memref_slice %arg7[%dma_start3A_771, %dma_start3A_783, %dma_start3A_784] : memref<2x32x641xf32, #tpu.memory_space<vmem>> -> memref<1x32x641xf32, #tpu.memory_space<vmem>>
      %dma_start3A_786 = tpu.memref_squeeze %dma_start3A_785 : memref<1x32x641xf32, #tpu.memory_space<vmem>> -> memref<32x641xf32, #tpu.memory_space<vmem>>
      %dma_start3A_787 = arith.constant 0 : i32
      %dma_start3A_788 = arith.constant 128 : i32
      %dma_start3A_789 = tpu.memref_slice %dma_start3A_786[%dma_start3A_787, %dma_start3A_788] : memref<32x641xf32, #tpu.memory_space<vmem>> -> memref<8x128xf32, #tpu.memory_space<vmem>>
      tpu.enqueue_dma source(%dma_start3A_789 : memref<8x128xf32, #tpu.memory_space<vmem>>) target(%dma_start3A_782 : memref<8x128xf32, #tpu.memory_space<hbm>>) target_semaphore(%arg10 : memref<!tpu.dma_semaphore, #tpu.memory_space<semaphore_mem>>)
      %add3A_790 = arith.constant 0 : i32
      %add3A_791 = arith.addi %add3A_790, %select_n3A_739 : i32
      %add3A_792 = arith.constant 2 : i32
      %add3A_793 = arith.addi %add3A_791, %add3A_792 : i32
      %mul3A_794 = arith.constant 8 : i32
      %mul3A_795 = arith.muli %mul3A_794, %add3A_793 : i32
      %dma_start3A_796 = arith.constant 0 : i32
      %dma_start3A_797 = arith.constant 0 : i32
      %dma_start3A_798 = arith.constant 0 : i32
      %dma_start3A_799 = tpu.memref_slice %arg7[%dma_start3A_796, %dma_start3A_797, %dma_start3A_798] : memref<2x32x641xf32, #tpu.memory_space<vmem>> -> memref<1x32x641xf32, #tpu.memory_space<vmem>>
      %dma_start3A_800 = tpu.memref_squeeze %dma_start3A_799 : memref<1x32x641xf32, #tpu.memory_space<vmem>> -> memref<32x641xf32, #tpu.memory_space<vmem>>
      %dma_start3A_801 = arith.constant 0 : i32
      %dma_start3A_802 = arith.constant 256 : i32
      %dma_start3A_803 = tpu.memref_slice %dma_start3A_800[%dma_start3A_801, %dma_start3A_802] : memref<32x641xf32, #tpu.memory_space<vmem>> -> memref<8x128xf32, #tpu.memory_space<vmem>>
      %dma_start3A_804 = arith.constant 0 : i32
      %dma_start3A_805 = tpu.memref_slice %arg4[%mul3A_795, %dma_start3A_804] : memref<204800x128xf32, #tpu.memory_space<hbm>> -> memref<8x128xf32, #tpu.memory_space<hbm>>
      %dma_start3A_806 = arith.constant 0 : i32
      %dma_start3A_807 = tpu.memref_slice %arg4[%mul3A_795, %dma_start3A_806] : memref<204800x128xf32, #tpu.memory_space<hbm>> -> memref<8x128xf32, #tpu.memory_space<hbm>>
      %dma_start3A_808 = arith.constant 0 : i32
      %dma_start3A_809 = arith.constant 0 : i32
      %dma_start3A_810 = tpu.memref_slice %arg7[%dma_start3A_796, %dma_start3A_808, %dma_start3A_809] : memref<2x32x641xf32, #tpu.memory_space<vmem>> -> memref<1x32x641xf32, #tpu.memory_space<vmem>>
      %dma_start3A_811 = tpu.memref_squeeze %dma_start3A_810 : memref<1x32x641xf32, #tpu.memory_space<vmem>> -> memref<32x641xf32, #tpu.memory_space<vmem>>
      %dma_start3A_812 = arith.constant 0 : i32
      %dma_start3A_813 = arith.constant 256 : i32
      %dma_start3A_814 = tpu.memref_slice %dma_start3A_811[%dma_start3A_812, %dma_start3A_813] : memref<32x641xf32, #tpu.memory_space<vmem>> -> memref<8x128xf32, #tpu.memory_space<vmem>>
      tpu.enqueue_dma source(%dma_start3A_814 : memref<8x128xf32, #tpu.memory_space<vmem>>) target(%dma_start3A_807 : memref<8x128xf32, #tpu.memory_space<hbm>>) target_semaphore(%arg10 : memref<!tpu.dma_semaphore, #tpu.memory_space<semaphore_mem>>)
      %add3A_815 = arith.constant 0 : i32
      %add3A_816 = arith.addi %add3A_815, %select_n3A_739 : i32
      %add3A_817 = arith.constant 3 : i32
      %add3A_818 = arith.addi %add3A_816, %add3A_817 : i32
      %mul3A_819 = arith.constant 8 : i32
      %mul3A_820 = arith.muli %mul3A_819, %add3A_818 : i32
      %dma_start3A_821 = arith.constant 0 : i32
      %dma_start3A_822 = arith.constant 0 : i32
      %dma_start3A_823 = arith.constant 0 : i32
      %dma_start3A_824 = tpu.memref_slice %arg7[%dma_start3A_821, %dma_start3A_822, %dma_start3A_823] : memref<2x32x641xf32, #tpu.memory_space<vmem>> -> memref<1x32x641xf32, #tpu.memory_space<vmem>>
      %dma_start3A_825 = tpu.memref_squeeze %dma_start3A_824 : memref<1x32x641xf32, #tpu.memory_space<vmem>> -> memref<32x641xf32, #tpu.memory_space<vmem>>
      %dma_start3A_826 = arith.constant 0 : i32
      %dma_start3A_827 = arith.constant 384 : i32
      %dma_start3A_828 = tpu.memref_slice %dma_start3A_825[%dma_start3A_826, %dma_start3A_827] : memref<32x641xf32, #tpu.memory_space<vmem>> -> memref<8x128xf32, #tpu.memory_space<vmem>>
      %dma_start3A_829 = arith.constant 0 : i32
      %dma_start3A_830 = tpu.memref_slice %arg4[%mul3A_820, %dma_start3A_829] : memref<204800x128xf32, #tpu.memory_space<hbm>> -> memref<8x128xf32, #tpu.memory_space<hbm>>
      %dma_start3A_831 = arith.constant 0 : i32
      %dma_start3A_832 = tpu.memref_slice %arg4[%mul3A_820, %dma_start3A_831] : memref<204800x128xf32, #tpu.memory_space<hbm>> -> memref<8x128xf32, #tpu.memory_space<hbm>>
      %dma_start3A_833 = arith.constant 0 : i32
      %dma_start3A_834 = arith.constant 0 : i32
      %dma_start3A_835 = tpu.memref_slice %arg7[%dma_start3A_821, %dma_start3A_833, %dma_start3A_834] : memref<2x32x641xf32, #tpu.memory_space<vmem>> -> memref<1x32x641xf32, #tpu.memory_space<vmem>>
      %dma_start3A_836 = tpu.memref_squeeze %dma_start3A_835 : memref<1x32x641xf32, #tpu.memory_space<vmem>> -> memref<32x641xf32, #tpu.memory_space<vmem>>
      %dma_start3A_837 = arith.constant 0 : i32
      %dma_start3A_838 = arith.constant 384 : i32
      %dma_start3A_839 = tpu.memref_slice %dma_start3A_836[%dma_start3A_837, %dma_start3A_838] : memref<32x641xf32, #tpu.memory_space<vmem>> -> memref<8x128xf32, #tpu.memory_space<vmem>>
      tpu.enqueue_dma source(%dma_start3A_839 : memref<8x128xf32, #tpu.memory_space<vmem>>) target(%dma_start3A_832 : memref<8x128xf32, #tpu.memory_space<hbm>>) target_semaphore(%arg10 : memref<!tpu.dma_semaphore, #tpu.memory_space<semaphore_mem>>)
      %add3A_840 = arith.constant 0 : i32
      %add3A_841 = arith.addi %add3A_840, %select_n3A_739 : i32
      %add3A_842 = arith.constant 4 : i32
      %add3A_843 = arith.addi %add3A_841, %add3A_842 : i32
      %mul3A_844 = arith.constant 8 : i32
      %mul3A_845 = arith.muli %mul3A_844, %add3A_843 : i32
      %dma_start3A_846 = arith.constant 0 : i32
      %dma_start3A_847 = arith.constant 0 : i32
      %dma_start3A_848 = arith.constant 0 : i32
      %dma_start3A_849 = tpu.memref_slice %arg7[%dma_start3A_846, %dma_start3A_847, %dma_start3A_848] : memref<2x32x641xf32, #tpu.memory_space<vmem>> -> memref<1x32x641xf32, #tpu.memory_space<vmem>>
      %dma_start3A_850 = tpu.memref_squeeze %dma_start3A_849 : memref<1x32x641xf32, #tpu.memory_space<vmem>> -> memref<32x641xf32, #tpu.memory_space<vmem>>
      %dma_start3A_851 = arith.constant 0 : i32
      %dma_start3A_852 = arith.constant 512 : i32
      %dma_start3A_853 = tpu.memref_slice %dma_start3A_850[%dma_start3A_851, %dma_start3A_852] : memref<32x641xf32, #tpu.memory_space<vmem>> -> memref<8x128xf32, #tpu.memory_space<vmem>>
      %dma_start3A_854 = arith.constant 0 : i32
      %dma_start3A_855 = tpu.memref_slice %arg4[%mul3A_845, %dma_start3A_854] : memref<204800x128xf32, #tpu.memory_space<hbm>> -> memref<8x128xf32, #tpu.memory_space<hbm>>
      %dma_start3A_856 = arith.constant 0 : i32
      %dma_start3A_857 = tpu.memref_slice %arg4[%mul3A_845, %dma_start3A_856] : memref<204800x128xf32, #tpu.memory_space<hbm>> -> memref<8x128xf32, #tpu.memory_space<hbm>>
      %dma_start3A_858 = arith.constant 0 : i32
      %dma_start3A_859 = arith.constant 0 : i32
      %dma_start3A_860 = tpu.memref_slice %arg7[%dma_start3A_846, %dma_start3A_858, %dma_start3A_859] : memref<2x32x641xf32, #tpu.memory_space<vmem>> -> memref<1x32x641xf32, #tpu.memory_space<vmem>>
      %dma_start3A_861 = tpu.memref_squeeze %dma_start3A_860 : memref<1x32x641xf32, #tpu.memory_space<vmem>> -> memref<32x641xf32, #tpu.memory_space<vmem>>
      %dma_start3A_862 = arith.constant 0 : i32
      %dma_start3A_863 = arith.constant 512 : i32
      %dma_start3A_864 = tpu.memref_slice %dma_start3A_861[%dma_start3A_862, %dma_start3A_863] : memref<32x641xf32, #tpu.memory_space<vmem>> -> memref<8x128xf32, #tpu.memory_space<vmem>>
      tpu.enqueue_dma source(%dma_start3A_864 : memref<8x128xf32, #tpu.memory_space<vmem>>) target(%dma_start3A_857 : memref<8x128xf32, #tpu.memory_space<hbm>>) target_semaphore(%arg10 : memref<!tpu.dma_semaphore, #tpu.memory_space<semaphore_mem>>)
      %add3A_865 = arith.constant 6400 : i32
      %add3A_866 = arith.addi %add3A_865, %select_n3A_739 : i32
      %add3A_867 = arith.constant 0 : i32
      %add3A_868 = arith.addi %add3A_866, %add3A_867 : i32
      %mul3A_869 = arith.constant 8 : i32
      %mul3A_870 = arith.muli %mul3A_869, %add3A_868 : i32
      %dma_start3A_871 = arith.constant 0 : i32
      %dma_start3A_872 = arith.constant 0 : i32
      %dma_start3A_873 = arith.constant 0 : i32
      %dma_start3A_874 = tpu.memref_slice %arg7[%dma_start3A_871, %dma_start3A_872, %dma_start3A_873] : memref<2x32x641xf32, #tpu.memory_space<vmem>> -> memref<1x32x641xf32, #tpu.memory_space<vmem>>
      %dma_start3A_875 = tpu.memref_squeeze %dma_start3A_874 : memref<1x32x641xf32, #tpu.memory_space<vmem>> -> memref<32x641xf32, #tpu.memory_space<vmem>>
      %dma_start3A_876 = arith.constant 8 : i32
      %dma_start3A_877 = arith.constant 0 : i32
      %dma_start3A_878 = tpu.memref_slice %dma_start3A_875[%dma_start3A_876, %dma_start3A_877] : memref<32x641xf32, #tpu.memory_space<vmem>> -> memref<8x128xf32, #tpu.memory_space<vmem>>
      %dma_start3A_879 = arith.constant 0 : i32
      %dma_start3A_880 = tpu.memref_slice %arg4[%mul3A_870, %dma_start3A_879] : memref<204800x128xf32, #tpu.memory_space<hbm>> -> memref<8x128xf32, #tpu.memory_space<hbm>>
      %dma_start3A_881 = arith.constant 0 : i32
      %dma_start3A_882 = tpu.memref_slice %arg4[%mul3A_870, %dma_start3A_881] : memref<204800x128xf32, #tpu.memory_space<hbm>> -> memref<8x128xf32, #tpu.memory_space<hbm>>
      %dma_start3A_883 = arith.constant 0 : i32
      %dma_start3A_884 = arith.constant 0 : i32
      %dma_start3A_885 = tpu.memref_slice %arg7[%dma_start3A_871, %dma_start3A_883, %dma_start3A_884] : memref<2x32x641xf32, #tpu.memory_space<vmem>> -> memref<1x32x641xf32, #tpu.memory_space<vmem>>
      %dma_start3A_886 = tpu.memref_squeeze %dma_start3A_885 : memref<1x32x641xf32, #tpu.memory_space<vmem>> -> memref<32x641xf32, #tpu.memory_space<vmem>>
      %dma_start3A_887 = arith.constant 8 : i32
      %dma_start3A_888 = arith.constant 0 : i32
      %dma_start3A_889 = tpu.memref_slice %dma_start3A_886[%dma_start3A_887, %dma_start3A_888] : memref<32x641xf32, #tpu.memory_space<vmem>> -> memref<8x128xf32, #tpu.memory_space<vmem>>
      tpu.enqueue_dma source(%dma_start3A_889 : memref<8x128xf32, #tpu.memory_space<vmem>>) target(%dma_start3A_882 : memref<8x128xf32, #tpu.memory_space<hbm>>) target_semaphore(%arg10 : memref<!tpu.dma_semaphore, #tpu.memory_space<semaphore_mem>>)
      %add3A_890 = arith.constant 6400 : i32
      %add3A_891 = arith.addi %add3A_890, %select_n3A_739 : i32
      %add3A_892 = arith.constant 1 : i32
      %add3A_893 = arith.addi %add3A_891, %add3A_892 : i32
      %mul3A_894 = arith.constant 8 : i32
      %mul3A_895 = arith.muli %mul3A_894, %add3A_893 : i32
      %dma_start3A_896 = arith.constant 0 : i32
      %dma_start3A_897 = arith.constant 0 : i32
      %dma_start3A_898 = arith.constant 0 : i32
      %dma_start3A_899 = tpu.memref_slice %arg7[%dma_start3A_896, %dma_start3A_897, %dma_start3A_898] : memref<2x32x641xf32, #tpu.memory_space<vmem>> -> memref<1x32x641xf32, #tpu.memory_space<vmem>>
      %dma_start3A_900 = tpu.memref_squeeze %dma_start3A_899 : memref<1x32x641xf32, #tpu.memory_space<vmem>> -> memref<32x641xf32, #tpu.memory_space<vmem>>
      %dma_start3A_901 = arith.constant 8 : i32
      %dma_start3A_902 = arith.constant 128 : i32
      %dma_start3A_903 = tpu.memref_slice %dma_start3A_900[%dma_start3A_901, %dma_start3A_902] : memref<32x641xf32, #tpu.memory_space<vmem>> -> memref<8x128xf32, #tpu.memory_space<vmem>>
      %dma_start3A_904 = arith.constant 0 : i32
      %dma_start3A_905 = tpu.memref_slice %arg4[%mul3A_895, %dma_start3A_904] : memref<204800x128xf32, #tpu.memory_space<hbm>> -> memref<8x128xf32, #tpu.memory_space<hbm>>
      %dma_start3A_906 = arith.constant 0 : i32
      %dma_start3A_907 = tpu.memref_slice %arg4[%mul3A_895, %dma_start3A_906] : memref<204800x128xf32, #tpu.memory_space<hbm>> -> memref<8x128xf32, #tpu.memory_space<hbm>>
      %dma_start3A_908 = arith.constant 0 : i32
      %dma_start3A_909 = arith.constant 0 : i32
      %dma_start3A_910 = tpu.memref_slice %arg7[%dma_start3A_896, %dma_start3A_908, %dma_start3A_909] : memref<2x32x641xf32, #tpu.memory_space<vmem>> -> memref<1x32x641xf32, #tpu.memory_space<vmem>>
      %dma_start3A_911 = tpu.memref_squeeze %dma_start3A_910 : memref<1x32x641xf32, #tpu.memory_space<vmem>> -> memref<32x641xf32, #tpu.memory_space<vmem>>
      %dma_start3A_912 = arith.constant 8 : i32
      %dma_start3A_913 = arith.constant 128 : i32
      %dma_start3A_914 = tpu.memref_slice %dma_start3A_911[%dma_start3A_912, %dma_start3A_913] : memref<32x641xf32, #tpu.memory_space<vmem>> -> memref<8x128xf32, #tpu.memory_space<vmem>>
      tpu.enqueue_dma source(%dma_start3A_914 : memref<8x128xf32, #tpu.memory_space<vmem>>) target(%dma_start3A_907 : memref<8x128xf32, #tpu.memory_space<hbm>>) target_semaphore(%arg10 : memref<!tpu.dma_semaphore, #tpu.memory_space<semaphore_mem>>)
      %add3A_915 = arith.constant 6400 : i32
      %add3A_916 = arith.addi %add3A_915, %select_n3A_739 : i32
      %add3A_917 = arith.constant 2 : i32
      %add3A_918 = arith.addi %add3A_916, %add3A_917 : i32
      %mul3A_919 = arith.constant 8 : i32
      %mul3A_920 = arith.muli %mul3A_919, %add3A_918 : i32
      %dma_start3A_921 = arith.constant 0 : i32
      %dma_start3A_922 = arith.constant 0 : i32
      %dma_start3A_923 = arith.constant 0 : i32
      %dma_start3A_924 = tpu.memref_slice %arg7[%dma_start3A_921, %dma_start3A_922, %dma_start3A_923] : memref<2x32x641xf32, #tpu.memory_space<vmem>> -> memref<1x32x641xf32, #tpu.memory_space<vmem>>
      %dma_start3A_925 = tpu.memref_squeeze %dma_start3A_924 : memref<1x32x641xf32, #tpu.memory_space<vmem>> -> memref<32x641xf32, #tpu.memory_space<vmem>>
      %dma_start3A_926 = arith.constant 8 : i32
      %dma_start3A_927 = arith.constant 256 : i32
      %dma_start3A_928 = tpu.memref_slice %dma_start3A_925[%dma_start3A_926, %dma_start3A_927] : memref<32x641xf32, #tpu.memory_space<vmem>> -> memref<8x128xf32, #tpu.memory_space<vmem>>
      %dma_start3A_929 = arith.constant 0 : i32
      %dma_start3A_930 = tpu.memref_slice %arg4[%mul3A_920, %dma_start3A_929] : memref<204800x128xf32, #tpu.memory_space<hbm>> -> memref<8x128xf32, #tpu.memory_space<hbm>>
      %dma_start3A_931 = arith.constant 0 : i32
      %dma_start3A_932 = tpu.memref_slice %arg4[%mul3A_920, %dma_start3A_931] : memref<204800x128xf32, #tpu.memory_space<hbm>> -> memref<8x128xf32, #tpu.memory_space<hbm>>
      %dma_start3A_933 = arith.constant 0 : i32
      %dma_start3A_934 = arith.constant 0 : i32
      %dma_start3A_935 = tpu.memref_slice %arg7[%dma_start3A_921, %dma_start3A_933, %dma_start3A_934] : memref<2x32x641xf32, #tpu.memory_space<vmem>> -> memref<1x32x641xf32, #tpu.memory_space<vmem>>
      %dma_start3A_936 = tpu.memref_squeeze %dma_start3A_935 : memref<1x32x641xf32, #tpu.memory_space<vmem>> -> memref<32x641xf32, #tpu.memory_space<vmem>>
      %dma_start3A_937 = arith.constant 8 : i32
      %dma_start3A_938 = arith.constant 256 : i32
      %dma_start3A_939 = tpu.memref_slice %dma_start3A_936[%dma_start3A_937, %dma_start3A_938] : memref<32x641xf32, #tpu.memory_space<vmem>> -> memref<8x128xf32, #tpu.memory_space<vmem>>
      tpu.enqueue_dma source(%dma_start3A_939 : memref<8x128xf32, #tpu.memory_space<vmem>>) target(%dma_start3A_932 : memref<8x128xf32, #tpu.memory_space<hbm>>) target_semaphore(%arg10 : memref<!tpu.dma_semaphore, #tpu.memory_space<semaphore_mem>>)
      %add3A_940 = arith.constant 6400 : i32
      %add3A_941 = arith.addi %add3A_940, %select_n3A_739 : i32
      %add3A_942 = arith.constant 3 : i32
      %add3A_943 = arith.addi %add3A_941, %add3A_942 : i32
      %mul3A_944 = arith.constant 8 : i32
      %mul3A_945 = arith.muli %mul3A_944, %add3A_943 : i32
      %dma_start3A_946 = arith.constant 0 : i32
      %dma_start3A_947 = arith.constant 0 : i32
      %dma_start3A_948 = arith.constant 0 : i32
      %dma_start3A_949 = tpu.memref_slice %arg7[%dma_start3A_946, %dma_start3A_947, %dma_start3A_948] : memref<2x32x641xf32, #tpu.memory_space<vmem>> -> memref<1x32x641xf32, #tpu.memory_space<vmem>>
      %dma_start3A_950 = tpu.memref_squeeze %dma_start3A_949 : memref<1x32x641xf32, #tpu.memory_space<vmem>> -> memref<32x641xf32, #tpu.memory_space<vmem>>
      %dma_start3A_951 = arith.constant 8 : i32
      %dma_start3A_952 = arith.constant 384 : i32
      %dma_start3A_953 = tpu.memref_slice %dma_start3A_950[%dma_start3A_951, %dma_start3A_952] : memref<32x641xf32, #tpu.memory_space<vmem>> -> memref<8x128xf32, #tpu.memory_space<vmem>>
      %dma_start3A_954 = arith.constant 0 : i32
      %dma_start3A_955 = tpu.memref_slice %arg4[%mul3A_945, %dma_start3A_954] : memref<204800x128xf32, #tpu.memory_space<hbm>> -> memref<8x128xf32, #tpu.memory_space<hbm>>
      %dma_start3A_956 = arith.constant 0 : i32
      %dma_start3A_957 = tpu.memref_slice %arg4[%mul3A_945, %dma_start3A_956] : memref<204800x128xf32, #tpu.memory_space<hbm>> -> memref<8x128xf32, #tpu.memory_space<hbm>>
      %dma_start3A_958 = arith.constant 0 : i32
      %dma_start3A_959 = arith.constant 0 : i32
      %dma_start3A_960 = tpu.memref_slice %arg7[%dma_start3A_946, %dma_start3A_958, %dma_start3A_959] : memref<2x32x641xf32, #tpu.memory_space<vmem>> -> memref<1x32x641xf32, #tpu.memory_space<vmem>>
      %dma_start3A_961 = tpu.memref_squeeze %dma_start3A_960 : memref<1x32x641xf32, #tpu.memory_space<vmem>> -> memref<32x641xf32, #tpu.memory_space<vmem>>
      %dma_start3A_962 = arith.constant 8 : i32
      %dma_start3A_963 = arith.constant 384 : i32
      %dma_start3A_964 = tpu.memref_slice %dma_start3A_961[%dma_start3A_962, %dma_start3A_963] : memref<32x641xf32, #tpu.memory_space<vmem>> -> memref<8x128xf32, #tpu.memory_space<vmem>>
      tpu.enqueue_dma source(%dma_start3A_964 : memref<8x128xf32, #tpu.memory_space<vmem>>) target(%dma_start3A_957 : memref<8x128xf32, #tpu.memory_space<hbm>>) target_semaphore(%arg10 : memref<!tpu.dma_semaphore, #tpu.memory_space<semaphore_mem>>)
      %add3A_965 = arith.constant 6400 : i32
      %add3A_966 = arith.addi %add3A_965, %select_n3A_739 : i32
      %add3A_967 = arith.constant 4 : i32
      %add3A_968 = arith.addi %add3A_966, %add3A_967 : i32
      %mul3A_969 = arith.constant 8 : i32
      %mul3A_970 = arith.muli %mul3A_969, %add3A_968 : i32
      %dma_start3A_971 = arith.constant 0 : i32
      %dma_start3A_972 = arith.constant 0 : i32
      %dma_start3A_973 = arith.constant 0 : i32
      %dma_start3A_974 = tpu.memref_slice %arg7[%dma_start3A_971, %dma_start3A_972, %dma_start3A_973] : memref<2x32x641xf32, #tpu.memory_space<vmem>> -> memref<1x32x641xf32, #tpu.memory_space<vmem>>
      %dma_start3A_975 = tpu.memref_squeeze %dma_start3A_974 : memref<1x32x641xf32, #tpu.memory_space<vmem>> -> memref<32x641xf32, #tpu.memory_space<vmem>>
      %dma_start3A_976 = arith.constant 8 : i32
      %dma_start3A_977 = arith.constant 512 : i32
      %dma_start3A_978 = tpu.memref_slice %dma_start3A_975[%dma_start3A_976, %dma_start3A_977] : memref<32x641xf32, #tpu.memory_space<vmem>> -> memref<8x128xf32, #tpu.memory_space<vmem>>
      %dma_start3A_979 = arith.constant 0 : i32
      %dma_start3A_980 = tpu.memref_slice %arg4[%mul3A_970, %dma_start3A_979] : memref<204800x128xf32, #tpu.memory_space<hbm>> -> memref<8x128xf32, #tpu.memory_space<hbm>>
      %dma_start3A_981 = arith.constant 0 : i32
      %dma_start3A_982 = tpu.memref_slice %arg4[%mul3A_970, %dma_start3A_981] : memref<204800x128xf32, #tpu.memory_space<hbm>> -> memref<8x128xf32, #tpu.memory_space<hbm>>
      %dma_start3A_983 = arith.constant 0 : i32
      %dma_start3A_984 = arith.constant 0 : i32
      %dma_start3A_985 = tpu.memref_slice %arg7[%dma_start3A_971, %dma_start3A_983, %dma_start3A_984] : memref<2x32x641xf32, #tpu.memory_space<vmem>> -> memref<1x32x641xf32, #tpu.memory_space<vmem>>
      %dma_start3A_986 = tpu.memref_squeeze %dma_start3A_985 : memref<1x32x641xf32, #tpu.memory_space<vmem>> -> memref<32x641xf32, #tpu.memory_space<vmem>>
      %dma_start3A_987 = arith.constant 8 : i32
      %dma_start3A_988 = arith.constant 512 : i32
      %dma_start3A_989 = tpu.memref_slice %dma_start3A_986[%dma_start3A_987, %dma_start3A_988] : memref<32x641xf32, #tpu.memory_space<vmem>> -> memref<8x128xf32, #tpu.memory_space<vmem>>
      tpu.enqueue_dma source(%dma_start3A_989 : memref<8x128xf32, #tpu.memory_space<vmem>>) target(%dma_start3A_982 : memref<8x128xf32, #tpu.memory_space<hbm>>) target_semaphore(%arg10 : memref<!tpu.dma_semaphore, #tpu.memory_space<semaphore_mem>>)
      %add3A_990 = arith.constant 12800 : i32
      %add3A_991 = arith.addi %add3A_990, %select_n3A_739 : i32
      %add3A_992 = arith.constant 0 : i32
      %add3A_993 = arith.addi %add3A_991, %add3A_992 : i32
      %mul3A_994 = arith.constant 8 : i32
      %mul3A_995 = arith.muli %mul3A_994, %add3A_993 : i32
      %dma_start3A_996 = arith.constant 0 : i32
      %dma_start3A_997 = arith.constant 0 : i32
      %dma_start3A_998 = arith.constant 0 : i32
      %dma_start3A_999 = tpu.memref_slice %arg7[%dma_start3A_996, %dma_start3A_997, %dma_start3A_998] : memref<2x32x641xf32, #tpu.memory_space<vmem>> -> memref<1x32x641xf32, #tpu.memory_space<vmem>>
      %dma_start3A_1000 = tpu.memref_squeeze %dma_start3A_999 : memref<1x32x641xf32, #tpu.memory_space<vmem>> -> memref<32x641xf32, #tpu.memory_space<vmem>>
      %dma_start3A_1001 = arith.constant 16 : i32
      %dma_start3A_1002 = arith.constant 0 : i32
      %dma_start3A_1003 = tpu.memref_slice %dma_start3A_1000[%dma_start3A_1001, %dma_start3A_1002] : memref<32x641xf32, #tpu.memory_space<vmem>> -> memref<8x128xf32, #tpu.memory_space<vmem>>
      %dma_start3A_1004 = arith.constant 0 : i32
      %dma_start3A_1005 = tpu.memref_slice %arg4[%mul3A_995, %dma_start3A_1004] : memref<204800x128xf32, #tpu.memory_space<hbm>> -> memref<8x128xf32, #tpu.memory_space<hbm>>
      %dma_start3A_1006 = arith.constant 0 : i32
      %dma_start3A_1007 = tpu.memref_slice %arg4[%mul3A_995, %dma_start3A_1006] : memref<204800x128xf32, #tpu.memory_space<hbm>> -> memref<8x128xf32, #tpu.memory_space<hbm>>
      %dma_start3A_1008 = arith.constant 0 : i32
      %dma_start3A_1009 = arith.constant 0 : i32
      %dma_start3A_1010 = tpu.memref_slice %arg7[%dma_start3A_996, %dma_start3A_1008, %dma_start3A_1009] : memref<2x32x641xf32, #tpu.memory_space<vmem>> -> memref<1x32x641xf32, #tpu.memory_space<vmem>>
      %dma_start3A_1011 = tpu.memref_squeeze %dma_start3A_1010 : memref<1x32x641xf32, #tpu.memory_space<vmem>> -> memref<32x641xf32, #tpu.memory_space<vmem>>
      %dma_start3A_1012 = arith.constant 16 : i32
      %dma_start3A_1013 = arith.constant 0 : i32
      %dma_start3A_1014 = tpu.memref_slice %dma_start3A_1011[%dma_start3A_1012, %dma_start3A_1013] : memref<32x641xf32, #tpu.memory_space<vmem>> -> memref<8x128xf32, #tpu.memory_space<vmem>>
      tpu.enqueue_dma source(%dma_start3A_1014 : memref<8x128xf32, #tpu.memory_space<vmem>>) target(%dma_start3A_1007 : memref<8x128xf32, #tpu.memory_space<hbm>>) target_semaphore(%arg10 : memref<!tpu.dma_semaphore, #tpu.memory_space<semaphore_mem>>)
      %add3A_1015 = arith.constant 12800 : i32
      %add3A_1016 = arith.addi %add3A_1015, %select_n3A_739 : i32
      %add3A_1017 = arith.constant 1 : i32
      %add3A_1018 = arith.addi %add3A_1016, %add3A_1017 : i32
      %mul3A_1019 = arith.constant 8 : i32
      %mul3A_1020 = arith.muli %mul3A_1019, %add3A_1018 : i32
      %dma_start3A_1021 = arith.constant 0 : i32
      %dma_start3A_1022 = arith.constant 0 : i32
      %dma_start3A_1023 = arith.constant 0 : i32
      %dma_start3A_1024 = tpu.memref_slice %arg7[%dma_start3A_1021, %dma_start3A_1022, %dma_start3A_1023] : memref<2x32x641xf32, #tpu.memory_space<vmem>> -> memref<1x32x641xf32, #tpu.memory_space<vmem>>
      %dma_start3A_1025 = tpu.memref_squeeze %dma_start3A_1024 : memref<1x32x641xf32, #tpu.memory_space<vmem>> -> memref<32x641xf32, #tpu.memory_space<vmem>>
      %dma_start3A_1026 = arith.constant 16 : i32
      %dma_start3A_1027 = arith.constant 128 : i32
      %dma_start3A_1028 = tpu.memref_slice %dma_start3A_1025[%dma_start3A_1026, %dma_start3A_1027] : memref<32x641xf32, #tpu.memory_space<vmem>> -> memref<8x128xf32, #tpu.memory_space<vmem>>
      %dma_start3A_1029 = arith.constant 0 : i32
      %dma_start3A_1030 = tpu.memref_slice %arg4[%mul3A_1020, %dma_start3A_1029] : memref<204800x128xf32, #tpu.memory_space<hbm>> -> memref<8x128xf32, #tpu.memory_space<hbm>>
      %dma_start3A_1031 = arith.constant 0 : i32
      %dma_start3A_1032 = tpu.memref_slice %arg4[%mul3A_1020, %dma_start3A_1031] : memref<204800x128xf32, #tpu.memory_space<hbm>> -> memref<8x128xf32, #tpu.memory_space<hbm>>
      %dma_start3A_1033 = arith.constant 0 : i32
      %dma_start3A_1034 = arith.constant 0 : i32
      %dma_start3A_1035 = tpu.memref_slice %arg7[%dma_start3A_1021, %dma_start3A_1033, %dma_start3A_1034] : memref<2x32x641xf32, #tpu.memory_space<vmem>> -> memref<1x32x641xf32, #tpu.memory_space<vmem>>
      %dma_start3A_1036 = tpu.memref_squeeze %dma_start3A_1035 : memref<1x32x641xf32, #tpu.memory_space<vmem>> -> memref<32x641xf32, #tpu.memory_space<vmem>>
      %dma_start3A_1037 = arith.constant 16 : i32
      %dma_start3A_1038 = arith.constant 128 : i32
      %dma_start3A_1039 = tpu.memref_slice %dma_start3A_1036[%dma_start3A_1037, %dma_start3A_1038] : memref<32x641xf32, #tpu.memory_space<vmem>> -> memref<8x128xf32, #tpu.memory_space<vmem>>
      tpu.enqueue_dma source(%dma_start3A_1039 : memref<8x128xf32, #tpu.memory_space<vmem>>) target(%dma_start3A_1032 : memref<8x128xf32, #tpu.memory_space<hbm>>) target_semaphore(%arg10 : memref<!tpu.dma_semaphore, #tpu.memory_space<semaphore_mem>>)
      %add3A_1040 = arith.constant 12800 : i32
      %add3A_1041 = arith.addi %add3A_1040, %select_n3A_739 : i32
      %add3A_1042 = arith.constant 2 : i32
      %add3A_1043 = arith.addi %add3A_1041, %add3A_1042 : i32
      %mul3A_1044 = arith.constant 8 : i32
      %mul3A_1045 = arith.muli %mul3A_1044, %add3A_1043 : i32
      %dma_start3A_1046 = arith.constant 0 : i32
      %dma_start3A_1047 = arith.constant 0 : i32
      %dma_start3A_1048 = arith.constant 0 : i32
      %dma_start3A_1049 = tpu.memref_slice %arg7[%dma_start3A_1046, %dma_start3A_1047, %dma_start3A_1048] : memref<2x32x641xf32, #tpu.memory_space<vmem>> -> memref<1x32x641xf32, #tpu.memory_space<vmem>>
      %dma_start3A_1050 = tpu.memref_squeeze %dma_start3A_1049 : memref<1x32x641xf32, #tpu.memory_space<vmem>> -> memref<32x641xf32, #tpu.memory_space<vmem>>
      %dma_start3A_1051 = arith.constant 16 : i32
      %dma_start3A_1052 = arith.constant 256 : i32
      %dma_start3A_1053 = tpu.memref_slice %dma_start3A_1050[%dma_start3A_1051, %dma_start3A_1052] : memref<32x641xf32, #tpu.memory_space<vmem>> -> memref<8x128xf32, #tpu.memory_space<vmem>>
      %dma_start3A_1054 = arith.constant 0 : i32
      %dma_start3A_1055 = tpu.memref_slice %arg4[%mul3A_1045, %dma_start3A_1054] : memref<204800x128xf32, #tpu.memory_space<hbm>> -> memref<8x128xf32, #tpu.memory_space<hbm>>
      %dma_start3A_1056 = arith.constant 0 : i32
      %dma_start3A_1057 = tpu.memref_slice %arg4[%mul3A_1045, %dma_start3A_1056] : memref<204800x128xf32, #tpu.memory_space<hbm>> -> memref<8x128xf32, #tpu.memory_space<hbm>>
      %dma_start3A_1058 = arith.constant 0 : i32
      %dma_start3A_1059 = arith.constant 0 : i32
      %dma_start3A_1060 = tpu.memref_slice %arg7[%dma_start3A_1046, %dma_start3A_1058, %dma_start3A_1059] : memref<2x32x641xf32, #tpu.memory_space<vmem>> -> memref<1x32x641xf32, #tpu.memory_space<vmem>>
      %dma_start3A_1061 = tpu.memref_squeeze %dma_start3A_1060 : memref<1x32x641xf32, #tpu.memory_space<vmem>> -> memref<32x641xf32, #tpu.memory_space<vmem>>
      %dma_start3A_1062 = arith.constant 16 : i32
      %dma_start3A_1063 = arith.constant 256 : i32
      %dma_start3A_1064 = tpu.memref_slice %dma_start3A_1061[%dma_start3A_1062, %dma_start3A_1063] : memref<32x641xf32, #tpu.memory_space<vmem>> -> memref<8x128xf32, #tpu.memory_space<vmem>>
      tpu.enqueue_dma source(%dma_start3A_1064 : memref<8x128xf32, #tpu.memory_space<vmem>>) target(%dma_start3A_1057 : memref<8x128xf32, #tpu.memory_space<hbm>>) target_semaphore(%arg10 : memref<!tpu.dma_semaphore, #tpu.memory_space<semaphore_mem>>)
      %add3A_1065 = arith.constant 12800 : i32
      %add3A_1066 = arith.addi %add3A_1065, %select_n3A_739 : i32
      %add3A_1067 = arith.constant 3 : i32
      %add3A_1068 = arith.addi %add3A_1066, %add3A_1067 : i32
      %mul3A_1069 = arith.constant 8 : i32
      %mul3A_1070 = arith.muli %mul3A_1069, %add3A_1068 : i32
      %dma_start3A_1071 = arith.constant 0 : i32
      %dma_start3A_1072 = arith.constant 0 : i32
      %dma_start3A_1073 = arith.constant 0 : i32
      %dma_start3A_1074 = tpu.memref_slice %arg7[%dma_start3A_1071, %dma_start3A_1072, %dma_start3A_1073] : memref<2x32x641xf32, #tpu.memory_space<vmem>> -> memref<1x32x641xf32, #tpu.memory_space<vmem>>
      %dma_start3A_1075 = tpu.memref_squeeze %dma_start3A_1074 : memref<1x32x641xf32, #tpu.memory_space<vmem>> -> memref<32x641xf32, #tpu.memory_space<vmem>>
      %dma_start3A_1076 = arith.constant 16 : i32
      %dma_start3A_1077 = arith.constant 384 : i32
      %dma_start3A_1078 = tpu.memref_slice %dma_start3A_1075[%dma_start3A_1076, %dma_start3A_1077] : memref<32x641xf32, #tpu.memory_space<vmem>> -> memref<8x128xf32, #tpu.memory_space<vmem>>
      %dma_start3A_1079 = arith.constant 0 : i32
      %dma_start3A_1080 = tpu.memref_slice %arg4[%mul3A_1070, %dma_start3A_1079] : memref<204800x128xf32, #tpu.memory_space<hbm>> -> memref<8x128xf32, #tpu.memory_space<hbm>>
      %dma_start3A_1081 = arith.constant 0 : i32
      %dma_start3A_1082 = tpu.memref_slice %arg4[%mul3A_1070, %dma_start3A_1081] : memref<204800x128xf32, #tpu.memory_space<hbm>> -> memref<8x128xf32, #tpu.memory_space<hbm>>
      %dma_start3A_1083 = arith.constant 0 : i32
      %dma_start3A_1084 = arith.constant 0 : i32
      %dma_start3A_1085 = tpu.memref_slice %arg7[%dma_start3A_1071, %dma_start3A_1083, %dma_start3A_1084] : memref<2x32x641xf32, #tpu.memory_space<vmem>> -> memref<1x32x641xf32, #tpu.memory_space<vmem>>
      %dma_start3A_1086 = tpu.memref_squeeze %dma_start3A_1085 : memref<1x32x641xf32, #tpu.memory_space<vmem>> -> memref<32x641xf32, #tpu.memory_space<vmem>>
      %dma_start3A_1087 = arith.constant 16 : i32
      %dma_start3A_1088 = arith.constant 384 : i32
      %dma_start3A_1089 = tpu.memref_slice %dma_start3A_1086[%dma_start3A_1087, %dma_start3A_1088] : memref<32x641xf32, #tpu.memory_space<vmem>> -> memref<8x128xf32, #tpu.memory_space<vmem>>
      tpu.enqueue_dma source(%dma_start3A_1089 : memref<8x128xf32, #tpu.memory_space<vmem>>) target(%dma_start3A_1082 : memref<8x128xf32, #tpu.memory_space<hbm>>) target_semaphore(%arg10 : memref<!tpu.dma_semaphore, #tpu.memory_space<semaphore_mem>>)
      %add3A_1090 = arith.constant 12800 : i32
      %add3A_1091 = arith.addi %add3A_1090, %select_n3A_739 : i32
      %add3A_1092 = arith.constant 4 : i32
      %add3A_1093 = arith.addi %add3A_1091, %add3A_1092 : i32
      %mul3A_1094 = arith.constant 8 : i32
      %mul3A_1095 = arith.muli %mul3A_1094, %add3A_1093 : i32
      %dma_start3A_1096 = arith.constant 0 : i32
      %dma_start3A_1097 = arith.constant 0 : i32
      %dma_start3A_1098 = arith.constant 0 : i32
      %dma_start3A_1099 = tpu.memref_slice %arg7[%dma_start3A_1096, %dma_start3A_1097, %dma_start3A_1098] : memref<2x32x641xf32, #tpu.memory_space<vmem>> -> memref<1x32x641xf32, #tpu.memory_space<vmem>>
      %dma_start3A_1100 = tpu.memref_squeeze %dma_start3A_1099 : memref<1x32x641xf32, #tpu.memory_space<vmem>> -> memref<32x641xf32, #tpu.memory_space<vmem>>
      %dma_start3A_1101 = arith.constant 16 : i32
      %dma_start3A_1102 = arith.constant 512 : i32
      %dma_start3A_1103 = tpu.memref_slice %dma_start3A_1100[%dma_start3A_1101, %dma_start3A_1102] : memref<32x641xf32, #tpu.memory_space<vmem>> -> memref<8x128xf32, #tpu.memory_space<vmem>>
      %dma_start3A_1104 = arith.constant 0 : i32
      %dma_start3A_1105 = tpu.memref_slice %arg4[%mul3A_1095, %dma_start3A_1104] : memref<204800x128xf32, #tpu.memory_space<hbm>> -> memref<8x128xf32, #tpu.memory_space<hbm>>
      %dma_start3A_1106 = arith.constant 0 : i32
      %dma_start3A_1107 = tpu.memref_slice %arg4[%mul3A_1095, %dma_start3A_1106] : memref<204800x128xf32, #tpu.memory_space<hbm>> -> memref<8x128xf32, #tpu.memory_space<hbm>>
      %dma_start3A_1108 = arith.constant 0 : i32
      %dma_start3A_1109 = arith.constant 0 : i32
      %dma_start3A_1110 = tpu.memref_slice %arg7[%dma_start3A_1096, %dma_start3A_1108, %dma_start3A_1109] : memref<2x32x641xf32, #tpu.memory_space<vmem>> -> memref<1x32x641xf32, #tpu.memory_space<vmem>>
      %dma_start3A_1111 = tpu.memref_squeeze %dma_start3A_1110 : memref<1x32x641xf32, #tpu.memory_space<vmem>> -> memref<32x641xf32, #tpu.memory_space<vmem>>
      %dma_start3A_1112 = arith.constant 16 : i32
      %dma_start3A_1113 = arith.constant 512 : i32
      %dma_start3A_1114 = tpu.memref_slice %dma_start3A_1111[%dma_start3A_1112, %dma_start3A_1113] : memref<32x641xf32, #tpu.memory_space<vmem>> -> memref<8x128xf32, #tpu.memory_space<vmem>>
      tpu.enqueue_dma source(%dma_start3A_1114 : memref<8x128xf32, #tpu.memory_space<vmem>>) target(%dma_start3A_1107 : memref<8x128xf32, #tpu.memory_space<hbm>>) target_semaphore(%arg10 : memref<!tpu.dma_semaphore, #tpu.memory_space<semaphore_mem>>)
      %add3A_1115 = arith.constant 19200 : i32
      %add3A_1116 = arith.addi %add3A_1115, %select_n3A_739 : i32
      %add3A_1117 = arith.constant 0 : i32
      %add3A_1118 = arith.addi %add3A_1116, %add3A_1117 : i32
      %mul3A_1119 = arith.constant 8 : i32
      %mul3A_1120 = arith.muli %mul3A_1119, %add3A_1118 : i32
      %dma_start3A_1121 = arith.constant 0 : i32
      %dma_start3A_1122 = arith.constant 0 : i32
      %dma_start3A_1123 = arith.constant 0 : i32
      %dma_start3A_1124 = tpu.memref_slice %arg7[%dma_start3A_1121, %dma_start3A_1122, %dma_start3A_1123] : memref<2x32x641xf32, #tpu.memory_space<vmem>> -> memref<1x32x641xf32, #tpu.memory_space<vmem>>
      %dma_start3A_1125 = tpu.memref_squeeze %dma_start3A_1124 : memref<1x32x641xf32, #tpu.memory_space<vmem>> -> memref<32x641xf32, #tpu.memory_space<vmem>>
      %dma_start3A_1126 = arith.constant 24 : i32
      %dma_start3A_1127 = arith.constant 0 : i32
      %dma_start3A_1128 = tpu.memref_slice %dma_start3A_1125[%dma_start3A_1126, %dma_start3A_1127] : memref<32x641xf32, #tpu.memory_space<vmem>> -> memref<8x128xf32, #tpu.memory_space<vmem>>
      %dma_start3A_1129 = arith.constant 0 : i32
      %dma_start3A_1130 = tpu.memref_slice %arg4[%mul3A_1120, %dma_start3A_1129] : memref<204800x128xf32, #tpu.memory_space<hbm>> -> memref<8x128xf32, #tpu.memory_space<hbm>>
      %dma_start3A_1131 = arith.constant 0 : i32
      %dma_start3A_1132 = tpu.memref_slice %arg4[%mul3A_1120, %dma_start3A_1131] : memref<204800x128xf32, #tpu.memory_space<hbm>> -> memref<8x128xf32, #tpu.memory_space<hbm>>
      %dma_start3A_1133 = arith.constant 0 : i32
      %dma_start3A_1134 = arith.constant 0 : i32
      %dma_start3A_1135 = tpu.memref_slice %arg7[%dma_start3A_1121, %dma_start3A_1133, %dma_start3A_1134] : memref<2x32x641xf32, #tpu.memory_space<vmem>> -> memref<1x32x641xf32, #tpu.memory_space<vmem>>
      %dma_start3A_1136 = tpu.memref_squeeze %dma_start3A_1135 : memref<1x32x641xf32, #tpu.memory_space<vmem>> -> memref<32x641xf32, #tpu.memory_space<vmem>>
      %dma_start3A_1137 = arith.constant 24 : i32
      %dma_start3A_1138 = arith.constant 0 : i32
      %dma_start3A_1139 = tpu.memref_slice %dma_start3A_1136[%dma_start3A_1137, %dma_start3A_1138] : memref<32x641xf32, #tpu.memory_space<vmem>> -> memref<8x128xf32, #tpu.memory_space<vmem>>
      tpu.enqueue_dma source(%dma_start3A_1139 : memref<8x128xf32, #tpu.memory_space<vmem>>) target(%dma_start3A_1132 : memref<8x128xf32, #tpu.memory_space<hbm>>) target_semaphore(%arg10 : memref<!tpu.dma_semaphore, #tpu.memory_space<semaphore_mem>>)
      %add3A_1140 = arith.constant 19200 : i32
      %add3A_1141 = arith.addi %add3A_1140, %select_n3A_739 : i32
      %add3A_1142 = arith.constant 1 : i32
      %add3A_1143 = arith.addi %add3A_1141, %add3A_1142 : i32
      %mul3A_1144 = arith.constant 8 : i32
      %mul3A_1145 = arith.muli %mul3A_1144, %add3A_1143 : i32
      %dma_start3A_1146 = arith.constant 0 : i32
      %dma_start3A_1147 = arith.constant 0 : i32
      %dma_start3A_1148 = arith.constant 0 : i32
      %dma_start3A_1149 = tpu.memref_slice %arg7[%dma_start3A_1146, %dma_start3A_1147, %dma_start3A_1148] : memref<2x32x641xf32, #tpu.memory_space<vmem>> -> memref<1x32x641xf32, #tpu.memory_space<vmem>>
      %dma_start3A_1150 = tpu.memref_squeeze %dma_start3A_1149 : memref<1x32x641xf32, #tpu.memory_space<vmem>> -> memref<32x641xf32, #tpu.memory_space<vmem>>
      %dma_start3A_1151 = arith.constant 24 : i32
      %dma_start3A_1152 = arith.constant 128 : i32
      %dma_start3A_1153 = tpu.memref_slice %dma_start3A_1150[%dma_start3A_1151, %dma_start3A_1152] : memref<32x641xf32, #tpu.memory_space<vmem>> -> memref<8x128xf32, #tpu.memory_space<vmem>>
      %dma_start3A_1154 = arith.constant 0 : i32
      %dma_start3A_1155 = tpu.memref_slice %arg4[%mul3A_1145, %dma_start3A_1154] : memref<204800x128xf32, #tpu.memory_space<hbm>> -> memref<8x128xf32, #tpu.memory_space<hbm>>
      %dma_start3A_1156 = arith.constant 0 : i32
      %dma_start3A_1157 = tpu.memref_slice %arg4[%mul3A_1145, %dma_start3A_1156] : memref<204800x128xf32, #tpu.memory_space<hbm>> -> memref<8x128xf32, #tpu.memory_space<hbm>>
      %dma_start3A_1158 = arith.constant 0 : i32
      %dma_start3A_1159 = arith.constant 0 : i32
      %dma_start3A_1160 = tpu.memref_slice %arg7[%dma_start3A_1146, %dma_start3A_1158, %dma_start3A_1159] : memref<2x32x641xf32, #tpu.memory_space<vmem>> -> memref<1x32x641xf32, #tpu.memory_space<vmem>>
      %dma_start3A_1161 = tpu.memref_squeeze %dma_start3A_1160 : memref<1x32x641xf32, #tpu.memory_space<vmem>> -> memref<32x641xf32, #tpu.memory_space<vmem>>
      %dma_start3A_1162 = arith.constant 24 : i32
      %dma_start3A_1163 = arith.constant 128 : i32
      %dma_start3A_1164 = tpu.memref_slice %dma_start3A_1161[%dma_start3A_1162, %dma_start3A_1163] : memref<32x641xf32, #tpu.memory_space<vmem>> -> memref<8x128xf32, #tpu.memory_space<vmem>>
      tpu.enqueue_dma source(%dma_start3A_1164 : memref<8x128xf32, #tpu.memory_space<vmem>>) target(%dma_start3A_1157 : memref<8x128xf32, #tpu.memory_space<hbm>>) target_semaphore(%arg10 : memref<!tpu.dma_semaphore, #tpu.memory_space<semaphore_mem>>)
      %add3A_1165 = arith.constant 19200 : i32
      %add3A_1166 = arith.addi %add3A_1165, %select_n3A_739 : i32
      %add3A_1167 = arith.constant 2 : i32
      %add3A_1168 = arith.addi %add3A_1166, %add3A_1167 : i32
      %mul3A_1169 = arith.constant 8 : i32
      %mul3A_1170 = arith.muli %mul3A_1169, %add3A_1168 : i32
      %dma_start3A_1171 = arith.constant 0 : i32
      %dma_start3A_1172 = arith.constant 0 : i32
      %dma_start3A_1173 = arith.constant 0 : i32
      %dma_start3A_1174 = tpu.memref_slice %arg7[%dma_start3A_1171, %dma_start3A_1172, %dma_start3A_1173] : memref<2x32x641xf32, #tpu.memory_space<vmem>> -> memref<1x32x641xf32, #tpu.memory_space<vmem>>
      %dma_start3A_1175 = tpu.memref_squeeze %dma_start3A_1174 : memref<1x32x641xf32, #tpu.memory_space<vmem>> -> memref<32x641xf32, #tpu.memory_space<vmem>>
      %dma_start3A_1176 = arith.constant 24 : i32
      %dma_start3A_1177 = arith.constant 256 : i32
      %dma_start3A_1178 = tpu.memref_slice %dma_start3A_1175[%dma_start3A_1176, %dma_start3A_1177] : memref<32x641xf32, #tpu.memory_space<vmem>> -> memref<8x128xf32, #tpu.memory_space<vmem>>
      %dma_start3A_1179 = arith.constant 0 : i32
      %dma_start3A_1180 = tpu.memref_slice %arg4[%mul3A_1170, %dma_start3A_1179] : memref<204800x128xf32, #tpu.memory_space<hbm>> -> memref<8x128xf32, #tpu.memory_space<hbm>>
      %dma_start3A_1181 = arith.constant 0 : i32
      %dma_start3A_1182 = tpu.memref_slice %arg4[%mul3A_1170, %dma_start3A_1181] : memref<204800x128xf32, #tpu.memory_space<hbm>> -> memref<8x128xf32, #tpu.memory_space<hbm>>
      %dma_start3A_1183 = arith.constant 0 : i32
      %dma_start3A_1184 = arith.constant 0 : i32
      %dma_start3A_1185 = tpu.memref_slice %arg7[%dma_start3A_1171, %dma_start3A_1183, %dma_start3A_1184] : memref<2x32x641xf32, #tpu.memory_space<vmem>> -> memref<1x32x641xf32, #tpu.memory_space<vmem>>
      %dma_start3A_1186 = tpu.memref_squeeze %dma_start3A_1185 : memref<1x32x641xf32, #tpu.memory_space<vmem>> -> memref<32x641xf32, #tpu.memory_space<vmem>>
      %dma_start3A_1187 = arith.constant 24 : i32
      %dma_start3A_1188 = arith.constant 256 : i32
      %dma_start3A_1189 = tpu.memref_slice %dma_start3A_1186[%dma_start3A_1187, %dma_start3A_1188] : memref<32x641xf32, #tpu.memory_space<vmem>> -> memref<8x128xf32, #tpu.memory_space<vmem>>
      tpu.enqueue_dma source(%dma_start3A_1189 : memref<8x128xf32, #tpu.memory_space<vmem>>) target(%dma_start3A_1182 : memref<8x128xf32, #tpu.memory_space<hbm>>) target_semaphore(%arg10 : memref<!tpu.dma_semaphore, #tpu.memory_space<semaphore_mem>>)
      %add3A_1190 = arith.constant 19200 : i32
      %add3A_1191 = arith.addi %add3A_1190, %select_n3A_739 : i32
      %add3A_1192 = arith.constant 3 : i32
      %add3A_1193 = arith.addi %add3A_1191, %add3A_1192 : i32
      %mul3A_1194 = arith.constant 8 : i32
      %mul3A_1195 = arith.muli %mul3A_1194, %add3A_1193 : i32
      %dma_start3A_1196 = arith.constant 0 : i32
      %dma_start3A_1197 = arith.constant 0 : i32
      %dma_start3A_1198 = arith.constant 0 : i32
      %dma_start3A_1199 = tpu.memref_slice %arg7[%dma_start3A_1196, %dma_start3A_1197, %dma_start3A_1198] : memref<2x32x641xf32, #tpu.memory_space<vmem>> -> memref<1x32x641xf32, #tpu.memory_space<vmem>>
      %dma_start3A_1200 = tpu.memref_squeeze %dma_start3A_1199 : memref<1x32x641xf32, #tpu.memory_space<vmem>> -> memref<32x641xf32, #tpu.memory_space<vmem>>
      %dma_start3A_1201 = arith.constant 24 : i32
      %dma_start3A_1202 = arith.constant 384 : i32
      %dma_start3A_1203 = tpu.memref_slice %dma_start3A_1200[%dma_start3A_1201, %dma_start3A_1202] : memref<32x641xf32, #tpu.memory_space<vmem>> -> memref<8x128xf32, #tpu.memory_space<vmem>>
      %dma_start3A_1204 = arith.constant 0 : i32
      %dma_start3A_1205 = tpu.memref_slice %arg4[%mul3A_1195, %dma_start3A_1204] : memref<204800x128xf32, #tpu.memory_space<hbm>> -> memref<8x128xf32, #tpu.memory_space<hbm>>
      %dma_start3A_1206 = arith.constant 0 : i32
      %dma_start3A_1207 = tpu.memref_slice %arg4[%mul3A_1195, %dma_start3A_1206] : memref<204800x128xf32, #tpu.memory_space<hbm>> -> memref<8x128xf32, #tpu.memory_space<hbm>>
      %dma_start3A_1208 = arith.constant 0 : i32
      %dma_start3A_1209 = arith.constant 0 : i32
      %dma_start3A_1210 = tpu.memref_slice %arg7[%dma_start3A_1196, %dma_start3A_1208, %dma_start3A_1209] : memref<2x32x641xf32, #tpu.memory_space<vmem>> -> memref<1x32x641xf32, #tpu.memory_space<vmem>>
      %dma_start3A_1211 = tpu.memref_squeeze %dma_start3A_1210 : memref<1x32x641xf32, #tpu.memory_space<vmem>> -> memref<32x641xf32, #tpu.memory_space<vmem>>
      %dma_start3A_1212 = arith.constant 24 : i32
      %dma_start3A_1213 = arith.constant 384 : i32
      %dma_start3A_1214 = tpu.memref_slice %dma_start3A_1211[%dma_start3A_1212, %dma_start3A_1213] : memref<32x641xf32, #tpu.memory_space<vmem>> -> memref<8x128xf32, #tpu.memory_space<vmem>>
      tpu.enqueue_dma source(%dma_start3A_1214 : memref<8x128xf32, #tpu.memory_space<vmem>>) target(%dma_start3A_1207 : memref<8x128xf32, #tpu.memory_space<hbm>>) target_semaphore(%arg10 : memref<!tpu.dma_semaphore, #tpu.memory_space<semaphore_mem>>)
      %add3A_1215 = arith.constant 19200 : i32
      %add3A_1216 = arith.addi %add3A_1215, %select_n3A_739 : i32
      %add3A_1217 = arith.constant 4 : i32
      %add3A_1218 = arith.addi %add3A_1216, %add3A_1217 : i32
      %mul3A_1219 = arith.constant 8 : i32
      %mul3A_1220 = arith.muli %mul3A_1219, %add3A_1218 : i32
      %dma_start3A_1221 = arith.constant 0 : i32
      %dma_start3A_1222 = arith.constant 0 : i32
      %dma_start3A_1223 = arith.constant 0 : i32
      %dma_start3A_1224 = tpu.memref_slice %arg7[%dma_start3A_1221, %dma_start3A_1222, %dma_start3A_1223] : memref<2x32x641xf32, #tpu.memory_space<vmem>> -> memref<1x32x641xf32, #tpu.memory_space<vmem>>
      %dma_start3A_1225 = tpu.memref_squeeze %dma_start3A_1224 : memref<1x32x641xf32, #tpu.memory_space<vmem>> -> memref<32x641xf32, #tpu.memory_space<vmem>>
      %dma_start3A_1226 = arith.constant 24 : i32
      %dma_start3A_1227 = arith.constant 512 : i32
      %dma_start3A_1228 = tpu.memref_slice %dma_start3A_1225[%dma_start3A_1226, %dma_start3A_1227] : memref<32x641xf32, #tpu.memory_space<vmem>> -> memref<8x128xf32, #tpu.memory_space<vmem>>
      %dma_start3A_1229 = arith.constant 0 : i32
      %dma_start3A_1230 = tpu.memref_slice %arg4[%mul3A_1220, %dma_start3A_1229] : memref<204800x128xf32, #tpu.memory_space<hbm>> -> memref<8x128xf32, #tpu.memory_space<hbm>>
      %dma_start3A_1231 = arith.constant 0 : i32
      %dma_start3A_1232 = tpu.memref_slice %arg4[%mul3A_1220, %dma_start3A_1231] : memref<204800x128xf32, #tpu.memory_space<hbm>> -> memref<8x128xf32, #tpu.memory_space<hbm>>
      %dma_start3A_1233 = arith.constant 0 : i32
      %dma_start3A_1234 = arith.constant 0 : i32
      %dma_start3A_1235 = tpu.memref_slice %arg7[%dma_start3A_1221, %dma_start3A_1233, %dma_start3A_1234] : memref<2x32x641xf32, #tpu.memory_space<vmem>> -> memref<1x32x641xf32, #tpu.memory_space<vmem>>
      %dma_start3A_1236 = tpu.memref_squeeze %dma_start3A_1235 : memref<1x32x641xf32, #tpu.memory_space<vmem>> -> memref<32x641xf32, #tpu.memory_space<vmem>>
      %dma_start3A_1237 = arith.constant 24 : i32
      %dma_start3A_1238 = arith.constant 512 : i32
      %dma_start3A_1239 = tpu.memref_slice %dma_start3A_1236[%dma_start3A_1237, %dma_start3A_1238] : memref<32x641xf32, #tpu.memory_space<vmem>> -> memref<8x128xf32, #tpu.memory_space<vmem>>
      tpu.enqueue_dma source(%dma_start3A_1239 : memref<8x128xf32, #tpu.memory_space<vmem>>) target(%dma_start3A_1232 : memref<8x128xf32, #tpu.memory_space<hbm>>) target_semaphore(%arg10 : memref<!tpu.dma_semaphore, #tpu.memory_space<semaphore_mem>>)
      %mul3A_1240 = arith.constant 2 : i32
      %mul3A_1241 = arith.muli %mul3A_1240, %scan3A_613 : i32
      %add3A_1242 = arith.constant 1 : i32
      %add3A_1243 = arith.addi %mul3A_1241, %add3A_1242 : i32
      %ge3A_1244 = arith.constant 1 : i32
      %ge3A_1245 = arith.cmpi sge, %add3A_1243, %ge3A_1244 : i32
      %convert_element_type3A_1246 = arith.extui %ge3A_1245 : i1 to i32
      %cond3A_1247 = arith.constant 0 : i32
      %cond3A_1248 = arith.cmpi ne, %convert_element_type3A_1246, %cond3A_1247 : i32
      scf.if %cond3A_1248 {
        %sub3A_1871 = arith.constant 1 : i32
        %sub3A_1872 = arith.subi %add3A_1243, %sub3A_1871 : i32
        %mul3A_1873 = arith.constant 640 : i32
        %mul3A_1874 = arith.muli %sub3A_1872, %mul3A_1873 : i32
        %add3A_1875 = arith.addi %mul3A_2, %mul3A_1874 : i32
        %jit3A_1876 = arith.constant 128 : i32
        %div3A_1877 = arith.divsi %add3A_1875, %jit3A_1876 : i32
        %sign3A_1878 = arith.constant 0 : i32
        %sign3A_1879 = arith.cmpi sgt, %add3A_1875, %sign3A_1878 : i32
        %sign3A_1880 = arith.extui %sign3A_1879 : i1 to i32
        %sign3A_1881 = arith.constant 0 : i32
        %sign3A_1882 = arith.cmpi slt, %add3A_1875, %sign3A_1881 : i32
        %sign3A_1883 = arith.extui %sign3A_1882 : i1 to i32
        %sign3A_1884 = arith.subi %sign3A_1880, %sign3A_1883 : i32
        %sign3A_1885 = arith.constant 0 : i32
        %sign3A_1886 = arith.cmpi sgt, %jit3A_1876, %sign3A_1885 : i32
        %sign3A_1887 = arith.extui %sign3A_1886 : i1 to i32
        %sign3A_1888 = arith.constant 0 : i32
        %sign3A_1889 = arith.cmpi slt, %jit3A_1876, %sign3A_1888 : i32
        %sign3A_1890 = arith.extui %sign3A_1889 : i1 to i32
        %sign3A_1891 = arith.subi %sign3A_1887, %sign3A_1890 : i32
        %ne3A_1892 = arith.cmpi ne, %sign3A_1884, %sign3A_1891 : i32
        %rem3A_1893 = arith.remsi %add3A_1875, %jit3A_1876 : i32
        %ne3A_1894 = arith.constant 0 : i32
        %ne3A_1895 = arith.cmpi ne, %rem3A_1893, %ne3A_1894 : i32
        %and3A_1896 = arith.andi %ne3A_1892, %ne3A_1895 : i1
        %sub3A_1897 = arith.constant 1 : i32
        %sub3A_1898 = arith.subi %div3A_1877, %sub3A_1897 : i32
        %select_n3A_1899 = arith.select %and3A_1896, %sub3A_1898, %div3A_1877 : i32
        %add3A_1900 = arith.constant 0 : i32
        %add3A_1901 = arith.addi %add3A_1900, %select_n3A_1899 : i32
        %add3A_1902 = arith.constant 0 : i32
        %add3A_1903 = arith.addi %add3A_1901, %add3A_1902 : i32
        %mul3A_1904 = arith.constant 8 : i32
        %mul3A_1905 = arith.muli %mul3A_1904, %add3A_1903 : i32
        %dma_wait3A_1906 = arith.constant 0 : i32
        %dma_wait3A_1907 = arith.constant 0 : i32
        %dma_wait3A_1908 = arith.constant 0 : i32
        %dma_wait3A_1909 = tpu.memref_slice %arg7[%dma_wait3A_1906, %dma_wait3A_1907, %dma_wait3A_1908] : memref<2x32x641xf32, #tpu.memory_space<vmem>> -> memref<1x32x641xf32, #tpu.memory_space<vmem>>
        %dma_wait3A_1910 = tpu.memref_squeeze %dma_wait3A_1909 : memref<1x32x641xf32, #tpu.memory_space<vmem>> -> memref<32x641xf32, #tpu.memory_space<vmem>>
        %dma_wait3A_1911 = arith.constant 0 : i32
        %dma_wait3A_1912 = arith.constant 0 : i32
        %dma_wait3A_1913 = tpu.memref_slice %dma_wait3A_1910[%dma_wait3A_1911, %dma_wait3A_1912] : memref<32x641xf32, #tpu.memory_space<vmem>> -> memref<8x128xf32, #tpu.memory_space<vmem>>
        %dma_wait3A_1914 = arith.constant 0 : i32
        %dma_wait3A_1915 = tpu.memref_slice %arg4[%mul3A_1905, %dma_wait3A_1914] : memref<204800x128xf32, #tpu.memory_space<hbm>> -> memref<8x128xf32, #tpu.memory_space<hbm>>
        %dma_wait3A_1916 = arith.constant 0 : i32
        %dma_wait3A_1917 = tpu.memref_slice %arg4[%mul3A_1905, %dma_wait3A_1916] : memref<204800x128xf32, #tpu.memory_space<hbm>> -> memref<8x128xf32, #tpu.memory_space<hbm>>
        %dma_wait3A_1918 = arith.constant 0 : i32
        %dma_wait3A_1919 = arith.constant 0 : i32
        %dma_wait3A_1920 = tpu.memref_slice %arg7[%dma_wait3A_1906, %dma_wait3A_1918, %dma_wait3A_1919] : memref<2x32x641xf32, #tpu.memory_space<vmem>> -> memref<1x32x641xf32, #tpu.memory_space<vmem>>
        %dma_wait3A_1921 = tpu.memref_squeeze %dma_wait3A_1920 : memref<1x32x641xf32, #tpu.memory_space<vmem>> -> memref<32x641xf32, #tpu.memory_space<vmem>>
        %dma_wait3A_1922 = arith.constant 0 : i32
        %dma_wait3A_1923 = arith.constant 0 : i32
        %dma_wait3A_1924 = tpu.memref_slice %dma_wait3A_1921[%dma_wait3A_1922, %dma_wait3A_1923] : memref<32x641xf32, #tpu.memory_space<vmem>> -> memref<8x128xf32, #tpu.memory_space<vmem>>
        tpu.wait_dma2 semaphore(%arg10 : memref<!tpu.dma_semaphore, #tpu.memory_space<semaphore_mem>>) src(%dma_wait3A_1924 : memref<8x128xf32, #tpu.memory_space<vmem>>) dst(%dma_wait3A_1917 : memref<8x128xf32, #tpu.memory_space<hbm>>)
        %add3A_1925 = arith.constant 0 : i32
        %add3A_1926 = arith.addi %add3A_1925, %select_n3A_1899 : i32
        %add3A_1927 = arith.constant 1 : i32
        %add3A_1928 = arith.addi %add3A_1926, %add3A_1927 : i32
        %mul3A_1929 = arith.constant 8 : i32
        %mul3A_1930 = arith.muli %mul3A_1929, %add3A_1928 : i32
        %dma_wait3A_1931 = arith.constant 0 : i32
        %dma_wait3A_1932 = arith.constant 0 : i32
        %dma_wait3A_1933 = arith.constant 0 : i32
        %dma_wait3A_1934 = tpu.memref_slice %arg7[%dma_wait3A_1931, %dma_wait3A_1932, %dma_wait3A_1933] : memref<2x32x641xf32, #tpu.memory_space<vmem>> -> memref<1x32x641xf32, #tpu.memory_space<vmem>>
        %dma_wait3A_1935 = tpu.memref_squeeze %dma_wait3A_1934 : memref<1x32x641xf32, #tpu.memory_space<vmem>> -> memref<32x641xf32, #tpu.memory_space<vmem>>
        %dma_wait3A_1936 = arith.constant 0 : i32
        %dma_wait3A_1937 = arith.constant 128 : i32
        %dma_wait3A_1938 = tpu.memref_slice %dma_wait3A_1935[%dma_wait3A_1936, %dma_wait3A_1937] : memref<32x641xf32, #tpu.memory_space<vmem>> -> memref<8x128xf32, #tpu.memory_space<vmem>>
        %dma_wait3A_1939 = arith.constant 0 : i32
        %dma_wait3A_1940 = tpu.memref_slice %arg4[%mul3A_1930, %dma_wait3A_1939] : memref<204800x128xf32, #tpu.memory_space<hbm>> -> memref<8x128xf32, #tpu.memory_space<hbm>>
        %dma_wait3A_1941 = arith.constant 0 : i32
        %dma_wait3A_1942 = tpu.memref_slice %arg4[%mul3A_1930, %dma_wait3A_1941] : memref<204800x128xf32, #tpu.memory_space<hbm>> -> memref<8x128xf32, #tpu.memory_space<hbm>>
        %dma_wait3A_1943 = arith.constant 0 : i32
        %dma_wait3A_1944 = arith.constant 0 : i32
        %dma_wait3A_1945 = tpu.memref_slice %arg7[%dma_wait3A_1931, %dma_wait3A_1943, %dma_wait3A_1944] : memref<2x32x641xf32, #tpu.memory_space<vmem>> -> memref<1x32x641xf32, #tpu.memory_space<vmem>>
        %dma_wait3A_1946 = tpu.memref_squeeze %dma_wait3A_1945 : memref<1x32x641xf32, #tpu.memory_space<vmem>> -> memref<32x641xf32, #tpu.memory_space<vmem>>
        %dma_wait3A_1947 = arith.constant 0 : i32
        %dma_wait3A_1948 = arith.constant 128 : i32
        %dma_wait3A_1949 = tpu.memref_slice %dma_wait3A_1946[%dma_wait3A_1947, %dma_wait3A_1948] : memref<32x641xf32, #tpu.memory_space<vmem>> -> memref<8x128xf32, #tpu.memory_space<vmem>>
        tpu.wait_dma2 semaphore(%arg10 : memref<!tpu.dma_semaphore, #tpu.memory_space<semaphore_mem>>) src(%dma_wait3A_1949 : memref<8x128xf32, #tpu.memory_space<vmem>>) dst(%dma_wait3A_1942 : memref<8x128xf32, #tpu.memory_space<hbm>>)
        %add3A_1950 = arith.constant 0 : i32
        %add3A_1951 = arith.addi %add3A_1950, %select_n3A_1899 : i32
        %add3A_1952 = arith.constant 2 : i32
        %add3A_1953 = arith.addi %add3A_1951, %add3A_1952 : i32
        %mul3A_1954 = arith.constant 8 : i32
        %mul3A_1955 = arith.muli %mul3A_1954, %add3A_1953 : i32
        %dma_wait3A_1956 = arith.constant 0 : i32
        %dma_wait3A_1957 = arith.constant 0 : i32
        %dma_wait3A_1958 = arith.constant 0 : i32
        %dma_wait3A_1959 = tpu.memref_slice %arg7[%dma_wait3A_1956, %dma_wait3A_1957, %dma_wait3A_1958] : memref<2x32x641xf32, #tpu.memory_space<vmem>> -> memref<1x32x641xf32, #tpu.memory_space<vmem>>
        %dma_wait3A_1960 = tpu.memref_squeeze %dma_wait3A_1959 : memref<1x32x641xf32, #tpu.memory_space<vmem>> -> memref<32x641xf32, #tpu.memory_space<vmem>>
        %dma_wait3A_1961 = arith.constant 0 : i32
        %dma_wait3A_1962 = arith.constant 256 : i32
        %dma_wait3A_1963 = tpu.memref_slice %dma_wait3A_1960[%dma_wait3A_1961, %dma_wait3A_1962] : memref<32x641xf32, #tpu.memory_space<vmem>> -> memref<8x128xf32, #tpu.memory_space<vmem>>
        %dma_wait3A_1964 = arith.constant 0 : i32
        %dma_wait3A_1965 = tpu.memref_slice %arg4[%mul3A_1955, %dma_wait3A_1964] : memref<204800x128xf32, #tpu.memory_space<hbm>> -> memref<8x128xf32, #tpu.memory_space<hbm>>
        %dma_wait3A_1966 = arith.constant 0 : i32
        %dma_wait3A_1967 = tpu.memref_slice %arg4[%mul3A_1955, %dma_wait3A_1966] : memref<204800x128xf32, #tpu.memory_space<hbm>> -> memref<8x128xf32, #tpu.memory_space<hbm>>
        %dma_wait3A_1968 = arith.constant 0 : i32
        %dma_wait3A_1969 = arith.constant 0 : i32
        %dma_wait3A_1970 = tpu.memref_slice %arg7[%dma_wait3A_1956, %dma_wait3A_1968, %dma_wait3A_1969] : memref<2x32x641xf32, #tpu.memory_space<vmem>> -> memref<1x32x641xf32, #tpu.memory_space<vmem>>
        %dma_wait3A_1971 = tpu.memref_squeeze %dma_wait3A_1970 : memref<1x32x641xf32, #tpu.memory_space<vmem>> -> memref<32x641xf32, #tpu.memory_space<vmem>>
        %dma_wait3A_1972 = arith.constant 0 : i32
        %dma_wait3A_1973 = arith.constant 256 : i32
        %dma_wait3A_1974 = tpu.memref_slice %dma_wait3A_1971[%dma_wait3A_1972, %dma_wait3A_1973] : memref<32x641xf32, #tpu.memory_space<vmem>> -> memref<8x128xf32, #tpu.memory_space<vmem>>
        tpu.wait_dma2 semaphore(%arg10 : memref<!tpu.dma_semaphore, #tpu.memory_space<semaphore_mem>>) src(%dma_wait3A_1974 : memref<8x128xf32, #tpu.memory_space<vmem>>) dst(%dma_wait3A_1967 : memref<8x128xf32, #tpu.memory_space<hbm>>)
        %add3A_1975 = arith.constant 0 : i32
        %add3A_1976 = arith.addi %add3A_1975, %select_n3A_1899 : i32
        %add3A_1977 = arith.constant 3 : i32
        %add3A_1978 = arith.addi %add3A_1976, %add3A_1977 : i32
        %mul3A_1979 = arith.constant 8 : i32
        %mul3A_1980 = arith.muli %mul3A_1979, %add3A_1978 : i32
        %dma_wait3A_1981 = arith.constant 0 : i32
        %dma_wait3A_1982 = arith.constant 0 : i32
        %dma_wait3A_1983 = arith.constant 0 : i32
        %dma_wait3A_1984 = tpu.memref_slice %arg7[%dma_wait3A_1981, %dma_wait3A_1982, %dma_wait3A_1983] : memref<2x32x641xf32, #tpu.memory_space<vmem>> -> memref<1x32x641xf32, #tpu.memory_space<vmem>>
        %dma_wait3A_1985 = tpu.memref_squeeze %dma_wait3A_1984 : memref<1x32x641xf32, #tpu.memory_space<vmem>> -> memref<32x641xf32, #tpu.memory_space<vmem>>
        %dma_wait3A_1986 = arith.constant 0 : i32
        %dma_wait3A_1987 = arith.constant 384 : i32
        %dma_wait3A_1988 = tpu.memref_slice %dma_wait3A_1985[%dma_wait3A_1986, %dma_wait3A_1987] : memref<32x641xf32, #tpu.memory_space<vmem>> -> memref<8x128xf32, #tpu.memory_space<vmem>>
        %dma_wait3A_1989 = arith.constant 0 : i32
        %dma_wait3A_1990 = tpu.memref_slice %arg4[%mul3A_1980, %dma_wait3A_1989] : memref<204800x128xf32, #tpu.memory_space<hbm>> -> memref<8x128xf32, #tpu.memory_space<hbm>>
        %dma_wait3A_1991 = arith.constant 0 : i32
        %dma_wait3A_1992 = tpu.memref_slice %arg4[%mul3A_1980, %dma_wait3A_1991] : memref<204800x128xf32, #tpu.memory_space<hbm>> -> memref<8x128xf32, #tpu.memory_space<hbm>>
        %dma_wait3A_1993 = arith.constant 0 : i32
        %dma_wait3A_1994 = arith.constant 0 : i32
        %dma_wait3A_1995 = tpu.memref_slice %arg7[%dma_wait3A_1981, %dma_wait3A_1993, %dma_wait3A_1994] : memref<2x32x641xf32, #tpu.memory_space<vmem>> -> memref<1x32x641xf32, #tpu.memory_space<vmem>>
        %dma_wait3A_1996 = tpu.memref_squeeze %dma_wait3A_1995 : memref<1x32x641xf32, #tpu.memory_space<vmem>> -> memref<32x641xf32, #tpu.memory_space<vmem>>
        %dma_wait3A_1997 = arith.constant 0 : i32
        %dma_wait3A_1998 = arith.constant 384 : i32
        %dma_wait3A_1999 = tpu.memref_slice %dma_wait3A_1996[%dma_wait3A_1997, %dma_wait3A_1998] : memref<32x641xf32, #tpu.memory_space<vmem>> -> memref<8x128xf32, #tpu.memory_space<vmem>>
        tpu.wait_dma2 semaphore(%arg10 : memref<!tpu.dma_semaphore, #tpu.memory_space<semaphore_mem>>) src(%dma_wait3A_1999 : memref<8x128xf32, #tpu.memory_space<vmem>>) dst(%dma_wait3A_1992 : memref<8x128xf32, #tpu.memory_space<hbm>>)
        %add3A_2000 = arith.constant 0 : i32
        %add3A_2001 = arith.addi %add3A_2000, %select_n3A_1899 : i32
        %add3A_2002 = arith.constant 4 : i32
        %add3A_2003 = arith.addi %add3A_2001, %add3A_2002 : i32
        %mul3A_2004 = arith.constant 8 : i32
        %mul3A_2005 = arith.muli %mul3A_2004, %add3A_2003 : i32
        %dma_wait3A_2006 = arith.constant 0 : i32
        %dma_wait3A_2007 = arith.constant 0 : i32
        %dma_wait3A_2008 = arith.constant 0 : i32
        %dma_wait3A_2009 = tpu.memref_slice %arg7[%dma_wait3A_2006, %dma_wait3A_2007, %dma_wait3A_2008] : memref<2x32x641xf32, #tpu.memory_space<vmem>> -> memref<1x32x641xf32, #tpu.memory_space<vmem>>
        %dma_wait3A_2010 = tpu.memref_squeeze %dma_wait3A_2009 : memref<1x32x641xf32, #tpu.memory_space<vmem>> -> memref<32x641xf32, #tpu.memory_space<vmem>>
        %dma_wait3A_2011 = arith.constant 0 : i32
        %dma_wait3A_2012 = arith.constant 512 : i32
        %dma_wait3A_2013 = tpu.memref_slice %dma_wait3A_2010[%dma_wait3A_2011, %dma_wait3A_2012] : memref<32x641xf32, #tpu.memory_space<vmem>> -> memref<8x128xf32, #tpu.memory_space<vmem>>
        %dma_wait3A_2014 = arith.constant 0 : i32
        %dma_wait3A_2015 = tpu.memref_slice %arg4[%mul3A_2005, %dma_wait3A_2014] : memref<204800x128xf32, #tpu.memory_space<hbm>> -> memref<8x128xf32, #tpu.memory_space<hbm>>
        %dma_wait3A_2016 = arith.constant 0 : i32
        %dma_wait3A_2017 = tpu.memref_slice %arg4[%mul3A_2005, %dma_wait3A_2016] : memref<204800x128xf32, #tpu.memory_space<hbm>> -> memref<8x128xf32, #tpu.memory_space<hbm>>
        %dma_wait3A_2018 = arith.constant 0 : i32
        %dma_wait3A_2019 = arith.constant 0 : i32
        %dma_wait3A_2020 = tpu.memref_slice %arg7[%dma_wait3A_2006, %dma_wait3A_2018, %dma_wait3A_2019] : memref<2x32x641xf32, #tpu.memory_space<vmem>> -> memref<1x32x641xf32, #tpu.memory_space<vmem>>
        %dma_wait3A_2021 = tpu.memref_squeeze %dma_wait3A_2020 : memref<1x32x641xf32, #tpu.memory_space<vmem>> -> memref<32x641xf32, #tpu.memory_space<vmem>>
        %dma_wait3A_2022 = arith.constant 0 : i32
        %dma_wait3A_2023 = arith.constant 512 : i32
        %dma_wait3A_2024 = tpu.memref_slice %dma_wait3A_2021[%dma_wait3A_2022, %dma_wait3A_2023] : memref<32x641xf32, #tpu.memory_space<vmem>> -> memref<8x128xf32, #tpu.memory_space<vmem>>
        tpu.wait_dma2 semaphore(%arg10 : memref<!tpu.dma_semaphore, #tpu.memory_space<semaphore_mem>>) src(%dma_wait3A_2024 : memref<8x128xf32, #tpu.memory_space<vmem>>) dst(%dma_wait3A_2017 : memref<8x128xf32, #tpu.memory_space<hbm>>)
        %add3A_2025 = arith.constant 6400 : i32
        %add3A_2026 = arith.addi %add3A_2025, %select_n3A_1899 : i32
        %add3A_2027 = arith.constant 0 : i32
        %add3A_2028 = arith.addi %add3A_2026, %add3A_2027 : i32
        %mul3A_2029 = arith.constant 8 : i32
        %mul3A_2030 = arith.muli %mul3A_2029, %add3A_2028 : i32
        %dma_wait3A_2031 = arith.constant 0 : i32
        %dma_wait3A_2032 = arith.constant 0 : i32
        %dma_wait3A_2033 = arith.constant 0 : i32
        %dma_wait3A_2034 = tpu.memref_slice %arg7[%dma_wait3A_2031, %dma_wait3A_2032, %dma_wait3A_2033] : memref<2x32x641xf32, #tpu.memory_space<vmem>> -> memref<1x32x641xf32, #tpu.memory_space<vmem>>
        %dma_wait3A_2035 = tpu.memref_squeeze %dma_wait3A_2034 : memref<1x32x641xf32, #tpu.memory_space<vmem>> -> memref<32x641xf32, #tpu.memory_space<vmem>>
        %dma_wait3A_2036 = arith.constant 8 : i32
        %dma_wait3A_2037 = arith.constant 0 : i32
        %dma_wait3A_2038 = tpu.memref_slice %dma_wait3A_2035[%dma_wait3A_2036, %dma_wait3A_2037] : memref<32x641xf32, #tpu.memory_space<vmem>> -> memref<8x128xf32, #tpu.memory_space<vmem>>
        %dma_wait3A_2039 = arith.constant 0 : i32
        %dma_wait3A_2040 = tpu.memref_slice %arg4[%mul3A_2030, %dma_wait3A_2039] : memref<204800x128xf32, #tpu.memory_space<hbm>> -> memref<8x128xf32, #tpu.memory_space<hbm>>
        %dma_wait3A_2041 = arith.constant 0 : i32
        %dma_wait3A_2042 = tpu.memref_slice %arg4[%mul3A_2030, %dma_wait3A_2041] : memref<204800x128xf32, #tpu.memory_space<hbm>> -> memref<8x128xf32, #tpu.memory_space<hbm>>
        %dma_wait3A_2043 = arith.constant 0 : i32
        %dma_wait3A_2044 = arith.constant 0 : i32
        %dma_wait3A_2045 = tpu.memref_slice %arg7[%dma_wait3A_2031, %dma_wait3A_2043, %dma_wait3A_2044] : memref<2x32x641xf32, #tpu.memory_space<vmem>> -> memref<1x32x641xf32, #tpu.memory_space<vmem>>
        %dma_wait3A_2046 = tpu.memref_squeeze %dma_wait3A_2045 : memref<1x32x641xf32, #tpu.memory_space<vmem>> -> memref<32x641xf32, #tpu.memory_space<vmem>>
        %dma_wait3A_2047 = arith.constant 8 : i32
        %dma_wait3A_2048 = arith.constant 0 : i32
        %dma_wait3A_2049 = tpu.memref_slice %dma_wait3A_2046[%dma_wait3A_2047, %dma_wait3A_2048] : memref<32x641xf32, #tpu.memory_space<vmem>> -> memref<8x128xf32, #tpu.memory_space<vmem>>
        tpu.wait_dma2 semaphore(%arg10 : memref<!tpu.dma_semaphore, #tpu.memory_space<semaphore_mem>>) src(%dma_wait3A_2049 : memref<8x128xf32, #tpu.memory_space<vmem>>) dst(%dma_wait3A_2042 : memref<8x128xf32, #tpu.memory_space<hbm>>)
        %add3A_2050 = arith.constant 6400 : i32
        %add3A_2051 = arith.addi %add3A_2050, %select_n3A_1899 : i32
        %add3A_2052 = arith.constant 1 : i32
        %add3A_2053 = arith.addi %add3A_2051, %add3A_2052 : i32
        %mul3A_2054 = arith.constant 8 : i32
        %mul3A_2055 = arith.muli %mul3A_2054, %add3A_2053 : i32
        %dma_wait3A_2056 = arith.constant 0 : i32
        %dma_wait3A_2057 = arith.constant 0 : i32
        %dma_wait3A_2058 = arith.constant 0 : i32
        %dma_wait3A_2059 = tpu.memref_slice %arg7[%dma_wait3A_2056, %dma_wait3A_2057, %dma_wait3A_2058] : memref<2x32x641xf32, #tpu.memory_space<vmem>> -> memref<1x32x641xf32, #tpu.memory_space<vmem>>
        %dma_wait3A_2060 = tpu.memref_squeeze %dma_wait3A_2059 : memref<1x32x641xf32, #tpu.memory_space<vmem>> -> memref<32x641xf32, #tpu.memory_space<vmem>>
        %dma_wait3A_2061 = arith.constant 8 : i32
        %dma_wait3A_2062 = arith.constant 128 : i32
        %dma_wait3A_2063 = tpu.memref_slice %dma_wait3A_2060[%dma_wait3A_2061, %dma_wait3A_2062] : memref<32x641xf32, #tpu.memory_space<vmem>> -> memref<8x128xf32, #tpu.memory_space<vmem>>
        %dma_wait3A_2064 = arith.constant 0 : i32
        %dma_wait3A_2065 = tpu.memref_slice %arg4[%mul3A_2055, %dma_wait3A_2064] : memref<204800x128xf32, #tpu.memory_space<hbm>> -> memref<8x128xf32, #tpu.memory_space<hbm>>
        %dma_wait3A_2066 = arith.constant 0 : i32
        %dma_wait3A_2067 = tpu.memref_slice %arg4[%mul3A_2055, %dma_wait3A_2066] : memref<204800x128xf32, #tpu.memory_space<hbm>> -> memref<8x128xf32, #tpu.memory_space<hbm>>
        %dma_wait3A_2068 = arith.constant 0 : i32
        %dma_wait3A_2069 = arith.constant 0 : i32
        %dma_wait3A_2070 = tpu.memref_slice %arg7[%dma_wait3A_2056, %dma_wait3A_2068, %dma_wait3A_2069] : memref<2x32x641xf32, #tpu.memory_space<vmem>> -> memref<1x32x641xf32, #tpu.memory_space<vmem>>
        %dma_wait3A_2071 = tpu.memref_squeeze %dma_wait3A_2070 : memref<1x32x641xf32, #tpu.memory_space<vmem>> -> memref<32x641xf32, #tpu.memory_space<vmem>>
        %dma_wait3A_2072 = arith.constant 8 : i32
        %dma_wait3A_2073 = arith.constant 128 : i32
        %dma_wait3A_2074 = tpu.memref_slice %dma_wait3A_2071[%dma_wait3A_2072, %dma_wait3A_2073] : memref<32x641xf32, #tpu.memory_space<vmem>> -> memref<8x128xf32, #tpu.memory_space<vmem>>
        tpu.wait_dma2 semaphore(%arg10 : memref<!tpu.dma_semaphore, #tpu.memory_space<semaphore_mem>>) src(%dma_wait3A_2074 : memref<8x128xf32, #tpu.memory_space<vmem>>) dst(%dma_wait3A_2067 : memref<8x128xf32, #tpu.memory_space<hbm>>)
        %add3A_2075 = arith.constant 6400 : i32
        %add3A_2076 = arith.addi %add3A_2075, %select_n3A_1899 : i32
        %add3A_2077 = arith.constant 2 : i32
        %add3A_2078 = arith.addi %add3A_2076, %add3A_2077 : i32
        %mul3A_2079 = arith.constant 8 : i32
        %mul3A_2080 = arith.muli %mul3A_2079, %add3A_2078 : i32
        %dma_wait3A_2081 = arith.constant 0 : i32
        %dma_wait3A_2082 = arith.constant 0 : i32
        %dma_wait3A_2083 = arith.constant 0 : i32
        %dma_wait3A_2084 = tpu.memref_slice %arg7[%dma_wait3A_2081, %dma_wait3A_2082, %dma_wait3A_2083] : memref<2x32x641xf32, #tpu.memory_space<vmem>> -> memref<1x32x641xf32, #tpu.memory_space<vmem>>
        %dma_wait3A_2085 = tpu.memref_squeeze %dma_wait3A_2084 : memref<1x32x641xf32, #tpu.memory_space<vmem>> -> memref<32x641xf32, #tpu.memory_space<vmem>>
        %dma_wait3A_2086 = arith.constant 8 : i32
        %dma_wait3A_2087 = arith.constant 256 : i32
        %dma_wait3A_2088 = tpu.memref_slice %dma_wait3A_2085[%dma_wait3A_2086, %dma_wait3A_2087] : memref<32x641xf32, #tpu.memory_space<vmem>> -> memref<8x128xf32, #tpu.memory_space<vmem>>
        %dma_wait3A_2089 = arith.constant 0 : i32
        %dma_wait3A_2090 = tpu.memref_slice %arg4[%mul3A_2080, %dma_wait3A_2089] : memref<204800x128xf32, #tpu.memory_space<hbm>> -> memref<8x128xf32, #tpu.memory_space<hbm>>
        %dma_wait3A_2091 = arith.constant 0 : i32
        %dma_wait3A_2092 = tpu.memref_slice %arg4[%mul3A_2080, %dma_wait3A_2091] : memref<204800x128xf32, #tpu.memory_space<hbm>> -> memref<8x128xf32, #tpu.memory_space<hbm>>
        %dma_wait3A_2093 = arith.constant 0 : i32
        %dma_wait3A_2094 = arith.constant 0 : i32
        %dma_wait3A_2095 = tpu.memref_slice %arg7[%dma_wait3A_2081, %dma_wait3A_2093, %dma_wait3A_2094] : memref<2x32x641xf32, #tpu.memory_space<vmem>> -> memref<1x32x641xf32, #tpu.memory_space<vmem>>
        %dma_wait3A_2096 = tpu.memref_squeeze %dma_wait3A_2095 : memref<1x32x641xf32, #tpu.memory_space<vmem>> -> memref<32x641xf32, #tpu.memory_space<vmem>>
        %dma_wait3A_2097 = arith.constant 8 : i32
        %dma_wait3A_2098 = arith.constant 256 : i32
        %dma_wait3A_2099 = tpu.memref_slice %dma_wait3A_2096[%dma_wait3A_2097, %dma_wait3A_2098] : memref<32x641xf32, #tpu.memory_space<vmem>> -> memref<8x128xf32, #tpu.memory_space<vmem>>
        tpu.wait_dma2 semaphore(%arg10 : memref<!tpu.dma_semaphore, #tpu.memory_space<semaphore_mem>>) src(%dma_wait3A_2099 : memref<8x128xf32, #tpu.memory_space<vmem>>) dst(%dma_wait3A_2092 : memref<8x128xf32, #tpu.memory_space<hbm>>)
        %add3A_2100 = arith.constant 6400 : i32
        %add3A_2101 = arith.addi %add3A_2100, %select_n3A_1899 : i32
        %add3A_2102 = arith.constant 3 : i32
        %add3A_2103 = arith.addi %add3A_2101, %add3A_2102 : i32
        %mul3A_2104 = arith.constant 8 : i32
        %mul3A_2105 = arith.muli %mul3A_2104, %add3A_2103 : i32
        %dma_wait3A_2106 = arith.constant 0 : i32
        %dma_wait3A_2107 = arith.constant 0 : i32
        %dma_wait3A_2108 = arith.constant 0 : i32
        %dma_wait3A_2109 = tpu.memref_slice %arg7[%dma_wait3A_2106, %dma_wait3A_2107, %dma_wait3A_2108] : memref<2x32x641xf32, #tpu.memory_space<vmem>> -> memref<1x32x641xf32, #tpu.memory_space<vmem>>
        %dma_wait3A_2110 = tpu.memref_squeeze %dma_wait3A_2109 : memref<1x32x641xf32, #tpu.memory_space<vmem>> -> memref<32x641xf32, #tpu.memory_space<vmem>>
        %dma_wait3A_2111 = arith.constant 8 : i32
        %dma_wait3A_2112 = arith.constant 384 : i32
        %dma_wait3A_2113 = tpu.memref_slice %dma_wait3A_2110[%dma_wait3A_2111, %dma_wait3A_2112] : memref<32x641xf32, #tpu.memory_space<vmem>> -> memref<8x128xf32, #tpu.memory_space<vmem>>
        %dma_wait3A_2114 = arith.constant 0 : i32
        %dma_wait3A_2115 = tpu.memref_slice %arg4[%mul3A_2105, %dma_wait3A_2114] : memref<204800x128xf32, #tpu.memory_space<hbm>> -> memref<8x128xf32, #tpu.memory_space<hbm>>
        %dma_wait3A_2116 = arith.constant 0 : i32
        %dma_wait3A_2117 = tpu.memref_slice %arg4[%mul3A_2105, %dma_wait3A_2116] : memref<204800x128xf32, #tpu.memory_space<hbm>> -> memref<8x128xf32, #tpu.memory_space<hbm>>
        %dma_wait3A_2118 = arith.constant 0 : i32
        %dma_wait3A_2119 = arith.constant 0 : i32
        %dma_wait3A_2120 = tpu.memref_slice %arg7[%dma_wait3A_2106, %dma_wait3A_2118, %dma_wait3A_2119] : memref<2x32x641xf32, #tpu.memory_space<vmem>> -> memref<1x32x641xf32, #tpu.memory_space<vmem>>
        %dma_wait3A_2121 = tpu.memref_squeeze %dma_wait3A_2120 : memref<1x32x641xf32, #tpu.memory_space<vmem>> -> memref<32x641xf32, #tpu.memory_space<vmem>>
        %dma_wait3A_2122 = arith.constant 8 : i32
        %dma_wait3A_2123 = arith.constant 384 : i32
        %dma_wait3A_2124 = tpu.memref_slice %dma_wait3A_2121[%dma_wait3A_2122, %dma_wait3A_2123] : memref<32x641xf32, #tpu.memory_space<vmem>> -> memref<8x128xf32, #tpu.memory_space<vmem>>
        tpu.wait_dma2 semaphore(%arg10 : memref<!tpu.dma_semaphore, #tpu.memory_space<semaphore_mem>>) src(%dma_wait3A_2124 : memref<8x128xf32, #tpu.memory_space<vmem>>) dst(%dma_wait3A_2117 : memref<8x128xf32, #tpu.memory_space<hbm>>)
        %add3A_2125 = arith.constant 6400 : i32
        %add3A_2126 = arith.addi %add3A_2125, %select_n3A_1899 : i32
        %add3A_2127 = arith.constant 4 : i32
        %add3A_2128 = arith.addi %add3A_2126, %add3A_2127 : i32
        %mul3A_2129 = arith.constant 8 : i32
        %mul3A_2130 = arith.muli %mul3A_2129, %add3A_2128 : i32
        %dma_wait3A_2131 = arith.constant 0 : i32
        %dma_wait3A_2132 = arith.constant 0 : i32
        %dma_wait3A_2133 = arith.constant 0 : i32
        %dma_wait3A_2134 = tpu.memref_slice %arg7[%dma_wait3A_2131, %dma_wait3A_2132, %dma_wait3A_2133] : memref<2x32x641xf32, #tpu.memory_space<vmem>> -> memref<1x32x641xf32, #tpu.memory_space<vmem>>
        %dma_wait3A_2135 = tpu.memref_squeeze %dma_wait3A_2134 : memref<1x32x641xf32, #tpu.memory_space<vmem>> -> memref<32x641xf32, #tpu.memory_space<vmem>>
        %dma_wait3A_2136 = arith.constant 8 : i32
        %dma_wait3A_2137 = arith.constant 512 : i32
        %dma_wait3A_2138 = tpu.memref_slice %dma_wait3A_2135[%dma_wait3A_2136, %dma_wait3A_2137] : memref<32x641xf32, #tpu.memory_space<vmem>> -> memref<8x128xf32, #tpu.memory_space<vmem>>
        %dma_wait3A_2139 = arith.constant 0 : i32
        %dma_wait3A_2140 = tpu.memref_slice %arg4[%mul3A_2130, %dma_wait3A_2139] : memref<204800x128xf32, #tpu.memory_space<hbm>> -> memref<8x128xf32, #tpu.memory_space<hbm>>
        %dma_wait3A_2141 = arith.constant 0 : i32
        %dma_wait3A_2142 = tpu.memref_slice %arg4[%mul3A_2130, %dma_wait3A_2141] : memref<204800x128xf32, #tpu.memory_space<hbm>> -> memref<8x128xf32, #tpu.memory_space<hbm>>
        %dma_wait3A_2143 = arith.constant 0 : i32
        %dma_wait3A_2144 = arith.constant 0 : i32
        %dma_wait3A_2145 = tpu.memref_slice %arg7[%dma_wait3A_2131, %dma_wait3A_2143, %dma_wait3A_2144] : memref<2x32x641xf32, #tpu.memory_space<vmem>> -> memref<1x32x641xf32, #tpu.memory_space<vmem>>
        %dma_wait3A_2146 = tpu.memref_squeeze %dma_wait3A_2145 : memref<1x32x641xf32, #tpu.memory_space<vmem>> -> memref<32x641xf32, #tpu.memory_space<vmem>>
        %dma_wait3A_2147 = arith.constant 8 : i32
        %dma_wait3A_2148 = arith.constant 512 : i32
        %dma_wait3A_2149 = tpu.memref_slice %dma_wait3A_2146[%dma_wait3A_2147, %dma_wait3A_2148] : memref<32x641xf32, #tpu.memory_space<vmem>> -> memref<8x128xf32, #tpu.memory_space<vmem>>
        tpu.wait_dma2 semaphore(%arg10 : memref<!tpu.dma_semaphore, #tpu.memory_space<semaphore_mem>>) src(%dma_wait3A_2149 : memref<8x128xf32, #tpu.memory_space<vmem>>) dst(%dma_wait3A_2142 : memref<8x128xf32, #tpu.memory_space<hbm>>)
        %add3A_2150 = arith.constant 12800 : i32
        %add3A_2151 = arith.addi %add3A_2150, %select_n3A_1899 : i32
        %add3A_2152 = arith.constant 0 : i32
        %add3A_2153 = arith.addi %add3A_2151, %add3A_2152 : i32
        %mul3A_2154 = arith.constant 8 : i32
        %mul3A_2155 = arith.muli %mul3A_2154, %add3A_2153 : i32
        %dma_wait3A_2156 = arith.constant 0 : i32
        %dma_wait3A_2157 = arith.constant 0 : i32
        %dma_wait3A_2158 = arith.constant 0 : i32
        %dma_wait3A_2159 = tpu.memref_slice %arg7[%dma_wait3A_2156, %dma_wait3A_2157, %dma_wait3A_2158] : memref<2x32x641xf32, #tpu.memory_space<vmem>> -> memref<1x32x641xf32, #tpu.memory_space<vmem>>
        %dma_wait3A_2160 = tpu.memref_squeeze %dma_wait3A_2159 : memref<1x32x641xf32, #tpu.memory_space<vmem>> -> memref<32x641xf32, #tpu.memory_space<vmem>>
        %dma_wait3A_2161 = arith.constant 16 : i32
        %dma_wait3A_2162 = arith.constant 0 : i32
        %dma_wait3A_2163 = tpu.memref_slice %dma_wait3A_2160[%dma_wait3A_2161, %dma_wait3A_2162] : memref<32x641xf32, #tpu.memory_space<vmem>> -> memref<8x128xf32, #tpu.memory_space<vmem>>
        %dma_wait3A_2164 = arith.constant 0 : i32
        %dma_wait3A_2165 = tpu.memref_slice %arg4[%mul3A_2155, %dma_wait3A_2164] : memref<204800x128xf32, #tpu.memory_space<hbm>> -> memref<8x128xf32, #tpu.memory_space<hbm>>
        %dma_wait3A_2166 = arith.constant 0 : i32
        %dma_wait3A_2167 = tpu.memref_slice %arg4[%mul3A_2155, %dma_wait3A_2166] : memref<204800x128xf32, #tpu.memory_space<hbm>> -> memref<8x128xf32, #tpu.memory_space<hbm>>
        %dma_wait3A_2168 = arith.constant 0 : i32
        %dma_wait3A_2169 = arith.constant 0 : i32
        %dma_wait3A_2170 = tpu.memref_slice %arg7[%dma_wait3A_2156, %dma_wait3A_2168, %dma_wait3A_2169] : memref<2x32x641xf32, #tpu.memory_space<vmem>> -> memref<1x32x641xf32, #tpu.memory_space<vmem>>
        %dma_wait3A_2171 = tpu.memref_squeeze %dma_wait3A_2170 : memref<1x32x641xf32, #tpu.memory_space<vmem>> -> memref<32x641xf32, #tpu.memory_space<vmem>>
        %dma_wait3A_2172 = arith.constant 16 : i32
        %dma_wait3A_2173 = arith.constant 0 : i32
        %dma_wait3A_2174 = tpu.memref_slice %dma_wait3A_2171[%dma_wait3A_2172, %dma_wait3A_2173] : memref<32x641xf32, #tpu.memory_space<vmem>> -> memref<8x128xf32, #tpu.memory_space<vmem>>
        tpu.wait_dma2 semaphore(%arg10 : memref<!tpu.dma_semaphore, #tpu.memory_space<semaphore_mem>>) src(%dma_wait3A_2174 : memref<8x128xf32, #tpu.memory_space<vmem>>) dst(%dma_wait3A_2167 : memref<8x128xf32, #tpu.memory_space<hbm>>)
        %add3A_2175 = arith.constant 12800 : i32
        %add3A_2176 = arith.addi %add3A_2175, %select_n3A_1899 : i32
        %add3A_2177 = arith.constant 1 : i32
        %add3A_2178 = arith.addi %add3A_2176, %add3A_2177 : i32
        %mul3A_2179 = arith.constant 8 : i32
        %mul3A_2180 = arith.muli %mul3A_2179, %add3A_2178 : i32
        %dma_wait3A_2181 = arith.constant 0 : i32
        %dma_wait3A_2182 = arith.constant 0 : i32
        %dma_wait3A_2183 = arith.constant 0 : i32
        %dma_wait3A_2184 = tpu.memref_slice %arg7[%dma_wait3A_2181, %dma_wait3A_2182, %dma_wait3A_2183] : memref<2x32x641xf32, #tpu.memory_space<vmem>> -> memref<1x32x641xf32, #tpu.memory_space<vmem>>
        %dma_wait3A_2185 = tpu.memref_squeeze %dma_wait3A_2184 : memref<1x32x641xf32, #tpu.memory_space<vmem>> -> memref<32x641xf32, #tpu.memory_space<vmem>>
        %dma_wait3A_2186 = arith.constant 16 : i32
        %dma_wait3A_2187 = arith.constant 128 : i32
        %dma_wait3A_2188 = tpu.memref_slice %dma_wait3A_2185[%dma_wait3A_2186, %dma_wait3A_2187] : memref<32x641xf32, #tpu.memory_space<vmem>> -> memref<8x128xf32, #tpu.memory_space<vmem>>
        %dma_wait3A_2189 = arith.constant 0 : i32
        %dma_wait3A_2190 = tpu.memref_slice %arg4[%mul3A_2180, %dma_wait3A_2189] : memref<204800x128xf32, #tpu.memory_space<hbm>> -> memref<8x128xf32, #tpu.memory_space<hbm>>
        %dma_wait3A_2191 = arith.constant 0 : i32
        %dma_wait3A_2192 = tpu.memref_slice %arg4[%mul3A_2180, %dma_wait3A_2191] : memref<204800x128xf32, #tpu.memory_space<hbm>> -> memref<8x128xf32, #tpu.memory_space<hbm>>
        %dma_wait3A_2193 = arith.constant 0 : i32
        %dma_wait3A_2194 = arith.constant 0 : i32
        %dma_wait3A_2195 = tpu.memref_slice %arg7[%dma_wait3A_2181, %dma_wait3A_2193, %dma_wait3A_2194] : memref<2x32x641xf32, #tpu.memory_space<vmem>> -> memref<1x32x641xf32, #tpu.memory_space<vmem>>
        %dma_wait3A_2196 = tpu.memref_squeeze %dma_wait3A_2195 : memref<1x32x641xf32, #tpu.memory_space<vmem>> -> memref<32x641xf32, #tpu.memory_space<vmem>>
        %dma_wait3A_2197 = arith.constant 16 : i32
        %dma_wait3A_2198 = arith.constant 128 : i32
        %dma_wait3A_2199 = tpu.memref_slice %dma_wait3A_2196[%dma_wait3A_2197, %dma_wait3A_2198] : memref<32x641xf32, #tpu.memory_space<vmem>> -> memref<8x128xf32, #tpu.memory_space<vmem>>
        tpu.wait_dma2 semaphore(%arg10 : memref<!tpu.dma_semaphore, #tpu.memory_space<semaphore_mem>>) src(%dma_wait3A_2199 : memref<8x128xf32, #tpu.memory_space<vmem>>) dst(%dma_wait3A_2192 : memref<8x128xf32, #tpu.memory_space<hbm>>)
        %add3A_2200 = arith.constant 12800 : i32
        %add3A_2201 = arith.addi %add3A_2200, %select_n3A_1899 : i32
        %add3A_2202 = arith.constant 2 : i32
        %add3A_2203 = arith.addi %add3A_2201, %add3A_2202 : i32
        %mul3A_2204 = arith.constant 8 : i32
        %mul3A_2205 = arith.muli %mul3A_2204, %add3A_2203 : i32
        %dma_wait3A_2206 = arith.constant 0 : i32
        %dma_wait3A_2207 = arith.constant 0 : i32
        %dma_wait3A_2208 = arith.constant 0 : i32
        %dma_wait3A_2209 = tpu.memref_slice %arg7[%dma_wait3A_2206, %dma_wait3A_2207, %dma_wait3A_2208] : memref<2x32x641xf32, #tpu.memory_space<vmem>> -> memref<1x32x641xf32, #tpu.memory_space<vmem>>
        %dma_wait3A_2210 = tpu.memref_squeeze %dma_wait3A_2209 : memref<1x32x641xf32, #tpu.memory_space<vmem>> -> memref<32x641xf32, #tpu.memory_space<vmem>>
        %dma_wait3A_2211 = arith.constant 16 : i32
        %dma_wait3A_2212 = arith.constant 256 : i32
        %dma_wait3A_2213 = tpu.memref_slice %dma_wait3A_2210[%dma_wait3A_2211, %dma_wait3A_2212] : memref<32x641xf32, #tpu.memory_space<vmem>> -> memref<8x128xf32, #tpu.memory_space<vmem>>
        %dma_wait3A_2214 = arith.constant 0 : i32
        %dma_wait3A_2215 = tpu.memref_slice %arg4[%mul3A_2205, %dma_wait3A_2214] : memref<204800x128xf32, #tpu.memory_space<hbm>> -> memref<8x128xf32, #tpu.memory_space<hbm>>
        %dma_wait3A_2216 = arith.constant 0 : i32
        %dma_wait3A_2217 = tpu.memref_slice %arg4[%mul3A_2205, %dma_wait3A_2216] : memref<204800x128xf32, #tpu.memory_space<hbm>> -> memref<8x128xf32, #tpu.memory_space<hbm>>
        %dma_wait3A_2218 = arith.constant 0 : i32
        %dma_wait3A_2219 = arith.constant 0 : i32
        %dma_wait3A_2220 = tpu.memref_slice %arg7[%dma_wait3A_2206, %dma_wait3A_2218, %dma_wait3A_2219] : memref<2x32x641xf32, #tpu.memory_space<vmem>> -> memref<1x32x641xf32, #tpu.memory_space<vmem>>
        %dma_wait3A_2221 = tpu.memref_squeeze %dma_wait3A_2220 : memref<1x32x641xf32, #tpu.memory_space<vmem>> -> memref<32x641xf32, #tpu.memory_space<vmem>>
        %dma_wait3A_2222 = arith.constant 16 : i32
        %dma_wait3A_2223 = arith.constant 256 : i32
        %dma_wait3A_2224 = tpu.memref_slice %dma_wait3A_2221[%dma_wait3A_2222, %dma_wait3A_2223] : memref<32x641xf32, #tpu.memory_space<vmem>> -> memref<8x128xf32, #tpu.memory_space<vmem>>
        tpu.wait_dma2 semaphore(%arg10 : memref<!tpu.dma_semaphore, #tpu.memory_space<semaphore_mem>>) src(%dma_wait3A_2224 : memref<8x128xf32, #tpu.memory_space<vmem>>) dst(%dma_wait3A_2217 : memref<8x128xf32, #tpu.memory_space<hbm>>)
        %add3A_2225 = arith.constant 12800 : i32
        %add3A_2226 = arith.addi %add3A_2225, %select_n3A_1899 : i32
        %add3A_2227 = arith.constant 3 : i32
        %add3A_2228 = arith.addi %add3A_2226, %add3A_2227 : i32
        %mul3A_2229 = arith.constant 8 : i32
        %mul3A_2230 = arith.muli %mul3A_2229, %add3A_2228 : i32
        %dma_wait3A_2231 = arith.constant 0 : i32
        %dma_wait3A_2232 = arith.constant 0 : i32
        %dma_wait3A_2233 = arith.constant 0 : i32
        %dma_wait3A_2234 = tpu.memref_slice %arg7[%dma_wait3A_2231, %dma_wait3A_2232, %dma_wait3A_2233] : memref<2x32x641xf32, #tpu.memory_space<vmem>> -> memref<1x32x641xf32, #tpu.memory_space<vmem>>
        %dma_wait3A_2235 = tpu.memref_squeeze %dma_wait3A_2234 : memref<1x32x641xf32, #tpu.memory_space<vmem>> -> memref<32x641xf32, #tpu.memory_space<vmem>>
        %dma_wait3A_2236 = arith.constant 16 : i32
        %dma_wait3A_2237 = arith.constant 384 : i32
        %dma_wait3A_2238 = tpu.memref_slice %dma_wait3A_2235[%dma_wait3A_2236, %dma_wait3A_2237] : memref<32x641xf32, #tpu.memory_space<vmem>> -> memref<8x128xf32, #tpu.memory_space<vmem>>
        %dma_wait3A_2239 = arith.constant 0 : i32
        %dma_wait3A_2240 = tpu.memref_slice %arg4[%mul3A_2230, %dma_wait3A_2239] : memref<204800x128xf32, #tpu.memory_space<hbm>> -> memref<8x128xf32, #tpu.memory_space<hbm>>
        %dma_wait3A_2241 = arith.constant 0 : i32
        %dma_wait3A_2242 = tpu.memref_slice %arg4[%mul3A_2230, %dma_wait3A_2241] : memref<204800x128xf32, #tpu.memory_space<hbm>> -> memref<8x128xf32, #tpu.memory_space<hbm>>
        %dma_wait3A_2243 = arith.constant 0 : i32
        %dma_wait3A_2244 = arith.constant 0 : i32
        %dma_wait3A_2245 = tpu.memref_slice %arg7[%dma_wait3A_2231, %dma_wait3A_2243, %dma_wait3A_2244] : memref<2x32x641xf32, #tpu.memory_space<vmem>> -> memref<1x32x641xf32, #tpu.memory_space<vmem>>
        %dma_wait3A_2246 = tpu.memref_squeeze %dma_wait3A_2245 : memref<1x32x641xf32, #tpu.memory_space<vmem>> -> memref<32x641xf32, #tpu.memory_space<vmem>>
        %dma_wait3A_2247 = arith.constant 16 : i32
        %dma_wait3A_2248 = arith.constant 384 : i32
        %dma_wait3A_2249 = tpu.memref_slice %dma_wait3A_2246[%dma_wait3A_2247, %dma_wait3A_2248] : memref<32x641xf32, #tpu.memory_space<vmem>> -> memref<8x128xf32, #tpu.memory_space<vmem>>
        tpu.wait_dma2 semaphore(%arg10 : memref<!tpu.dma_semaphore, #tpu.memory_space<semaphore_mem>>) src(%dma_wait3A_2249 : memref<8x128xf32, #tpu.memory_space<vmem>>) dst(%dma_wait3A_2242 : memref<8x128xf32, #tpu.memory_space<hbm>>)
        %add3A_2250 = arith.constant 12800 : i32
        %add3A_2251 = arith.addi %add3A_2250, %select_n3A_1899 : i32
        %add3A_2252 = arith.constant 4 : i32
        %add3A_2253 = arith.addi %add3A_2251, %add3A_2252 : i32
        %mul3A_2254 = arith.constant 8 : i32
        %mul3A_2255 = arith.muli %mul3A_2254, %add3A_2253 : i32
        %dma_wait3A_2256 = arith.constant 0 : i32
        %dma_wait3A_2257 = arith.constant 0 : i32
        %dma_wait3A_2258 = arith.constant 0 : i32
        %dma_wait3A_2259 = tpu.memref_slice %arg7[%dma_wait3A_2256, %dma_wait3A_2257, %dma_wait3A_2258] : memref<2x32x641xf32, #tpu.memory_space<vmem>> -> memref<1x32x641xf32, #tpu.memory_space<vmem>>
        %dma_wait3A_2260 = tpu.memref_squeeze %dma_wait3A_2259 : memref<1x32x641xf32, #tpu.memory_space<vmem>> -> memref<32x641xf32, #tpu.memory_space<vmem>>
        %dma_wait3A_2261 = arith.constant 16 : i32
        %dma_wait3A_2262 = arith.constant 512 : i32
        %dma_wait3A_2263 = tpu.memref_slice %dma_wait3A_2260[%dma_wait3A_2261, %dma_wait3A_2262] : memref<32x641xf32, #tpu.memory_space<vmem>> -> memref<8x128xf32, #tpu.memory_space<vmem>>
        %dma_wait3A_2264 = arith.constant 0 : i32
        %dma_wait3A_2265 = tpu.memref_slice %arg4[%mul3A_2255, %dma_wait3A_2264] : memref<204800x128xf32, #tpu.memory_space<hbm>> -> memref<8x128xf32, #tpu.memory_space<hbm>>
        %dma_wait3A_2266 = arith.constant 0 : i32
        %dma_wait3A_2267 = tpu.memref_slice %arg4[%mul3A_2255, %dma_wait3A_2266] : memref<204800x128xf32, #tpu.memory_space<hbm>> -> memref<8x128xf32, #tpu.memory_space<hbm>>
        %dma_wait3A_2268 = arith.constant 0 : i32
        %dma_wait3A_2269 = arith.constant 0 : i32
        %dma_wait3A_2270 = tpu.memref_slice %arg7[%dma_wait3A_2256, %dma_wait3A_2268, %dma_wait3A_2269] : memref<2x32x641xf32, #tpu.memory_space<vmem>> -> memref<1x32x641xf32, #tpu.memory_space<vmem>>
        %dma_wait3A_2271 = tpu.memref_squeeze %dma_wait3A_2270 : memref<1x32x641xf32, #tpu.memory_space<vmem>> -> memref<32x641xf32, #tpu.memory_space<vmem>>
        %dma_wait3A_2272 = arith.constant 16 : i32
        %dma_wait3A_2273 = arith.constant 512 : i32
        %dma_wait3A_2274 = tpu.memref_slice %dma_wait3A_2271[%dma_wait3A_2272, %dma_wait3A_2273] : memref<32x641xf32, #tpu.memory_space<vmem>> -> memref<8x128xf32, #tpu.memory_space<vmem>>
        tpu.wait_dma2 semaphore(%arg10 : memref<!tpu.dma_semaphore, #tpu.memory_space<semaphore_mem>>) src(%dma_wait3A_2274 : memref<8x128xf32, #tpu.memory_space<vmem>>) dst(%dma_wait3A_2267 : memref<8x128xf32, #tpu.memory_space<hbm>>)
        %add3A_2275 = arith.constant 19200 : i32
        %add3A_2276 = arith.addi %add3A_2275, %select_n3A_1899 : i32
        %add3A_2277 = arith.constant 0 : i32
        %add3A_2278 = arith.addi %add3A_2276, %add3A_2277 : i32
        %mul3A_2279 = arith.constant 8 : i32
        %mul3A_2280 = arith.muli %mul3A_2279, %add3A_2278 : i32
        %dma_wait3A_2281 = arith.constant 0 : i32
        %dma_wait3A_2282 = arith.constant 0 : i32
        %dma_wait3A_2283 = arith.constant 0 : i32
        %dma_wait3A_2284 = tpu.memref_slice %arg7[%dma_wait3A_2281, %dma_wait3A_2282, %dma_wait3A_2283] : memref<2x32x641xf32, #tpu.memory_space<vmem>> -> memref<1x32x641xf32, #tpu.memory_space<vmem>>
        %dma_wait3A_2285 = tpu.memref_squeeze %dma_wait3A_2284 : memref<1x32x641xf32, #tpu.memory_space<vmem>> -> memref<32x641xf32, #tpu.memory_space<vmem>>
        %dma_wait3A_2286 = arith.constant 24 : i32
        %dma_wait3A_2287 = arith.constant 0 : i32
        %dma_wait3A_2288 = tpu.memref_slice %dma_wait3A_2285[%dma_wait3A_2286, %dma_wait3A_2287] : memref<32x641xf32, #tpu.memory_space<vmem>> -> memref<8x128xf32, #tpu.memory_space<vmem>>
        %dma_wait3A_2289 = arith.constant 0 : i32
        %dma_wait3A_2290 = tpu.memref_slice %arg4[%mul3A_2280, %dma_wait3A_2289] : memref<204800x128xf32, #tpu.memory_space<hbm>> -> memref<8x128xf32, #tpu.memory_space<hbm>>
        %dma_wait3A_2291 = arith.constant 0 : i32
        %dma_wait3A_2292 = tpu.memref_slice %arg4[%mul3A_2280, %dma_wait3A_2291] : memref<204800x128xf32, #tpu.memory_space<hbm>> -> memref<8x128xf32, #tpu.memory_space<hbm>>
        %dma_wait3A_2293 = arith.constant 0 : i32
        %dma_wait3A_2294 = arith.constant 0 : i32
        %dma_wait3A_2295 = tpu.memref_slice %arg7[%dma_wait3A_2281, %dma_wait3A_2293, %dma_wait3A_2294] : memref<2x32x641xf32, #tpu.memory_space<vmem>> -> memref<1x32x641xf32, #tpu.memory_space<vmem>>
        %dma_wait3A_2296 = tpu.memref_squeeze %dma_wait3A_2295 : memref<1x32x641xf32, #tpu.memory_space<vmem>> -> memref<32x641xf32, #tpu.memory_space<vmem>>
        %dma_wait3A_2297 = arith.constant 24 : i32
        %dma_wait3A_2298 = arith.constant 0 : i32
        %dma_wait3A_2299 = tpu.memref_slice %dma_wait3A_2296[%dma_wait3A_2297, %dma_wait3A_2298] : memref<32x641xf32, #tpu.memory_space<vmem>> -> memref<8x128xf32, #tpu.memory_space<vmem>>
        tpu.wait_dma2 semaphore(%arg10 : memref<!tpu.dma_semaphore, #tpu.memory_space<semaphore_mem>>) src(%dma_wait3A_2299 : memref<8x128xf32, #tpu.memory_space<vmem>>) dst(%dma_wait3A_2292 : memref<8x128xf32, #tpu.memory_space<hbm>>)
        %add3A_2300 = arith.constant 19200 : i32
        %add3A_2301 = arith.addi %add3A_2300, %select_n3A_1899 : i32
        %add3A_2302 = arith.constant 1 : i32
        %add3A_2303 = arith.addi %add3A_2301, %add3A_2302 : i32
        %mul3A_2304 = arith.constant 8 : i32
        %mul3A_2305 = arith.muli %mul3A_2304, %add3A_2303 : i32
        %dma_wait3A_2306 = arith.constant 0 : i32
        %dma_wait3A_2307 = arith.constant 0 : i32
        %dma_wait3A_2308 = arith.constant 0 : i32
        %dma_wait3A_2309 = tpu.memref_slice %arg7[%dma_wait3A_2306, %dma_wait3A_2307, %dma_wait3A_2308] : memref<2x32x641xf32, #tpu.memory_space<vmem>> -> memref<1x32x641xf32, #tpu.memory_space<vmem>>
        %dma_wait3A_2310 = tpu.memref_squeeze %dma_wait3A_2309 : memref<1x32x641xf32, #tpu.memory_space<vmem>> -> memref<32x641xf32, #tpu.memory_space<vmem>>
        %dma_wait3A_2311 = arith.constant 24 : i32
        %dma_wait3A_2312 = arith.constant 128 : i32
        %dma_wait3A_2313 = tpu.memref_slice %dma_wait3A_2310[%dma_wait3A_2311, %dma_wait3A_2312] : memref<32x641xf32, #tpu.memory_space<vmem>> -> memref<8x128xf32, #tpu.memory_space<vmem>>
        %dma_wait3A_2314 = arith.constant 0 : i32
        %dma_wait3A_2315 = tpu.memref_slice %arg4[%mul3A_2305, %dma_wait3A_2314] : memref<204800x128xf32, #tpu.memory_space<hbm>> -> memref<8x128xf32, #tpu.memory_space<hbm>>
        %dma_wait3A_2316 = arith.constant 0 : i32
        %dma_wait3A_2317 = tpu.memref_slice %arg4[%mul3A_2305, %dma_wait3A_2316] : memref<204800x128xf32, #tpu.memory_space<hbm>> -> memref<8x128xf32, #tpu.memory_space<hbm>>
        %dma_wait3A_2318 = arith.constant 0 : i32
        %dma_wait3A_2319 = arith.constant 0 : i32
        %dma_wait3A_2320 = tpu.memref_slice %arg7[%dma_wait3A_2306, %dma_wait3A_2318, %dma_wait3A_2319] : memref<2x32x641xf32, #tpu.memory_space<vmem>> -> memref<1x32x641xf32, #tpu.memory_space<vmem>>
        %dma_wait3A_2321 = tpu.memref_squeeze %dma_wait3A_2320 : memref<1x32x641xf32, #tpu.memory_space<vmem>> -> memref<32x641xf32, #tpu.memory_space<vmem>>
        %dma_wait3A_2322 = arith.constant 24 : i32
        %dma_wait3A_2323 = arith.constant 128 : i32
        %dma_wait3A_2324 = tpu.memref_slice %dma_wait3A_2321[%dma_wait3A_2322, %dma_wait3A_2323] : memref<32x641xf32, #tpu.memory_space<vmem>> -> memref<8x128xf32, #tpu.memory_space<vmem>>
        tpu.wait_dma2 semaphore(%arg10 : memref<!tpu.dma_semaphore, #tpu.memory_space<semaphore_mem>>) src(%dma_wait3A_2324 : memref<8x128xf32, #tpu.memory_space<vmem>>) dst(%dma_wait3A_2317 : memref<8x128xf32, #tpu.memory_space<hbm>>)
        %add3A_2325 = arith.constant 19200 : i32
        %add3A_2326 = arith.addi %add3A_2325, %select_n3A_1899 : i32
        %add3A_2327 = arith.constant 2 : i32
        %add3A_2328 = arith.addi %add3A_2326, %add3A_2327 : i32
        %mul3A_2329 = arith.constant 8 : i32
        %mul3A_2330 = arith.muli %mul3A_2329, %add3A_2328 : i32
        %dma_wait3A_2331 = arith.constant 0 : i32
        %dma_wait3A_2332 = arith.constant 0 : i32
        %dma_wait3A_2333 = arith.constant 0 : i32
        %dma_wait3A_2334 = tpu.memref_slice %arg7[%dma_wait3A_2331, %dma_wait3A_2332, %dma_wait3A_2333] : memref<2x32x641xf32, #tpu.memory_space<vmem>> -> memref<1x32x641xf32, #tpu.memory_space<vmem>>
        %dma_wait3A_2335 = tpu.memref_squeeze %dma_wait3A_2334 : memref<1x32x641xf32, #tpu.memory_space<vmem>> -> memref<32x641xf32, #tpu.memory_space<vmem>>
        %dma_wait3A_2336 = arith.constant 24 : i32
        %dma_wait3A_2337 = arith.constant 256 : i32
        %dma_wait3A_2338 = tpu.memref_slice %dma_wait3A_2335[%dma_wait3A_2336, %dma_wait3A_2337] : memref<32x641xf32, #tpu.memory_space<vmem>> -> memref<8x128xf32, #tpu.memory_space<vmem>>
        %dma_wait3A_2339 = arith.constant 0 : i32
        %dma_wait3A_2340 = tpu.memref_slice %arg4[%mul3A_2330, %dma_wait3A_2339] : memref<204800x128xf32, #tpu.memory_space<hbm>> -> memref<8x128xf32, #tpu.memory_space<hbm>>
        %dma_wait3A_2341 = arith.constant 0 : i32
        %dma_wait3A_2342 = tpu.memref_slice %arg4[%mul3A_2330, %dma_wait3A_2341] : memref<204800x128xf32, #tpu.memory_space<hbm>> -> memref<8x128xf32, #tpu.memory_space<hbm>>
        %dma_wait3A_2343 = arith.constant 0 : i32
        %dma_wait3A_2344 = arith.constant 0 : i32
        %dma_wait3A_2345 = tpu.memref_slice %arg7[%dma_wait3A_2331, %dma_wait3A_2343, %dma_wait3A_2344] : memref<2x32x641xf32, #tpu.memory_space<vmem>> -> memref<1x32x641xf32, #tpu.memory_space<vmem>>
        %dma_wait3A_2346 = tpu.memref_squeeze %dma_wait3A_2345 : memref<1x32x641xf32, #tpu.memory_space<vmem>> -> memref<32x641xf32, #tpu.memory_space<vmem>>
        %dma_wait3A_2347 = arith.constant 24 : i32
        %dma_wait3A_2348 = arith.constant 256 : i32
        %dma_wait3A_2349 = tpu.memref_slice %dma_wait3A_2346[%dma_wait3A_2347, %dma_wait3A_2348] : memref<32x641xf32, #tpu.memory_space<vmem>> -> memref<8x128xf32, #tpu.memory_space<vmem>>
        tpu.wait_dma2 semaphore(%arg10 : memref<!tpu.dma_semaphore, #tpu.memory_space<semaphore_mem>>) src(%dma_wait3A_2349 : memref<8x128xf32, #tpu.memory_space<vmem>>) dst(%dma_wait3A_2342 : memref<8x128xf32, #tpu.memory_space<hbm>>)
        %add3A_2350 = arith.constant 19200 : i32
        %add3A_2351 = arith.addi %add3A_2350, %select_n3A_1899 : i32
        %add3A_2352 = arith.constant 3 : i32
        %add3A_2353 = arith.addi %add3A_2351, %add3A_2352 : i32
        %mul3A_2354 = arith.constant 8 : i32
        %mul3A_2355 = arith.muli %mul3A_2354, %add3A_2353 : i32
        %dma_wait3A_2356 = arith.constant 0 : i32
        %dma_wait3A_2357 = arith.constant 0 : i32
        %dma_wait3A_2358 = arith.constant 0 : i32
        %dma_wait3A_2359 = tpu.memref_slice %arg7[%dma_wait3A_2356, %dma_wait3A_2357, %dma_wait3A_2358] : memref<2x32x641xf32, #tpu.memory_space<vmem>> -> memref<1x32x641xf32, #tpu.memory_space<vmem>>
        %dma_wait3A_2360 = tpu.memref_squeeze %dma_wait3A_2359 : memref<1x32x641xf32, #tpu.memory_space<vmem>> -> memref<32x641xf32, #tpu.memory_space<vmem>>
        %dma_wait3A_2361 = arith.constant 24 : i32
        %dma_wait3A_2362 = arith.constant 384 : i32
        %dma_wait3A_2363 = tpu.memref_slice %dma_wait3A_2360[%dma_wait3A_2361, %dma_wait3A_2362] : memref<32x641xf32, #tpu.memory_space<vmem>> -> memref<8x128xf32, #tpu.memory_space<vmem>>
        %dma_wait3A_2364 = arith.constant 0 : i32
        %dma_wait3A_2365 = tpu.memref_slice %arg4[%mul3A_2355, %dma_wait3A_2364] : memref<204800x128xf32, #tpu.memory_space<hbm>> -> memref<8x128xf32, #tpu.memory_space<hbm>>
        %dma_wait3A_2366 = arith.constant 0 : i32
        %dma_wait3A_2367 = tpu.memref_slice %arg4[%mul3A_2355, %dma_wait3A_2366] : memref<204800x128xf32, #tpu.memory_space<hbm>> -> memref<8x128xf32, #tpu.memory_space<hbm>>
        %dma_wait3A_2368 = arith.constant 0 : i32
        %dma_wait3A_2369 = arith.constant 0 : i32
        %dma_wait3A_2370 = tpu.memref_slice %arg7[%dma_wait3A_2356, %dma_wait3A_2368, %dma_wait3A_2369] : memref<2x32x641xf32, #tpu.memory_space<vmem>> -> memref<1x32x641xf32, #tpu.memory_space<vmem>>
        %dma_wait3A_2371 = tpu.memref_squeeze %dma_wait3A_2370 : memref<1x32x641xf32, #tpu.memory_space<vmem>> -> memref<32x641xf32, #tpu.memory_space<vmem>>
        %dma_wait3A_2372 = arith.constant 24 : i32
        %dma_wait3A_2373 = arith.constant 384 : i32
        %dma_wait3A_2374 = tpu.memref_slice %dma_wait3A_2371[%dma_wait3A_2372, %dma_wait3A_2373] : memref<32x641xf32, #tpu.memory_space<vmem>> -> memref<8x128xf32, #tpu.memory_space<vmem>>
        tpu.wait_dma2 semaphore(%arg10 : memref<!tpu.dma_semaphore, #tpu.memory_space<semaphore_mem>>) src(%dma_wait3A_2374 : memref<8x128xf32, #tpu.memory_space<vmem>>) dst(%dma_wait3A_2367 : memref<8x128xf32, #tpu.memory_space<hbm>>)
        %add3A_2375 = arith.constant 19200 : i32
        %add3A_2376 = arith.addi %add3A_2375, %select_n3A_1899 : i32
        %add3A_2377 = arith.constant 4 : i32
        %add3A_2378 = arith.addi %add3A_2376, %add3A_2377 : i32
        %mul3A_2379 = arith.constant 8 : i32
        %mul3A_2380 = arith.muli %mul3A_2379, %add3A_2378 : i32
        %dma_wait3A_2381 = arith.constant 0 : i32
        %dma_wait3A_2382 = arith.constant 0 : i32
        %dma_wait3A_2383 = arith.constant 0 : i32
        %dma_wait3A_2384 = tpu.memref_slice %arg7[%dma_wait3A_2381, %dma_wait3A_2382, %dma_wait3A_2383] : memref<2x32x641xf32, #tpu.memory_space<vmem>> -> memref<1x32x641xf32, #tpu.memory_space<vmem>>
        %dma_wait3A_2385 = tpu.memref_squeeze %dma_wait3A_2384 : memref<1x32x641xf32, #tpu.memory_space<vmem>> -> memref<32x641xf32, #tpu.memory_space<vmem>>
        %dma_wait3A_2386 = arith.constant 24 : i32
        %dma_wait3A_2387 = arith.constant 512 : i32
        %dma_wait3A_2388 = tpu.memref_slice %dma_wait3A_2385[%dma_wait3A_2386, %dma_wait3A_2387] : memref<32x641xf32, #tpu.memory_space<vmem>> -> memref<8x128xf32, #tpu.memory_space<vmem>>
        %dma_wait3A_2389 = arith.constant 0 : i32
        %dma_wait3A_2390 = tpu.memref_slice %arg4[%mul3A_2380, %dma_wait3A_2389] : memref<204800x128xf32, #tpu.memory_space<hbm>> -> memref<8x128xf32, #tpu.memory_space<hbm>>
        %dma_wait3A_2391 = arith.constant 0 : i32
        %dma_wait3A_2392 = tpu.memref_slice %arg4[%mul3A_2380, %dma_wait3A_2391] : memref<204800x128xf32, #tpu.memory_space<hbm>> -> memref<8x128xf32, #tpu.memory_space<hbm>>
        %dma_wait3A_2393 = arith.constant 0 : i32
        %dma_wait3A_2394 = arith.constant 0 : i32
        %dma_wait3A_2395 = tpu.memref_slice %arg7[%dma_wait3A_2381, %dma_wait3A_2393, %dma_wait3A_2394] : memref<2x32x641xf32, #tpu.memory_space<vmem>> -> memref<1x32x641xf32, #tpu.memory_space<vmem>>
        %dma_wait3A_2396 = tpu.memref_squeeze %dma_wait3A_2395 : memref<1x32x641xf32, #tpu.memory_space<vmem>> -> memref<32x641xf32, #tpu.memory_space<vmem>>
        %dma_wait3A_2397 = arith.constant 24 : i32
        %dma_wait3A_2398 = arith.constant 512 : i32
        %dma_wait3A_2399 = tpu.memref_slice %dma_wait3A_2396[%dma_wait3A_2397, %dma_wait3A_2398] : memref<32x641xf32, #tpu.memory_space<vmem>> -> memref<8x128xf32, #tpu.memory_space<vmem>>
        tpu.wait_dma2 semaphore(%arg10 : memref<!tpu.dma_semaphore, #tpu.memory_space<semaphore_mem>>) src(%dma_wait3A_2399 : memref<8x128xf32, #tpu.memory_space<vmem>>) dst(%dma_wait3A_2392 : memref<8x128xf32, #tpu.memory_space<hbm>>)
      } else {
      }
      %add3A_1249 = arith.constant 1 : i32
      %add3A_1250 = arith.addi %add3A_1243, %add3A_1249 : i32
      %lt3A_1251 = arith.constant 40 : i32
      %lt3A_1252 = arith.cmpi slt, %add3A_1250, %lt3A_1251 : i32
      %convert_element_type3A_1253 = arith.extui %lt3A_1252 : i1 to i32
      %cond3A_1254 = arith.constant 0 : i32
      %cond3A_1255 = arith.cmpi ne, %convert_element_type3A_1253, %cond3A_1254 : i32
      scf.if %cond3A_1255 {
        %add3A_1871 = arith.constant 1 : i32
        %add3A_1872 = arith.addi %add3A_1243, %add3A_1871 : i32
        %mul3A_1873 = arith.constant 640 : i32
        %mul3A_1874 = arith.muli %add3A_1872, %mul3A_1873 : i32
        %add3A_1875 = arith.addi %mul3A_2, %mul3A_1874 : i32
        %run_scoped3A_1876 = arith.constant 0 : i32
        "tpu.region"() ({
          %run_scoped3A_1962 = tpu.sem_alloc : memref<!tpu.dma_semaphore, #tpu.memory_space<semaphore_mem>>
          %dma_start3A_1963 = arith.constant 0 : i32
          %dma_start3A_1964 = tpu.memref_slice %arg5[%run_scoped3A_1876, %dma_start3A_1963] : memref<2x640xi32, #tpu.memory_space<vmem>> -> memref<1x640xi32, #tpu.memory_space<vmem>>
          %dma_start3A_1965 = tpu.memref_squeeze %dma_start3A_1964 : memref<1x640xi32, #tpu.memory_space<vmem>> -> memref<640xi32, #tpu.memory_space<vmem>>
          %dma_start3A_1966 = tpu.memref_slice %arg2[%add3A_1875] : memref<819200xi32, #tpu.memory_space<hbm>> -> memref<640xi32, #tpu.memory_space<hbm>>
          %dma_start3A_1967 = arith.constant 0 : i32
          %dma_start3A_1968 = tpu.memref_slice %arg5[%run_scoped3A_1876, %dma_start3A_1967] : memref<2x640xi32, #tpu.memory_space<vmem>> -> memref<1x640xi32, #tpu.memory_space<vmem>>
          %dma_start3A_1969 = tpu.memref_squeeze %dma_start3A_1968 : memref<1x640xi32, #tpu.memory_space<vmem>> -> memref<640xi32, #tpu.memory_space<vmem>>
          %dma_start3A_1970 = tpu.memref_slice %arg2[%add3A_1875] : memref<819200xi32, #tpu.memory_space<hbm>> -> memref<640xi32, #tpu.memory_space<hbm>>
          tpu.enqueue_dma source(%dma_start3A_1970 : memref<640xi32, #tpu.memory_space<hbm>>) target(%dma_start3A_1969 : memref<640xi32, #tpu.memory_space<vmem>>) target_semaphore(%run_scoped3A_1962 : memref<!tpu.dma_semaphore, #tpu.memory_space<semaphore_mem>>)
          %dma_wait3A_1971 = arith.constant 0 : i32
          %dma_wait3A_1972 = tpu.memref_slice %arg5[%run_scoped3A_1876, %dma_wait3A_1971] : memref<2x640xi32, #tpu.memory_space<vmem>> -> memref<1x640xi32, #tpu.memory_space<vmem>>
          %dma_wait3A_1973 = tpu.memref_squeeze %dma_wait3A_1972 : memref<1x640xi32, #tpu.memory_space<vmem>> -> memref<640xi32, #tpu.memory_space<vmem>>
          %dma_wait3A_1974 = tpu.memref_slice %arg2[%add3A_1875] : memref<819200xi32, #tpu.memory_space<hbm>> -> memref<640xi32, #tpu.memory_space<hbm>>
          %dma_wait3A_1975 = arith.constant 0 : i32
          %dma_wait3A_1976 = tpu.memref_slice %arg5[%run_scoped3A_1876, %dma_wait3A_1975] : memref<2x640xi32, #tpu.memory_space<vmem>> -> memref<1x640xi32, #tpu.memory_space<vmem>>
          %dma_wait3A_1977 = tpu.memref_squeeze %dma_wait3A_1976 : memref<1x640xi32, #tpu.memory_space<vmem>> -> memref<640xi32, #tpu.memory_space<vmem>>
          %dma_wait3A_1978 = tpu.memref_slice %arg2[%add3A_1875] : memref<819200xi32, #tpu.memory_space<hbm>> -> memref<640xi32, #tpu.memory_space<hbm>>
          tpu.wait_dma2 semaphore(%run_scoped3A_1962 : memref<!tpu.dma_semaphore, #tpu.memory_space<semaphore_mem>>) src(%dma_wait3A_1978 : memref<640xi32, #tpu.memory_space<hbm>>) dst(%dma_wait3A_1977 : memref<640xi32, #tpu.memory_space<vmem>>)
          tpu.yield
        }) : () -> ()
        %dma_start3A_1877 = arith.constant 0 : i32
        %dma_start3A_1878 = arith.constant 0 : i32
        %dma_start3A_1879 = arith.constant 0 : i32
        %dma_start3A_1880 = arith.constant 0 : i32
        %dma_start3A_1881 = tpu.memref_slice %arg6[%dma_start3A_1878, %dma_start3A_1879, %dma_start3A_1880] : memref<2x640x32xf32, #tpu.memory_space<vmem>> -> memref<1x640x32xf32, #tpu.memory_space<vmem>>
        %dma_start3A_1882 = tpu.memref_squeeze %dma_start3A_1881 : memref<1x640x32xf32, #tpu.memory_space<vmem>> -> memref<640x32xf32, #tpu.memory_space<vmem>>
        %dma_start3A_1883 = arith.constant 0 : i32
        %dma_start3A_1884 = arith.constant 0 : i32
        %dma_start3A_1885 = tpu.memref_slice %dma_start3A_1882[%dma_start3A_1883, %dma_start3A_1884] : memref<640x32xf32, #tpu.memory_space<vmem>> -> memref<128x32xf32, #tpu.memory_space<vmem>>
        %dma_start3A_1886 = arith.constant 0 : i32
        %dma_start3A_1887 = tpu.memref_slice %arg5[%dma_start3A_1877, %dma_start3A_1886] : memref<2x640xi32, #tpu.memory_space<vmem>> -> memref<1x640xi32, #tpu.memory_space<vmem>>
        %dma_start3A_1888 = tpu.memref_squeeze %dma_start3A_1887 : memref<1x640xi32, #tpu.memory_space<vmem>> -> memref<640xi32, #tpu.memory_space<vmem>>
        %dma_start3A_1889 = arith.constant 0 : i32
        %dma_start3A_1890 = tpu.memref_slice %dma_start3A_1888[%dma_start3A_1889] : memref<640xi32, #tpu.memory_space<vmem>> -> memref<128xi32, #tpu.memory_space<vmem>>
        %dma_start3A_1891 = arith.constant 0 : i32
        %dma_start3A_1892 = arith.constant 0 : i32
        %dma_start3A_1893 = tpu.memref_slice %arg3[%dma_start3A_1891, %dma_start3A_1892] : memref<1000000x32xf32, #tpu.memory_space<hbm>> -> memref<1000000x32xf32, #tpu.memory_space<hbm>>
        tpu.enqueue_indirect_dma source(%dma_start3A_1893 : memref<1000000x32xf32, #tpu.memory_space<hbm>>) target(%dma_start3A_1885 : memref<128x32xf32, #tpu.memory_space<vmem>>) offsets(%dma_start3A_1890 : memref<128xi32, #tpu.memory_space<vmem>>) semaphore(%arg8 : memref<!tpu.dma_semaphore, #tpu.memory_space<semaphore_mem>>)
        %dma_start3A_1894 = arith.constant 0 : i32
        %dma_start3A_1895 = arith.constant 0 : i32
        %dma_start3A_1896 = arith.constant 0 : i32
        %dma_start3A_1897 = arith.constant 0 : i32
        %dma_start3A_1898 = tpu.memref_slice %arg6[%dma_start3A_1895, %dma_start3A_1896, %dma_start3A_1897] : memref<2x640x32xf32, #tpu.memory_space<vmem>> -> memref<1x640x32xf32, #tpu.memory_space<vmem>>
        %dma_start3A_1899 = tpu.memref_squeeze %dma_start3A_1898 : memref<1x640x32xf32, #tpu.memory_space<vmem>> -> memref<640x32xf32, #tpu.memory_space<vmem>>
        %dma_start3A_1900 = arith.constant 128 : i32
        %dma_start3A_1901 = arith.constant 0 : i32
        %dma_start3A_1902 = tpu.memref_slice %dma_start3A_1899[%dma_start3A_1900, %dma_start3A_1901] : memref<640x32xf32, #tpu.memory_space<vmem>> -> memref<128x32xf32, #tpu.memory_space<vmem>>
        %dma_start3A_1903 = arith.constant 0 : i32
        %dma_start3A_1904 = tpu.memref_slice %arg5[%dma_start3A_1894, %dma_start3A_1903] : memref<2x640xi32, #tpu.memory_space<vmem>> -> memref<1x640xi32, #tpu.memory_space<vmem>>
        %dma_start3A_1905 = tpu.memref_squeeze %dma_start3A_1904 : memref<1x640xi32, #tpu.memory_space<vmem>> -> memref<640xi32, #tpu.memory_space<vmem>>
        %dma_start3A_1906 = arith.constant 128 : i32
        %dma_start3A_1907 = tpu.memref_slice %dma_start3A_1905[%dma_start3A_1906] : memref<640xi32, #tpu.memory_space<vmem>> -> memref<128xi32, #tpu.memory_space<vmem>>
        %dma_start3A_1908 = arith.constant 0 : i32
        %dma_start3A_1909 = arith.constant 0 : i32
        %dma_start3A_1910 = tpu.memref_slice %arg3[%dma_start3A_1908, %dma_start3A_1909] : memref<1000000x32xf32, #tpu.memory_space<hbm>> -> memref<1000000x32xf32, #tpu.memory_space<hbm>>
        tpu.enqueue_indirect_dma source(%dma_start3A_1910 : memref<1000000x32xf32, #tpu.memory_space<hbm>>) target(%dma_start3A_1902 : memref<128x32xf32, #tpu.memory_space<vmem>>) offsets(%dma_start3A_1907 : memref<128xi32, #tpu.memory_space<vmem>>) semaphore(%arg8 : memref<!tpu.dma_semaphore, #tpu.memory_space<semaphore_mem>>)
        %dma_start3A_1911 = arith.constant 0 : i32
        %dma_start3A_1912 = arith.constant 0 : i32
        %dma_start3A_1913 = arith.constant 0 : i32
        %dma_start3A_1914 = arith.constant 0 : i32
        %dma_start3A_1915 = tpu.memref_slice %arg6[%dma_start3A_1912, %dma_start3A_1913, %dma_start3A_1914] : memref<2x640x32xf32, #tpu.memory_space<vmem>> -> memref<1x640x32xf32, #tpu.memory_space<vmem>>
        %dma_start3A_1916 = tpu.memref_squeeze %dma_start3A_1915 : memref<1x640x32xf32, #tpu.memory_space<vmem>> -> memref<640x32xf32, #tpu.memory_space<vmem>>
        %dma_start3A_1917 = arith.constant 256 : i32
        %dma_start3A_1918 = arith.constant 0 : i32
        %dma_start3A_1919 = tpu.memref_slice %dma_start3A_1916[%dma_start3A_1917, %dma_start3A_1918] : memref<640x32xf32, #tpu.memory_space<vmem>> -> memref<128x32xf32, #tpu.memory_space<vmem>>
        %dma_start3A_1920 = arith.constant 0 : i32
        %dma_start3A_1921 = tpu.memref_slice %arg5[%dma_start3A_1911, %dma_start3A_1920] : memref<2x640xi32, #tpu.memory_space<vmem>> -> memref<1x640xi32, #tpu.memory_space<vmem>>
        %dma_start3A_1922 = tpu.memref_squeeze %dma_start3A_1921 : memref<1x640xi32, #tpu.memory_space<vmem>> -> memref<640xi32, #tpu.memory_space<vmem>>
        %dma_start3A_1923 = arith.constant 256 : i32
        %dma_start3A_1924 = tpu.memref_slice %dma_start3A_1922[%dma_start3A_1923] : memref<640xi32, #tpu.memory_space<vmem>> -> memref<128xi32, #tpu.memory_space<vmem>>
        %dma_start3A_1925 = arith.constant 0 : i32
        %dma_start3A_1926 = arith.constant 0 : i32
        %dma_start3A_1927 = tpu.memref_slice %arg3[%dma_start3A_1925, %dma_start3A_1926] : memref<1000000x32xf32, #tpu.memory_space<hbm>> -> memref<1000000x32xf32, #tpu.memory_space<hbm>>
        tpu.enqueue_indirect_dma source(%dma_start3A_1927 : memref<1000000x32xf32, #tpu.memory_space<hbm>>) target(%dma_start3A_1919 : memref<128x32xf32, #tpu.memory_space<vmem>>) offsets(%dma_start3A_1924 : memref<128xi32, #tpu.memory_space<vmem>>) semaphore(%arg8 : memref<!tpu.dma_semaphore, #tpu.memory_space<semaphore_mem>>)
        %dma_start3A_1928 = arith.constant 0 : i32
        %dma_start3A_1929 = arith.constant 0 : i32
        %dma_start3A_1930 = arith.constant 0 : i32
        %dma_start3A_1931 = arith.constant 0 : i32
        %dma_start3A_1932 = tpu.memref_slice %arg6[%dma_start3A_1929, %dma_start3A_1930, %dma_start3A_1931] : memref<2x640x32xf32, #tpu.memory_space<vmem>> -> memref<1x640x32xf32, #tpu.memory_space<vmem>>
        %dma_start3A_1933 = tpu.memref_squeeze %dma_start3A_1932 : memref<1x640x32xf32, #tpu.memory_space<vmem>> -> memref<640x32xf32, #tpu.memory_space<vmem>>
        %dma_start3A_1934 = arith.constant 384 : i32
        %dma_start3A_1935 = arith.constant 0 : i32
        %dma_start3A_1936 = tpu.memref_slice %dma_start3A_1933[%dma_start3A_1934, %dma_start3A_1935] : memref<640x32xf32, #tpu.memory_space<vmem>> -> memref<128x32xf32, #tpu.memory_space<vmem>>
        %dma_start3A_1937 = arith.constant 0 : i32
        %dma_start3A_1938 = tpu.memref_slice %arg5[%dma_start3A_1928, %dma_start3A_1937] : memref<2x640xi32, #tpu.memory_space<vmem>> -> memref<1x640xi32, #tpu.memory_space<vmem>>
        %dma_start3A_1939 = tpu.memref_squeeze %dma_start3A_1938 : memref<1x640xi32, #tpu.memory_space<vmem>> -> memref<640xi32, #tpu.memory_space<vmem>>
        %dma_start3A_1940 = arith.constant 384 : i32
        %dma_start3A_1941 = tpu.memref_slice %dma_start3A_1939[%dma_start3A_1940] : memref<640xi32, #tpu.memory_space<vmem>> -> memref<128xi32, #tpu.memory_space<vmem>>
        %dma_start3A_1942 = arith.constant 0 : i32
        %dma_start3A_1943 = arith.constant 0 : i32
        %dma_start3A_1944 = tpu.memref_slice %arg3[%dma_start3A_1942, %dma_start3A_1943] : memref<1000000x32xf32, #tpu.memory_space<hbm>> -> memref<1000000x32xf32, #tpu.memory_space<hbm>>
        tpu.enqueue_indirect_dma source(%dma_start3A_1944 : memref<1000000x32xf32, #tpu.memory_space<hbm>>) target(%dma_start3A_1936 : memref<128x32xf32, #tpu.memory_space<vmem>>) offsets(%dma_start3A_1941 : memref<128xi32, #tpu.memory_space<vmem>>) semaphore(%arg8 : memref<!tpu.dma_semaphore, #tpu.memory_space<semaphore_mem>>)
        %dma_start3A_1945 = arith.constant 0 : i32
        %dma_start3A_1946 = arith.constant 0 : i32
        %dma_start3A_1947 = arith.constant 0 : i32
        %dma_start3A_1948 = arith.constant 0 : i32
        %dma_start3A_1949 = tpu.memref_slice %arg6[%dma_start3A_1946, %dma_start3A_1947, %dma_start3A_1948] : memref<2x640x32xf32, #tpu.memory_space<vmem>> -> memref<1x640x32xf32, #tpu.memory_space<vmem>>
        %dma_start3A_1950 = tpu.memref_squeeze %dma_start3A_1949 : memref<1x640x32xf32, #tpu.memory_space<vmem>> -> memref<640x32xf32, #tpu.memory_space<vmem>>
        %dma_start3A_1951 = arith.constant 512 : i32
        %dma_start3A_1952 = arith.constant 0 : i32
        %dma_start3A_1953 = tpu.memref_slice %dma_start3A_1950[%dma_start3A_1951, %dma_start3A_1952] : memref<640x32xf32, #tpu.memory_space<vmem>> -> memref<128x32xf32, #tpu.memory_space<vmem>>
        %dma_start3A_1954 = arith.constant 0 : i32
        %dma_start3A_1955 = tpu.memref_slice %arg5[%dma_start3A_1945, %dma_start3A_1954] : memref<2x640xi32, #tpu.memory_space<vmem>> -> memref<1x640xi32, #tpu.memory_space<vmem>>
        %dma_start3A_1956 = tpu.memref_squeeze %dma_start3A_1955 : memref<1x640xi32, #tpu.memory_space<vmem>> -> memref<640xi32, #tpu.memory_space<vmem>>
        %dma_start3A_1957 = arith.constant 512 : i32
        %dma_start3A_1958 = tpu.memref_slice %dma_start3A_1956[%dma_start3A_1957] : memref<640xi32, #tpu.memory_space<vmem>> -> memref<128xi32, #tpu.memory_space<vmem>>
        %dma_start3A_1959 = arith.constant 0 : i32
        %dma_start3A_1960 = arith.constant 0 : i32
        %dma_start3A_1961 = tpu.memref_slice %arg3[%dma_start3A_1959, %dma_start3A_1960] : memref<1000000x32xf32, #tpu.memory_space<hbm>> -> memref<1000000x32xf32, #tpu.memory_space<hbm>>
        tpu.enqueue_indirect_dma source(%dma_start3A_1961 : memref<1000000x32xf32, #tpu.memory_space<hbm>>) target(%dma_start3A_1953 : memref<128x32xf32, #tpu.memory_space<vmem>>) offsets(%dma_start3A_1958 : memref<128xi32, #tpu.memory_space<vmem>>) semaphore(%arg8 : memref<!tpu.dma_semaphore, #tpu.memory_space<semaphore_mem>>)
      } else {
      }
      %dma_wait3A_1256 = arith.constant 1 : i32
      %dma_wait3A_1257 = arith.constant 1 : i32
      %dma_wait3A_1258 = arith.constant 0 : i32
      %dma_wait3A_1259 = arith.constant 0 : i32
      %dma_wait3A_1260 = tpu.memref_slice %arg6[%dma_wait3A_1257, %dma_wait3A_1258, %dma_wait3A_1259] : memref<2x640x32xf32, #tpu.memory_space<vmem>> -> memref<1x640x32xf32, #tpu.memory_space<vmem>>
      %dma_wait3A_1261 = tpu.memref_squeeze %dma_wait3A_1260 : memref<1x640x32xf32, #tpu.memory_space<vmem>> -> memref<640x32xf32, #tpu.memory_space<vmem>>
      %dma_wait3A_1262 = arith.constant 0 : i32
      %dma_wait3A_1263 = arith.constant 0 : i32
      %dma_wait3A_1264 = tpu.memref_slice %dma_wait3A_1261[%dma_wait3A_1262, %dma_wait3A_1263] : memref<640x32xf32, #tpu.memory_space<vmem>> -> memref<128x32xf32, #tpu.memory_space<vmem>>
      %dma_wait3A_1265 = arith.constant 0 : i32
      %dma_wait3A_1266 = tpu.memref_slice %arg5[%dma_wait3A_1256, %dma_wait3A_1265] : memref<2x640xi32, #tpu.memory_space<vmem>> -> memref<1x640xi32, #tpu.memory_space<vmem>>
      %dma_wait3A_1267 = tpu.memref_squeeze %dma_wait3A_1266 : memref<1x640xi32, #tpu.memory_space<vmem>> -> memref<640xi32, #tpu.memory_space<vmem>>
      %dma_wait3A_1268 = arith.constant 0 : i32
      %dma_wait3A_1269 = tpu.memref_slice %dma_wait3A_1267[%dma_wait3A_1268] : memref<640xi32, #tpu.memory_space<vmem>> -> memref<128xi32, #tpu.memory_space<vmem>>
      %dma_wait3A_1270 = arith.constant 0 : i32
      %dma_wait3A_1271 = arith.constant 0 : i32
      %dma_wait3A_1272 = tpu.memref_slice %arg3[%dma_wait3A_1270, %dma_wait3A_1271] : memref<1000000x32xf32, #tpu.memory_space<hbm>> -> memref<1000000x32xf32, #tpu.memory_space<hbm>>
      tpu.wait_indirect_dma semaphore(%arg9 : memref<!tpu.dma_semaphore, #tpu.memory_space<semaphore_mem>>) src(%dma_wait3A_1272 : memref<1000000x32xf32, #tpu.memory_space<hbm>>) dst(%dma_wait3A_1264 : memref<128x32xf32, #tpu.memory_space<vmem>>)
      %dma_wait3A_1273 = arith.constant 1 : i32
      %dma_wait3A_1274 = arith.constant 1 : i32
      %dma_wait3A_1275 = arith.constant 0 : i32
      %dma_wait3A_1276 = arith.constant 0 : i32
      %dma_wait3A_1277 = tpu.memref_slice %arg6[%dma_wait3A_1274, %dma_wait3A_1275, %dma_wait3A_1276] : memref<2x640x32xf32, #tpu.memory_space<vmem>> -> memref<1x640x32xf32, #tpu.memory_space<vmem>>
      %dma_wait3A_1278 = tpu.memref_squeeze %dma_wait3A_1277 : memref<1x640x32xf32, #tpu.memory_space<vmem>> -> memref<640x32xf32, #tpu.memory_space<vmem>>
      %dma_wait3A_1279 = arith.constant 128 : i32
      %dma_wait3A_1280 = arith.constant 0 : i32
      %dma_wait3A_1281 = tpu.memref_slice %dma_wait3A_1278[%dma_wait3A_1279, %dma_wait3A_1280] : memref<640x32xf32, #tpu.memory_space<vmem>> -> memref<128x32xf32, #tpu.memory_space<vmem>>
      %dma_wait3A_1282 = arith.constant 0 : i32
      %dma_wait3A_1283 = tpu.memref_slice %arg5[%dma_wait3A_1273, %dma_wait3A_1282] : memref<2x640xi32, #tpu.memory_space<vmem>> -> memref<1x640xi32, #tpu.memory_space<vmem>>
      %dma_wait3A_1284 = tpu.memref_squeeze %dma_wait3A_1283 : memref<1x640xi32, #tpu.memory_space<vmem>> -> memref<640xi32, #tpu.memory_space<vmem>>
      %dma_wait3A_1285 = arith.constant 128 : i32
      %dma_wait3A_1286 = tpu.memref_slice %dma_wait3A_1284[%dma_wait3A_1285] : memref<640xi32, #tpu.memory_space<vmem>> -> memref<128xi32, #tpu.memory_space<vmem>>
      %dma_wait3A_1287 = arith.constant 0 : i32
      %dma_wait3A_1288 = arith.constant 0 : i32
      %dma_wait3A_1289 = tpu.memref_slice %arg3[%dma_wait3A_1287, %dma_wait3A_1288] : memref<1000000x32xf32, #tpu.memory_space<hbm>> -> memref<1000000x32xf32, #tpu.memory_space<hbm>>
      tpu.wait_indirect_dma semaphore(%arg9 : memref<!tpu.dma_semaphore, #tpu.memory_space<semaphore_mem>>) src(%dma_wait3A_1289 : memref<1000000x32xf32, #tpu.memory_space<hbm>>) dst(%dma_wait3A_1281 : memref<128x32xf32, #tpu.memory_space<vmem>>)
      %dma_wait3A_1290 = arith.constant 1 : i32
      %dma_wait3A_1291 = arith.constant 1 : i32
      %dma_wait3A_1292 = arith.constant 0 : i32
      %dma_wait3A_1293 = arith.constant 0 : i32
      %dma_wait3A_1294 = tpu.memref_slice %arg6[%dma_wait3A_1291, %dma_wait3A_1292, %dma_wait3A_1293] : memref<2x640x32xf32, #tpu.memory_space<vmem>> -> memref<1x640x32xf32, #tpu.memory_space<vmem>>
      %dma_wait3A_1295 = tpu.memref_squeeze %dma_wait3A_1294 : memref<1x640x32xf32, #tpu.memory_space<vmem>> -> memref<640x32xf32, #tpu.memory_space<vmem>>
      %dma_wait3A_1296 = arith.constant 256 : i32
      %dma_wait3A_1297 = arith.constant 0 : i32
      %dma_wait3A_1298 = tpu.memref_slice %dma_wait3A_1295[%dma_wait3A_1296, %dma_wait3A_1297] : memref<640x32xf32, #tpu.memory_space<vmem>> -> memref<128x32xf32, #tpu.memory_space<vmem>>
      %dma_wait3A_1299 = arith.constant 0 : i32
      %dma_wait3A_1300 = tpu.memref_slice %arg5[%dma_wait3A_1290, %dma_wait3A_1299] : memref<2x640xi32, #tpu.memory_space<vmem>> -> memref<1x640xi32, #tpu.memory_space<vmem>>
      %dma_wait3A_1301 = tpu.memref_squeeze %dma_wait3A_1300 : memref<1x640xi32, #tpu.memory_space<vmem>> -> memref<640xi32, #tpu.memory_space<vmem>>
      %dma_wait3A_1302 = arith.constant 256 : i32
      %dma_wait3A_1303 = tpu.memref_slice %dma_wait3A_1301[%dma_wait3A_1302] : memref<640xi32, #tpu.memory_space<vmem>> -> memref<128xi32, #tpu.memory_space<vmem>>
      %dma_wait3A_1304 = arith.constant 0 : i32
      %dma_wait3A_1305 = arith.constant 0 : i32
      %dma_wait3A_1306 = tpu.memref_slice %arg3[%dma_wait3A_1304, %dma_wait3A_1305] : memref<1000000x32xf32, #tpu.memory_space<hbm>> -> memref<1000000x32xf32, #tpu.memory_space<hbm>>
      tpu.wait_indirect_dma semaphore(%arg9 : memref<!tpu.dma_semaphore, #tpu.memory_space<semaphore_mem>>) src(%dma_wait3A_1306 : memref<1000000x32xf32, #tpu.memory_space<hbm>>) dst(%dma_wait3A_1298 : memref<128x32xf32, #tpu.memory_space<vmem>>)
      %dma_wait3A_1307 = arith.constant 1 : i32
      %dma_wait3A_1308 = arith.constant 1 : i32
      %dma_wait3A_1309 = arith.constant 0 : i32
      %dma_wait3A_1310 = arith.constant 0 : i32
      %dma_wait3A_1311 = tpu.memref_slice %arg6[%dma_wait3A_1308, %dma_wait3A_1309, %dma_wait3A_1310] : memref<2x640x32xf32, #tpu.memory_space<vmem>> -> memref<1x640x32xf32, #tpu.memory_space<vmem>>
      %dma_wait3A_1312 = tpu.memref_squeeze %dma_wait3A_1311 : memref<1x640x32xf32, #tpu.memory_space<vmem>> -> memref<640x32xf32, #tpu.memory_space<vmem>>
      %dma_wait3A_1313 = arith.constant 384 : i32
      %dma_wait3A_1314 = arith.constant 0 : i32
      %dma_wait3A_1315 = tpu.memref_slice %dma_wait3A_1312[%dma_wait3A_1313, %dma_wait3A_1314] : memref<640x32xf32, #tpu.memory_space<vmem>> -> memref<128x32xf32, #tpu.memory_space<vmem>>
      %dma_wait3A_1316 = arith.constant 0 : i32
      %dma_wait3A_1317 = tpu.memref_slice %arg5[%dma_wait3A_1307, %dma_wait3A_1316] : memref<2x640xi32, #tpu.memory_space<vmem>> -> memref<1x640xi32, #tpu.memory_space<vmem>>
      %dma_wait3A_1318 = tpu.memref_squeeze %dma_wait3A_1317 : memref<1x640xi32, #tpu.memory_space<vmem>> -> memref<640xi32, #tpu.memory_space<vmem>>
      %dma_wait3A_1319 = arith.constant 384 : i32
      %dma_wait3A_1320 = tpu.memref_slice %dma_wait3A_1318[%dma_wait3A_1319] : memref<640xi32, #tpu.memory_space<vmem>> -> memref<128xi32, #tpu.memory_space<vmem>>
      %dma_wait3A_1321 = arith.constant 0 : i32
      %dma_wait3A_1322 = arith.constant 0 : i32
      %dma_wait3A_1323 = tpu.memref_slice %arg3[%dma_wait3A_1321, %dma_wait3A_1322] : memref<1000000x32xf32, #tpu.memory_space<hbm>> -> memref<1000000x32xf32, #tpu.memory_space<hbm>>
      tpu.wait_indirect_dma semaphore(%arg9 : memref<!tpu.dma_semaphore, #tpu.memory_space<semaphore_mem>>) src(%dma_wait3A_1323 : memref<1000000x32xf32, #tpu.memory_space<hbm>>) dst(%dma_wait3A_1315 : memref<128x32xf32, #tpu.memory_space<vmem>>)
      %dma_wait3A_1324 = arith.constant 1 : i32
      %dma_wait3A_1325 = arith.constant 1 : i32
      %dma_wait3A_1326 = arith.constant 0 : i32
      %dma_wait3A_1327 = arith.constant 0 : i32
      %dma_wait3A_1328 = tpu.memref_slice %arg6[%dma_wait3A_1325, %dma_wait3A_1326, %dma_wait3A_1327] : memref<2x640x32xf32, #tpu.memory_space<vmem>> -> memref<1x640x32xf32, #tpu.memory_space<vmem>>
      %dma_wait3A_1329 = tpu.memref_squeeze %dma_wait3A_1328 : memref<1x640x32xf32, #tpu.memory_space<vmem>> -> memref<640x32xf32, #tpu.memory_space<vmem>>
      %dma_wait3A_1330 = arith.constant 512 : i32
      %dma_wait3A_1331 = arith.constant 0 : i32
      %dma_wait3A_1332 = tpu.memref_slice %dma_wait3A_1329[%dma_wait3A_1330, %dma_wait3A_1331] : memref<640x32xf32, #tpu.memory_space<vmem>> -> memref<128x32xf32, #tpu.memory_space<vmem>>
      %dma_wait3A_1333 = arith.constant 0 : i32
      %dma_wait3A_1334 = tpu.memref_slice %arg5[%dma_wait3A_1324, %dma_wait3A_1333] : memref<2x640xi32, #tpu.memory_space<vmem>> -> memref<1x640xi32, #tpu.memory_space<vmem>>
      %dma_wait3A_1335 = tpu.memref_squeeze %dma_wait3A_1334 : memref<1x640xi32, #tpu.memory_space<vmem>> -> memref<640xi32, #tpu.memory_space<vmem>>
      %dma_wait3A_1336 = arith.constant 512 : i32
      %dma_wait3A_1337 = tpu.memref_slice %dma_wait3A_1335[%dma_wait3A_1336] : memref<640xi32, #tpu.memory_space<vmem>> -> memref<128xi32, #tpu.memory_space<vmem>>
      %dma_wait3A_1338 = arith.constant 0 : i32
      %dma_wait3A_1339 = arith.constant 0 : i32
      %dma_wait3A_1340 = tpu.memref_slice %arg3[%dma_wait3A_1338, %dma_wait3A_1339] : memref<1000000x32xf32, #tpu.memory_space<hbm>> -> memref<1000000x32xf32, #tpu.memory_space<hbm>>
      tpu.wait_indirect_dma semaphore(%arg9 : memref<!tpu.dma_semaphore, #tpu.memory_space<semaphore_mem>>) src(%dma_wait3A_1340 : memref<1000000x32xf32, #tpu.memory_space<hbm>>) dst(%dma_wait3A_1332 : memref<128x32xf32, #tpu.memory_space<vmem>>)
      %parallel_loop3A_1341 = arith.constant 0 : i32
      %parallel_loop3A_1342 = arith.constant 640 : i32
      %parallel_loop3A_1343 = arith.constant 1 : i32
      scf.for %parallel_loop3A_1871 = %parallel_loop3A_1341 to %parallel_loop3A_1342 step %parallel_loop3A_1343  : i32 {
        %parallel_loop3A_1872 = arith.constant 0 : i32
        %parallel_loop3A_1873 = vector.broadcast %parallel_loop3A_1872 : i32 to vector<16xi32>
        %parallel_loop3A_1874 = vector.broadcast %parallel_loop3A_1871 : i32 to vector<16xi32>
        %parallel_loop3A_1875 = arith.addi %parallel_loop3A_1873, %parallel_loop3A_1874 : vector<16xi32>
        %parallel_loop3A_1876 = arith.constant 1 : i32
        %parallel_loop3A_1877 = arith.constant 0 : i32
        %parallel_loop3A_1878 = arith.constant 0 : i32
        %parallel_loop3A_1879 = tpu.memref_slice %arg6[%parallel_loop3A_1876, %parallel_loop3A_1877, %parallel_loop3A_1878] : memref<2x640x32xf32, #tpu.memory_space<vmem>> -> memref<1x640x32xf32, #tpu.memory_space<vmem>>
        %parallel_loop3A_1880 = tpu.memref_squeeze %parallel_loop3A_1879 : memref<1x640x32xf32, #tpu.memory_space<vmem>> -> memref<640x32xf32, #tpu.memory_space<vmem>>
        %parallel_loop3A_1881 = arith.index_cast %parallel_loop3A_1871 : i32 to index
        %parallel_loop3A_1882 = arith.constant 0 : index
        %parallel_loop3A_1883 = tpu.vector_load %parallel_loop3A_1880[%parallel_loop3A_1881, %parallel_loop3A_1882] {strides = array<i32>} : memref<640x32xf32, #tpu.memory_space<vmem>>, vector<16xf32>,
        %parallel_loop3A_1884 = arith.constant 1 : i32
        %parallel_loop3A_1885 = arith.constant 0 : i32
        %parallel_loop3A_1886 = arith.constant 0 : i32
        %parallel_loop3A_1887 = tpu.memref_slice %arg7[%parallel_loop3A_1884, %parallel_loop3A_1885, %parallel_loop3A_1886] : memref<2x32x641xf32, #tpu.memory_space<vmem>> -> memref<1x32x641xf32, #tpu.memory_space<vmem>>
        %parallel_loop3A_1888 = tpu.memref_squeeze %parallel_loop3A_1887 : memref<1x32x641xf32, #tpu.memory_space<vmem>> -> memref<32x641xf32, #tpu.memory_space<vmem>>
        tpu.vector_store_idx %parallel_loop3A_1888[%iota3A, %parallel_loop3A_1875], %parallel_loop3A_1883 : memref<32x641xf32, #tpu.memory_space<vmem>>[vector<16xi32>, vector<16xi32>], vector<16xf32>,
        %parallel_loop3A_1889 = arith.constant 1 : i32
        %parallel_loop3A_1890 = arith.constant 0 : i32
        %parallel_loop3A_1891 = arith.constant 0 : i32
        %parallel_loop3A_1892 = tpu.memref_slice %arg6[%parallel_loop3A_1889, %parallel_loop3A_1890, %parallel_loop3A_1891] : memref<2x640x32xf32, #tpu.memory_space<vmem>> -> memref<1x640x32xf32, #tpu.memory_space<vmem>>
        %parallel_loop3A_1893 = tpu.memref_squeeze %parallel_loop3A_1892 : memref<1x640x32xf32, #tpu.memory_space<vmem>> -> memref<640x32xf32, #tpu.memory_space<vmem>>
        %parallel_loop3A_1894 = arith.index_cast %parallel_loop3A_1871 : i32 to index
        %parallel_loop3A_1895 = arith.constant 16 : index
        %parallel_loop3A_1896 = tpu.vector_load %parallel_loop3A_1893[%parallel_loop3A_1894, %parallel_loop3A_1895] {strides = array<i32>} : memref<640x32xf32, #tpu.memory_space<vmem>>, vector<16xf32>,
        %parallel_loop3A_1897 = arith.constant 1 : i32
        %parallel_loop3A_1898 = arith.constant 0 : i32
        %parallel_loop3A_1899 = arith.constant 0 : i32
        %parallel_loop3A_1900 = tpu.memref_slice %arg7[%parallel_loop3A_1897, %parallel_loop3A_1898, %parallel_loop3A_1899] : memref<2x32x641xf32, #tpu.memory_space<vmem>> -> memref<1x32x641xf32, #tpu.memory_space<vmem>>
        %parallel_loop3A_1901 = tpu.memref_squeeze %parallel_loop3A_1900 : memref<1x32x641xf32, #tpu.memory_space<vmem>> -> memref<32x641xf32, #tpu.memory_space<vmem>>
        tpu.vector_store_idx %parallel_loop3A_1901[%add3A_5, %parallel_loop3A_1875], %parallel_loop3A_1896 : memref<32x641xf32, #tpu.memory_space<vmem>>[vector<16xi32>, vector<16xi32>], vector<16xf32>,
      } {sc.loop_unroll_factor = 4 : i64, sc.parallel_access}
      %mul3A_1344 = arith.constant 640 : i32
      %mul3A_1345 = arith.muli %add3A_1243, %mul3A_1344 : i32
      %add3A_1346 = arith.addi %mul3A_2, %mul3A_1345 : i32
      %jit3A_1347 = arith.constant 128 : i32
      %div3A_1348 = arith.divsi %add3A_1346, %jit3A_1347 : i32
      %sign3A_1349 = arith.constant 0 : i32
      %sign3A_1350 = arith.cmpi sgt, %add3A_1346, %sign3A_1349 : i32
      %sign3A_1351 = arith.extui %sign3A_1350 : i1 to i32
      %sign3A_1352 = arith.constant 0 : i32
      %sign3A_1353 = arith.cmpi slt, %add3A_1346, %sign3A_1352 : i32
      %sign3A_1354 = arith.extui %sign3A_1353 : i1 to i32
      %sign3A_1355 = arith.subi %sign3A_1351, %sign3A_1354 : i32
      %sign3A_1356 = arith.constant 0 : i32
      %sign3A_1357 = arith.cmpi sgt, %jit3A_1347, %sign3A_1356 : i32
      %sign3A_1358 = arith.extui %sign3A_1357 : i1 to i32
      %sign3A_1359 = arith.constant 0 : i32
      %sign3A_1360 = arith.cmpi slt, %jit3A_1347, %sign3A_1359 : i32
      %sign3A_1361 = arith.extui %sign3A_1360 : i1 to i32
      %sign3A_1362 = arith.subi %sign3A_1358, %sign3A_1361 : i32
      %ne3A_1363 = arith.cmpi ne, %sign3A_1355, %sign3A_1362 : i32
      %rem3A_1364 = arith.remsi %add3A_1346, %jit3A_1347 : i32
      %ne3A_1365 = arith.constant 0 : i32
      %ne3A_1366 = arith.cmpi ne, %rem3A_1364, %ne3A_1365 : i32
      %and3A_1367 = arith.andi %ne3A_1363, %ne3A_1366 : i1
      %sub3A_1368 = arith.constant 1 : i32
      %sub3A_1369 = arith.subi %div3A_1348, %sub3A_1368 : i32
      %select_n3A_1370 = arith.select %and3A_1367, %sub3A_1369, %div3A_1348 : i32
      %add3A_1371 = arith.constant 0 : i32
      %add3A_1372 = arith.addi %add3A_1371, %select_n3A_1370 : i32
      %add3A_1373 = arith.constant 0 : i32
      %add3A_1374 = arith.addi %add3A_1372, %add3A_1373 : i32
      %mul3A_1375 = arith.constant 8 : i32
      %mul3A_1376 = arith.muli %mul3A_1375, %add3A_1374 : i32
      %dma_start3A_1377 = arith.constant 1 : i32
      %dma_start3A_1378 = arith.constant 0 : i32
      %dma_start3A_1379 = arith.constant 0 : i32
      %dma_start3A_1380 = tpu.memref_slice %arg7[%dma_start3A_1377, %dma_start3A_1378, %dma_start3A_1379] : memref<2x32x641xf32, #tpu.memory_space<vmem>> -> memref<1x32x641xf32, #tpu.memory_space<vmem>>
      %dma_start3A_1381 = tpu.memref_squeeze %dma_start3A_1380 : memref<1x32x641xf32, #tpu.memory_space<vmem>> -> memref<32x641xf32, #tpu.memory_space<vmem>>
      %dma_start3A_1382 = arith.constant 0 : i32
      %dma_start3A_1383 = arith.constant 0 : i32
      %dma_start3A_1384 = tpu.memref_slice %dma_start3A_1381[%dma_start3A_1382, %dma_start3A_1383] : memref<32x641xf32, #tpu.memory_space<vmem>> -> memref<8x128xf32, #tpu.memory_space<vmem>>
      %dma_start3A_1385 = arith.constant 0 : i32
      %dma_start3A_1386 = tpu.memref_slice %arg4[%mul3A_1376, %dma_start3A_1385] : memref<204800x128xf32, #tpu.memory_space<hbm>> -> memref<8x128xf32, #tpu.memory_space<hbm>>
      %dma_start3A_1387 = arith.constant 0 : i32
      %dma_start3A_1388 = tpu.memref_slice %arg4[%mul3A_1376, %dma_start3A_1387] : memref<204800x128xf32, #tpu.memory_space<hbm>> -> memref<8x128xf32, #tpu.memory_space<hbm>>
      %dma_start3A_1389 = arith.constant 0 : i32
      %dma_start3A_1390 = arith.constant 0 : i32
      %dma_start3A_1391 = tpu.memref_slice %arg7[%dma_start3A_1377, %dma_start3A_1389, %dma_start3A_1390] : memref<2x32x641xf32, #tpu.memory_space<vmem>> -> memref<1x32x641xf32, #tpu.memory_space<vmem>>
      %dma_start3A_1392 = tpu.memref_squeeze %dma_start3A_1391 : memref<1x32x641xf32, #tpu.memory_space<vmem>> -> memref<32x641xf32, #tpu.memory_space<vmem>>
      %dma_start3A_1393 = arith.constant 0 : i32
      %dma_start3A_1394 = arith.constant 0 : i32
      %dma_start3A_1395 = tpu.memref_slice %dma_start3A_1392[%dma_start3A_1393, %dma_start3A_1394] : memref<32x641xf32, #tpu.memory_space<vmem>> -> memref<8x128xf32, #tpu.memory_space<vmem>>
      tpu.enqueue_dma source(%dma_start3A_1395 : memref<8x128xf32, #tpu.memory_space<vmem>>) target(%dma_start3A_1388 : memref<8x128xf32, #tpu.memory_space<hbm>>) target_semaphore(%arg11 : memref<!tpu.dma_semaphore, #tpu.memory_space<semaphore_mem>>)
      %add3A_1396 = arith.constant 0 : i32
      %add3A_1397 = arith.addi %add3A_1396, %select_n3A_1370 : i32
      %add3A_1398 = arith.constant 1 : i32
      %add3A_1399 = arith.addi %add3A_1397, %add3A_1398 : i32
      %mul3A_1400 = arith.constant 8 : i32
      %mul3A_1401 = arith.muli %mul3A_1400, %add3A_1399 : i32
      %dma_start3A_1402 = arith.constant 1 : i32
      %dma_start3A_1403 = arith.constant 0 : i32
      %dma_start3A_1404 = arith.constant 0 : i32
      %dma_start3A_1405 = tpu.memref_slice %arg7[%dma_start3A_1402, %dma_start3A_1403, %dma_start3A_1404] : memref<2x32x641xf32, #tpu.memory_space<vmem>> -> memref<1x32x641xf32, #tpu.memory_space<vmem>>
      %dma_start3A_1406 = tpu.memref_squeeze %dma_start3A_1405 : memref<1x32x641xf32, #tpu.memory_space<vmem>> -> memref<32x641xf32, #tpu.memory_space<vmem>>
      %dma_start3A_1407 = arith.constant 0 : i32
      %dma_start3A_1408 = arith.constant 128 : i32
      %dma_start3A_1409 = tpu.memref_slice %dma_start3A_1406[%dma_start3A_1407, %dma_start3A_1408] : memref<32x641xf32, #tpu.memory_space<vmem>> -> memref<8x128xf32, #tpu.memory_space<vmem>>
      %dma_start3A_1410 = arith.constant 0 : i32
      %dma_start3A_1411 = tpu.memref_slice %arg4[%mul3A_1401, %dma_start3A_1410] : memref<204800x128xf32, #tpu.memory_space<hbm>> -> memref<8x128xf32, #tpu.memory_space<hbm>>
      %dma_start3A_1412 = arith.constant 0 : i32
      %dma_start3A_1413 = tpu.memref_slice %arg4[%mul3A_1401, %dma_start3A_1412] : memref<204800x128xf32, #tpu.memory_space<hbm>> -> memref<8x128xf32, #tpu.memory_space<hbm>>
      %dma_start3A_1414 = arith.constant 0 : i32
      %dma_start3A_1415 = arith.constant 0 : i32
      %dma_start3A_1416 = tpu.memref_slice %arg7[%dma_start3A_1402, %dma_start3A_1414, %dma_start3A_1415] : memref<2x32x641xf32, #tpu.memory_space<vmem>> -> memref<1x32x641xf32, #tpu.memory_space<vmem>>
      %dma_start3A_1417 = tpu.memref_squeeze %dma_start3A_1416 : memref<1x32x641xf32, #tpu.memory_space<vmem>> -> memref<32x641xf32, #tpu.memory_space<vmem>>
      %dma_start3A_1418 = arith.constant 0 : i32
      %dma_start3A_1419 = arith.constant 128 : i32
      %dma_start3A_1420 = tpu.memref_slice %dma_start3A_1417[%dma_start3A_1418, %dma_start3A_1419] : memref<32x641xf32, #tpu.memory_space<vmem>> -> memref<8x128xf32, #tpu.memory_space<vmem>>
      tpu.enqueue_dma source(%dma_start3A_1420 : memref<8x128xf32, #tpu.memory_space<vmem>>) target(%dma_start3A_1413 : memref<8x128xf32, #tpu.memory_space<hbm>>) target_semaphore(%arg11 : memref<!tpu.dma_semaphore, #tpu.memory_space<semaphore_mem>>)
      %add3A_1421 = arith.constant 0 : i32
      %add3A_1422 = arith.addi %add3A_1421, %select_n3A_1370 : i32
      %add3A_1423 = arith.constant 2 : i32
      %add3A_1424 = arith.addi %add3A_1422, %add3A_1423 : i32
      %mul3A_1425 = arith.constant 8 : i32
      %mul3A_1426 = arith.muli %mul3A_1425, %add3A_1424 : i32
      %dma_start3A_1427 = arith.constant 1 : i32
      %dma_start3A_1428 = arith.constant 0 : i32
      %dma_start3A_1429 = arith.constant 0 : i32
      %dma_start3A_1430 = tpu.memref_slice %arg7[%dma_start3A_1427, %dma_start3A_1428, %dma_start3A_1429] : memref<2x32x641xf32, #tpu.memory_space<vmem>> -> memref<1x32x641xf32, #tpu.memory_space<vmem>>
      %dma_start3A_1431 = tpu.memref_squeeze %dma_start3A_1430 : memref<1x32x641xf32, #tpu.memory_space<vmem>> -> memref<32x641xf32, #tpu.memory_space<vmem>>
      %dma_start3A_1432 = arith.constant 0 : i32
      %dma_start3A_1433 = arith.constant 256 : i32
      %dma_start3A_1434 = tpu.memref_slice %dma_start3A_1431[%dma_start3A_1432, %dma_start3A_1433] : memref<32x641xf32, #tpu.memory_space<vmem>> -> memref<8x128xf32, #tpu.memory_space<vmem>>
      %dma_start3A_1435 = arith.constant 0 : i32
      %dma_start3A_1436 = tpu.memref_slice %arg4[%mul3A_1426, %dma_start3A_1435] : memref<204800x128xf32, #tpu.memory_space<hbm>> -> memref<8x128xf32, #tpu.memory_space<hbm>>
      %dma_start3A_1437 = arith.constant 0 : i32
      %dma_start3A_1438 = tpu.memref_slice %arg4[%mul3A_1426, %dma_start3A_1437] : memref<204800x128xf32, #tpu.memory_space<hbm>> -> memref<8x128xf32, #tpu.memory_space<hbm>>
      %dma_start3A_1439 = arith.constant 0 : i32
      %dma_start3A_1440 = arith.constant 0 : i32
      %dma_start3A_1441 = tpu.memref_slice %arg7[%dma_start3A_1427, %dma_start3A_1439, %dma_start3A_1440] : memref<2x32x641xf32, #tpu.memory_space<vmem>> -> memref<1x32x641xf32, #tpu.memory_space<vmem>>
      %dma_start3A_1442 = tpu.memref_squeeze %dma_start3A_1441 : memref<1x32x641xf32, #tpu.memory_space<vmem>> -> memref<32x641xf32, #tpu.memory_space<vmem>>
      %dma_start3A_1443 = arith.constant 0 : i32
      %dma_start3A_1444 = arith.constant 256 : i32
      %dma_start3A_1445 = tpu.memref_slice %dma_start3A_1442[%dma_start3A_1443, %dma_start3A_1444] : memref<32x641xf32, #tpu.memory_space<vmem>> -> memref<8x128xf32, #tpu.memory_space<vmem>>
      tpu.enqueue_dma source(%dma_start3A_1445 : memref<8x128xf32, #tpu.memory_space<vmem>>) target(%dma_start3A_1438 : memref<8x128xf32, #tpu.memory_space<hbm>>) target_semaphore(%arg11 : memref<!tpu.dma_semaphore, #tpu.memory_space<semaphore_mem>>)
      %add3A_1446 = arith.constant 0 : i32
      %add3A_1447 = arith.addi %add3A_1446, %select_n3A_1370 : i32
      %add3A_1448 = arith.constant 3 : i32
      %add3A_1449 = arith.addi %add3A_1447, %add3A_1448 : i32
      %mul3A_1450 = arith.constant 8 : i32
      %mul3A_1451 = arith.muli %mul3A_1450, %add3A_1449 : i32
      %dma_start3A_1452 = arith.constant 1 : i32
      %dma_start3A_1453 = arith.constant 0 : i32
      %dma_start3A_1454 = arith.constant 0 : i32
      %dma_start3A_1455 = tpu.memref_slice %arg7[%dma_start3A_1452, %dma_start3A_1453, %dma_start3A_1454] : memref<2x32x641xf32, #tpu.memory_space<vmem>> -> memref<1x32x641xf32, #tpu.memory_space<vmem>>
      %dma_start3A_1456 = tpu.memref_squeeze %dma_start3A_1455 : memref<1x32x641xf32, #tpu.memory_space<vmem>> -> memref<32x641xf32, #tpu.memory_space<vmem>>
      %dma_start3A_1457 = arith.constant 0 : i32
      %dma_start3A_1458 = arith.constant 384 : i32
      %dma_start3A_1459 = tpu.memref_slice %dma_start3A_1456[%dma_start3A_1457, %dma_start3A_1458] : memref<32x641xf32, #tpu.memory_space<vmem>> -> memref<8x128xf32, #tpu.memory_space<vmem>>
      %dma_start3A_1460 = arith.constant 0 : i32
      %dma_start3A_1461 = tpu.memref_slice %arg4[%mul3A_1451, %dma_start3A_1460] : memref<204800x128xf32, #tpu.memory_space<hbm>> -> memref<8x128xf32, #tpu.memory_space<hbm>>
      %dma_start3A_1462 = arith.constant 0 : i32
      %dma_start3A_1463 = tpu.memref_slice %arg4[%mul3A_1451, %dma_start3A_1462] : memref<204800x128xf32, #tpu.memory_space<hbm>> -> memref<8x128xf32, #tpu.memory_space<hbm>>
      %dma_start3A_1464 = arith.constant 0 : i32
      %dma_start3A_1465 = arith.constant 0 : i32
      %dma_start3A_1466 = tpu.memref_slice %arg7[%dma_start3A_1452, %dma_start3A_1464, %dma_start3A_1465] : memref<2x32x641xf32, #tpu.memory_space<vmem>> -> memref<1x32x641xf32, #tpu.memory_space<vmem>>
      %dma_start3A_1467 = tpu.memref_squeeze %dma_start3A_1466 : memref<1x32x641xf32, #tpu.memory_space<vmem>> -> memref<32x641xf32, #tpu.memory_space<vmem>>
      %dma_start3A_1468 = arith.constant 0 : i32
      %dma_start3A_1469 = arith.constant 384 : i32
      %dma_start3A_1470 = tpu.memref_slice %dma_start3A_1467[%dma_start3A_1468, %dma_start3A_1469] : memref<32x641xf32, #tpu.memory_space<vmem>> -> memref<8x128xf32, #tpu.memory_space<vmem>>
      tpu.enqueue_dma source(%dma_start3A_1470 : memref<8x128xf32, #tpu.memory_space<vmem>>) target(%dma_start3A_1463 : memref<8x128xf32, #tpu.memory_space<hbm>>) target_semaphore(%arg11 : memref<!tpu.dma_semaphore, #tpu.memory_space<semaphore_mem>>)
      %add3A_1471 = arith.constant 0 : i32
      %add3A_1472 = arith.addi %add3A_1471, %select_n3A_1370 : i32
      %add3A_1473 = arith.constant 4 : i32
      %add3A_1474 = arith.addi %add3A_1472, %add3A_1473 : i32
      %mul3A_1475 = arith.constant 8 : i32
      %mul3A_1476 = arith.muli %mul3A_1475, %add3A_1474 : i32
      %dma_start3A_1477 = arith.constant 1 : i32
      %dma_start3A_1478 = arith.constant 0 : i32
      %dma_start3A_1479 = arith.constant 0 : i32
      %dma_start3A_1480 = tpu.memref_slice %arg7[%dma_start3A_1477, %dma_start3A_1478, %dma_start3A_1479] : memref<2x32x641xf32, #tpu.memory_space<vmem>> -> memref<1x32x641xf32, #tpu.memory_space<vmem>>
      %dma_start3A_1481 = tpu.memref_squeeze %dma_start3A_1480 : memref<1x32x641xf32, #tpu.memory_space<vmem>> -> memref<32x641xf32, #tpu.memory_space<vmem>>
      %dma_start3A_1482 = arith.constant 0 : i32
      %dma_start3A_1483 = arith.constant 512 : i32
      %dma_start3A_1484 = tpu.memref_slice %dma_start3A_1481[%dma_start3A_1482, %dma_start3A_1483] : memref<32x641xf32, #tpu.memory_space<vmem>> -> memref<8x128xf32, #tpu.memory_space<vmem>>
      %dma_start3A_1485 = arith.constant 0 : i32
      %dma_start3A_1486 = tpu.memref_slice %arg4[%mul3A_1476, %dma_start3A_1485] : memref<204800x128xf32, #tpu.memory_space<hbm>> -> memref<8x128xf32, #tpu.memory_space<hbm>>
      %dma_start3A_1487 = arith.constant 0 : i32
      %dma_start3A_1488 = tpu.memref_slice %arg4[%mul3A_1476, %dma_start3A_1487] : memref<204800x128xf32, #tpu.memory_space<hbm>> -> memref<8x128xf32, #tpu.memory_space<hbm>>
      %dma_start3A_1489 = arith.constant 0 : i32
      %dma_start3A_1490 = arith.constant 0 : i32
      %dma_start3A_1491 = tpu.memref_slice %arg7[%dma_start3A_1477, %dma_start3A_1489, %dma_start3A_1490] : memref<2x32x641xf32, #tpu.memory_space<vmem>> -> memref<1x32x641xf32, #tpu.memory_space<vmem>>
      %dma_start3A_1492 = tpu.memref_squeeze %dma_start3A_1491 : memref<1x32x641xf32, #tpu.memory_space<vmem>> -> memref<32x641xf32, #tpu.memory_space<vmem>>
      %dma_start3A_1493 = arith.constant 0 : i32
      %dma_start3A_1494 = arith.constant 512 : i32
      %dma_start3A_1495 = tpu.memref_slice %dma_start3A_1492[%dma_start3A_1493, %dma_start3A_1494] : memref<32x641xf32, #tpu.memory_space<vmem>> -> memref<8x128xf32, #tpu.memory_space<vmem>>
      tpu.enqueue_dma source(%dma_start3A_1495 : memref<8x128xf32, #tpu.memory_space<vmem>>) target(%dma_start3A_1488 : memref<8x128xf32, #tpu.memory_space<hbm>>) target_semaphore(%arg11 : memref<!tpu.dma_semaphore, #tpu.memory_space<semaphore_mem>>)
      %add3A_1496 = arith.constant 6400 : i32
      %add3A_1497 = arith.addi %add3A_1496, %select_n3A_1370 : i32
      %add3A_1498 = arith.constant 0 : i32
      %add3A_1499 = arith.addi %add3A_1497, %add3A_1498 : i32
      %mul3A_1500 = arith.constant 8 : i32
      %mul3A_1501 = arith.muli %mul3A_1500, %add3A_1499 : i32
      %dma_start3A_1502 = arith.constant 1 : i32
      %dma_start3A_1503 = arith.constant 0 : i32
      %dma_start3A_1504 = arith.constant 0 : i32
      %dma_start3A_1505 = tpu.memref_slice %arg7[%dma_start3A_1502, %dma_start3A_1503, %dma_start3A_1504] : memref<2x32x641xf32, #tpu.memory_space<vmem>> -> memref<1x32x641xf32, #tpu.memory_space<vmem>>
      %dma_start3A_1506 = tpu.memref_squeeze %dma_start3A_1505 : memref<1x32x641xf32, #tpu.memory_space<vmem>> -> memref<32x641xf32, #tpu.memory_space<vmem>>
      %dma_start3A_1507 = arith.constant 8 : i32
      %dma_start3A_1508 = arith.constant 0 : i32
      %dma_start3A_1509 = tpu.memref_slice %dma_start3A_1506[%dma_start3A_1507, %dma_start3A_1508] : memref<32x641xf32, #tpu.memory_space<vmem>> -> memref<8x128xf32, #tpu.memory_space<vmem>>
      %dma_start3A_1510 = arith.constant 0 : i32
      %dma_start3A_1511 = tpu.memref_slice %arg4[%mul3A_1501, %dma_start3A_1510] : memref<204800x128xf32, #tpu.memory_space<hbm>> -> memref<8x128xf32, #tpu.memory_space<hbm>>
      %dma_start3A_1512 = arith.constant 0 : i32
      %dma_start3A_1513 = tpu.memref_slice %arg4[%mul3A_1501, %dma_start3A_1512] : memref<204800x128xf32, #tpu.memory_space<hbm>> -> memref<8x128xf32, #tpu.memory_space<hbm>>
      %dma_start3A_1514 = arith.constant 0 : i32
      %dma_start3A_1515 = arith.constant 0 : i32
      %dma_start3A_1516 = tpu.memref_slice %arg7[%dma_start3A_1502, %dma_start3A_1514, %dma_start3A_1515] : memref<2x32x641xf32, #tpu.memory_space<vmem>> -> memref<1x32x641xf32, #tpu.memory_space<vmem>>
      %dma_start3A_1517 = tpu.memref_squeeze %dma_start3A_1516 : memref<1x32x641xf32, #tpu.memory_space<vmem>> -> memref<32x641xf32, #tpu.memory_space<vmem>>
      %dma_start3A_1518 = arith.constant 8 : i32
      %dma_start3A_1519 = arith.constant 0 : i32
      %dma_start3A_1520 = tpu.memref_slice %dma_start3A_1517[%dma_start3A_1518, %dma_start3A_1519] : memref<32x641xf32, #tpu.memory_space<vmem>> -> memref<8x128xf32, #tpu.memory_space<vmem>>
      tpu.enqueue_dma source(%dma_start3A_1520 : memref<8x128xf32, #tpu.memory_space<vmem>>) target(%dma_start3A_1513 : memref<8x128xf32, #tpu.memory_space<hbm>>) target_semaphore(%arg11 : memref<!tpu.dma_semaphore, #tpu.memory_space<semaphore_mem>>)
      %add3A_1521 = arith.constant 6400 : i32
      %add3A_1522 = arith.addi %add3A_1521, %select_n3A_1370 : i32
      %add3A_1523 = arith.constant 1 : i32
      %add3A_1524 = arith.addi %add3A_1522, %add3A_1523 : i32
      %mul3A_1525 = arith.constant 8 : i32
      %mul3A_1526 = arith.muli %mul3A_1525, %add3A_1524 : i32
      %dma_start3A_1527 = arith.constant 1 : i32
      %dma_start3A_1528 = arith.constant 0 : i32
      %dma_start3A_1529 = arith.constant 0 : i32
      %dma_start3A_1530 = tpu.memref_slice %arg7[%dma_start3A_1527, %dma_start3A_1528, %dma_start3A_1529] : memref<2x32x641xf32, #tpu.memory_space<vmem>> -> memref<1x32x641xf32, #tpu.memory_space<vmem>>
      %dma_start3A_1531 = tpu.memref_squeeze %dma_start3A_1530 : memref<1x32x641xf32, #tpu.memory_space<vmem>> -> memref<32x641xf32, #tpu.memory_space<vmem>>
      %dma_start3A_1532 = arith.constant 8 : i32
      %dma_start3A_1533 = arith.constant 128 : i32
      %dma_start3A_1534 = tpu.memref_slice %dma_start3A_1531[%dma_start3A_1532, %dma_start3A_1533] : memref<32x641xf32, #tpu.memory_space<vmem>> -> memref<8x128xf32, #tpu.memory_space<vmem>>
      %dma_start3A_1535 = arith.constant 0 : i32
      %dma_start3A_1536 = tpu.memref_slice %arg4[%mul3A_1526, %dma_start3A_1535] : memref<204800x128xf32, #tpu.memory_space<hbm>> -> memref<8x128xf32, #tpu.memory_space<hbm>>
      %dma_start3A_1537 = arith.constant 0 : i32
      %dma_start3A_1538 = tpu.memref_slice %arg4[%mul3A_1526, %dma_start3A_1537] : memref<204800x128xf32, #tpu.memory_space<hbm>> -> memref<8x128xf32, #tpu.memory_space<hbm>>
      %dma_start3A_1539 = arith.constant 0 : i32
      %dma_start3A_1540 = arith.constant 0 : i32
      %dma_start3A_1541 = tpu.memref_slice %arg7[%dma_start3A_1527, %dma_start3A_1539, %dma_start3A_1540] : memref<2x32x641xf32, #tpu.memory_space<vmem>> -> memref<1x32x641xf32, #tpu.memory_space<vmem>>
      %dma_start3A_1542 = tpu.memref_squeeze %dma_start3A_1541 : memref<1x32x641xf32, #tpu.memory_space<vmem>> -> memref<32x641xf32, #tpu.memory_space<vmem>>
      %dma_start3A_1543 = arith.constant 8 : i32
      %dma_start3A_1544 = arith.constant 128 : i32
      %dma_start3A_1545 = tpu.memref_slice %dma_start3A_1542[%dma_start3A_1543, %dma_start3A_1544] : memref<32x641xf32, #tpu.memory_space<vmem>> -> memref<8x128xf32, #tpu.memory_space<vmem>>
      tpu.enqueue_dma source(%dma_start3A_1545 : memref<8x128xf32, #tpu.memory_space<vmem>>) target(%dma_start3A_1538 : memref<8x128xf32, #tpu.memory_space<hbm>>) target_semaphore(%arg11 : memref<!tpu.dma_semaphore, #tpu.memory_space<semaphore_mem>>)
      %add3A_1546 = arith.constant 6400 : i32
      %add3A_1547 = arith.addi %add3A_1546, %select_n3A_1370 : i32
      %add3A_1548 = arith.constant 2 : i32
      %add3A_1549 = arith.addi %add3A_1547, %add3A_1548 : i32
      %mul3A_1550 = arith.constant 8 : i32
      %mul3A_1551 = arith.muli %mul3A_1550, %add3A_1549 : i32
      %dma_start3A_1552 = arith.constant 1 : i32
      %dma_start3A_1553 = arith.constant 0 : i32
      %dma_start3A_1554 = arith.constant 0 : i32
      %dma_start3A_1555 = tpu.memref_slice %arg7[%dma_start3A_1552, %dma_start3A_1553, %dma_start3A_1554] : memref<2x32x641xf32, #tpu.memory_space<vmem>> -> memref<1x32x641xf32, #tpu.memory_space<vmem>>
      %dma_start3A_1556 = tpu.memref_squeeze %dma_start3A_1555 : memref<1x32x641xf32, #tpu.memory_space<vmem>> -> memref<32x641xf32, #tpu.memory_space<vmem>>
      %dma_start3A_1557 = arith.constant 8 : i32
      %dma_start3A_1558 = arith.constant 256 : i32
      %dma_start3A_1559 = tpu.memref_slice %dma_start3A_1556[%dma_start3A_1557, %dma_start3A_1558] : memref<32x641xf32, #tpu.memory_space<vmem>> -> memref<8x128xf32, #tpu.memory_space<vmem>>
      %dma_start3A_1560 = arith.constant 0 : i32
      %dma_start3A_1561 = tpu.memref_slice %arg4[%mul3A_1551, %dma_start3A_1560] : memref<204800x128xf32, #tpu.memory_space<hbm>> -> memref<8x128xf32, #tpu.memory_space<hbm>>
      %dma_start3A_1562 = arith.constant 0 : i32
      %dma_start3A_1563 = tpu.memref_slice %arg4[%mul3A_1551, %dma_start3A_1562] : memref<204800x128xf32, #tpu.memory_space<hbm>> -> memref<8x128xf32, #tpu.memory_space<hbm>>
      %dma_start3A_1564 = arith.constant 0 : i32
      %dma_start3A_1565 = arith.constant 0 : i32
      %dma_start3A_1566 = tpu.memref_slice %arg7[%dma_start3A_1552, %dma_start3A_1564, %dma_start3A_1565] : memref<2x32x641xf32, #tpu.memory_space<vmem>> -> memref<1x32x641xf32, #tpu.memory_space<vmem>>
      %dma_start3A_1567 = tpu.memref_squeeze %dma_start3A_1566 : memref<1x32x641xf32, #tpu.memory_space<vmem>> -> memref<32x641xf32, #tpu.memory_space<vmem>>
      %dma_start3A_1568 = arith.constant 8 : i32
      %dma_start3A_1569 = arith.constant 256 : i32
      %dma_start3A_1570 = tpu.memref_slice %dma_start3A_1567[%dma_start3A_1568, %dma_start3A_1569] : memref<32x641xf32, #tpu.memory_space<vmem>> -> memref<8x128xf32, #tpu.memory_space<vmem>>
      tpu.enqueue_dma source(%dma_start3A_1570 : memref<8x128xf32, #tpu.memory_space<vmem>>) target(%dma_start3A_1563 : memref<8x128xf32, #tpu.memory_space<hbm>>) target_semaphore(%arg11 : memref<!tpu.dma_semaphore, #tpu.memory_space<semaphore_mem>>)
      %add3A_1571 = arith.constant 6400 : i32
      %add3A_1572 = arith.addi %add3A_1571, %select_n3A_1370 : i32
      %add3A_1573 = arith.constant 3 : i32
      %add3A_1574 = arith.addi %add3A_1572, %add3A_1573 : i32
      %mul3A_1575 = arith.constant 8 : i32
      %mul3A_1576 = arith.muli %mul3A_1575, %add3A_1574 : i32
      %dma_start3A_1577 = arith.constant 1 : i32
      %dma_start3A_1578 = arith.constant 0 : i32
      %dma_start3A_1579 = arith.constant 0 : i32
      %dma_start3A_1580 = tpu.memref_slice %arg7[%dma_start3A_1577, %dma_start3A_1578, %dma_start3A_1579] : memref<2x32x641xf32, #tpu.memory_space<vmem>> -> memref<1x32x641xf32, #tpu.memory_space<vmem>>
      %dma_start3A_1581 = tpu.memref_squeeze %dma_start3A_1580 : memref<1x32x641xf32, #tpu.memory_space<vmem>> -> memref<32x641xf32, #tpu.memory_space<vmem>>
      %dma_start3A_1582 = arith.constant 8 : i32
      %dma_start3A_1583 = arith.constant 384 : i32
      %dma_start3A_1584 = tpu.memref_slice %dma_start3A_1581[%dma_start3A_1582, %dma_start3A_1583] : memref<32x641xf32, #tpu.memory_space<vmem>> -> memref<8x128xf32, #tpu.memory_space<vmem>>
      %dma_start3A_1585 = arith.constant 0 : i32
      %dma_start3A_1586 = tpu.memref_slice %arg4[%mul3A_1576, %dma_start3A_1585] : memref<204800x128xf32, #tpu.memory_space<hbm>> -> memref<8x128xf32, #tpu.memory_space<hbm>>
      %dma_start3A_1587 = arith.constant 0 : i32
      %dma_start3A_1588 = tpu.memref_slice %arg4[%mul3A_1576, %dma_start3A_1587] : memref<204800x128xf32, #tpu.memory_space<hbm>> -> memref<8x128xf32, #tpu.memory_space<hbm>>
      %dma_start3A_1589 = arith.constant 0 : i32
      %dma_start3A_1590 = arith.constant 0 : i32
      %dma_start3A_1591 = tpu.memref_slice %arg7[%dma_start3A_1577, %dma_start3A_1589, %dma_start3A_1590] : memref<2x32x641xf32, #tpu.memory_space<vmem>> -> memref<1x32x641xf32, #tpu.memory_space<vmem>>
      %dma_start3A_1592 = tpu.memref_squeeze %dma_start3A_1591 : memref<1x32x641xf32, #tpu.memory_space<vmem>> -> memref<32x641xf32, #tpu.memory_space<vmem>>
      %dma_start3A_1593 = arith.constant 8 : i32
      %dma_start3A_1594 = arith.constant 384 : i32
      %dma_start3A_1595 = tpu.memref_slice %dma_start3A_1592[%dma_start3A_1593, %dma_start3A_1594] : memref<32x641xf32, #tpu.memory_space<vmem>> -> memref<8x128xf32, #tpu.memory_space<vmem>>
      tpu.enqueue_dma source(%dma_start3A_1595 : memref<8x128xf32, #tpu.memory_space<vmem>>) target(%dma_start3A_1588 : memref<8x128xf32, #tpu.memory_space<hbm>>) target_semaphore(%arg11 : memref<!tpu.dma_semaphore, #tpu.memory_space<semaphore_mem>>)
      %add3A_1596 = arith.constant 6400 : i32
      %add3A_1597 = arith.addi %add3A_1596, %select_n3A_1370 : i32
      %add3A_1598 = arith.constant 4 : i32
      %add3A_1599 = arith.addi %add3A_1597, %add3A_1598 : i32
      %mul3A_1600 = arith.constant 8 : i32
      %mul3A_1601 = arith.muli %mul3A_1600, %add3A_1599 : i32
      %dma_start3A_1602 = arith.constant 1 : i32
      %dma_start3A_1603 = arith.constant 0 : i32
      %dma_start3A_1604 = arith.constant 0 : i32
      %dma_start3A_1605 = tpu.memref_slice %arg7[%dma_start3A_1602, %dma_start3A_1603, %dma_start3A_1604] : memref<2x32x641xf32, #tpu.memory_space<vmem>> -> memref<1x32x641xf32, #tpu.memory_space<vmem>>
      %dma_start3A_1606 = tpu.memref_squeeze %dma_start3A_1605 : memref<1x32x641xf32, #tpu.memory_space<vmem>> -> memref<32x641xf32, #tpu.memory_space<vmem>>
      %dma_start3A_1607 = arith.constant 8 : i32
      %dma_start3A_1608 = arith.constant 512 : i32
      %dma_start3A_1609 = tpu.memref_slice %dma_start3A_1606[%dma_start3A_1607, %dma_start3A_1608] : memref<32x641xf32, #tpu.memory_space<vmem>> -> memref<8x128xf32, #tpu.memory_space<vmem>>
      %dma_start3A_1610 = arith.constant 0 : i32
      %dma_start3A_1611 = tpu.memref_slice %arg4[%mul3A_1601, %dma_start3A_1610] : memref<204800x128xf32, #tpu.memory_space<hbm>> -> memref<8x128xf32, #tpu.memory_space<hbm>>
      %dma_start3A_1612 = arith.constant 0 : i32
      %dma_start3A_1613 = tpu.memref_slice %arg4[%mul3A_1601, %dma_start3A_1612] : memref<204800x128xf32, #tpu.memory_space<hbm>> -> memref<8x128xf32, #tpu.memory_space<hbm>>
      %dma_start3A_1614 = arith.constant 0 : i32
      %dma_start3A_1615 = arith.constant 0 : i32
      %dma_start3A_1616 = tpu.memref_slice %arg7[%dma_start3A_1602, %dma_start3A_1614, %dma_start3A_1615] : memref<2x32x641xf32, #tpu.memory_space<vmem>> -> memref<1x32x641xf32, #tpu.memory_space<vmem>>
      %dma_start3A_1617 = tpu.memref_squeeze %dma_start3A_1616 : memref<1x32x641xf32, #tpu.memory_space<vmem>> -> memref<32x641xf32, #tpu.memory_space<vmem>>
      %dma_start3A_1618 = arith.constant 8 : i32
      %dma_start3A_1619 = arith.constant 512 : i32
      %dma_start3A_1620 = tpu.memref_slice %dma_start3A_1617[%dma_start3A_1618, %dma_start3A_1619] : memref<32x641xf32, #tpu.memory_space<vmem>> -> memref<8x128xf32, #tpu.memory_space<vmem>>
      tpu.enqueue_dma source(%dma_start3A_1620 : memref<8x128xf32, #tpu.memory_space<vmem>>) target(%dma_start3A_1613 : memref<8x128xf32, #tpu.memory_space<hbm>>) target_semaphore(%arg11 : memref<!tpu.dma_semaphore, #tpu.memory_space<semaphore_mem>>)
      %add3A_1621 = arith.constant 12800 : i32
      %add3A_1622 = arith.addi %add3A_1621, %select_n3A_1370 : i32
      %add3A_1623 = arith.constant 0 : i32
      %add3A_1624 = arith.addi %add3A_1622, %add3A_1623 : i32
      %mul3A_1625 = arith.constant 8 : i32
      %mul3A_1626 = arith.muli %mul3A_1625, %add3A_1624 : i32
      %dma_start3A_1627 = arith.constant 1 : i32
      %dma_start3A_1628 = arith.constant 0 : i32
      %dma_start3A_1629 = arith.constant 0 : i32
      %dma_start3A_1630 = tpu.memref_slice %arg7[%dma_start3A_1627, %dma_start3A_1628, %dma_start3A_1629] : memref<2x32x641xf32, #tpu.memory_space<vmem>> -> memref<1x32x641xf32, #tpu.memory_space<vmem>>
      %dma_start3A_1631 = tpu.memref_squeeze %dma_start3A_1630 : memref<1x32x641xf32, #tpu.memory_space<vmem>> -> memref<32x641xf32, #tpu.memory_space<vmem>>
      %dma_start3A_1632 = arith.constant 16 : i32
      %dma_start3A_1633 = arith.constant 0 : i32
      %dma_start3A_1634 = tpu.memref_slice %dma_start3A_1631[%dma_start3A_1632, %dma_start3A_1633] : memref<32x641xf32, #tpu.memory_space<vmem>> -> memref<8x128xf32, #tpu.memory_space<vmem>>
      %dma_start3A_1635 = arith.constant 0 : i32
      %dma_start3A_1636 = tpu.memref_slice %arg4[%mul3A_1626, %dma_start3A_1635] : memref<204800x128xf32, #tpu.memory_space<hbm>> -> memref<8x128xf32, #tpu.memory_space<hbm>>
      %dma_start3A_1637 = arith.constant 0 : i32
      %dma_start3A_1638 = tpu.memref_slice %arg4[%mul3A_1626, %dma_start3A_1637] : memref<204800x128xf32, #tpu.memory_space<hbm>> -> memref<8x128xf32, #tpu.memory_space<hbm>>
      %dma_start3A_1639 = arith.constant 0 : i32
      %dma_start3A_1640 = arith.constant 0 : i32
      %dma_start3A_1641 = tpu.memref_slice %arg7[%dma_start3A_1627, %dma_start3A_1639, %dma_start3A_1640] : memref<2x32x641xf32, #tpu.memory_space<vmem>> -> memref<1x32x641xf32, #tpu.memory_space<vmem>>
      %dma_start3A_1642 = tpu.memref_squeeze %dma_start3A_1641 : memref<1x32x641xf32, #tpu.memory_space<vmem>> -> memref<32x641xf32, #tpu.memory_space<vmem>>
      %dma_start3A_1643 = arith.constant 16 : i32
      %dma_start3A_1644 = arith.constant 0 : i32
      %dma_start3A_1645 = tpu.memref_slice %dma_start3A_1642[%dma_start3A_1643, %dma_start3A_1644] : memref<32x641xf32, #tpu.memory_space<vmem>> -> memref<8x128xf32, #tpu.memory_space<vmem>>
      tpu.enqueue_dma source(%dma_start3A_1645 : memref<8x128xf32, #tpu.memory_space<vmem>>) target(%dma_start3A_1638 : memref<8x128xf32, #tpu.memory_space<hbm>>) target_semaphore(%arg11 : memref<!tpu.dma_semaphore, #tpu.memory_space<semaphore_mem>>)
      %add3A_1646 = arith.constant 12800 : i32
      %add3A_1647 = arith.addi %add3A_1646, %select_n3A_1370 : i32
      %add3A_1648 = arith.constant 1 : i32
      %add3A_1649 = arith.addi %add3A_1647, %add3A_1648 : i32
      %mul3A_1650 = arith.constant 8 : i32
      %mul3A_1651 = arith.muli %mul3A_1650, %add3A_1649 : i32
      %dma_start3A_1652 = arith.constant 1 : i32
      %dma_start3A_1653 = arith.constant 0 : i32
      %dma_start3A_1654 = arith.constant 0 : i32
      %dma_start3A_1655 = tpu.memref_slice %arg7[%dma_start3A_1652, %dma_start3A_1653, %dma_start3A_1654] : memref<2x32x641xf32, #tpu.memory_space<vmem>> -> memref<1x32x641xf32, #tpu.memory_space<vmem>>
      %dma_start3A_1656 = tpu.memref_squeeze %dma_start3A_1655 : memref<1x32x641xf32, #tpu.memory_space<vmem>> -> memref<32x641xf32, #tpu.memory_space<vmem>>
      %dma_start3A_1657 = arith.constant 16 : i32
      %dma_start3A_1658 = arith.constant 128 : i32
      %dma_start3A_1659 = tpu.memref_slice %dma_start3A_1656[%dma_start3A_1657, %dma_start3A_1658] : memref<32x641xf32, #tpu.memory_space<vmem>> -> memref<8x128xf32, #tpu.memory_space<vmem>>
      %dma_start3A_1660 = arith.constant 0 : i32
      %dma_start3A_1661 = tpu.memref_slice %arg4[%mul3A_1651, %dma_start3A_1660] : memref<204800x128xf32, #tpu.memory_space<hbm>> -> memref<8x128xf32, #tpu.memory_space<hbm>>
      %dma_start3A_1662 = arith.constant 0 : i32
      %dma_start3A_1663 = tpu.memref_slice %arg4[%mul3A_1651, %dma_start3A_1662] : memref<204800x128xf32, #tpu.memory_space<hbm>> -> memref<8x128xf32, #tpu.memory_space<hbm>>
      %dma_start3A_1664 = arith.constant 0 : i32
      %dma_start3A_1665 = arith.constant 0 : i32
      %dma_start3A_1666 = tpu.memref_slice %arg7[%dma_start3A_1652, %dma_start3A_1664, %dma_start3A_1665] : memref<2x32x641xf32, #tpu.memory_space<vmem>> -> memref<1x32x641xf32, #tpu.memory_space<vmem>>
      %dma_start3A_1667 = tpu.memref_squeeze %dma_start3A_1666 : memref<1x32x641xf32, #tpu.memory_space<vmem>> -> memref<32x641xf32, #tpu.memory_space<vmem>>
      %dma_start3A_1668 = arith.constant 16 : i32
      %dma_start3A_1669 = arith.constant 128 : i32
      %dma_start3A_1670 = tpu.memref_slice %dma_start3A_1667[%dma_start3A_1668, %dma_start3A_1669] : memref<32x641xf32, #tpu.memory_space<vmem>> -> memref<8x128xf32, #tpu.memory_space<vmem>>
      tpu.enqueue_dma source(%dma_start3A_1670 : memref<8x128xf32, #tpu.memory_space<vmem>>) target(%dma_start3A_1663 : memref<8x128xf32, #tpu.memory_space<hbm>>) target_semaphore(%arg11 : memref<!tpu.dma_semaphore, #tpu.memory_space<semaphore_mem>>)
      %add3A_1671 = arith.constant 12800 : i32
      %add3A_1672 = arith.addi %add3A_1671, %select_n3A_1370 : i32
      %add3A_1673 = arith.constant 2 : i32
      %add3A_1674 = arith.addi %add3A_1672, %add3A_1673 : i32
      %mul3A_1675 = arith.constant 8 : i32
      %mul3A_1676 = arith.muli %mul3A_1675, %add3A_1674 : i32
      %dma_start3A_1677 = arith.constant 1 : i32
      %dma_start3A_1678 = arith.constant 0 : i32
      %dma_start3A_1679 = arith.constant 0 : i32
      %dma_start3A_1680 = tpu.memref_slice %arg7[%dma_start3A_1677, %dma_start3A_1678, %dma_start3A_1679] : memref<2x32x641xf32, #tpu.memory_space<vmem>> -> memref<1x32x641xf32, #tpu.memory_space<vmem>>
      %dma_start3A_1681 = tpu.memref_squeeze %dma_start3A_1680 : memref<1x32x641xf32, #tpu.memory_space<vmem>> -> memref<32x641xf32, #tpu.memory_space<vmem>>
      %dma_start3A_1682 = arith.constant 16 : i32
      %dma_start3A_1683 = arith.constant 256 : i32
      %dma_start3A_1684 = tpu.memref_slice %dma_start3A_1681[%dma_start3A_1682, %dma_start3A_1683] : memref<32x641xf32, #tpu.memory_space<vmem>> -> memref<8x128xf32, #tpu.memory_space<vmem>>
      %dma_start3A_1685 = arith.constant 0 : i32
      %dma_start3A_1686 = tpu.memref_slice %arg4[%mul3A_1676, %dma_start3A_1685] : memref<204800x128xf32, #tpu.memory_space<hbm>> -> memref<8x128xf32, #tpu.memory_space<hbm>>
      %dma_start3A_1687 = arith.constant 0 : i32
      %dma_start3A_1688 = tpu.memref_slice %arg4[%mul3A_1676, %dma_start3A_1687] : memref<204800x128xf32, #tpu.memory_space<hbm>> -> memref<8x128xf32, #tpu.memory_space<hbm>>
      %dma_start3A_1689 = arith.constant 0 : i32
      %dma_start3A_1690 = arith.constant 0 : i32
      %dma_start3A_1691 = tpu.memref_slice %arg7[%dma_start3A_1677, %dma_start3A_1689, %dma_start3A_1690] : memref<2x32x641xf32, #tpu.memory_space<vmem>> -> memref<1x32x641xf32, #tpu.memory_space<vmem>>
      %dma_start3A_1692 = tpu.memref_squeeze %dma_start3A_1691 : memref<1x32x641xf32, #tpu.memory_space<vmem>> -> memref<32x641xf32, #tpu.memory_space<vmem>>
      %dma_start3A_1693 = arith.constant 16 : i32
      %dma_start3A_1694 = arith.constant 256 : i32
      %dma_start3A_1695 = tpu.memref_slice %dma_start3A_1692[%dma_start3A_1693, %dma_start3A_1694] : memref<32x641xf32, #tpu.memory_space<vmem>> -> memref<8x128xf32, #tpu.memory_space<vmem>>
      tpu.enqueue_dma source(%dma_start3A_1695 : memref<8x128xf32, #tpu.memory_space<vmem>>) target(%dma_start3A_1688 : memref<8x128xf32, #tpu.memory_space<hbm>>) target_semaphore(%arg11 : memref<!tpu.dma_semaphore, #tpu.memory_space<semaphore_mem>>)
      %add3A_1696 = arith.constant 12800 : i32
      %add3A_1697 = arith.addi %add3A_1696, %select_n3A_1370 : i32
      %add3A_1698 = arith.constant 3 : i32
      %add3A_1699 = arith.addi %add3A_1697, %add3A_1698 : i32
      %mul3A_1700 = arith.constant 8 : i32
      %mul3A_1701 = arith.muli %mul3A_1700, %add3A_1699 : i32
      %dma_start3A_1702 = arith.constant 1 : i32
      %dma_start3A_1703 = arith.constant 0 : i32
      %dma_start3A_1704 = arith.constant 0 : i32
      %dma_start3A_1705 = tpu.memref_slice %arg7[%dma_start3A_1702, %dma_start3A_1703, %dma_start3A_1704] : memref<2x32x641xf32, #tpu.memory_space<vmem>> -> memref<1x32x641xf32, #tpu.memory_space<vmem>>
      %dma_start3A_1706 = tpu.memref_squeeze %dma_start3A_1705 : memref<1x32x641xf32, #tpu.memory_space<vmem>> -> memref<32x641xf32, #tpu.memory_space<vmem>>
      %dma_start3A_1707 = arith.constant 16 : i32
      %dma_start3A_1708 = arith.constant 384 : i32
      %dma_start3A_1709 = tpu.memref_slice %dma_start3A_1706[%dma_start3A_1707, %dma_start3A_1708] : memref<32x641xf32, #tpu.memory_space<vmem>> -> memref<8x128xf32, #tpu.memory_space<vmem>>
      %dma_start3A_1710 = arith.constant 0 : i32
      %dma_start3A_1711 = tpu.memref_slice %arg4[%mul3A_1701, %dma_start3A_1710] : memref<204800x128xf32, #tpu.memory_space<hbm>> -> memref<8x128xf32, #tpu.memory_space<hbm>>
      %dma_start3A_1712 = arith.constant 0 : i32
      %dma_start3A_1713 = tpu.memref_slice %arg4[%mul3A_1701, %dma_start3A_1712] : memref<204800x128xf32, #tpu.memory_space<hbm>> -> memref<8x128xf32, #tpu.memory_space<hbm>>
      %dma_start3A_1714 = arith.constant 0 : i32
      %dma_start3A_1715 = arith.constant 0 : i32
      %dma_start3A_1716 = tpu.memref_slice %arg7[%dma_start3A_1702, %dma_start3A_1714, %dma_start3A_1715] : memref<2x32x641xf32, #tpu.memory_space<vmem>> -> memref<1x32x641xf32, #tpu.memory_space<vmem>>
      %dma_start3A_1717 = tpu.memref_squeeze %dma_start3A_1716 : memref<1x32x641xf32, #tpu.memory_space<vmem>> -> memref<32x641xf32, #tpu.memory_space<vmem>>
      %dma_start3A_1718 = arith.constant 16 : i32
      %dma_start3A_1719 = arith.constant 384 : i32
      %dma_start3A_1720 = tpu.memref_slice %dma_start3A_1717[%dma_start3A_1718, %dma_start3A_1719] : memref<32x641xf32, #tpu.memory_space<vmem>> -> memref<8x128xf32, #tpu.memory_space<vmem>>
      tpu.enqueue_dma source(%dma_start3A_1720 : memref<8x128xf32, #tpu.memory_space<vmem>>) target(%dma_start3A_1713 : memref<8x128xf32, #tpu.memory_space<hbm>>) target_semaphore(%arg11 : memref<!tpu.dma_semaphore, #tpu.memory_space<semaphore_mem>>)
      %add3A_1721 = arith.constant 12800 : i32
      %add3A_1722 = arith.addi %add3A_1721, %select_n3A_1370 : i32
      %add3A_1723 = arith.constant 4 : i32
      %add3A_1724 = arith.addi %add3A_1722, %add3A_1723 : i32
      %mul3A_1725 = arith.constant 8 : i32
      %mul3A_1726 = arith.muli %mul3A_1725, %add3A_1724 : i32
      %dma_start3A_1727 = arith.constant 1 : i32
      %dma_start3A_1728 = arith.constant 0 : i32
      %dma_start3A_1729 = arith.constant 0 : i32
      %dma_start3A_1730 = tpu.memref_slice %arg7[%dma_start3A_1727, %dma_start3A_1728, %dma_start3A_1729] : memref<2x32x641xf32, #tpu.memory_space<vmem>> -> memref<1x32x641xf32, #tpu.memory_space<vmem>>
      %dma_start3A_1731 = tpu.memref_squeeze %dma_start3A_1730 : memref<1x32x641xf32, #tpu.memory_space<vmem>> -> memref<32x641xf32, #tpu.memory_space<vmem>>
      %dma_start3A_1732 = arith.constant 16 : i32
      %dma_start3A_1733 = arith.constant 512 : i32
      %dma_start3A_1734 = tpu.memref_slice %dma_start3A_1731[%dma_start3A_1732, %dma_start3A_1733] : memref<32x641xf32, #tpu.memory_space<vmem>> -> memref<8x128xf32, #tpu.memory_space<vmem>>
      %dma_start3A_1735 = arith.constant 0 : i32
      %dma_start3A_1736 = tpu.memref_slice %arg4[%mul3A_1726, %dma_start3A_1735] : memref<204800x128xf32, #tpu.memory_space<hbm>> -> memref<8x128xf32, #tpu.memory_space<hbm>>
      %dma_start3A_1737 = arith.constant 0 : i32
      %dma_start3A_1738 = tpu.memref_slice %arg4[%mul3A_1726, %dma_start3A_1737] : memref<204800x128xf32, #tpu.memory_space<hbm>> -> memref<8x128xf32, #tpu.memory_space<hbm>>
      %dma_start3A_1739 = arith.constant 0 : i32
      %dma_start3A_1740 = arith.constant 0 : i32
      %dma_start3A_1741 = tpu.memref_slice %arg7[%dma_start3A_1727, %dma_start3A_1739, %dma_start3A_1740] : memref<2x32x641xf32, #tpu.memory_space<vmem>> -> memref<1x32x641xf32, #tpu.memory_space<vmem>>
      %dma_start3A_1742 = tpu.memref_squeeze %dma_start3A_1741 : memref<1x32x641xf32, #tpu.memory_space<vmem>> -> memref<32x641xf32, #tpu.memory_space<vmem>>
      %dma_start3A_1743 = arith.constant 16 : i32
      %dma_start3A_1744 = arith.constant 512 : i32
      %dma_start3A_1745 = tpu.memref_slice %dma_start3A_1742[%dma_start3A_1743, %dma_start3A_1744] : memref<32x641xf32, #tpu.memory_space<vmem>> -> memref<8x128xf32, #tpu.memory_space<vmem>>
      tpu.enqueue_dma source(%dma_start3A_1745 : memref<8x128xf32, #tpu.memory_space<vmem>>) target(%dma_start3A_1738 : memref<8x128xf32, #tpu.memory_space<hbm>>) target_semaphore(%arg11 : memref<!tpu.dma_semaphore, #tpu.memory_space<semaphore_mem>>)
      %add3A_1746 = arith.constant 19200 : i32
      %add3A_1747 = arith.addi %add3A_1746, %select_n3A_1370 : i32
      %add3A_1748 = arith.constant 0 : i32
      %add3A_1749 = arith.addi %add3A_1747, %add3A_1748 : i32
      %mul3A_1750 = arith.constant 8 : i32
      %mul3A_1751 = arith.muli %mul3A_1750, %add3A_1749 : i32
      %dma_start3A_1752 = arith.constant 1 : i32
      %dma_start3A_1753 = arith.constant 0 : i32
      %dma_start3A_1754 = arith.constant 0 : i32
      %dma_start3A_1755 = tpu.memref_slice %arg7[%dma_start3A_1752, %dma_start3A_1753, %dma_start3A_1754] : memref<2x32x641xf32, #tpu.memory_space<vmem>> -> memref<1x32x641xf32, #tpu.memory_space<vmem>>
      %dma_start3A_1756 = tpu.memref_squeeze %dma_start3A_1755 : memref<1x32x641xf32, #tpu.memory_space<vmem>> -> memref<32x641xf32, #tpu.memory_space<vmem>>
      %dma_start3A_1757 = arith.constant 24 : i32
      %dma_start3A_1758 = arith.constant 0 : i32
      %dma_start3A_1759 = tpu.memref_slice %dma_start3A_1756[%dma_start3A_1757, %dma_start3A_1758] : memref<32x641xf32, #tpu.memory_space<vmem>> -> memref<8x128xf32, #tpu.memory_space<vmem>>
      %dma_start3A_1760 = arith.constant 0 : i32
      %dma_start3A_1761 = tpu.memref_slice %arg4[%mul3A_1751, %dma_start3A_1760] : memref<204800x128xf32, #tpu.memory_space<hbm>> -> memref<8x128xf32, #tpu.memory_space<hbm>>
      %dma_start3A_1762 = arith.constant 0 : i32
      %dma_start3A_1763 = tpu.memref_slice %arg4[%mul3A_1751, %dma_start3A_1762] : memref<204800x128xf32, #tpu.memory_space<hbm>> -> memref<8x128xf32, #tpu.memory_space<hbm>>
      %dma_start3A_1764 = arith.constant 0 : i32
      %dma_start3A_1765 = arith.constant 0 : i32
      %dma_start3A_1766 = tpu.memref_slice %arg7[%dma_start3A_1752, %dma_start3A_1764, %dma_start3A_1765] : memref<2x32x641xf32, #tpu.memory_space<vmem>> -> memref<1x32x641xf32, #tpu.memory_space<vmem>>
      %dma_start3A_1767 = tpu.memref_squeeze %dma_start3A_1766 : memref<1x32x641xf32, #tpu.memory_space<vmem>> -> memref<32x641xf32, #tpu.memory_space<vmem>>
      %dma_start3A_1768 = arith.constant 24 : i32
      %dma_start3A_1769 = arith.constant 0 : i32
      %dma_start3A_1770 = tpu.memref_slice %dma_start3A_1767[%dma_start3A_1768, %dma_start3A_1769] : memref<32x641xf32, #tpu.memory_space<vmem>> -> memref<8x128xf32, #tpu.memory_space<vmem>>
      tpu.enqueue_dma source(%dma_start3A_1770 : memref<8x128xf32, #tpu.memory_space<vmem>>) target(%dma_start3A_1763 : memref<8x128xf32, #tpu.memory_space<hbm>>) target_semaphore(%arg11 : memref<!tpu.dma_semaphore, #tpu.memory_space<semaphore_mem>>)
      %add3A_1771 = arith.constant 19200 : i32
      %add3A_1772 = arith.addi %add3A_1771, %select_n3A_1370 : i32
      %add3A_1773 = arith.constant 1 : i32
      %add3A_1774 = arith.addi %add3A_1772, %add3A_1773 : i32
      %mul3A_1775 = arith.constant 8 : i32
      %mul3A_1776 = arith.muli %mul3A_1775, %add3A_1774 : i32
      %dma_start3A_1777 = arith.constant 1 : i32
      %dma_start3A_1778 = arith.constant 0 : i32
      %dma_start3A_1779 = arith.constant 0 : i32
      %dma_start3A_1780 = tpu.memref_slice %arg7[%dma_start3A_1777, %dma_start3A_1778, %dma_start3A_1779] : memref<2x32x641xf32, #tpu.memory_space<vmem>> -> memref<1x32x641xf32, #tpu.memory_space<vmem>>
      %dma_start3A_1781 = tpu.memref_squeeze %dma_start3A_1780 : memref<1x32x641xf32, #tpu.memory_space<vmem>> -> memref<32x641xf32, #tpu.memory_space<vmem>>
      %dma_start3A_1782 = arith.constant 24 : i32
      %dma_start3A_1783 = arith.constant 128 : i32
      %dma_start3A_1784 = tpu.memref_slice %dma_start3A_1781[%dma_start3A_1782, %dma_start3A_1783] : memref<32x641xf32, #tpu.memory_space<vmem>> -> memref<8x128xf32, #tpu.memory_space<vmem>>
      %dma_start3A_1785 = arith.constant 0 : i32
      %dma_start3A_1786 = tpu.memref_slice %arg4[%mul3A_1776, %dma_start3A_1785] : memref<204800x128xf32, #tpu.memory_space<hbm>> -> memref<8x128xf32, #tpu.memory_space<hbm>>
      %dma_start3A_1787 = arith.constant 0 : i32
      %dma_start3A_1788 = tpu.memref_slice %arg4[%mul3A_1776, %dma_start3A_1787] : memref<204800x128xf32, #tpu.memory_space<hbm>> -> memref<8x128xf32, #tpu.memory_space<hbm>>
      %dma_start3A_1789 = arith.constant 0 : i32
      %dma_start3A_1790 = arith.constant 0 : i32
      %dma_start3A_1791 = tpu.memref_slice %arg7[%dma_start3A_1777, %dma_start3A_1789, %dma_start3A_1790] : memref<2x32x641xf32, #tpu.memory_space<vmem>> -> memref<1x32x641xf32, #tpu.memory_space<vmem>>
      %dma_start3A_1792 = tpu.memref_squeeze %dma_start3A_1791 : memref<1x32x641xf32, #tpu.memory_space<vmem>> -> memref<32x641xf32, #tpu.memory_space<vmem>>
      %dma_start3A_1793 = arith.constant 24 : i32
      %dma_start3A_1794 = arith.constant 128 : i32
      %dma_start3A_1795 = tpu.memref_slice %dma_start3A_1792[%dma_start3A_1793, %dma_start3A_1794] : memref<32x641xf32, #tpu.memory_space<vmem>> -> memref<8x128xf32, #tpu.memory_space<vmem>>
      tpu.enqueue_dma source(%dma_start3A_1795 : memref<8x128xf32, #tpu.memory_space<vmem>>) target(%dma_start3A_1788 : memref<8x128xf32, #tpu.memory_space<hbm>>) target_semaphore(%arg11 : memref<!tpu.dma_semaphore, #tpu.memory_space<semaphore_mem>>)
      %add3A_1796 = arith.constant 19200 : i32
      %add3A_1797 = arith.addi %add3A_1796, %select_n3A_1370 : i32
      %add3A_1798 = arith.constant 2 : i32
      %add3A_1799 = arith.addi %add3A_1797, %add3A_1798 : i32
      %mul3A_1800 = arith.constant 8 : i32
      %mul3A_1801 = arith.muli %mul3A_1800, %add3A_1799 : i32
      %dma_start3A_1802 = arith.constant 1 : i32
      %dma_start3A_1803 = arith.constant 0 : i32
      %dma_start3A_1804 = arith.constant 0 : i32
      %dma_start3A_1805 = tpu.memref_slice %arg7[%dma_start3A_1802, %dma_start3A_1803, %dma_start3A_1804] : memref<2x32x641xf32, #tpu.memory_space<vmem>> -> memref<1x32x641xf32, #tpu.memory_space<vmem>>
      %dma_start3A_1806 = tpu.memref_squeeze %dma_start3A_1805 : memref<1x32x641xf32, #tpu.memory_space<vmem>> -> memref<32x641xf32, #tpu.memory_space<vmem>>
      %dma_start3A_1807 = arith.constant 24 : i32
      %dma_start3A_1808 = arith.constant 256 : i32
      %dma_start3A_1809 = tpu.memref_slice %dma_start3A_1806[%dma_start3A_1807, %dma_start3A_1808] : memref<32x641xf32, #tpu.memory_space<vmem>> -> memref<8x128xf32, #tpu.memory_space<vmem>>
      %dma_start3A_1810 = arith.constant 0 : i32
      %dma_start3A_1811 = tpu.memref_slice %arg4[%mul3A_1801, %dma_start3A_1810] : memref<204800x128xf32, #tpu.memory_space<hbm>> -> memref<8x128xf32, #tpu.memory_space<hbm>>
      %dma_start3A_1812 = arith.constant 0 : i32
      %dma_start3A_1813 = tpu.memref_slice %arg4[%mul3A_1801, %dma_start3A_1812] : memref<204800x128xf32, #tpu.memory_space<hbm>> -> memref<8x128xf32, #tpu.memory_space<hbm>>
      %dma_start3A_1814 = arith.constant 0 : i32
      %dma_start3A_1815 = arith.constant 0 : i32
      %dma_start3A_1816 = tpu.memref_slice %arg7[%dma_start3A_1802, %dma_start3A_1814, %dma_start3A_1815] : memref<2x32x641xf32, #tpu.memory_space<vmem>> -> memref<1x32x641xf32, #tpu.memory_space<vmem>>
      %dma_start3A_1817 = tpu.memref_squeeze %dma_start3A_1816 : memref<1x32x641xf32, #tpu.memory_space<vmem>> -> memref<32x641xf32, #tpu.memory_space<vmem>>
      %dma_start3A_1818 = arith.constant 24 : i32
      %dma_start3A_1819 = arith.constant 256 : i32
      %dma_start3A_1820 = tpu.memref_slice %dma_start3A_1817[%dma_start3A_1818, %dma_start3A_1819] : memref<32x641xf32, #tpu.memory_space<vmem>> -> memref<8x128xf32, #tpu.memory_space<vmem>>
      tpu.enqueue_dma source(%dma_start3A_1820 : memref<8x128xf32, #tpu.memory_space<vmem>>) target(%dma_start3A_1813 : memref<8x128xf32, #tpu.memory_space<hbm>>) target_semaphore(%arg11 : memref<!tpu.dma_semaphore, #tpu.memory_space<semaphore_mem>>)
      %add3A_1821 = arith.constant 19200 : i32
      %add3A_1822 = arith.addi %add3A_1821, %select_n3A_1370 : i32
      %add3A_1823 = arith.constant 3 : i32
      %add3A_1824 = arith.addi %add3A_1822, %add3A_1823 : i32
      %mul3A_1825 = arith.constant 8 : i32
      %mul3A_1826 = arith.muli %mul3A_1825, %add3A_1824 : i32
      %dma_start3A_1827 = arith.constant 1 : i32
      %dma_start3A_1828 = arith.constant 0 : i32
      %dma_start3A_1829 = arith.constant 0 : i32
      %dma_start3A_1830 = tpu.memref_slice %arg7[%dma_start3A_1827, %dma_start3A_1828, %dma_start3A_1829] : memref<2x32x641xf32, #tpu.memory_space<vmem>> -> memref<1x32x641xf32, #tpu.memory_space<vmem>>
      %dma_start3A_1831 = tpu.memref_squeeze %dma_start3A_1830 : memref<1x32x641xf32, #tpu.memory_space<vmem>> -> memref<32x641xf32, #tpu.memory_space<vmem>>
      %dma_start3A_1832 = arith.constant 24 : i32
      %dma_start3A_1833 = arith.constant 384 : i32
      %dma_start3A_1834 = tpu.memref_slice %dma_start3A_1831[%dma_start3A_1832, %dma_start3A_1833] : memref<32x641xf32, #tpu.memory_space<vmem>> -> memref<8x128xf32, #tpu.memory_space<vmem>>
      %dma_start3A_1835 = arith.constant 0 : i32
      %dma_start3A_1836 = tpu.memref_slice %arg4[%mul3A_1826, %dma_start3A_1835] : memref<204800x128xf32, #tpu.memory_space<hbm>> -> memref<8x128xf32, #tpu.memory_space<hbm>>
      %dma_start3A_1837 = arith.constant 0 : i32
      %dma_start3A_1838 = tpu.memref_slice %arg4[%mul3A_1826, %dma_start3A_1837] : memref<204800x128xf32, #tpu.memory_space<hbm>> -> memref<8x128xf32, #tpu.memory_space<hbm>>
      %dma_start3A_1839 = arith.constant 0 : i32
      %dma_start3A_1840 = arith.constant 0 : i32
      %dma_start3A_1841 = tpu.memref_slice %arg7[%dma_start3A_1827, %dma_start3A_1839, %dma_start3A_1840] : memref<2x32x641xf32, #tpu.memory_space<vmem>> -> memref<1x32x641xf32, #tpu.memory_space<vmem>>
      %dma_start3A_1842 = tpu.memref_squeeze %dma_start3A_1841 : memref<1x32x641xf32, #tpu.memory_space<vmem>> -> memref<32x641xf32, #tpu.memory_space<vmem>>
      %dma_start3A_1843 = arith.constant 24 : i32
      %dma_start3A_1844 = arith.constant 384 : i32
      %dma_start3A_1845 = tpu.memref_slice %dma_start3A_1842[%dma_start3A_1843, %dma_start3A_1844] : memref<32x641xf32, #tpu.memory_space<vmem>> -> memref<8x128xf32, #tpu.memory_space<vmem>>
      tpu.enqueue_dma source(%dma_start3A_1845 : memref<8x128xf32, #tpu.memory_space<vmem>>) target(%dma_start3A_1838 : memref<8x128xf32, #tpu.memory_space<hbm>>) target_semaphore(%arg11 : memref<!tpu.dma_semaphore, #tpu.memory_space<semaphore_mem>>)
      %add3A_1846 = arith.constant 19200 : i32
      %add3A_1847 = arith.addi %add3A_1846, %select_n3A_1370 : i32
      %add3A_1848 = arith.constant 4 : i32
      %add3A_1849 = arith.addi %add3A_1847, %add3A_1848 : i32
      %mul3A_1850 = arith.constant 8 : i32
      %mul3A_1851 = arith.muli %mul3A_1850, %add3A_1849 : i32
      %dma_start3A_1852 = arith.constant 1 : i32
      %dma_start3A_1853 = arith.constant 0 : i32
      %dma_start3A_1854 = arith.constant 0 : i32
      %dma_start3A_1855 = tpu.memref_slice %arg7[%dma_start3A_1852, %dma_start3A_1853, %dma_start3A_1854] : memref<2x32x641xf32, #tpu.memory_space<vmem>> -> memref<1x32x641xf32, #tpu.memory_space<vmem>>
      %dma_start3A_1856 = tpu.memref_squeeze %dma_start3A_1855 : memref<1x32x641xf32, #tpu.memory_space<vmem>> -> memref<32x641xf32, #tpu.memory_space<vmem>>
      %dma_start3A_1857 = arith.constant 24 : i32
      %dma_start3A_1858 = arith.constant 512 : i32
      %dma_start3A_1859 = tpu.memref_slice %dma_start3A_1856[%dma_start3A_1857, %dma_start3A_1858] : memref<32x641xf32, #tpu.memory_space<vmem>> -> memref<8x128xf32, #tpu.memory_space<vmem>>
      %dma_start3A_1860 = arith.constant 0 : i32
      %dma_start3A_1861 = tpu.memref_slice %arg4[%mul3A_1851, %dma_start3A_1860] : memref<204800x128xf32, #tpu.memory_space<hbm>> -> memref<8x128xf32, #tpu.memory_space<hbm>>
      %dma_start3A_1862 = arith.constant 0 : i32
      %dma_start3A_1863 = tpu.memref_slice %arg4[%mul3A_1851, %dma_start3A_1862] : memref<204800x128xf32, #tpu.memory_space<hbm>> -> memref<8x128xf32, #tpu.memory_space<hbm>>
      %dma_start3A_1864 = arith.constant 0 : i32
      %dma_start3A_1865 = arith.constant 0 : i32
      %dma_start3A_1866 = tpu.memref_slice %arg7[%dma_start3A_1852, %dma_start3A_1864, %dma_start3A_1865] : memref<2x32x641xf32, #tpu.memory_space<vmem>> -> memref<1x32x641xf32, #tpu.memory_space<vmem>>
      %dma_start3A_1867 = tpu.memref_squeeze %dma_start3A_1866 : memref<1x32x641xf32, #tpu.memory_space<vmem>> -> memref<32x641xf32, #tpu.memory_space<vmem>>
      %dma_start3A_1868 = arith.constant 24 : i32
      %dma_start3A_1869 = arith.constant 512 : i32
      %dma_start3A_1870 = tpu.memref_slice %dma_start3A_1867[%dma_start3A_1868, %dma_start3A_1869] : memref<32x641xf32, #tpu.memory_space<vmem>> -> memref<8x128xf32, #tpu.memory_space<vmem>>
      tpu.enqueue_dma source(%dma_start3A_1870 : memref<8x128xf32, #tpu.memory_space<vmem>>) target(%dma_start3A_1863 : memref<8x128xf32, #tpu.memory_space<hbm>>) target_semaphore(%arg11 : memref<!tpu.dma_semaphore, #tpu.memory_space<semaphore_mem>>)
    }
    %scan3A_95 = arith.constant 20 : i32
    %add3A_96 = arith.constant 24960 : i32
    %add3A_97 = arith.addi %mul3A_2, %add3A_96 : i32
    %jit3A = arith.constant 128 : i32
    %div3A = arith.divsi %add3A_97, %jit3A : i32
    %sign3A = arith.constant 0 : i32
    %sign3A_98 = arith.cmpi sgt, %add3A_97, %sign3A : i32
    %sign3A_99 = arith.extui %sign3A_98 : i1 to i32
    %sign3A_100 = arith.constant 0 : i32
    %sign3A_101 = arith.cmpi slt, %add3A_97, %sign3A_100 : i32
    %sign3A_102 = arith.extui %sign3A_101 : i1 to i32
    %sign3A_103 = arith.subi %sign3A_99, %sign3A_102 : i32
    %sign3A_104 = arith.constant 0 : i32
    %sign3A_105 = arith.cmpi sgt, %jit3A, %sign3A_104 : i32
    %sign3A_106 = arith.extui %sign3A_105 : i1 to i32
    %sign3A_107 = arith.constant 0 : i32
    %sign3A_108 = arith.cmpi slt, %jit3A, %sign3A_107 : i32
    %sign3A_109 = arith.extui %sign3A_108 : i1 to i32
    %sign3A_110 = arith.subi %sign3A_106, %sign3A_109 : i32
    %ne3A = arith.cmpi ne, %sign3A_103, %sign3A_110 : i32
    %rem3A = arith.remsi %add3A_97, %jit3A : i32
    %ne3A_111 = arith.constant 0 : i32
    %ne3A_112 = arith.cmpi ne, %rem3A, %ne3A_111 : i32
    %and3A = arith.andi %ne3A, %ne3A_112 : i1
    %sub3A = arith.constant 1 : i32
    %sub3A_113 = arith.subi %div3A, %sub3A : i32
    %select_n3A = arith.select %and3A, %sub3A_113, %div3A : i32
    %add3A_114 = arith.constant 0 : i32
    %add3A_115 = arith.addi %add3A_114, %select_n3A : i32
    %add3A_116 = arith.constant 0 : i32
    %add3A_117 = arith.addi %add3A_115, %add3A_116 : i32
    %mul3A_118 = arith.constant 8 : i32
    %mul3A_119 = arith.muli %mul3A_118, %add3A_117 : i32
    %dma_wait3A = arith.constant 1 : i32
    %dma_wait3A_120 = arith.constant 0 : i32
    %dma_wait3A_121 = arith.constant 0 : i32
    %dma_wait3A_122 = tpu.memref_slice %arg7[%dma_wait3A, %dma_wait3A_120, %dma_wait3A_121] : memref<2x32x641xf32, #tpu.memory_space<vmem>> -> memref<1x32x641xf32, #tpu.memory_space<vmem>>
    %dma_wait3A_123 = tpu.memref_squeeze %dma_wait3A_122 : memref<1x32x641xf32, #tpu.memory_space<vmem>> -> memref<32x641xf32, #tpu.memory_space<vmem>>
    %dma_wait3A_124 = arith.constant 0 : i32
    %dma_wait3A_125 = arith.constant 0 : i32
    %dma_wait3A_126 = tpu.memref_slice %dma_wait3A_123[%dma_wait3A_124, %dma_wait3A_125] : memref<32x641xf32, #tpu.memory_space<vmem>> -> memref<8x128xf32, #tpu.memory_space<vmem>>
    %dma_wait3A_127 = arith.constant 0 : i32
    %dma_wait3A_128 = tpu.memref_slice %arg4[%mul3A_119, %dma_wait3A_127] : memref<204800x128xf32, #tpu.memory_space<hbm>> -> memref<8x128xf32, #tpu.memory_space<hbm>>
    %dma_wait3A_129 = arith.constant 0 : i32
    %dma_wait3A_130 = tpu.memref_slice %arg4[%mul3A_119, %dma_wait3A_129] : memref<204800x128xf32, #tpu.memory_space<hbm>> -> memref<8x128xf32, #tpu.memory_space<hbm>>
    %dma_wait3A_131 = arith.constant 0 : i32
    %dma_wait3A_132 = arith.constant 0 : i32
    %dma_wait3A_133 = tpu.memref_slice %arg7[%dma_wait3A, %dma_wait3A_131, %dma_wait3A_132] : memref<2x32x641xf32, #tpu.memory_space<vmem>> -> memref<1x32x641xf32, #tpu.memory_space<vmem>>
    %dma_wait3A_134 = tpu.memref_squeeze %dma_wait3A_133 : memref<1x32x641xf32, #tpu.memory_space<vmem>> -> memref<32x641xf32, #tpu.memory_space<vmem>>
    %dma_wait3A_135 = arith.constant 0 : i32
    %dma_wait3A_136 = arith.constant 0 : i32
    %dma_wait3A_137 = tpu.memref_slice %dma_wait3A_134[%dma_wait3A_135, %dma_wait3A_136] : memref<32x641xf32, #tpu.memory_space<vmem>> -> memref<8x128xf32, #tpu.memory_space<vmem>>
    tpu.wait_dma2 semaphore(%arg11 : memref<!tpu.dma_semaphore, #tpu.memory_space<semaphore_mem>>) src(%dma_wait3A_137 : memref<8x128xf32, #tpu.memory_space<vmem>>) dst(%dma_wait3A_130 : memref<8x128xf32, #tpu.memory_space<hbm>>)
    %add3A_138 = arith.constant 0 : i32
    %add3A_139 = arith.addi %add3A_138, %select_n3A : i32
    %add3A_140 = arith.constant 1 : i32
    %add3A_141 = arith.addi %add3A_139, %add3A_140 : i32
    %mul3A_142 = arith.constant 8 : i32
    %mul3A_143 = arith.muli %mul3A_142, %add3A_141 : i32
    %dma_wait3A_144 = arith.constant 1 : i32
    %dma_wait3A_145 = arith.constant 0 : i32
    %dma_wait3A_146 = arith.constant 0 : i32
    %dma_wait3A_147 = tpu.memref_slice %arg7[%dma_wait3A_144, %dma_wait3A_145, %dma_wait3A_146] : memref<2x32x641xf32, #tpu.memory_space<vmem>> -> memref<1x32x641xf32, #tpu.memory_space<vmem>>
    %dma_wait3A_148 = tpu.memref_squeeze %dma_wait3A_147 : memref<1x32x641xf32, #tpu.memory_space<vmem>> -> memref<32x641xf32, #tpu.memory_space<vmem>>
    %dma_wait3A_149 = arith.constant 0 : i32
    %dma_wait3A_150 = arith.constant 128 : i32
    %dma_wait3A_151 = tpu.memref_slice %dma_wait3A_148[%dma_wait3A_149, %dma_wait3A_150] : memref<32x641xf32, #tpu.memory_space<vmem>> -> memref<8x128xf32, #tpu.memory_space<vmem>>
    %dma_wait3A_152 = arith.constant 0 : i32
    %dma_wait3A_153 = tpu.memref_slice %arg4[%mul3A_143, %dma_wait3A_152] : memref<204800x128xf32, #tpu.memory_space<hbm>> -> memref<8x128xf32, #tpu.memory_space<hbm>>
    %dma_wait3A_154 = arith.constant 0 : i32
    %dma_wait3A_155 = tpu.memref_slice %arg4[%mul3A_143, %dma_wait3A_154] : memref<204800x128xf32, #tpu.memory_space<hbm>> -> memref<8x128xf32, #tpu.memory_space<hbm>>
    %dma_wait3A_156 = arith.constant 0 : i32
    %dma_wait3A_157 = arith.constant 0 : i32
    %dma_wait3A_158 = tpu.memref_slice %arg7[%dma_wait3A_144, %dma_wait3A_156, %dma_wait3A_157] : memref<2x32x641xf32, #tpu.memory_space<vmem>> -> memref<1x32x641xf32, #tpu.memory_space<vmem>>
    %dma_wait3A_159 = tpu.memref_squeeze %dma_wait3A_158 : memref<1x32x641xf32, #tpu.memory_space<vmem>> -> memref<32x641xf32, #tpu.memory_space<vmem>>
    %dma_wait3A_160 = arith.constant 0 : i32
    %dma_wait3A_161 = arith.constant 128 : i32
    %dma_wait3A_162 = tpu.memref_slice %dma_wait3A_159[%dma_wait3A_160, %dma_wait3A_161] : memref<32x641xf32, #tpu.memory_space<vmem>> -> memref<8x128xf32, #tpu.memory_space<vmem>>
    tpu.wait_dma2 semaphore(%arg11 : memref<!tpu.dma_semaphore, #tpu.memory_space<semaphore_mem>>) src(%dma_wait3A_162 : memref<8x128xf32, #tpu.memory_space<vmem>>) dst(%dma_wait3A_155 : memref<8x128xf32, #tpu.memory_space<hbm>>)
    %add3A_163 = arith.constant 0 : i32
    %add3A_164 = arith.addi %add3A_163, %select_n3A : i32
    %add3A_165 = arith.constant 2 : i32
    %add3A_166 = arith.addi %add3A_164, %add3A_165 : i32
    %mul3A_167 = arith.constant 8 : i32
    %mul3A_168 = arith.muli %mul3A_167, %add3A_166 : i32
    %dma_wait3A_169 = arith.constant 1 : i32
    %dma_wait3A_170 = arith.constant 0 : i32
    %dma_wait3A_171 = arith.constant 0 : i32
    %dma_wait3A_172 = tpu.memref_slice %arg7[%dma_wait3A_169, %dma_wait3A_170, %dma_wait3A_171] : memref<2x32x641xf32, #tpu.memory_space<vmem>> -> memref<1x32x641xf32, #tpu.memory_space<vmem>>
    %dma_wait3A_173 = tpu.memref_squeeze %dma_wait3A_172 : memref<1x32x641xf32, #tpu.memory_space<vmem>> -> memref<32x641xf32, #tpu.memory_space<vmem>>
    %dma_wait3A_174 = arith.constant 0 : i32
    %dma_wait3A_175 = arith.constant 256 : i32
    %dma_wait3A_176 = tpu.memref_slice %dma_wait3A_173[%dma_wait3A_174, %dma_wait3A_175] : memref<32x641xf32, #tpu.memory_space<vmem>> -> memref<8x128xf32, #tpu.memory_space<vmem>>
    %dma_wait3A_177 = arith.constant 0 : i32
    %dma_wait3A_178 = tpu.memref_slice %arg4[%mul3A_168, %dma_wait3A_177] : memref<204800x128xf32, #tpu.memory_space<hbm>> -> memref<8x128xf32, #tpu.memory_space<hbm>>
    %dma_wait3A_179 = arith.constant 0 : i32
    %dma_wait3A_180 = tpu.memref_slice %arg4[%mul3A_168, %dma_wait3A_179] : memref<204800x128xf32, #tpu.memory_space<hbm>> -> memref<8x128xf32, #tpu.memory_space<hbm>>
    %dma_wait3A_181 = arith.constant 0 : i32
    %dma_wait3A_182 = arith.constant 0 : i32
    %dma_wait3A_183 = tpu.memref_slice %arg7[%dma_wait3A_169, %dma_wait3A_181, %dma_wait3A_182] : memref<2x32x641xf32, #tpu.memory_space<vmem>> -> memref<1x32x641xf32, #tpu.memory_space<vmem>>
    %dma_wait3A_184 = tpu.memref_squeeze %dma_wait3A_183 : memref<1x32x641xf32, #tpu.memory_space<vmem>> -> memref<32x641xf32, #tpu.memory_space<vmem>>
    %dma_wait3A_185 = arith.constant 0 : i32
    %dma_wait3A_186 = arith.constant 256 : i32
    %dma_wait3A_187 = tpu.memref_slice %dma_wait3A_184[%dma_wait3A_185, %dma_wait3A_186] : memref<32x641xf32, #tpu.memory_space<vmem>> -> memref<8x128xf32, #tpu.memory_space<vmem>>
    tpu.wait_dma2 semaphore(%arg11 : memref<!tpu.dma_semaphore, #tpu.memory_space<semaphore_mem>>) src(%dma_wait3A_187 : memref<8x128xf32, #tpu.memory_space<vmem>>) dst(%dma_wait3A_180 : memref<8x128xf32, #tpu.memory_space<hbm>>)
    %add3A_188 = arith.constant 0 : i32
    %add3A_189 = arith.addi %add3A_188, %select_n3A : i32
    %add3A_190 = arith.constant 3 : i32
    %add3A_191 = arith.addi %add3A_189, %add3A_190 : i32
    %mul3A_192 = arith.constant 8 : i32
    %mul3A_193 = arith.muli %mul3A_192, %add3A_191 : i32
    %dma_wait3A_194 = arith.constant 1 : i32
    %dma_wait3A_195 = arith.constant 0 : i32
    %dma_wait3A_196 = arith.constant 0 : i32
    %dma_wait3A_197 = tpu.memref_slice %arg7[%dma_wait3A_194, %dma_wait3A_195, %dma_wait3A_196] : memref<2x32x641xf32, #tpu.memory_space<vmem>> -> memref<1x32x641xf32, #tpu.memory_space<vmem>>
    %dma_wait3A_198 = tpu.memref_squeeze %dma_wait3A_197 : memref<1x32x641xf32, #tpu.memory_space<vmem>> -> memref<32x641xf32, #tpu.memory_space<vmem>>
    %dma_wait3A_199 = arith.constant 0 : i32
    %dma_wait3A_200 = arith.constant 384 : i32
    %dma_wait3A_201 = tpu.memref_slice %dma_wait3A_198[%dma_wait3A_199, %dma_wait3A_200] : memref<32x641xf32, #tpu.memory_space<vmem>> -> memref<8x128xf32, #tpu.memory_space<vmem>>
    %dma_wait3A_202 = arith.constant 0 : i32
    %dma_wait3A_203 = tpu.memref_slice %arg4[%mul3A_193, %dma_wait3A_202] : memref<204800x128xf32, #tpu.memory_space<hbm>> -> memref<8x128xf32, #tpu.memory_space<hbm>>
    %dma_wait3A_204 = arith.constant 0 : i32
    %dma_wait3A_205 = tpu.memref_slice %arg4[%mul3A_193, %dma_wait3A_204] : memref<204800x128xf32, #tpu.memory_space<hbm>> -> memref<8x128xf32, #tpu.memory_space<hbm>>
    %dma_wait3A_206 = arith.constant 0 : i32
    %dma_wait3A_207 = arith.constant 0 : i32
    %dma_wait3A_208 = tpu.memref_slice %arg7[%dma_wait3A_194, %dma_wait3A_206, %dma_wait3A_207] : memref<2x32x641xf32, #tpu.memory_space<vmem>> -> memref<1x32x641xf32, #tpu.memory_space<vmem>>
    %dma_wait3A_209 = tpu.memref_squeeze %dma_wait3A_208 : memref<1x32x641xf32, #tpu.memory_space<vmem>> -> memref<32x641xf32, #tpu.memory_space<vmem>>
    %dma_wait3A_210 = arith.constant 0 : i32
    %dma_wait3A_211 = arith.constant 384 : i32
    %dma_wait3A_212 = tpu.memref_slice %dma_wait3A_209[%dma_wait3A_210, %dma_wait3A_211] : memref<32x641xf32, #tpu.memory_space<vmem>> -> memref<8x128xf32, #tpu.memory_space<vmem>>
    tpu.wait_dma2 semaphore(%arg11 : memref<!tpu.dma_semaphore, #tpu.memory_space<semaphore_mem>>) src(%dma_wait3A_212 : memref<8x128xf32, #tpu.memory_space<vmem>>) dst(%dma_wait3A_205 : memref<8x128xf32, #tpu.memory_space<hbm>>)
    %add3A_213 = arith.constant 0 : i32
    %add3A_214 = arith.addi %add3A_213, %select_n3A : i32
    %add3A_215 = arith.constant 4 : i32
    %add3A_216 = arith.addi %add3A_214, %add3A_215 : i32
    %mul3A_217 = arith.constant 8 : i32
    %mul3A_218 = arith.muli %mul3A_217, %add3A_216 : i32
    %dma_wait3A_219 = arith.constant 1 : i32
    %dma_wait3A_220 = arith.constant 0 : i32
    %dma_wait3A_221 = arith.constant 0 : i32
    %dma_wait3A_222 = tpu.memref_slice %arg7[%dma_wait3A_219, %dma_wait3A_220, %dma_wait3A_221] : memref<2x32x641xf32, #tpu.memory_space<vmem>> -> memref<1x32x641xf32, #tpu.memory_space<vmem>>
    %dma_wait3A_223 = tpu.memref_squeeze %dma_wait3A_222 : memref<1x32x641xf32, #tpu.memory_space<vmem>> -> memref<32x641xf32, #tpu.memory_space<vmem>>
    %dma_wait3A_224 = arith.constant 0 : i32
    %dma_wait3A_225 = arith.constant 512 : i32
    %dma_wait3A_226 = tpu.memref_slice %dma_wait3A_223[%dma_wait3A_224, %dma_wait3A_225] : memref<32x641xf32, #tpu.memory_space<vmem>> -> memref<8x128xf32, #tpu.memory_space<vmem>>
    %dma_wait3A_227 = arith.constant 0 : i32
    %dma_wait3A_228 = tpu.memref_slice %arg4[%mul3A_218, %dma_wait3A_227] : memref<204800x128xf32, #tpu.memory_space<hbm>> -> memref<8x128xf32, #tpu.memory_space<hbm>>
    %dma_wait3A_229 = arith.constant 0 : i32
    %dma_wait3A_230 = tpu.memref_slice %arg4[%mul3A_218, %dma_wait3A_229] : memref<204800x128xf32, #tpu.memory_space<hbm>> -> memref<8x128xf32, #tpu.memory_space<hbm>>
    %dma_wait3A_231 = arith.constant 0 : i32
    %dma_wait3A_232 = arith.constant 0 : i32
    %dma_wait3A_233 = tpu.memref_slice %arg7[%dma_wait3A_219, %dma_wait3A_231, %dma_wait3A_232] : memref<2x32x641xf32, #tpu.memory_space<vmem>> -> memref<1x32x641xf32, #tpu.memory_space<vmem>>
    %dma_wait3A_234 = tpu.memref_squeeze %dma_wait3A_233 : memref<1x32x641xf32, #tpu.memory_space<vmem>> -> memref<32x641xf32, #tpu.memory_space<vmem>>
    %dma_wait3A_235 = arith.constant 0 : i32
    %dma_wait3A_236 = arith.constant 512 : i32
    %dma_wait3A_237 = tpu.memref_slice %dma_wait3A_234[%dma_wait3A_235, %dma_wait3A_236] : memref<32x641xf32, #tpu.memory_space<vmem>> -> memref<8x128xf32, #tpu.memory_space<vmem>>
    tpu.wait_dma2 semaphore(%arg11 : memref<!tpu.dma_semaphore, #tpu.memory_space<semaphore_mem>>) src(%dma_wait3A_237 : memref<8x128xf32, #tpu.memory_space<vmem>>) dst(%dma_wait3A_230 : memref<8x128xf32, #tpu.memory_space<hbm>>)
    %add3A_238 = arith.constant 6400 : i32
    %add3A_239 = arith.addi %add3A_238, %select_n3A : i32
    %add3A_240 = arith.constant 0 : i32
    %add3A_241 = arith.addi %add3A_239, %add3A_240 : i32
    %mul3A_242 = arith.constant 8 : i32
    %mul3A_243 = arith.muli %mul3A_242, %add3A_241 : i32
    %dma_wait3A_244 = arith.constant 1 : i32
    %dma_wait3A_245 = arith.constant 0 : i32
    %dma_wait3A_246 = arith.constant 0 : i32
    %dma_wait3A_247 = tpu.memref_slice %arg7[%dma_wait3A_244, %dma_wait3A_245, %dma_wait3A_246] : memref<2x32x641xf32, #tpu.memory_space<vmem>> -> memref<1x32x641xf32, #tpu.memory_space<vmem>>
    %dma_wait3A_248 = tpu.memref_squeeze %dma_wait3A_247 : memref<1x32x641xf32, #tpu.memory_space<vmem>> -> memref<32x641xf32, #tpu.memory_space<vmem>>
    %dma_wait3A_249 = arith.constant 8 : i32
    %dma_wait3A_250 = arith.constant 0 : i32
    %dma_wait3A_251 = tpu.memref_slice %dma_wait3A_248[%dma_wait3A_249, %dma_wait3A_250] : memref<32x641xf32, #tpu.memory_space<vmem>> -> memref<8x128xf32, #tpu.memory_space<vmem>>
    %dma_wait3A_252 = arith.constant 0 : i32
    %dma_wait3A_253 = tpu.memref_slice %arg4[%mul3A_243, %dma_wait3A_252] : memref<204800x128xf32, #tpu.memory_space<hbm>> -> memref<8x128xf32, #tpu.memory_space<hbm>>
    %dma_wait3A_254 = arith.constant 0 : i32
    %dma_wait3A_255 = tpu.memref_slice %arg4[%mul3A_243, %dma_wait3A_254] : memref<204800x128xf32, #tpu.memory_space<hbm>> -> memref<8x128xf32, #tpu.memory_space<hbm>>
    %dma_wait3A_256 = arith.constant 0 : i32
    %dma_wait3A_257 = arith.constant 0 : i32
    %dma_wait3A_258 = tpu.memref_slice %arg7[%dma_wait3A_244, %dma_wait3A_256, %dma_wait3A_257] : memref<2x32x641xf32, #tpu.memory_space<vmem>> -> memref<1x32x641xf32, #tpu.memory_space<vmem>>
    %dma_wait3A_259 = tpu.memref_squeeze %dma_wait3A_258 : memref<1x32x641xf32, #tpu.memory_space<vmem>> -> memref<32x641xf32, #tpu.memory_space<vmem>>
    %dma_wait3A_260 = arith.constant 8 : i32
    %dma_wait3A_261 = arith.constant 0 : i32
    %dma_wait3A_262 = tpu.memref_slice %dma_wait3A_259[%dma_wait3A_260, %dma_wait3A_261] : memref<32x641xf32, #tpu.memory_space<vmem>> -> memref<8x128xf32, #tpu.memory_space<vmem>>
    tpu.wait_dma2 semaphore(%arg11 : memref<!tpu.dma_semaphore, #tpu.memory_space<semaphore_mem>>) src(%dma_wait3A_262 : memref<8x128xf32, #tpu.memory_space<vmem>>) dst(%dma_wait3A_255 : memref<8x128xf32, #tpu.memory_space<hbm>>)
    %add3A_263 = arith.constant 6400 : i32
    %add3A_264 = arith.addi %add3A_263, %select_n3A : i32
    %add3A_265 = arith.constant 1 : i32
    %add3A_266 = arith.addi %add3A_264, %add3A_265 : i32
    %mul3A_267 = arith.constant 8 : i32
    %mul3A_268 = arith.muli %mul3A_267, %add3A_266 : i32
    %dma_wait3A_269 = arith.constant 1 : i32
    %dma_wait3A_270 = arith.constant 0 : i32
    %dma_wait3A_271 = arith.constant 0 : i32
    %dma_wait3A_272 = tpu.memref_slice %arg7[%dma_wait3A_269, %dma_wait3A_270, %dma_wait3A_271] : memref<2x32x641xf32, #tpu.memory_space<vmem>> -> memref<1x32x641xf32, #tpu.memory_space<vmem>>
    %dma_wait3A_273 = tpu.memref_squeeze %dma_wait3A_272 : memref<1x32x641xf32, #tpu.memory_space<vmem>> -> memref<32x641xf32, #tpu.memory_space<vmem>>
    %dma_wait3A_274 = arith.constant 8 : i32
    %dma_wait3A_275 = arith.constant 128 : i32
    %dma_wait3A_276 = tpu.memref_slice %dma_wait3A_273[%dma_wait3A_274, %dma_wait3A_275] : memref<32x641xf32, #tpu.memory_space<vmem>> -> memref<8x128xf32, #tpu.memory_space<vmem>>
    %dma_wait3A_277 = arith.constant 0 : i32
    %dma_wait3A_278 = tpu.memref_slice %arg4[%mul3A_268, %dma_wait3A_277] : memref<204800x128xf32, #tpu.memory_space<hbm>> -> memref<8x128xf32, #tpu.memory_space<hbm>>
    %dma_wait3A_279 = arith.constant 0 : i32
    %dma_wait3A_280 = tpu.memref_slice %arg4[%mul3A_268, %dma_wait3A_279] : memref<204800x128xf32, #tpu.memory_space<hbm>> -> memref<8x128xf32, #tpu.memory_space<hbm>>
    %dma_wait3A_281 = arith.constant 0 : i32
    %dma_wait3A_282 = arith.constant 0 : i32
    %dma_wait3A_283 = tpu.memref_slice %arg7[%dma_wait3A_269, %dma_wait3A_281, %dma_wait3A_282] : memref<2x32x641xf32, #tpu.memory_space<vmem>> -> memref<1x32x641xf32, #tpu.memory_space<vmem>>
    %dma_wait3A_284 = tpu.memref_squeeze %dma_wait3A_283 : memref<1x32x641xf32, #tpu.memory_space<vmem>> -> memref<32x641xf32, #tpu.memory_space<vmem>>
    %dma_wait3A_285 = arith.constant 8 : i32
    %dma_wait3A_286 = arith.constant 128 : i32
    %dma_wait3A_287 = tpu.memref_slice %dma_wait3A_284[%dma_wait3A_285, %dma_wait3A_286] : memref<32x641xf32, #tpu.memory_space<vmem>> -> memref<8x128xf32, #tpu.memory_space<vmem>>
    tpu.wait_dma2 semaphore(%arg11 : memref<!tpu.dma_semaphore, #tpu.memory_space<semaphore_mem>>) src(%dma_wait3A_287 : memref<8x128xf32, #tpu.memory_space<vmem>>) dst(%dma_wait3A_280 : memref<8x128xf32, #tpu.memory_space<hbm>>)
    %add3A_288 = arith.constant 6400 : i32
    %add3A_289 = arith.addi %add3A_288, %select_n3A : i32
    %add3A_290 = arith.constant 2 : i32
    %add3A_291 = arith.addi %add3A_289, %add3A_290 : i32
    %mul3A_292 = arith.constant 8 : i32
    %mul3A_293 = arith.muli %mul3A_292, %add3A_291 : i32
    %dma_wait3A_294 = arith.constant 1 : i32
    %dma_wait3A_295 = arith.constant 0 : i32
    %dma_wait3A_296 = arith.constant 0 : i32
    %dma_wait3A_297 = tpu.memref_slice %arg7[%dma_wait3A_294, %dma_wait3A_295, %dma_wait3A_296] : memref<2x32x641xf32, #tpu.memory_space<vmem>> -> memref<1x32x641xf32, #tpu.memory_space<vmem>>
    %dma_wait3A_298 = tpu.memref_squeeze %dma_wait3A_297 : memref<1x32x641xf32, #tpu.memory_space<vmem>> -> memref<32x641xf32, #tpu.memory_space<vmem>>
    %dma_wait3A_299 = arith.constant 8 : i32
    %dma_wait3A_300 = arith.constant 256 : i32
    %dma_wait3A_301 = tpu.memref_slice %dma_wait3A_298[%dma_wait3A_299, %dma_wait3A_300] : memref<32x641xf32, #tpu.memory_space<vmem>> -> memref<8x128xf32, #tpu.memory_space<vmem>>
    %dma_wait3A_302 = arith.constant 0 : i32
    %dma_wait3A_303 = tpu.memref_slice %arg4[%mul3A_293, %dma_wait3A_302] : memref<204800x128xf32, #tpu.memory_space<hbm>> -> memref<8x128xf32, #tpu.memory_space<hbm>>
    %dma_wait3A_304 = arith.constant 0 : i32
    %dma_wait3A_305 = tpu.memref_slice %arg4[%mul3A_293, %dma_wait3A_304] : memref<204800x128xf32, #tpu.memory_space<hbm>> -> memref<8x128xf32, #tpu.memory_space<hbm>>
    %dma_wait3A_306 = arith.constant 0 : i32
    %dma_wait3A_307 = arith.constant 0 : i32
    %dma_wait3A_308 = tpu.memref_slice %arg7[%dma_wait3A_294, %dma_wait3A_306, %dma_wait3A_307] : memref<2x32x641xf32, #tpu.memory_space<vmem>> -> memref<1x32x641xf32, #tpu.memory_space<vmem>>
    %dma_wait3A_309 = tpu.memref_squeeze %dma_wait3A_308 : memref<1x32x641xf32, #tpu.memory_space<vmem>> -> memref<32x641xf32, #tpu.memory_space<vmem>>
    %dma_wait3A_310 = arith.constant 8 : i32
    %dma_wait3A_311 = arith.constant 256 : i32
    %dma_wait3A_312 = tpu.memref_slice %dma_wait3A_309[%dma_wait3A_310, %dma_wait3A_311] : memref<32x641xf32, #tpu.memory_space<vmem>> -> memref<8x128xf32, #tpu.memory_space<vmem>>
    tpu.wait_dma2 semaphore(%arg11 : memref<!tpu.dma_semaphore, #tpu.memory_space<semaphore_mem>>) src(%dma_wait3A_312 : memref<8x128xf32, #tpu.memory_space<vmem>>) dst(%dma_wait3A_305 : memref<8x128xf32, #tpu.memory_space<hbm>>)
    %add3A_313 = arith.constant 6400 : i32
    %add3A_314 = arith.addi %add3A_313, %select_n3A : i32
    %add3A_315 = arith.constant 3 : i32
    %add3A_316 = arith.addi %add3A_314, %add3A_315 : i32
    %mul3A_317 = arith.constant 8 : i32
    %mul3A_318 = arith.muli %mul3A_317, %add3A_316 : i32
    %dma_wait3A_319 = arith.constant 1 : i32
    %dma_wait3A_320 = arith.constant 0 : i32
    %dma_wait3A_321 = arith.constant 0 : i32
    %dma_wait3A_322 = tpu.memref_slice %arg7[%dma_wait3A_319, %dma_wait3A_320, %dma_wait3A_321] : memref<2x32x641xf32, #tpu.memory_space<vmem>> -> memref<1x32x641xf32, #tpu.memory_space<vmem>>
    %dma_wait3A_323 = tpu.memref_squeeze %dma_wait3A_322 : memref<1x32x641xf32, #tpu.memory_space<vmem>> -> memref<32x641xf32, #tpu.memory_space<vmem>>
    %dma_wait3A_324 = arith.constant 8 : i32
    %dma_wait3A_325 = arith.constant 384 : i32
    %dma_wait3A_326 = tpu.memref_slice %dma_wait3A_323[%dma_wait3A_324, %dma_wait3A_325] : memref<32x641xf32, #tpu.memory_space<vmem>> -> memref<8x128xf32, #tpu.memory_space<vmem>>
    %dma_wait3A_327 = arith.constant 0 : i32
    %dma_wait3A_328 = tpu.memref_slice %arg4[%mul3A_318, %dma_wait3A_327] : memref<204800x128xf32, #tpu.memory_space<hbm>> -> memref<8x128xf32, #tpu.memory_space<hbm>>
    %dma_wait3A_329 = arith.constant 0 : i32
    %dma_wait3A_330 = tpu.memref_slice %arg4[%mul3A_318, %dma_wait3A_329] : memref<204800x128xf32, #tpu.memory_space<hbm>> -> memref<8x128xf32, #tpu.memory_space<hbm>>
    %dma_wait3A_331 = arith.constant 0 : i32
    %dma_wait3A_332 = arith.constant 0 : i32
    %dma_wait3A_333 = tpu.memref_slice %arg7[%dma_wait3A_319, %dma_wait3A_331, %dma_wait3A_332] : memref<2x32x641xf32, #tpu.memory_space<vmem>> -> memref<1x32x641xf32, #tpu.memory_space<vmem>>
    %dma_wait3A_334 = tpu.memref_squeeze %dma_wait3A_333 : memref<1x32x641xf32, #tpu.memory_space<vmem>> -> memref<32x641xf32, #tpu.memory_space<vmem>>
    %dma_wait3A_335 = arith.constant 8 : i32
    %dma_wait3A_336 = arith.constant 384 : i32
    %dma_wait3A_337 = tpu.memref_slice %dma_wait3A_334[%dma_wait3A_335, %dma_wait3A_336] : memref<32x641xf32, #tpu.memory_space<vmem>> -> memref<8x128xf32, #tpu.memory_space<vmem>>
    tpu.wait_dma2 semaphore(%arg11 : memref<!tpu.dma_semaphore, #tpu.memory_space<semaphore_mem>>) src(%dma_wait3A_337 : memref<8x128xf32, #tpu.memory_space<vmem>>) dst(%dma_wait3A_330 : memref<8x128xf32, #tpu.memory_space<hbm>>)
    %add3A_338 = arith.constant 6400 : i32
    %add3A_339 = arith.addi %add3A_338, %select_n3A : i32
    %add3A_340 = arith.constant 4 : i32
    %add3A_341 = arith.addi %add3A_339, %add3A_340 : i32
    %mul3A_342 = arith.constant 8 : i32
    %mul3A_343 = arith.muli %mul3A_342, %add3A_341 : i32
    %dma_wait3A_344 = arith.constant 1 : i32
    %dma_wait3A_345 = arith.constant 0 : i32
    %dma_wait3A_346 = arith.constant 0 : i32
    %dma_wait3A_347 = tpu.memref_slice %arg7[%dma_wait3A_344, %dma_wait3A_345, %dma_wait3A_346] : memref<2x32x641xf32, #tpu.memory_space<vmem>> -> memref<1x32x641xf32, #tpu.memory_space<vmem>>
    %dma_wait3A_348 = tpu.memref_squeeze %dma_wait3A_347 : memref<1x32x641xf32, #tpu.memory_space<vmem>> -> memref<32x641xf32, #tpu.memory_space<vmem>>
    %dma_wait3A_349 = arith.constant 8 : i32
    %dma_wait3A_350 = arith.constant 512 : i32
    %dma_wait3A_351 = tpu.memref_slice %dma_wait3A_348[%dma_wait3A_349, %dma_wait3A_350] : memref<32x641xf32, #tpu.memory_space<vmem>> -> memref<8x128xf32, #tpu.memory_space<vmem>>
    %dma_wait3A_352 = arith.constant 0 : i32
    %dma_wait3A_353 = tpu.memref_slice %arg4[%mul3A_343, %dma_wait3A_352] : memref<204800x128xf32, #tpu.memory_space<hbm>> -> memref<8x128xf32, #tpu.memory_space<hbm>>
    %dma_wait3A_354 = arith.constant 0 : i32
    %dma_wait3A_355 = tpu.memref_slice %arg4[%mul3A_343, %dma_wait3A_354] : memref<204800x128xf32, #tpu.memory_space<hbm>> -> memref<8x128xf32, #tpu.memory_space<hbm>>
    %dma_wait3A_356 = arith.constant 0 : i32
    %dma_wait3A_357 = arith.constant 0 : i32
    %dma_wait3A_358 = tpu.memref_slice %arg7[%dma_wait3A_344, %dma_wait3A_356, %dma_wait3A_357] : memref<2x32x641xf32, #tpu.memory_space<vmem>> -> memref<1x32x641xf32, #tpu.memory_space<vmem>>
    %dma_wait3A_359 = tpu.memref_squeeze %dma_wait3A_358 : memref<1x32x641xf32, #tpu.memory_space<vmem>> -> memref<32x641xf32, #tpu.memory_space<vmem>>
    %dma_wait3A_360 = arith.constant 8 : i32
    %dma_wait3A_361 = arith.constant 512 : i32
    %dma_wait3A_362 = tpu.memref_slice %dma_wait3A_359[%dma_wait3A_360, %dma_wait3A_361] : memref<32x641xf32, #tpu.memory_space<vmem>> -> memref<8x128xf32, #tpu.memory_space<vmem>>
    tpu.wait_dma2 semaphore(%arg11 : memref<!tpu.dma_semaphore, #tpu.memory_space<semaphore_mem>>) src(%dma_wait3A_362 : memref<8x128xf32, #tpu.memory_space<vmem>>) dst(%dma_wait3A_355 : memref<8x128xf32, #tpu.memory_space<hbm>>)
    %add3A_363 = arith.constant 12800 : i32
    %add3A_364 = arith.addi %add3A_363, %select_n3A : i32
    %add3A_365 = arith.constant 0 : i32
    %add3A_366 = arith.addi %add3A_364, %add3A_365 : i32
    %mul3A_367 = arith.constant 8 : i32
    %mul3A_368 = arith.muli %mul3A_367, %add3A_366 : i32
    %dma_wait3A_369 = arith.constant 1 : i32
    %dma_wait3A_370 = arith.constant 0 : i32
    %dma_wait3A_371 = arith.constant 0 : i32
    %dma_wait3A_372 = tpu.memref_slice %arg7[%dma_wait3A_369, %dma_wait3A_370, %dma_wait3A_371] : memref<2x32x641xf32, #tpu.memory_space<vmem>> -> memref<1x32x641xf32, #tpu.memory_space<vmem>>
    %dma_wait3A_373 = tpu.memref_squeeze %dma_wait3A_372 : memref<1x32x641xf32, #tpu.memory_space<vmem>> -> memref<32x641xf32, #tpu.memory_space<vmem>>
    %dma_wait3A_374 = arith.constant 16 : i32
    %dma_wait3A_375 = arith.constant 0 : i32
    %dma_wait3A_376 = tpu.memref_slice %dma_wait3A_373[%dma_wait3A_374, %dma_wait3A_375] : memref<32x641xf32, #tpu.memory_space<vmem>> -> memref<8x128xf32, #tpu.memory_space<vmem>>
    %dma_wait3A_377 = arith.constant 0 : i32
    %dma_wait3A_378 = tpu.memref_slice %arg4[%mul3A_368, %dma_wait3A_377] : memref<204800x128xf32, #tpu.memory_space<hbm>> -> memref<8x128xf32, #tpu.memory_space<hbm>>
    %dma_wait3A_379 = arith.constant 0 : i32
    %dma_wait3A_380 = tpu.memref_slice %arg4[%mul3A_368, %dma_wait3A_379] : memref<204800x128xf32, #tpu.memory_space<hbm>> -> memref<8x128xf32, #tpu.memory_space<hbm>>
    %dma_wait3A_381 = arith.constant 0 : i32
    %dma_wait3A_382 = arith.constant 0 : i32
    %dma_wait3A_383 = tpu.memref_slice %arg7[%dma_wait3A_369, %dma_wait3A_381, %dma_wait3A_382] : memref<2x32x641xf32, #tpu.memory_space<vmem>> -> memref<1x32x641xf32, #tpu.memory_space<vmem>>
    %dma_wait3A_384 = tpu.memref_squeeze %dma_wait3A_383 : memref<1x32x641xf32, #tpu.memory_space<vmem>> -> memref<32x641xf32, #tpu.memory_space<vmem>>
    %dma_wait3A_385 = arith.constant 16 : i32
    %dma_wait3A_386 = arith.constant 0 : i32
    %dma_wait3A_387 = tpu.memref_slice %dma_wait3A_384[%dma_wait3A_385, %dma_wait3A_386] : memref<32x641xf32, #tpu.memory_space<vmem>> -> memref<8x128xf32, #tpu.memory_space<vmem>>
    tpu.wait_dma2 semaphore(%arg11 : memref<!tpu.dma_semaphore, #tpu.memory_space<semaphore_mem>>) src(%dma_wait3A_387 : memref<8x128xf32, #tpu.memory_space<vmem>>) dst(%dma_wait3A_380 : memref<8x128xf32, #tpu.memory_space<hbm>>)
    %add3A_388 = arith.constant 12800 : i32
    %add3A_389 = arith.addi %add3A_388, %select_n3A : i32
    %add3A_390 = arith.constant 1 : i32
    %add3A_391 = arith.addi %add3A_389, %add3A_390 : i32
    %mul3A_392 = arith.constant 8 : i32
    %mul3A_393 = arith.muli %mul3A_392, %add3A_391 : i32
    %dma_wait3A_394 = arith.constant 1 : i32
    %dma_wait3A_395 = arith.constant 0 : i32
    %dma_wait3A_396 = arith.constant 0 : i32
    %dma_wait3A_397 = tpu.memref_slice %arg7[%dma_wait3A_394, %dma_wait3A_395, %dma_wait3A_396] : memref<2x32x641xf32, #tpu.memory_space<vmem>> -> memref<1x32x641xf32, #tpu.memory_space<vmem>>
    %dma_wait3A_398 = tpu.memref_squeeze %dma_wait3A_397 : memref<1x32x641xf32, #tpu.memory_space<vmem>> -> memref<32x641xf32, #tpu.memory_space<vmem>>
    %dma_wait3A_399 = arith.constant 16 : i32
    %dma_wait3A_400 = arith.constant 128 : i32
    %dma_wait3A_401 = tpu.memref_slice %dma_wait3A_398[%dma_wait3A_399, %dma_wait3A_400] : memref<32x641xf32, #tpu.memory_space<vmem>> -> memref<8x128xf32, #tpu.memory_space<vmem>>
    %dma_wait3A_402 = arith.constant 0 : i32
    %dma_wait3A_403 = tpu.memref_slice %arg4[%mul3A_393, %dma_wait3A_402] : memref<204800x128xf32, #tpu.memory_space<hbm>> -> memref<8x128xf32, #tpu.memory_space<hbm>>
    %dma_wait3A_404 = arith.constant 0 : i32
    %dma_wait3A_405 = tpu.memref_slice %arg4[%mul3A_393, %dma_wait3A_404] : memref<204800x128xf32, #tpu.memory_space<hbm>> -> memref<8x128xf32, #tpu.memory_space<hbm>>
    %dma_wait3A_406 = arith.constant 0 : i32
    %dma_wait3A_407 = arith.constant 0 : i32
    %dma_wait3A_408 = tpu.memref_slice %arg7[%dma_wait3A_394, %dma_wait3A_406, %dma_wait3A_407] : memref<2x32x641xf32, #tpu.memory_space<vmem>> -> memref<1x32x641xf32, #tpu.memory_space<vmem>>
    %dma_wait3A_409 = tpu.memref_squeeze %dma_wait3A_408 : memref<1x32x641xf32, #tpu.memory_space<vmem>> -> memref<32x641xf32, #tpu.memory_space<vmem>>
    %dma_wait3A_410 = arith.constant 16 : i32
    %dma_wait3A_411 = arith.constant 128 : i32
    %dma_wait3A_412 = tpu.memref_slice %dma_wait3A_409[%dma_wait3A_410, %dma_wait3A_411] : memref<32x641xf32, #tpu.memory_space<vmem>> -> memref<8x128xf32, #tpu.memory_space<vmem>>
    tpu.wait_dma2 semaphore(%arg11 : memref<!tpu.dma_semaphore, #tpu.memory_space<semaphore_mem>>) src(%dma_wait3A_412 : memref<8x128xf32, #tpu.memory_space<vmem>>) dst(%dma_wait3A_405 : memref<8x128xf32, #tpu.memory_space<hbm>>)
    %add3A_413 = arith.constant 12800 : i32
    %add3A_414 = arith.addi %add3A_413, %select_n3A : i32
    %add3A_415 = arith.constant 2 : i32
    %add3A_416 = arith.addi %add3A_414, %add3A_415 : i32
    %mul3A_417 = arith.constant 8 : i32
    %mul3A_418 = arith.muli %mul3A_417, %add3A_416 : i32
    %dma_wait3A_419 = arith.constant 1 : i32
    %dma_wait3A_420 = arith.constant 0 : i32
    %dma_wait3A_421 = arith.constant 0 : i32
    %dma_wait3A_422 = tpu.memref_slice %arg7[%dma_wait3A_419, %dma_wait3A_420, %dma_wait3A_421] : memref<2x32x641xf32, #tpu.memory_space<vmem>> -> memref<1x32x641xf32, #tpu.memory_space<vmem>>
    %dma_wait3A_423 = tpu.memref_squeeze %dma_wait3A_422 : memref<1x32x641xf32, #tpu.memory_space<vmem>> -> memref<32x641xf32, #tpu.memory_space<vmem>>
    %dma_wait3A_424 = arith.constant 16 : i32
    %dma_wait3A_425 = arith.constant 256 : i32
    %dma_wait3A_426 = tpu.memref_slice %dma_wait3A_423[%dma_wait3A_424, %dma_wait3A_425] : memref<32x641xf32, #tpu.memory_space<vmem>> -> memref<8x128xf32, #tpu.memory_space<vmem>>
    %dma_wait3A_427 = arith.constant 0 : i32
    %dma_wait3A_428 = tpu.memref_slice %arg4[%mul3A_418, %dma_wait3A_427] : memref<204800x128xf32, #tpu.memory_space<hbm>> -> memref<8x128xf32, #tpu.memory_space<hbm>>
    %dma_wait3A_429 = arith.constant 0 : i32
    %dma_wait3A_430 = tpu.memref_slice %arg4[%mul3A_418, %dma_wait3A_429] : memref<204800x128xf32, #tpu.memory_space<hbm>> -> memref<8x128xf32, #tpu.memory_space<hbm>>
    %dma_wait3A_431 = arith.constant 0 : i32
    %dma_wait3A_432 = arith.constant 0 : i32
    %dma_wait3A_433 = tpu.memref_slice %arg7[%dma_wait3A_419, %dma_wait3A_431, %dma_wait3A_432] : memref<2x32x641xf32, #tpu.memory_space<vmem>> -> memref<1x32x641xf32, #tpu.memory_space<vmem>>
    %dma_wait3A_434 = tpu.memref_squeeze %dma_wait3A_433 : memref<1x32x641xf32, #tpu.memory_space<vmem>> -> memref<32x641xf32, #tpu.memory_space<vmem>>
    %dma_wait3A_435 = arith.constant 16 : i32
    %dma_wait3A_436 = arith.constant 256 : i32
    %dma_wait3A_437 = tpu.memref_slice %dma_wait3A_434[%dma_wait3A_435, %dma_wait3A_436] : memref<32x641xf32, #tpu.memory_space<vmem>> -> memref<8x128xf32, #tpu.memory_space<vmem>>
    tpu.wait_dma2 semaphore(%arg11 : memref<!tpu.dma_semaphore, #tpu.memory_space<semaphore_mem>>) src(%dma_wait3A_437 : memref<8x128xf32, #tpu.memory_space<vmem>>) dst(%dma_wait3A_430 : memref<8x128xf32, #tpu.memory_space<hbm>>)
    %add3A_438 = arith.constant 12800 : i32
    %add3A_439 = arith.addi %add3A_438, %select_n3A : i32
    %add3A_440 = arith.constant 3 : i32
    %add3A_441 = arith.addi %add3A_439, %add3A_440 : i32
    %mul3A_442 = arith.constant 8 : i32
    %mul3A_443 = arith.muli %mul3A_442, %add3A_441 : i32
    %dma_wait3A_444 = arith.constant 1 : i32
    %dma_wait3A_445 = arith.constant 0 : i32
    %dma_wait3A_446 = arith.constant 0 : i32
    %dma_wait3A_447 = tpu.memref_slice %arg7[%dma_wait3A_444, %dma_wait3A_445, %dma_wait3A_446] : memref<2x32x641xf32, #tpu.memory_space<vmem>> -> memref<1x32x641xf32, #tpu.memory_space<vmem>>
    %dma_wait3A_448 = tpu.memref_squeeze %dma_wait3A_447 : memref<1x32x641xf32, #tpu.memory_space<vmem>> -> memref<32x641xf32, #tpu.memory_space<vmem>>
    %dma_wait3A_449 = arith.constant 16 : i32
    %dma_wait3A_450 = arith.constant 384 : i32
    %dma_wait3A_451 = tpu.memref_slice %dma_wait3A_448[%dma_wait3A_449, %dma_wait3A_450] : memref<32x641xf32, #tpu.memory_space<vmem>> -> memref<8x128xf32, #tpu.memory_space<vmem>>
    %dma_wait3A_452 = arith.constant 0 : i32
    %dma_wait3A_453 = tpu.memref_slice %arg4[%mul3A_443, %dma_wait3A_452] : memref<204800x128xf32, #tpu.memory_space<hbm>> -> memref<8x128xf32, #tpu.memory_space<hbm>>
    %dma_wait3A_454 = arith.constant 0 : i32
    %dma_wait3A_455 = tpu.memref_slice %arg4[%mul3A_443, %dma_wait3A_454] : memref<204800x128xf32, #tpu.memory_space<hbm>> -> memref<8x128xf32, #tpu.memory_space<hbm>>
    %dma_wait3A_456 = arith.constant 0 : i32
    %dma_wait3A_457 = arith.constant 0 : i32
    %dma_wait3A_458 = tpu.memref_slice %arg7[%dma_wait3A_444, %dma_wait3A_456, %dma_wait3A_457] : memref<2x32x641xf32, #tpu.memory_space<vmem>> -> memref<1x32x641xf32, #tpu.memory_space<vmem>>
    %dma_wait3A_459 = tpu.memref_squeeze %dma_wait3A_458 : memref<1x32x641xf32, #tpu.memory_space<vmem>> -> memref<32x641xf32, #tpu.memory_space<vmem>>
    %dma_wait3A_460 = arith.constant 16 : i32
    %dma_wait3A_461 = arith.constant 384 : i32
    %dma_wait3A_462 = tpu.memref_slice %dma_wait3A_459[%dma_wait3A_460, %dma_wait3A_461] : memref<32x641xf32, #tpu.memory_space<vmem>> -> memref<8x128xf32, #tpu.memory_space<vmem>>
    tpu.wait_dma2 semaphore(%arg11 : memref<!tpu.dma_semaphore, #tpu.memory_space<semaphore_mem>>) src(%dma_wait3A_462 : memref<8x128xf32, #tpu.memory_space<vmem>>) dst(%dma_wait3A_455 : memref<8x128xf32, #tpu.memory_space<hbm>>)
    %add3A_463 = arith.constant 12800 : i32
    %add3A_464 = arith.addi %add3A_463, %select_n3A : i32
    %add3A_465 = arith.constant 4 : i32
    %add3A_466 = arith.addi %add3A_464, %add3A_465 : i32
    %mul3A_467 = arith.constant 8 : i32
    %mul3A_468 = arith.muli %mul3A_467, %add3A_466 : i32
    %dma_wait3A_469 = arith.constant 1 : i32
    %dma_wait3A_470 = arith.constant 0 : i32
    %dma_wait3A_471 = arith.constant 0 : i32
    %dma_wait3A_472 = tpu.memref_slice %arg7[%dma_wait3A_469, %dma_wait3A_470, %dma_wait3A_471] : memref<2x32x641xf32, #tpu.memory_space<vmem>> -> memref<1x32x641xf32, #tpu.memory_space<vmem>>
    %dma_wait3A_473 = tpu.memref_squeeze %dma_wait3A_472 : memref<1x32x641xf32, #tpu.memory_space<vmem>> -> memref<32x641xf32, #tpu.memory_space<vmem>>
    %dma_wait3A_474 = arith.constant 16 : i32
    %dma_wait3A_475 = arith.constant 512 : i32
    %dma_wait3A_476 = tpu.memref_slice %dma_wait3A_473[%dma_wait3A_474, %dma_wait3A_475] : memref<32x641xf32, #tpu.memory_space<vmem>> -> memref<8x128xf32, #tpu.memory_space<vmem>>
    %dma_wait3A_477 = arith.constant 0 : i32
    %dma_wait3A_478 = tpu.memref_slice %arg4[%mul3A_468, %dma_wait3A_477] : memref<204800x128xf32, #tpu.memory_space<hbm>> -> memref<8x128xf32, #tpu.memory_space<hbm>>
    %dma_wait3A_479 = arith.constant 0 : i32
    %dma_wait3A_480 = tpu.memref_slice %arg4[%mul3A_468, %dma_wait3A_479] : memref<204800x128xf32, #tpu.memory_space<hbm>> -> memref<8x128xf32, #tpu.memory_space<hbm>>
    %dma_wait3A_481 = arith.constant 0 : i32
    %dma_wait3A_482 = arith.constant 0 : i32
    %dma_wait3A_483 = tpu.memref_slice %arg7[%dma_wait3A_469, %dma_wait3A_481, %dma_wait3A_482] : memref<2x32x641xf32, #tpu.memory_space<vmem>> -> memref<1x32x641xf32, #tpu.memory_space<vmem>>
    %dma_wait3A_484 = tpu.memref_squeeze %dma_wait3A_483 : memref<1x32x641xf32, #tpu.memory_space<vmem>> -> memref<32x641xf32, #tpu.memory_space<vmem>>
    %dma_wait3A_485 = arith.constant 16 : i32
    %dma_wait3A_486 = arith.constant 512 : i32
    %dma_wait3A_487 = tpu.memref_slice %dma_wait3A_484[%dma_wait3A_485, %dma_wait3A_486] : memref<32x641xf32, #tpu.memory_space<vmem>> -> memref<8x128xf32, #tpu.memory_space<vmem>>
    tpu.wait_dma2 semaphore(%arg11 : memref<!tpu.dma_semaphore, #tpu.memory_space<semaphore_mem>>) src(%dma_wait3A_487 : memref<8x128xf32, #tpu.memory_space<vmem>>) dst(%dma_wait3A_480 : memref<8x128xf32, #tpu.memory_space<hbm>>)
    %add3A_488 = arith.constant 19200 : i32
    %add3A_489 = arith.addi %add3A_488, %select_n3A : i32
    %add3A_490 = arith.constant 0 : i32
    %add3A_491 = arith.addi %add3A_489, %add3A_490 : i32
    %mul3A_492 = arith.constant 8 : i32
    %mul3A_493 = arith.muli %mul3A_492, %add3A_491 : i32
    %dma_wait3A_494 = arith.constant 1 : i32
    %dma_wait3A_495 = arith.constant 0 : i32
    %dma_wait3A_496 = arith.constant 0 : i32
    %dma_wait3A_497 = tpu.memref_slice %arg7[%dma_wait3A_494, %dma_wait3A_495, %dma_wait3A_496] : memref<2x32x641xf32, #tpu.memory_space<vmem>> -> memref<1x32x641xf32, #tpu.memory_space<vmem>>
    %dma_wait3A_498 = tpu.memref_squeeze %dma_wait3A_497 : memref<1x32x641xf32, #tpu.memory_space<vmem>> -> memref<32x641xf32, #tpu.memory_space<vmem>>
    %dma_wait3A_499 = arith.constant 24 : i32
    %dma_wait3A_500 = arith.constant 0 : i32
    %dma_wait3A_501 = tpu.memref_slice %dma_wait3A_498[%dma_wait3A_499, %dma_wait3A_500] : memref<32x641xf32, #tpu.memory_space<vmem>> -> memref<8x128xf32, #tpu.memory_space<vmem>>
    %dma_wait3A_502 = arith.constant 0 : i32
    %dma_wait3A_503 = tpu.memref_slice %arg4[%mul3A_493, %dma_wait3A_502] : memref<204800x128xf32, #tpu.memory_space<hbm>> -> memref<8x128xf32, #tpu.memory_space<hbm>>
    %dma_wait3A_504 = arith.constant 0 : i32
    %dma_wait3A_505 = tpu.memref_slice %arg4[%mul3A_493, %dma_wait3A_504] : memref<204800x128xf32, #tpu.memory_space<hbm>> -> memref<8x128xf32, #tpu.memory_space<hbm>>
    %dma_wait3A_506 = arith.constant 0 : i32
    %dma_wait3A_507 = arith.constant 0 : i32
    %dma_wait3A_508 = tpu.memref_slice %arg7[%dma_wait3A_494, %dma_wait3A_506, %dma_wait3A_507] : memref<2x32x641xf32, #tpu.memory_space<vmem>> -> memref<1x32x641xf32, #tpu.memory_space<vmem>>
    %dma_wait3A_509 = tpu.memref_squeeze %dma_wait3A_508 : memref<1x32x641xf32, #tpu.memory_space<vmem>> -> memref<32x641xf32, #tpu.memory_space<vmem>>
    %dma_wait3A_510 = arith.constant 24 : i32
    %dma_wait3A_511 = arith.constant 0 : i32
    %dma_wait3A_512 = tpu.memref_slice %dma_wait3A_509[%dma_wait3A_510, %dma_wait3A_511] : memref<32x641xf32, #tpu.memory_space<vmem>> -> memref<8x128xf32, #tpu.memory_space<vmem>>
    tpu.wait_dma2 semaphore(%arg11 : memref<!tpu.dma_semaphore, #tpu.memory_space<semaphore_mem>>) src(%dma_wait3A_512 : memref<8x128xf32, #tpu.memory_space<vmem>>) dst(%dma_wait3A_505 : memref<8x128xf32, #tpu.memory_space<hbm>>)
    %add3A_513 = arith.constant 19200 : i32
    %add3A_514 = arith.addi %add3A_513, %select_n3A : i32
    %add3A_515 = arith.constant 1 : i32
    %add3A_516 = arith.addi %add3A_514, %add3A_515 : i32
    %mul3A_517 = arith.constant 8 : i32
    %mul3A_518 = arith.muli %mul3A_517, %add3A_516 : i32
    %dma_wait3A_519 = arith.constant 1 : i32
    %dma_wait3A_520 = arith.constant 0 : i32
    %dma_wait3A_521 = arith.constant 0 : i32
    %dma_wait3A_522 = tpu.memref_slice %arg7[%dma_wait3A_519, %dma_wait3A_520, %dma_wait3A_521] : memref<2x32x641xf32, #tpu.memory_space<vmem>> -> memref<1x32x641xf32, #tpu.memory_space<vmem>>
    %dma_wait3A_523 = tpu.memref_squeeze %dma_wait3A_522 : memref<1x32x641xf32, #tpu.memory_space<vmem>> -> memref<32x641xf32, #tpu.memory_space<vmem>>
    %dma_wait3A_524 = arith.constant 24 : i32
    %dma_wait3A_525 = arith.constant 128 : i32
    %dma_wait3A_526 = tpu.memref_slice %dma_wait3A_523[%dma_wait3A_524, %dma_wait3A_525] : memref<32x641xf32, #tpu.memory_space<vmem>> -> memref<8x128xf32, #tpu.memory_space<vmem>>
    %dma_wait3A_527 = arith.constant 0 : i32
    %dma_wait3A_528 = tpu.memref_slice %arg4[%mul3A_518, %dma_wait3A_527] : memref<204800x128xf32, #tpu.memory_space<hbm>> -> memref<8x128xf32, #tpu.memory_space<hbm>>
    %dma_wait3A_529 = arith.constant 0 : i32
    %dma_wait3A_530 = tpu.memref_slice %arg4[%mul3A_518, %dma_wait3A_529] : memref<204800x128xf32, #tpu.memory_space<hbm>> -> memref<8x128xf32, #tpu.memory_space<hbm>>
    %dma_wait3A_531 = arith.constant 0 : i32
    %dma_wait3A_532 = arith.constant 0 : i32
    %dma_wait3A_533 = tpu.memref_slice %arg7[%dma_wait3A_519, %dma_wait3A_531, %dma_wait3A_532] : memref<2x32x641xf32, #tpu.memory_space<vmem>> -> memref<1x32x641xf32, #tpu.memory_space<vmem>>
    %dma_wait3A_534 = tpu.memref_squeeze %dma_wait3A_533 : memref<1x32x641xf32, #tpu.memory_space<vmem>> -> memref<32x641xf32, #tpu.memory_space<vmem>>
    %dma_wait3A_535 = arith.constant 24 : i32
    %dma_wait3A_536 = arith.constant 128 : i32
    %dma_wait3A_537 = tpu.memref_slice %dma_wait3A_534[%dma_wait3A_535, %dma_wait3A_536] : memref<32x641xf32, #tpu.memory_space<vmem>> -> memref<8x128xf32, #tpu.memory_space<vmem>>
    tpu.wait_dma2 semaphore(%arg11 : memref<!tpu.dma_semaphore, #tpu.memory_space<semaphore_mem>>) src(%dma_wait3A_537 : memref<8x128xf32, #tpu.memory_space<vmem>>) dst(%dma_wait3A_530 : memref<8x128xf32, #tpu.memory_space<hbm>>)
    %add3A_538 = arith.constant 19200 : i32
    %add3A_539 = arith.addi %add3A_538, %select_n3A : i32
    %add3A_540 = arith.constant 2 : i32
    %add3A_541 = arith.addi %add3A_539, %add3A_540 : i32
    %mul3A_542 = arith.constant 8 : i32
    %mul3A_543 = arith.muli %mul3A_542, %add3A_541 : i32
    %dma_wait3A_544 = arith.constant 1 : i32
    %dma_wait3A_545 = arith.constant 0 : i32
    %dma_wait3A_546 = arith.constant 0 : i32
    %dma_wait3A_547 = tpu.memref_slice %arg7[%dma_wait3A_544, %dma_wait3A_545, %dma_wait3A_546] : memref<2x32x641xf32, #tpu.memory_space<vmem>> -> memref<1x32x641xf32, #tpu.memory_space<vmem>>
    %dma_wait3A_548 = tpu.memref_squeeze %dma_wait3A_547 : memref<1x32x641xf32, #tpu.memory_space<vmem>> -> memref<32x641xf32, #tpu.memory_space<vmem>>
    %dma_wait3A_549 = arith.constant 24 : i32
    %dma_wait3A_550 = arith.constant 256 : i32
    %dma_wait3A_551 = tpu.memref_slice %dma_wait3A_548[%dma_wait3A_549, %dma_wait3A_550] : memref<32x641xf32, #tpu.memory_space<vmem>> -> memref<8x128xf32, #tpu.memory_space<vmem>>
    %dma_wait3A_552 = arith.constant 0 : i32
    %dma_wait3A_553 = tpu.memref_slice %arg4[%mul3A_543, %dma_wait3A_552] : memref<204800x128xf32, #tpu.memory_space<hbm>> -> memref<8x128xf32, #tpu.memory_space<hbm>>
    %dma_wait3A_554 = arith.constant 0 : i32
    %dma_wait3A_555 = tpu.memref_slice %arg4[%mul3A_543, %dma_wait3A_554] : memref<204800x128xf32, #tpu.memory_space<hbm>> -> memref<8x128xf32, #tpu.memory_space<hbm>>
    %dma_wait3A_556 = arith.constant 0 : i32
    %dma_wait3A_557 = arith.constant 0 : i32
    %dma_wait3A_558 = tpu.memref_slice %arg7[%dma_wait3A_544, %dma_wait3A_556, %dma_wait3A_557] : memref<2x32x641xf32, #tpu.memory_space<vmem>> -> memref<1x32x641xf32, #tpu.memory_space<vmem>>
    %dma_wait3A_559 = tpu.memref_squeeze %dma_wait3A_558 : memref<1x32x641xf32, #tpu.memory_space<vmem>> -> memref<32x641xf32, #tpu.memory_space<vmem>>
    %dma_wait3A_560 = arith.constant 24 : i32
    %dma_wait3A_561 = arith.constant 256 : i32
    %dma_wait3A_562 = tpu.memref_slice %dma_wait3A_559[%dma_wait3A_560, %dma_wait3A_561] : memref<32x641xf32, #tpu.memory_space<vmem>> -> memref<8x128xf32, #tpu.memory_space<vmem>>
    tpu.wait_dma2 semaphore(%arg11 : memref<!tpu.dma_semaphore, #tpu.memory_space<semaphore_mem>>) src(%dma_wait3A_562 : memref<8x128xf32, #tpu.memory_space<vmem>>) dst(%dma_wait3A_555 : memref<8x128xf32, #tpu.memory_space<hbm>>)
    %add3A_563 = arith.constant 19200 : i32
    %add3A_564 = arith.addi %add3A_563, %select_n3A : i32
    %add3A_565 = arith.constant 3 : i32
    %add3A_566 = arith.addi %add3A_564, %add3A_565 : i32
    %mul3A_567 = arith.constant 8 : i32
    %mul3A_568 = arith.muli %mul3A_567, %add3A_566 : i32
    %dma_wait3A_569 = arith.constant 1 : i32
    %dma_wait3A_570 = arith.constant 0 : i32
    %dma_wait3A_571 = arith.constant 0 : i32
    %dma_wait3A_572 = tpu.memref_slice %arg7[%dma_wait3A_569, %dma_wait3A_570, %dma_wait3A_571] : memref<2x32x641xf32, #tpu.memory_space<vmem>> -> memref<1x32x641xf32, #tpu.memory_space<vmem>>
    %dma_wait3A_573 = tpu.memref_squeeze %dma_wait3A_572 : memref<1x32x641xf32, #tpu.memory_space<vmem>> -> memref<32x641xf32, #tpu.memory_space<vmem>>
    %dma_wait3A_574 = arith.constant 24 : i32
    %dma_wait3A_575 = arith.constant 384 : i32
    %dma_wait3A_576 = tpu.memref_slice %dma_wait3A_573[%dma_wait3A_574, %dma_wait3A_575] : memref<32x641xf32, #tpu.memory_space<vmem>> -> memref<8x128xf32, #tpu.memory_space<vmem>>
    %dma_wait3A_577 = arith.constant 0 : i32
    %dma_wait3A_578 = tpu.memref_slice %arg4[%mul3A_568, %dma_wait3A_577] : memref<204800x128xf32, #tpu.memory_space<hbm>> -> memref<8x128xf32, #tpu.memory_space<hbm>>
    %dma_wait3A_579 = arith.constant 0 : i32
    %dma_wait3A_580 = tpu.memref_slice %arg4[%mul3A_568, %dma_wait3A_579] : memref<204800x128xf32, #tpu.memory_space<hbm>> -> memref<8x128xf32, #tpu.memory_space<hbm>>
    %dma_wait3A_581 = arith.constant 0 : i32
    %dma_wait3A_582 = arith.constant 0 : i32
    %dma_wait3A_583 = tpu.memref_slice %arg7[%dma_wait3A_569, %dma_wait3A_581, %dma_wait3A_582] : memref<2x32x641xf32, #tpu.memory_space<vmem>> -> memref<1x32x641xf32, #tpu.memory_space<vmem>>
    %dma_wait3A_584 = tpu.memref_squeeze %dma_wait3A_583 : memref<1x32x641xf32, #tpu.memory_space<vmem>> -> memref<32x641xf32, #tpu.memory_space<vmem>>
    %dma_wait3A_585 = arith.constant 24 : i32
    %dma_wait3A_586 = arith.constant 384 : i32
    %dma_wait3A_587 = tpu.memref_slice %dma_wait3A_584[%dma_wait3A_585, %dma_wait3A_586] : memref<32x641xf32, #tpu.memory_space<vmem>> -> memref<8x128xf32, #tpu.memory_space<vmem>>
    tpu.wait_dma2 semaphore(%arg11 : memref<!tpu.dma_semaphore, #tpu.memory_space<semaphore_mem>>) src(%dma_wait3A_587 : memref<8x128xf32, #tpu.memory_space<vmem>>) dst(%dma_wait3A_580 : memref<8x128xf32, #tpu.memory_space<hbm>>)
    %add3A_588 = arith.constant 19200 : i32
    %add3A_589 = arith.addi %add3A_588, %select_n3A : i32
    %add3A_590 = arith.constant 4 : i32
    %add3A_591 = arith.addi %add3A_589, %add3A_590 : i32
    %mul3A_592 = arith.constant 8 : i32
    %mul3A_593 = arith.muli %mul3A_592, %add3A_591 : i32
    %dma_wait3A_594 = arith.constant 1 : i32
    %dma_wait3A_595 = arith.constant 0 : i32
    %dma_wait3A_596 = arith.constant 0 : i32
    %dma_wait3A_597 = tpu.memref_slice %arg7[%dma_wait3A_594, %dma_wait3A_595, %dma_wait3A_596] : memref<2x32x641xf32, #tpu.memory_space<vmem>> -> memref<1x32x641xf32, #tpu.memory_space<vmem>>
    %dma_wait3A_598 = tpu.memref_squeeze %dma_wait3A_597 : memref<1x32x641xf32, #tpu.memory_space<vmem>> -> memref<32x641xf32, #tpu.memory_space<vmem>>
    %dma_wait3A_599 = arith.constant 24 : i32
    %dma_wait3A_600 = arith.constant 512 : i32
    %dma_wait3A_601 = tpu.memref_slice %dma_wait3A_598[%dma_wait3A_599, %dma_wait3A_600] : memref<32x641xf32, #tpu.memory_space<vmem>> -> memref<8x128xf32, #tpu.memory_space<vmem>>
    %dma_wait3A_602 = arith.constant 0 : i32
    %dma_wait3A_603 = tpu.memref_slice %arg4[%mul3A_593, %dma_wait3A_602] : memref<204800x128xf32, #tpu.memory_space<hbm>> -> memref<8x128xf32, #tpu.memory_space<hbm>>
    %dma_wait3A_604 = arith.constant 0 : i32
    %dma_wait3A_605 = tpu.memref_slice %arg4[%mul3A_593, %dma_wait3A_604] : memref<204800x128xf32, #tpu.memory_space<hbm>> -> memref<8x128xf32, #tpu.memory_space<hbm>>
    %dma_wait3A_606 = arith.constant 0 : i32
    %dma_wait3A_607 = arith.constant 0 : i32
    %dma_wait3A_608 = tpu.memref_slice %arg7[%dma_wait3A_594, %dma_wait3A_606, %dma_wait3A_607] : memref<2x32x641xf32, #tpu.memory_space<vmem>> -> memref<1x32x641xf32, #tpu.memory_space<vmem>>
    %dma_wait3A_609 = tpu.memref_squeeze %dma_wait3A_608 : memref<1x32x641xf32, #tpu.memory_space<vmem>> -> memref<32x641xf32, #tpu.memory_space<vmem>>
    %dma_wait3A_610 = arith.constant 24 : i32
    %dma_wait3A_611 = arith.constant 512 : i32
    %dma_wait3A_612 = tpu.memref_slice %dma_wait3A_609[%dma_wait3A_610, %dma_wait3A_611] : memref<32x641xf32, #tpu.memory_space<vmem>> -> memref<8x128xf32, #tpu.memory_space<vmem>>
    tpu.wait_dma2 semaphore(%arg11 : memref<!tpu.dma_semaphore, #tpu.memory_space<semaphore_mem>>) src(%dma_wait3A_612 : memref<8x128xf32, #tpu.memory_space<vmem>>) dst(%dma_wait3A_605 : memref<8x128xf32, #tpu.memory_space<hbm>>)
    return
  }
}

</mosaic_0001>

<sc_bundles>
// kernel: kernel.3.cloned.1.call-start
scs
__scs_entry_jumppad:
0x0: {  	(pc) =	sbr.rel $0x88, $3  }
0x1: {  	(tag) =	ssettag $0x0;
	lr =	simm.s32 $0x1  }
0x2: {  	[smem:$0x3F9F] =	sst lr;
	_ =	strace $0xD0000000  }
0x3: {  	_ = 	snop  }
0x4: {  	_ = 	snop  }
0x5: {  	_ = 	snop  }
0x6: {  	_ = 	snop  }
0x7: {  	_ = 	snop  }
__scs_overlays_trampoline_lowered:
0x8: {  	[smem:$0x3FAE] =	sst s0  }
0x9: {  	[smem:$0x3FAF] =	sst s1  }
0xa: {  	[smem:$0x3FB0] =	sst s2  }
0xb: {  	[smem:$0x3FB1] =	sst s3  }
0xc: {  	[smem:$0x3FB2] =	sst s4  }
0xd: {  	[smem:$0x3FB3] =	sst s5  }
0xe: {  	[smem:$0x3FB4] =	sst s6  }
0xf: {  	[smem:$0x3FB5] =	sst s7  }
0x10: {  	[smem:$0x3FB6] =	sst s8  }
0x11: {  	[smem:$0x3FB7] =	sst s9;
	s0 =	simm.s32 @!p0 $0x0  }
0x12: {  	s1 =	sld [smem:$0x3F9D];
	s0 =	simm.s32 @p0 $0x1  }
0x13: {  	[smem:$0x3FB8] =	sst s0;
	s0 =	simm.s32 @!p1 $0x0  }
0x14: {  	s2 =	sld [smem:$0x3F9C];
	s0 =	simm.s32 @p1 $0x1  }
0x15: {  	[smem:$0x3FB9] =	sst s0;
	s0 =	simm.s32 @!p2 $0x0  }
0x16: {  	s3 =	sld [smem:$0x3FDB];
	s0 =	simm.s32 @p2 $0x1  }
0x17: {  	s4 =	simm.s32 $0x1BF5;
	[smem:$0x3FBB] =	sst s0  }
0x18: {  	s0 =	sld [smem:$0x3F9E];
	_ =	swait.ge [sflag:s4], $0x0  }
0x19: {  	s7 =	sld [smem:$0x3F9F]  }
0x1a: {  	s8 =	sadd.s32 $0xFFFFE003, lr  }
0x1b: {  	s9 =	sadd.s32 $0xFFFFFEF7, lr;
	s5 =	simm.s32 $0xFFFFFFFF;
	p2 =	slt.u32 s8, $0xFFFFF086  }
0x1c: {  	p1 =	slt.u32 s9, $0xF7A;
	s5 =	simm.s32 @!p2 $0x0  }
0x1d: {  	s5 =	simm.s32 @p1 $0x1;
	p0 =	seq.s32 s7, s2  }
0x1e: {  	s7 =	smul.u32 @!p0 $0xF7A, s2;
	p2 =	seq.s32 @!p0 s5, $0x0  }
0x1f: {  	s9 =	smul.u32 $0xF7A, s1;
	s8 =	simm.s32 @!p0 $0x1BF5;
	p2 =	por !p2, p0  }
0x20: {  	[sflag:s8] =	ssyncset.s32 @!p0 $0xFFFFF086;
	s6 =	sadd.s32 @!p0 s3, s7;
	s7 =	simm.s32 @!p0 $0x108  }
0x21: {  	s3 =	sadd.s32 s3, s9;
	s6 =	sadd.s32 @!p0 $0x88, s6;
	s7 =	simm.s32 @p2 $0x1082  }
0x22: {  	[simem:s7], [sflag:s8] =	dma.local @!p0 [hbm:s6], $0xF7A  }
0x23: {  	s9 =	sor.u32 $0xD0000000, s2;
	s6 =	simm.s32 $0x108;
	_ =	swait.ge @!p0 [sflag:s8], $0x0  }
0x24: {  	s3 =	sadd.s32 $0x88, s3;
	s6 =	simm.s32 @!p1 $0x1082;
	[sflag:s4] =	ssyncset.s32 $0xFFFFF086  }
0x25: {  	[simem:s6], [sflag:s4] =	dma.local [hbm:s3], $0xF7A  }
0x26: {  	[smem:$0x3F9F] =	sst s1;
	(tag) =	ssettag s2;
	_ =	strace s9  }
0x27: {  	s1 =	sld [smem:$0x3FAF]  }
0x28: {  	s2 =	sld [smem:$0x3FB0]  }
0x29: {  	s4 =	sld [smem:$0x3FB2]  }
0x2a: {  	p0 =	seq.s32 s5, $0x0;
	s5 =	sld [smem:$0x3FB3]  }
0x2b: {  	s6 =	sld [smem:$0x3FB4]  }
0x2c: {  	s7 =	sld [smem:$0x3FB5]  }
0x2d: {  	s3 =	simm.s32 $0x108;
	s8 =	sld [smem:$0x3FB6]  }
0x2e: {  	s3 =	simm.s32 @!p0 $0x1082;
	s9 =	sld [smem:$0x3FB7]  }
0x2f: {  	lr =	sadd.s32 s0, s3;
	s0 =	sld [smem:$0x3FAE]  }
0x30: {  	s3 =	sld [smem:$0x3FB1]  }
0x31: {  	[smem:$0x3FBA] =	sst s10  }
0x32: {  	s10 =	sld [smem:$0x3FB8];
	_ =	sdelay $0x3  }
0x33: {  	p0 =	seq.s32 s10, $0x1;
	s10 =	sld [smem:$0x3FBA];
	_ =	sdelay $0x3  }
0x34: {  	[smem:$0x3FBA] =	sst s10  }
0x35: {  	s10 =	sld [smem:$0x3FB9];
	_ =	sdelay $0x3  }
0x36: {  	p1 =	seq.s32 s10, $0x1;
	s10 =	sld [smem:$0x3FBA];
	_ =	sdelay $0x3  }
0x37: {  	[smem:$0x3FBA] =	sst s10  }
0x38: {  	s10 =	sld [smem:$0x3FBB]  }
0x39: {  	_ = 	snop;
	(pc) =	sbr.ind lr, $3  }
0x3a: {  	_ = 	snop  }
0x3b: {  	_ = 	snop  }
0x3c: {  	p2 =	seq.s32 s10, $0x1;
	s10 =	sld [smem:$0x3FBA]  }
0x3d: {  	_ =	shalt  }
0x3e: {  	_ =	shalt  }
0x3f: {  	_ =	shalt  }
0x40: {  	_ =	shalt  }
0x41: {  	_ =	shalt  }
0x42: {  	_ =	shalt  }
0x43: {  	_ =	shalt  }
0x44: {  	_ =	shalt  }
0x45: {  	_ =	shalt  }
0x46: {  	_ =	shalt  }
0x47: {  	_ =	shalt  }
0x48: {  	_ =	shalt  }
0x49: {  	_ =	shalt  }
0x4a: {  	_ =	shalt  }
0x4b: {  	_ =	shalt  }
0x4c: {  	_ =	shalt  }
0x4d: {  	_ =	shalt  }
0x4e: {  	_ =	shalt  }
0x4f: {  	_ =	shalt  }
0x50: {  	_ =	shalt  }
0x51: {  	_ =	shalt  }
0x52: {  	_ =	shalt  }
0x53: {  	_ =	shalt  }
0x54: {  	_ =	shalt  }
0x55: {  	_ =	shalt  }
0x56: {  	_ =	shalt  }
0x57: {  	_ =	shalt  }
0x58: {  	_ =	shalt  }
0x59: {  	_ =	shalt  }
0x5a: {  	_ =	shalt  }
0x5b: {  	_ =	shalt  }
0x5c: {  	_ =	shalt  }
0x5d: {  	_ =	shalt  }
0x5e: {  	_ =	shalt  }
0x5f: {  	_ =	shalt  }
0x60: {  	_ =	shalt  }
0x61: {  	_ =	shalt  }
0x62: {  	_ =	shalt  }
0x63: {  	_ =	shalt  }
0x64: {  	_ =	shalt  }
0x65: {  	_ =	shalt  }
0x66: {  	_ =	shalt  }
0x67: {  	_ =	shalt  }
0x68: {  	_ =	shalt  }
0x69: {  	_ =	shalt  }
0x6a: {  	_ =	shalt  }
0x6b: {  	_ =	shalt  }
0x6c: {  	_ =	shalt  }
0x6d: {  	_ =	shalt  }
0x6e: {  	_ =	shalt  }
0x6f: {  	_ =	shalt  }
0x70: {  	_ =	shalt  }
0x71: {  	_ =	shalt  }
0x72: {  	_ =	shalt  }
0x73: {  	_ =	shalt  }
0x74: {  	_ =	shalt  }
0x75: {  	_ =	shalt  }
0x76: {  	_ =	shalt  }
0x77: {  	_ =	shalt  }
0x78: {  	_ =	shalt  }
0x79: {  	_ =	shalt  }
0x7a: {  	_ =	shalt  }
0x7b: {  	_ =	shalt  }
0x7c: {  	_ =	shalt  }
0x7d: {  	_ =	shalt  }
0x7e: {  	_ =	shalt  }
0x7f: {  	_ =	shalt  }
0x80: {  	_ =	shalt  }
0x81: {  	_ =	shalt  }
0x82: {  	_ =	shalt  }
0x83: {  	_ =	shalt  }
0x84: {  	_ =	shalt  }
0x85: {  	_ =	shalt  }
0x86: {  	_ =	shalt  }
0x87: {  	_ =	shalt  }
.Lfunc_end0:
.L_simem_size_0:
called_computation_lowered:
.L_overlay_start_0:
0x88: {  	s2 =	sld [smem:$0x3FD9]  }
0x89: {  	s3 =	sld [smem:$0x3FFE];
	_ =	sdelay $0x1  }
0x8a: {  	s1 =	srdreg.scid  }
0x8b: {  	s0 =	sand.u32 $0x1, s1  }
0x8c: {  	s17 =	sshll.u32 s0, $0xA;
	s2 =	sadd.s32 s3, s2  }
0x8d: {  	s2 =	sadd.s32 s2, s17  }
0x8e: {  	[smem:$0x3FC6] =	sst s2  }
0x8f: {  	_ = 	snop  }
0x90: {  	s2 =	sld [smem:$0x3FD0];
	(tm) =	ssettm $0x1  }
0x91: {  	s18 =	sld [smem:$0x3FFB];
	_ =	sdelay $0x3  }
0x92: {  	_ =	strace s18  }
0x93: {  	s3 =	sld [smem:$0x3FFC];
	_ =	sdelay $0x3  }
0x94: {  	_ =	strace s3  }
0x95: {  	s3 =	sld [smem:$0x3FFD];
	_ =	sdelay $0x3  }
0x96: {  	_ =	strace s3  }
0x97: {  	_ =	strace $0x8FFFFFFF  }
0x98: {  	s19 =	sld [smem:$0x3FDB];
	_ =	sdelay $0x1  }
0x99: {  	s4 =	simm.s32 $_scs_section_size  }
0x9a: {  	s5 =	simm.s32 $_size__tile_overlayer_lowered;
	s6 =	simm.s32 $_tile_overlayer_lowered  }
0x9b: {  	s22 =	simm.s32 $0x1BFF;
	s21 =	sshll.u32 s6, $0x1;
	s3 =	sadd.s32 s4, s19  }
0x9c: {  	s7 =	simm.s32 $0x0;
	s20 =	sshll.u32 s5, $0x1;
	s5 =	sadd.s32 s21, s3  }
0x9d: {  	[timem:s7], [sflag:s22] =	dma.local [hbm:s5], s20  }
0x9e: {  	_ =	swait.ge [sflag:s22], s20  }
0x9f: {  	s4 =	ssub.s32 $0x0, s20;
	[sflag:s22] =	ssyncset.done $0x0  }
0xa0: {  	[sflag:s22] =	ssyncadd.s32 s4;
	_ =	sdelay $0x1  }
0xa1: {  	s23 =	simm.s32 $0x1B8B  }
0xa2: {  	_ =	swait.ge [sflag:s23], $0x1  }
0xa3: {  	[sflag:s23] =	ssyncset.done $0x0  }
0xa4: {  	s25 =	simm.s32 $0x1B8E;
	s24 =	sld [smem:$0x3FFE];
	[sflag:s23] =	ssyncadd.s32 $0xFFFFFFFF  }
0xa5: {  	s26 =	simm.s32 $execute0_lowered;
	[smem:$0x3FD2] =	sst s25  }
0xa6: {  	s5 =	sshll.u32 s26, $0x1;
	_ =	strace $0x80000046;
	[dreg:$0x1] =	wrdreg $0xFFFFFFFF  }
0xa7: {  	s28 =	simm.s32 $_size_execute0_lowered;
	s3 =	sadd.s32 s3, s5;
	[dreg:$0x0] =	wrdreg $0x0  }
0xa8: {  	s5 =	sshll.u32 s28, $0x1;
	[dreg:$0x2] =	wrdreg s3  }
0xa9: {  	[dreg:$0x3] =	wrdreg s5  }
0xaa: {  	[dreg:$0x4] =	wrdreg $0xC0  }
0xab: {  	_ =	task [dreg:s7], $0x5FFFF  }
0xac: {  	[dreg:$0x1] =	wrdreg $0xFFFFFFFF  }
0xad: {  	[dreg:$0x0] =	wrdreg $0x60  }
0xae: {  	[dreg:$0x2] =	wrdreg s24  }
0xaf: {  	[dreg:$0x3] =	wrdreg s2  }
0xb0: {  	[dreg:$0x4] =	wrdreg $0x9  }
0xb1: {  	_ =	task.clear_ibuf [dreg:s7], $0x5FFFF;
	_ =	strace $0x90000046  }
0xb2: {  	s29 =	simm.s32 $0x9;
	_ =	strace $0x80000048  }
0xb3: {  	_ =	swait.ge [sflag:s29], $0x1  }
0xb4: {  	[sflag:s29] =	ssyncadd.s32 $0xFFFFFFFF  }
0xb5: {  	_ =	strace $0x90000048  }
0xb6: {  	_ =	sfence  }
0xb7: {  	s30 =	sld [smem:$0x0];
	_ =	sdelay $0x2  }
0xb8: {  	s31 =	sshll.u32 s1, $0xD;
	s1 =	sshrl.u32 s1, $0x2  }
0xb9: {  	s3 =	sand.u32 $0x4000, s31;
	s1 =	sadd.s32 s1, s30  }
0xba: {  	s0 =	sor.u32 s3, s0;
	s1 =	sshll.u32 s1, $0x11  }
0xbb: {  	s0 =	sor.u32 s1, s0  }
0xbc: {  	s0 =	sadd.s32 $0x8F2B, s0  }
0xbd: {  	[sflag:s0] =	ssyncadd.remote.s32 $0x1  }
0xbe: {  	_ =	sfence.sel $0xFFFF  }
0xbf: {  	[dreg:$0x0] =	wrdreg $0xFFFFFFFF;
	(pc) =	sbr.abs _section_cstart, $3  }
0xc0: {  	[dreg:$0x1] =	wrdreg $0xFFFFFFFF  }
0xc1: {  	_ =	task.clear_ibuf [dreg:s7], $0x2FFFF;
	_ =	strace $0x9FFFFFFF  }
0xc2: {  	(tm) =	ssettm $0x7FFFFFFF  }
0xc3: {  	_ =	shalt  }
tec
execute0_lowered:
.L_overlay_start_1:
0x0: {  	(tag) =	ssettag $0x1  }
0x1: {  	s0 =	rddreg [dreg:$0x0];
	s1 =	srdreg.scid  }
0x2: {  	s2 =	stileid.u32;
	s4 =	rddreg [dreg:$0x1];
	s3 =	simm.s32 $0x0  }
0x3: {  	s8 =	simm.s32 $0xF600;
	s9 =	simm.s32 $0x0;
	s1 =	sand.u32 $0x1, s1  }
0x4: {  	s2 =	sshll.u32 s2, $0x1;
	[smem:$0x7FF] =	sst s3;
	s7 =	sadd.s32 $0x600, s0  }
0x5: {  	s6 =	sadd.s32 $0xF42A00, s0;
	s21 =	sadd.s32 $0x80, s4;
	s23 =	sadd.s32 $0x200, s4  }
0x6: {  	s24 =	sadd.s32 $0xC8000, s4;
	s25 =	sadd.s32 $0xC8080, s4;
	s26 =	sadd.s32 $0xC8100, s4  }
0x7: {  	s31 =	sadd.s32 $0xC8180, s4;
	_ =	strace $0x80000047;
	[dreg:$0x6] =	wrdreg s21  }
0x8: {  	s16 =	sadd.s32 $0xC8200, s4;
	s17 =	sadd.s32 $0x190080, s4;
	[dreg:$0x8] =	wrdreg s23  }
0x9: {  	s28 =	sadd.s32 $0x100, s4;
	s29 =	sadd.s32 $0x258180, s4;
	[dreg:$0x9] =	wrdreg s24  }
0xa: {  	s30 =	sadd.s32 $0x258200, s4;
	s2 =	sor.u32 s1, s2;
	[dreg:$0xa] =	wrdreg s25  }
0xb: {  	s1 =	ssub.s32 $0x2, s1;
	s15 =	smov.u32 s7;
	[dreg:$0xb] =	wrdreg s26  }
0xc: {  	[dreg:$0xc] =	wrdreg s31;
	s21 =	sadd.s32 $0x190000, s4;
	s23 =	sadd.s32 $0x258000, s4  }
0xd: {  	s25 =	sadd.s32 $0x258080, s4;
	s5 =	smul.u32 $0x6400, s2;
	s18 =	sshrl.u32 s1, $0x1  }
0xe: {  	s26 =	sadd.s32 $0x258100, s4;
	s24 =	simm.s32 $0x1;
	s0 =	ssub.s32 s1, s18  }
0xf: {  	s18 =	sadd.s32 $0x180, s4;
	s1 =	simm.s32 $0x80;
	s2 =	sshrl.u32 s5, $0x3  }
0x10: {  	s20 =	sor.u32 $0x280, s5;
	[dreg:$0x3] =	wrdreg s5;
	s22 =	sadd.s32 $0x500, s5  }
0x11: {  	v0 =	vlaneseq.u32;
	s0 =	smax.u32 s0, $0x1;
	s19 =	sadd.s32 s7, s2;
	[dreg:$0x5] =	wrdreg s20  }
0x12: {  	v0 =	vmul.u32 $0x288, v0;
	[dreg:$0x7] =	wrdreg s22;
	s20 =	sadd.s32 $0x190180, s4;
	s22 =	sadd.s32 $0x190200, s4  }
0x13: {  	[dreg:$0xd] =	wrdreg s0;
	s7 =	simm.s32 $0xA500;
	s2 =	simm.s32 $0x2  }
0x14: {  	v1 =	vadd.s32 $0x2880, v0;
	[dreg:$0x4] =	wrdreg s19;
	s19 =	sadd.s32 $0x190100, s4;
	s4 =	simm.s32 $0x3  }
.LBB2_1:
0x15: {  	[dreg:$0xe] =	wrdreg s9  }
0x16: {  	s0 =	rddreg [dreg:$0x4];
	s5 =	simm.s32 $0x5  }
0x17: {  	[tilespmem:s3], [sflag:$0x5] =	stream.linear.gather [hbm4b:s0+s3], $0x280, $0x38;
	[tilespmem:$0x14700] =	vst v63  }
0x18: {  	_ =	swait.ge [sflag:s5], $0x280  }
0x19: {  	[sflag:s5] =	ssyncset.done $0x0  }
0x1a: {  	s9 =	simm.s32 $0x500;
	[sflag:s5] =	ssyncadd.s32 $0xFFFFFD80  }
0x1b: {  	[tilespmem:s9], [sflag:$0x1] =	stream.indirect.gather [hbm4b:s6+s1], $0x20, s3, s1, $0xb8;
	[tilespmem:$0x14700] =	vst v63  }
0x1c: {  	s10 =	simm.s32 $0x1500  }
0x1d: {  	[tilespmem:s10], [sflag:$0x1] =	stream.indirect.gather [hbm4b:s6+s1], $0x20, s1, s1, $0xb8;
	[tilespmem:$0x14700] =	vst v63  }
0x1e: {  	s11 =	simm.s32 $0x100;
	s5 =	simm.s32 $0x2500  }
0x1f: {  	[tilespmem:s5], [sflag:$0x1] =	stream.indirect.gather [hbm4b:s6+s1], $0x20, s11, s1, $0xb8;
	[tilespmem:$0x14700] =	vst v63  }
0x20: {  	s12 =	simm.s32 $0x180;
	s13 =	simm.s32 $0x3500  }
0x21: {  	[tilespmem:s13], [sflag:$0x1] =	stream.indirect.gather [hbm4b:s6+s1], $0x20, s12, s1, $0xb8;
	[tilespmem:$0x14700] =	vst v63  }
0x22: {  	s14 =	simm.s32 $0x200;
	s31 =	simm.s32 $0x4500;
	s0 =	simm.s32 $0x0  }
0x23: {  	[tilespmem:s31], [sflag:$0x1] =	stream.indirect.gather [hbm4b:s6+s1], $0x20, s14, s1, $0xb8;
	[tilespmem:$0x14700] =	vst v63  }
.LBB2_2:
0x24: {  	p0 =	seq.s32 s0, $0x0  }
0x25: {  	s5 =	simm.s32 @!p0 $0x4  }
0x26: {  	_ =	swait.ge @!p0 [sflag:s5], $0x400  }
0x27: {  	[sflag:s5] =	ssyncset.done @!p0 $0x0  }
0x28: {  	[sflag:s5] =	ssyncadd.s32 @!p0 $0xFFFFFC00  }
0x29: {  	_ =	swait.ge @!p0 [sflag:s5], $0x400  }
0x2a: {  	[sflag:s5] =	ssyncset.done @!p0 $0x0  }
0x2b: {  	[sflag:s5] =	ssyncadd.s32 @!p0 $0xFFFFFC00  }
0x2c: {  	_ =	swait.ge @!p0 [sflag:s5], $0x400  }
0x2d: {  	[sflag:s5] =	ssyncset.done @!p0 $0x0  }
0x2e: {  	[sflag:s5] =	ssyncadd.s32 @!p0 $0xFFFFFC00  }
0x2f: {  	_ =	swait.ge @!p0 [sflag:s5], $0x400  }
0x30: {  	[sflag:s5] =	ssyncset.done @!p0 $0x0  }
0x31: {  	[sflag:s5] =	ssyncadd.s32 @!p0 $0xFFFFFC00  }
0x32: {  	_ =	swait.ge @!p0 [sflag:s5], $0x400  }
0x33: {  	[sflag:s5] =	ssyncset.done @!p0 $0x0  }
0x34: {  	[sflag:s5] =	ssyncadd.s32 @!p0 $0xFFFFFC00  }
0x35: {  	_ =	swait.ge @!p0 [sflag:s5], $0x400  }
0x36: {  	[sflag:s5] =	ssyncset.done @!p0 $0x0  }
0x37: {  	[sflag:s5] =	ssyncadd.s32 @!p0 $0xFFFFFC00  }
0x38: {  	_ =	swait.ge @!p0 [sflag:s5], $0x400  }
0x39: {  	[sflag:s5] =	ssyncset.done @!p0 $0x0  }
0x3a: {  	[sflag:s5] =	ssyncadd.s32 @!p0 $0xFFFFFC00  }
0x3b: {  	_ =	swait.ge @!p0 [sflag:s5], $0x400  }
0x3c: {  	[sflag:s5] =	ssyncset.done @!p0 $0x0  }
0x3d: {  	[sflag:s5] =	ssyncadd.s32 @!p0 $0xFFFFFC00  }
0x3e: {  	_ =	swait.ge @!p0 [sflag:s5], $0x400  }
0x3f: {  	[sflag:s5] =	ssyncset.done @!p0 $0x0  }
0x40: {  	[sflag:s5] =	ssyncadd.s32 @!p0 $0xFFFFFC00  }
0x41: {  	_ =	swait.ge @!p0 [sflag:s5], $0x400  }
0x42: {  	[sflag:s5] =	ssyncset.done @!p0 $0x0  }
0x43: {  	[sflag:s5] =	ssyncadd.s32 @!p0 $0xFFFFFC00  }
0x44: {  	_ =	swait.ge @!p0 [sflag:s5], $0x400  }
0x45: {  	[sflag:s5] =	ssyncset.done @!p0 $0x0  }
0x46: {  	[sflag:s5] =	ssyncadd.s32 @!p0 $0xFFFFFC00  }
0x47: {  	_ =	swait.ge @!p0 [sflag:s5], $0x400  }
0x48: {  	[sflag:s5] =	ssyncset.done @!p0 $0x0  }
0x49: {  	[sflag:s5] =	ssyncadd.s32 @!p0 $0xFFFFFC00  }
0x4a: {  	_ =	swait.ge @!p0 [sflag:s5], $0x400  }
0x4b: {  	[sflag:s5] =	ssyncset.done @!p0 $0x0  }
0x4c: {  	[sflag:s5] =	ssyncadd.s32 @!p0 $0xFFFFFC00  }
0x4d: {  	_ =	swait.ge @!p0 [sflag:s5], $0x400  }
0x4e: {  	[sflag:s5] =	ssyncset.done @!p0 $0x0  }
0x4f: {  	[sflag:s5] =	ssyncadd.s32 @!p0 $0xFFFFFC00  }
0x50: {  	_ =	swait.ge @!p0 [sflag:s5], $0x400  }
0x51: {  	[sflag:s5] =	ssyncset.done @!p0 $0x0  }
0x52: {  	[sflag:s5] =	ssyncadd.s32 @!p0 $0xFFFFFC00  }
0x53: {  	_ =	swait.ge @!p0 [sflag:s5], $0x400  }
0x54: {  	[sflag:s5] =	ssyncset.done @!p0 $0x0  }
0x55: {  	[sflag:s5] =	ssyncadd.s32 @!p0 $0xFFFFFC00  }
0x56: {  	_ =	swait.ge @!p0 [sflag:s5], $0x400  }
0x57: {  	[sflag:s5] =	ssyncset.done @!p0 $0x0  }
0x58: {  	[sflag:s5] =	ssyncadd.s32 @!p0 $0xFFFFFC00  }
0x59: {  	_ =	swait.ge @!p0 [sflag:s5], $0x400  }
0x5a: {  	[sflag:s5] =	ssyncset.done @!p0 $0x0  }
0x5b: {  	[sflag:s5] =	ssyncadd.s32 @!p0 $0xFFFFFC00  }
0x5c: {  	_ =	swait.ge @!p0 [sflag:s5], $0x400  }
0x5d: {  	[sflag:s5] =	ssyncset.done @!p0 $0x0  }
0x5e: {  	[sflag:s5] =	ssyncadd.s32 @!p0 $0xFFFFFC00  }
0x5f: {  	s31 =	smul.u32 $0x500, s0;
	_ =	swait.ge @!p0 [sflag:s5], $0x400  }
0x60: {  	s9 =	rddreg [dreg:$0x5]  }
0x61: {  	s11 =	simm.s32 $0x280;
	s10 =	sadd.s32 s31, s9  }
0x62: {  	s13 =	simm.s32 $0x5;
	[sflag:s5] =	ssyncset.done @!p0 $0x0;
	s9 =	sshrl.u32 s10, $0x3  }
0x63: {  	[sflag:s5] =	ssyncadd.s32 @!p0 $0xFFFFFC00;
	s12 =	sadd.s32 s15, s9;
	s9 =	simm.s32 $0x0  }
0x64: {  	[tilespmem:s11], [sflag:$0x5] =	stream.linear.gather [hbm4b:s12+s9], $0x280, $0x38;
	[tilespmem:$0x14700] =	vst v63  }
0x65: {  	_ =	swait.ge [sflag:s13], $0x280  }
0x66: {  	[sflag:s13] =	ssyncset.done $0x0  }
0x67: {  	s14 =	simm.s32 $0x5500;
	[sflag:s13] =	ssyncadd.s32 $0xFFFFFD80  }
0x68: {  	[tilespmem:s14], [sflag:$0x2] =	stream.indirect.gather [hbm4b:s6+s1], $0x20, s11, s1, $0xb8;
	[tilespmem:$0x14700] =	vst v63  }
0x69: {  	s12 =	simm.s32 $0x6500;
	s11 =	simm.s32 $0x300  }
0x6a: {  	[tilespmem:s12], [sflag:$0x2] =	stream.indirect.gather [hbm4b:s6+s1], $0x20, s11, s1, $0xb8;
	[tilespmem:$0x14700] =	vst v63  }
0x6b: {  	s13 =	simm.s32 $0x380;
	s14 =	simm.s32 $0x7500  }
0x6c: {  	[tilespmem:s14], [sflag:$0x2] =	stream.indirect.gather [hbm4b:s6+s1], $0x20, s13, s1, $0xb8;
	[tilespmem:$0x14700] =	vst v63  }
0x6d: {  	s11 =	simm.s32 $0x400;
	s12 =	simm.s32 $0x8500  }
0x6e: {  	[tilespmem:s12], [sflag:$0x2] =	stream.indirect.gather [hbm4b:s6+s1], $0x20, s11, s1, $0xb8;
	[tilespmem:$0x14700] =	vst v63  }
0x6f: {  	s13 =	simm.s32 $0x480;
	s14 =	simm.s32 $0x9500  }
0x70: {  	[tilespmem:s14], [sflag:$0x2] =	stream.indirect.gather [hbm4b:s6+s1], $0x20, s13, s1, $0xb8;
	[tilespmem:$0x14700] =	vst v63  }
0x71: {  	_ =	swait.ge [sflag:s24], $0x1000  }
0x72: {  	[sflag:s24] =	ssyncset.done $0x0  }
0x73: {  	[sflag:s24] =	ssyncadd.s32 $0xFFFFF000  }
0x74: {  	_ =	swait.ge [sflag:s24], $0x1000  }
0x75: {  	[sflag:s24] =	ssyncset.done $0x0  }
0x76: {  	[sflag:s24] =	ssyncadd.s32 $0xFFFFF000  }
0x77: {  	_ =	swait.ge [sflag:s24], $0x1000  }
0x78: {  	[sflag:s24] =	ssyncset.done $0x0  }
0x79: {  	[sflag:s24] =	ssyncadd.s32 $0xFFFFF000  }
0x7a: {  	_ =	swait.ge [sflag:s24], $0x1000  }
0x7b: {  	[sflag:s24] =	ssyncset.done $0x0  }
0x7c: {  	[sflag:s24] =	ssyncadd.s32 $0xFFFFF000  }
0x7d: {  	s11 =	simm.s32 $0x3;
	_ =	swait.ge [sflag:s24], $0x1000  }
0x7e: {  	v2 =	vmov s11;
	[sflag:s24] =	ssyncset.done $0x0  }
0x7f: {  	v3 =	vmov s9;
	s14 =	simm.s32 $0x540;
	v2 =	vand.u32 $0x3FF, v2;
	[sflag:s24] =	ssyncadd.s32 $0xFFFFF000  }
0x80: {  	v3 =	vand.u32 $0x3FC, v3;
	v5 =	vadd.s32 v0, v2;
	v4 =	vld [tilespmem:s14+$0x20]  }
0x81: {  	v7 =	vadd.s32 v0, v3;
	v6 =	vld [tilespmem:s14+$0xFFFFFFC0]  }
0x82: {  	s13 =	simm.s32 $0x2  }
0x83: {  	v9 =	vmov s13  }
0x84: {  	s12 =	simm.s32 $0x1;
	v16 =	vand.u32 $0x3FE, v9  }
0x85: {  	v8 =	vmov s12;
	v12 =	vadd.s32 v0, v16;
	v9 =	vld [tilespmem:s14+$0x0];
	[tilespmem:v5+s7+$0x0] =	vst.idx.msk $0xffff, v4  }
0x86: {  	s9 =	simm.s32 $0x7;
	v8 =	vand.u32 $0x3FD, v8;
	v14 =	vadd.s32 v1, v2;
	[tilespmem:v7+s7+$0x0] =	vst.idx.msk $0xffff, v6;
	v6 =	vld [tilespmem:s14+$0x30]  }
0x87: {  	s11 =	simm.s32 $0x4;
	v11 =	vadd.s32 v0, v8;
	v10 =	vld [tilespmem:s14+$0xFFFFFFE0];
	v4 =	vmov s9  }
0x88: {  	s5 =	simm.s32 $0x5C0;
	v18 =	vadd.s32 v1, v3;
	s12 =	simm.s32 $0x5;
	v2 =	vmov s11;
	v4 =	vand.u32 $0x3FF, v4;
	v17 =	vld [tilespmem:s14+$0xFFFFFFD0]  }
0x89: {  	s13 =	simm.s32 $0x6;
	v19 =	vld [tilespmem:s5+$0x20];
	v5 =	vand.u32 $0x3FC, v2;
	v2 =	vmov s12;
	v20 =	vadd.s32 v0, v4  }
0x8a: {  	v13 =	vld [tilespmem:s5+$0xFFFFFFC0];
	[tilespmem:v12+s7+$0x0] =	vst.idx.msk $0xffff, v9;
	v7 =	vmov s13;
	v15 =	vadd.s32 v0, v5;
	v3 =	vand.u32 $0x3FD, v2  }
0x8b: {  	v12 =	vld [tilespmem:s5+$0xFFFFFFE0];
	v2 =	vand.u32 $0x3FE, v7;
	[tilespmem:v14+s7+$0x0] =	vst.idx.msk $0xffff, v6;
	v14 =	vadd.s32 v0, v3  }
0x8c: {  	[tilespmem:v11+s7+$0x0] =	vst.idx.msk $0xffff, v10;
	v7 =	vld [tilespmem:s5+$0x0];
	v11 =	vadd.s32 v0, v2  }
0x8d: {  	s11 =	simm.s32 $0x8;
	v8 =	vadd.s32 v1, v8;
	[tilespmem:v18+s7+$0x0] =	vst.idx.msk $0xffff, v17;
	v6 =	vld [tilespmem:s14+$0xFFFFFFF0]  }
0x8e: {  	s13 =	simm.s32 $0xB;
	s12 =	simm.s32 $0xC;
	v10 =	vadd.s32 v1, v16;
	s9 =	simm.s32 $0x5C0;
	v9 =	vld [tilespmem:s14+$0x10];
	[tilespmem:v20+s7+$0x0] =	vst.idx.msk $0xffff, v19  }
.LBB2_3:
0x8f: {  	p0 =	slt.u32 s12, $0x27C;
	v16 =	vmov s13;
	[tilespmem:v15+s7+$0x0] =	vst.idx.msk $0xffff, v13;
	v17 =	vld [tilespmem:s5+$0x30];
	v18 =	vadd.s32 v1, v4  }
0x90: {  	v13 =	vmov s11;
	s13 =	sadd.s32 $0x1, s11;
	v19 =	vadd.s32 v1, v5;
	s5 =	sadd.s32 $0x80, s5;
	v4 =	vand.u32 $0x3FF, v16;
	v16 =	vld [tilespmem:s9+$0xFFFFFFD0];
	[tilespmem:v14+s7+$0x0] =	vst.idx.msk $0xffff, v12  }
0x91: {  	v5 =	vand.u32 $0x3FC, v13;
	v12 =	vmov s13;
	s13 =	sadd.s32 $0x2, s11;
	s11 =	smov.u32 s12;
	v20 =	vld [tilespmem:s5+$0x20];
	v21 =	vadd.s32 v0, v4;
	[tilespmem:v11+s7+$0x0] =	vst.idx.msk $0xffff, v7  }
.Ltmp0:
0x92: {  	v15 =	vadd.s32 v0, v5;
	v22 =	vand.u32 $0x3FD, v12;
	v7 =	vmov s13;
	v13 =	vld [tilespmem:s5+$0xFFFFFFC0];
	[tilespmem:v8+s7+$0x0] =	vst.idx.msk $0xffff, v6;
	(pc) =	sbr.rel @p0 .LBB2_3-.Ltmp0, $4  }
0x93: {  	v14 =	vadd.s32 v0, v22;
	v23 =	vand.u32 $0x3FE, v7;
	v12 =	vld [tilespmem:s5+$0xFFFFFFE0];
	[tilespmem:v10+s7+$0x0] =	vst.idx.msk $0xffff, v9  }
0x94: {  	v11 =	vadd.s32 v0, v23;
	v7 =	vld [tilespmem:s5+$0x0];
	[tilespmem:v18+s7+$0x0] =	vst.idx.msk $0xffff, v17  }
0x95: {  	v8 =	vadd.s32 v1, v3;
	v3 =	vmov v22;
	[tilespmem:v19+s7+$0x0] =	vst.idx.msk $0xffff, v16;
	v6 =	vld [tilespmem:s9+$0xFFFFFFF0]  }
0x96: {  	s12 =	sadd.s32 $0x4, s12;
	s13 =	sadd.s32 $0x3, s11;
	v10 =	vadd.s32 v1, v2;
	v2 =	vmov v23;
	[tilespmem:v21+s7+$0x0] =	vst.idx.msk $0xffff, v20;
	v9 =	vld [tilespmem:s9+$0x10];
	s9 =	smov.u32 s5  }
0x97: {  	_ =	sdelay $0x3  }
0x98: {  	v16 =	vmov s13;
	[tilespmem:v15+s7+$0x0] =	vst.idx.msk $0xffff, v13;
	v13 =	vld [tilespmem:s5+$0x30];
	v4 =	vadd.s32 v1, v4  }
0x99: {  	v15 =	vmov s11;
	s12 =	sadd.s32 $0x1, s11;
	v5 =	vadd.s32 v1, v5;
	s13 =	sadd.s32 $0x80, s5;
	v16 =	vand.u32 $0x3FF, v16;
	v17 =	vld [tilespmem:s9+$0xFFFFFFD0];
	[tilespmem:v14+s7+$0x0] =	vst.idx.msk $0xffff, v12  }
0x9a: {  	s14 =	sadd.s32 $0x2, s11;
	v12 =	vand.u32 $0x3FC, v15;
	v14 =	vmov s12;
	v15 =	vld [tilespmem:s13+$0x20];
	v18 =	vadd.s32 v0, v16;
	[tilespmem:v11+s7+$0x0] =	vst.idx.msk $0xffff, v7  }
0x9b: {  	v19 =	vmov s14;
	v7 =	vld [tilespmem:s13+$0xFFFFFFC0];
	v11 =	vadd.s32 v0, v12;
	v14 =	vand.u32 $0x3FD, v14;
	[tilespmem:v8+s7+$0x0] =	vst.idx.msk $0xffff, v6  }
0x9c: {  	v19 =	vand.u32 $0x3FE, v19;
	v6 =	vld [tilespmem:s13+$0xFFFFFFE0];
	v8 =	vadd.s32 v0, v14;
	[tilespmem:v10+s7+$0x0] =	vst.idx.msk $0xffff, v9  }
0x9d: {  	v9 =	vld [tilespmem:s13+$0x0];
	v10 =	vadd.s32 v0, v19;
	[tilespmem:v4+s7+$0x0] =	vst.idx.msk $0xffff, v13  }
0x9e: {  	v3 =	vadd.s32 v1, v3;
	v4 =	vld [tilespmem:s9+$0xFFFFFFF0];
	[tilespmem:v5+s7+$0x0] =	vst.idx.msk $0xffff, v17  }
0x9f: {  	v2 =	vadd.s32 v1, v2;
	v5 =	vld [tilespmem:s9+$0x10];
	[tilespmem:v18+s7+$0x0] =	vst.idx.msk $0xffff, v15  }
0xa0: {  	[tilespmem:v11+s7+$0x0] =	vst.idx.msk $0xffff, v7;
	v11 =	vadd.s32 v1, v16;
	v7 =	vld [tilespmem:s13+$0x30]  }
0xa1: {  	v12 =	vadd.s32 v1, v12;
	v13 =	vld [tilespmem:s13+$0xFFFFFFD0];
	[tilespmem:v8+s7+$0x0] =	vst.idx.msk $0xffff, v6  }
0xa2: {  	v8 =	vadd.s32 v1, v14;
	[tilespmem:v10+s7+$0x0] =	vst.idx.msk $0xffff, v9;
	v6 =	vld [tilespmem:s13+$0xFFFFFFF0]  }
0xa3: {  	[tilespmem:v3+s7+$0x0] =	vst.idx.msk $0xffff, v4  }
0xa4: {  	[tilespmem:v2+s7+$0x0] =	vst.idx.msk $0xffff, v5  }
0xa5: {  	v3 =	vld [tilespmem:s13+$0x10];
	v4 =	vadd.s32 v1, v19;
	[tilespmem:v11+s7+$0x0] =	vst.idx.msk $0xffff, v7  }
0xa6: {  	[tilespmem:v12+s7+$0x0] =	vst.idx.msk $0xffff, v13  }
0xa7: {  	[tilespmem:v8+s7+$0x0] =	vst.idx.msk $0xffff, v6  }
0xa8: {  	s11 =	rddreg [dreg:$0x3]  }
0xa9: {  	s12 =	rddreg [dreg:$0x1];
	s5 =	sadd.s32 s11, s31  }
0xaa: {  	[tilespmem:v4+s7+$0x0] =	vst.idx.msk $0xffff, v3;
	s9 =	sadd.s32 s12, s5  }
0xab: {  	[hbm4b:s9+s3] =	stream.linear.scatter [tilespmem:s7], [sflag:$0x3], $0x80, $0x38;
	[tilespmem:$0x14700] =	vst v63  }
0xac: {  	s14 =	simm.s32 $0xA788;
	s13 =	sadd.s32 $0x10, s9  }
0xad: {  	[hbm4b:s13+s3] =	stream.linear.scatter [tilespmem:s14], [sflag:$0x3], $0x80, $0x38;
	[tilespmem:$0x14700] =	vst v63  }
0xae: {  	s13 =	sadd.s32 $0x20, s9;
	s14 =	simm.s32 $0xAA10  }
0xaf: {  	[hbm4b:s13+s3] =	stream.linear.scatter [tilespmem:s14], [sflag:$0x3], $0x80, $0x38;
	[tilespmem:$0x14700] =	vst v63  }
0xb0: {  	s13 =	sadd.s32 $0x30, s9;
	s14 =	simm.s32 $0xAC98  }
0xb1: {  	[hbm4b:s13+s3] =	stream.linear.scatter [tilespmem:s14], [sflag:$0x3], $0x80, $0x38;
	[tilespmem:$0x14700] =	vst v63  }
0xb2: {  	s13 =	sadd.s32 $0x40, s9;
	s14 =	simm.s32 $0xAF20  }
0xb3: {  	[hbm4b:s13+s3] =	stream.linear.scatter [tilespmem:s14], [sflag:$0x3], $0x80, $0x38;
	[tilespmem:$0x14700] =	vst v63  }
0xb4: {  	s13 =	sadd.s32 $0x50, s9;
	s14 =	simm.s32 $0xB1A8  }
0xb5: {  	[hbm4b:s13+s3] =	stream.linear.scatter [tilespmem:s14], [sflag:$0x3], $0x80, $0x38;
	[tilespmem:$0x14700] =	vst v63  }
0xb6: {  	s12 =	sadd.s32 $0x60, s9;
	s13 =	simm.s32 $0xB430  }
0xb7: {  	[hbm4b:s12+s3] =	stream.linear.scatter [tilespmem:s13], [sflag:$0x3], $0x80, $0x38;
	[tilespmem:$0x14700] =	vst v63  }
0xb8: {  	s11 =	rddreg [dreg:$0x6];
	s9 =	sadd.s32 $0x70, s9;
	s14 =	simm.s32 $0xB6B8  }
0xb9: {  	[hbm4b:s9+s3] =	stream.linear.scatter [tilespmem:s14], [sflag:$0x3], $0x80, $0x38;
	[tilespmem:$0x14700] =	vst v63  }
0xba: {  	s12 =	simm.s32 $0xA580;
	s9 =	sadd.s32 s5, s11  }
0xbb: {  	[hbm4b:s9+s3] =	stream.linear.scatter [tilespmem:s12], [sflag:$0x3], $0x80, $0x38;
	[tilespmem:$0x14700] =	vst v63  }
0xbc: {  	s14 =	simm.s32 $0xA808;
	s13 =	sadd.s32 $0x10, s9  }
0xbd: {  	[hbm4b:s13+s3] =	stream.linear.scatter [tilespmem:s14], [sflag:$0x3], $0x80, $0x38;
	[tilespmem:$0x14700] =	vst v63  }
0xbe: {  	s13 =	sadd.s32 $0x20, s9;
	s14 =	simm.s32 $0xAA90  }
0xbf: {  	[hbm4b:s13+s3] =	stream.linear.scatter [tilespmem:s14], [sflag:$0x3], $0x80, $0x38;
	[tilespmem:$0x14700] =	vst v63  }
0xc0: {  	s13 =	sadd.s32 $0x30, s9;
	s14 =	simm.s32 $0xAD18  }
0xc1: {  	[hbm4b:s13+s3] =	stream.linear.scatter [tilespmem:s14], [sflag:$0x3], $0x80, $0x38;
	[tilespmem:$0x14700] =	vst v63  }
0xc2: {  	s13 =	sadd.s32 $0x40, s9;
	s14 =	simm.s32 $0xAFA0  }
0xc3: {  	[hbm4b:s13+s3] =	stream.linear.scatter [tilespmem:s14], [sflag:$0x3], $0x80, $0x38;
	[tilespmem:$0x14700] =	vst v63  }
0xc4: {  	s13 =	sadd.s32 $0x50, s9;
	s14 =	simm.s32 $0xB228  }
0xc5: {  	[hbm4b:s13+s3] =	stream.linear.scatter [tilespmem:s14], [sflag:$0x3], $0x80, $0x38;
	[tilespmem:$0x14700] =	vst v63  }
0xc6: {  	s12 =	sadd.s32 $0x60, s9;
	s13 =	simm.s32 $0xB4B0  }
0xc7: {  	[hbm4b:s12+s3] =	stream.linear.scatter [tilespmem:s13], [sflag:$0x3], $0x80, $0x38;
	[tilespmem:$0x14700] =	vst v63  }
0xc8: {  	s9 =	sadd.s32 $0x70, s9;
	s14 =	simm.s32 $0xB738  }
0xc9: {  	[hbm4b:s9+s3] =	stream.linear.scatter [tilespmem:s14], [sflag:$0x3], $0x80, $0x38;
	[tilespmem:$0x14700] =	vst v63  }
0xca: {  	s12 =	simm.s32 $0xA600;
	s9 =	sadd.s32 s28, s5  }
0xcb: {  	[hbm4b:s9+s3] =	stream.linear.scatter [tilespmem:s12], [sflag:$0x3], $0x80, $0x38;
	[tilespmem:$0x14700] =	vst v63  }
0xcc: {  	s14 =	simm.s32 $0xA888;
	s13 =	sadd.s32 $0x10, s9  }
0xcd: {  	[hbm4b:s13+s3] =	stream.linear.scatter [tilespmem:s14], [sflag:$0x3], $0x80, $0x38;
	[tilespmem:$0x14700] =	vst v63  }
0xce: {  	s13 =	sadd.s32 $0x20, s9;
	s14 =	simm.s32 $0xAB10  }
0xcf: {  	[hbm4b:s13+s3] =	stream.linear.scatter [tilespmem:s14], [sflag:$0x3], $0x80, $0x38;
	[tilespmem:$0x14700] =	vst v63  }
0xd0: {  	s13 =	sadd.s32 $0x30, s9;
	s14 =	simm.s32 $0xAD98  }
0xd1: {  	[hbm4b:s13+s3] =	stream.linear.scatter [tilespmem:s14], [sflag:$0x3], $0x80, $0x38;
	[tilespmem:$0x14700] =	vst v63  }
0xd2: {  	s13 =	sadd.s32 $0x40, s9;
	s14 =	simm.s32 $0xB020  }
0xd3: {  	[hbm4b:s13+s3] =	stream.linear.scatter [tilespmem:s14], [sflag:$0x3], $0x80, $0x38;
	[tilespmem:$0x14700] =	vst v63  }
0xd4: {  	s13 =	sadd.s32 $0x50, s9;
	s14 =	simm.s32 $0xB2A8  }
0xd5: {  	[hbm4b:s13+s3] =	stream.linear.scatter [tilespmem:s14], [sflag:$0x3], $0x80, $0x38;
	[tilespmem:$0x14700] =	vst v63  }
0xd6: {  	s12 =	sadd.s32 $0x60, s9;
	s13 =	simm.s32 $0xB530  }
0xd7: {  	[hbm4b:s12+s3] =	stream.linear.scatter [tilespmem:s13], [sflag:$0x3], $0x80, $0x38;
	[tilespmem:$0x14700] =	vst v63  }
0xd8: {  	s9 =	sadd.s32 $0x70, s9;
	s14 =	simm.s32 $0xB7B8  }
0xd9: {  	[hbm4b:s9+s3] =	stream.linear.scatter [tilespmem:s14], [sflag:$0x3], $0x80, $0x38;
	[tilespmem:$0x14700] =	vst v63  }
0xda: {  	s12 =	simm.s32 $0xA680;
	s9 =	sadd.s32 s18, s5  }
0xdb: {  	[hbm4b:s9+s3] =	stream.linear.scatter [tilespmem:s12], [sflag:$0x3], $0x80, $0x38;
	[tilespmem:$0x14700] =	vst v63  }
0xdc: {  	s14 =	simm.s32 $0xA908;
	s13 =	sadd.s32 $0x10, s9  }
0xdd: {  	[hbm4b:s13+s3] =	stream.linear.scatter [tilespmem:s14], [sflag:$0x3], $0x80, $0x38;
	[tilespmem:$0x14700] =	vst v63  }
0xde: {  	s13 =	sadd.s32 $0x20, s9;
	s14 =	simm.s32 $0xAB90  }
0xdf: {  	[hbm4b:s13+s3] =	stream.linear.scatter [tilespmem:s14], [sflag:$0x3], $0x80, $0x38;
	[tilespmem:$0x14700] =	vst v63  }
0xe0: {  	s13 =	sadd.s32 $0x30, s9;
	s14 =	simm.s32 $0xAE18  }
0xe1: {  	[hbm4b:s13+s3] =	stream.linear.scatter [tilespmem:s14], [sflag:$0x3], $0x80, $0x38;
	[tilespmem:$0x14700] =	vst v63  }
0xe2: {  	s13 =	sadd.s32 $0x40, s9;
	s14 =	simm.s32 $0xB0A0  }
0xe3: {  	[hbm4b:s13+s3] =	stream.linear.scatter [tilespmem:s14], [sflag:$0x3], $0x80, $0x38;
	[tilespmem:$0x14700] =	vst v63  }
0xe4: {  	s13 =	sadd.s32 $0x50, s9;
	s14 =	simm.s32 $0xB328  }
0xe5: {  	[hbm4b:s13+s3] =	stream.linear.scatter [tilespmem:s14], [sflag:$0x3], $0x80, $0x38;
	[tilespmem:$0x14700] =	vst v63  }
0xe6: {  	s12 =	sadd.s32 $0x60, s9;
	s13 =	simm.s32 $0xB5B0  }
0xe7: {  	[hbm4b:s12+s3] =	stream.linear.scatter [tilespmem:s13], [sflag:$0x3], $0x80, $0x38;
	[tilespmem:$0x14700] =	vst v63  }
0xe8: {  	s11 =	rddreg [dreg:$0x8];
	s9 =	sadd.s32 $0x70, s9;
	s14 =	simm.s32 $0xB838  }
0xe9: {  	[hbm4b:s9+s3] =	stream.linear.scatter [tilespmem:s14], [sflag:$0x3], $0x80, $0x38;
	[tilespmem:$0x14700] =	vst v63  }
0xea: {  	s12 =	simm.s32 $0xA700;
	s9 =	sadd.s32 s11, s5  }
0xeb: {  	[hbm4b:s9+s3] =	stream.linear.scatter [tilespmem:s12], [sflag:$0x3], $0x80, $0x38;
	[tilespmem:$0x14700] =	vst v63  }
0xec: {  	s14 =	simm.s32 $0xA988;
	s13 =	sadd.s32 $0x10, s9  }
0xed: {  	[hbm4b:s13+s3] =	stream.linear.scatter [tilespmem:s14], [sflag:$0x3], $0x80, $0x38;
	[tilespmem:$0x14700] =	vst v63  }
0xee: {  	s13 =	sadd.s32 $0x20, s9;
	s14 =	simm.s32 $0xAC10  }
0xef: {  	[hbm4b:s13+s3] =	stream.linear.scatter [tilespmem:s14], [sflag:$0x3], $0x80, $0x38;
	[tilespmem:$0x14700] =	vst v63  }
0xf0: {  	s13 =	sadd.s32 $0x30, s9;
	s14 =	simm.s32 $0xAE98  }
0xf1: {  	[hbm4b:s13+s3] =	stream.linear.scatter [tilespmem:s14], [sflag:$0x3], $0x80, $0x38;
	[tilespmem:$0x14700] =	vst v63  }
0xf2: {  	s13 =	sadd.s32 $0x40, s9;
	s14 =	simm.s32 $0xB120  }
0xf3: {  	[hbm4b:s13+s3] =	stream.linear.scatter [tilespmem:s14], [sflag:$0x3], $0x80, $0x38;
	[tilespmem:$0x14700] =	vst v63  }
0xf4: {  	s13 =	sadd.s32 $0x50, s9;
	s14 =	simm.s32 $0xB3A8  }
0xf5: {  	[hbm4b:s13+s3] =	stream.linear.scatter [tilespmem:s14], [sflag:$0x3], $0x80, $0x38;
	[tilespmem:$0x14700] =	vst v63  }
0xf6: {  	s12 =	sadd.s32 $0x60, s9;
	s13 =	simm.s32 $0xB630  }
0xf7: {  	[hbm4b:s12+s3] =	stream.linear.scatter [tilespmem:s13], [sflag:$0x3], $0x80, $0x38;
	[tilespmem:$0x14700] =	vst v63  }
0xf8: {  	s11 =	rddreg [dreg:$0x9];
	s9 =	sadd.s32 $0x70, s9;
	s14 =	simm.s32 $0xB8B8  }
0xf9: {  	[hbm4b:s9+s3] =	stream.linear.scatter [tilespmem:s14], [sflag:$0x3], $0x80, $0x38;
	[tilespmem:$0x14700] =	vst v63  }
0xfa: {  	s12 =	simm.s32 $0xB940;
	s9 =	sadd.s32 s11, s5  }
0xfb: {  	[hbm4b:s9+s3] =	stream.linear.scatter [tilespmem:s12], [sflag:$0x3], $0x80, $0x38;
	[tilespmem:$0x14700] =	vst v63  }
0xfc: {  	s14 =	simm.s32 $0xBBC8;
	s13 =	sadd.s32 $0x10, s9  }
0xfd: {  	[hbm4b:s13+s3] =	stream.linear.scatter [tilespmem:s14], [sflag:$0x3], $0x80, $0x38;
	[tilespmem:$0x14700] =	vst v63  }
0xfe: {  	s13 =	sadd.s32 $0x20, s9;
	s14 =	simm.s32 $0xBE50  }
0xff: {  	[hbm4b:s13+s3] =	stream.linear.scatter [tilespmem:s14], [sflag:$0x3], $0x80, $0x38;
	[tilespmem:$0x14700] =	vst v63  }
0x100: {  	s13 =	sadd.s32 $0x30, s9;
	s14 =	simm.s32 $0xC0D8  }
0x101: {  	[hbm4b:s13+s3] =	stream.linear.scatter [tilespmem:s14], [sflag:$0x3], $0x80, $0x38;
	[tilespmem:$0x14700] =	vst v63  }
0x102: {  	s13 =	sadd.s32 $0x40, s9;
	s14 =	simm.s32 $0xC360  }
0x103: {  	[hbm4b:s13+s3] =	stream.linear.scatter [tilespmem:s14], [sflag:$0x3], $0x80, $0x38;
	[tilespmem:$0x14700] =	vst v63  }
0x104: {  	s13 =	sadd.s32 $0x50, s9;
	s14 =	simm.s32 $0xC5E8  }
0x105: {  	[hbm4b:s13+s3] =	stream.linear.scatter [tilespmem:s14], [sflag:$0x3], $0x80, $0x38;
	[tilespmem:$0x14700] =	vst v63  }
0x106: {  	s12 =	sadd.s32 $0x60, s9;
	s13 =	simm.s32 $0xC870  }
0x107: {  	[hbm4b:s12+s3] =	stream.linear.scatter [tilespmem:s13], [sflag:$0x3], $0x80, $0x38;
	[tilespmem:$0x14700] =	vst v63  }
0x108: {  	s11 =	rddreg [dreg:$0xa];
	s9 =	sadd.s32 $0x70, s9;
	s14 =	simm.s32 $0xCAF8  }
0x109: {  	[hbm4b:s9+s3] =	stream.linear.scatter [tilespmem:s14], [sflag:$0x3], $0x80, $0x38;
	[tilespmem:$0x14700] =	vst v63  }
0x10a: {  	s12 =	simm.s32 $0xB9C0;
	s9 =	sadd.s32 s11, s5  }
0x10b: {  	[hbm4b:s9+s3] =	stream.linear.scatter [tilespmem:s12], [sflag:$0x3], $0x80, $0x38;
	[tilespmem:$0x14700] =	vst v63  }
0x10c: {  	s14 =	simm.s32 $0xBC48;
	s13 =	sadd.s32 $0x10, s9  }
0x10d: {  	[hbm4b:s13+s3] =	stream.linear.scatter [tilespmem:s14], [sflag:$0x3], $0x80, $0x38;
	[tilespmem:$0x14700] =	vst v63  }
0x10e: {  	s13 =	sadd.s32 $0x20, s9;
	s14 =	simm.s32 $0xBED0  }
0x10f: {  	[hbm4b:s13+s3] =	stream.linear.scatter [tilespmem:s14], [sflag:$0x3], $0x80, $0x38;
	[tilespmem:$0x14700] =	vst v63  }
0x110: {  	s13 =	sadd.s32 $0x30, s9;
	s14 =	simm.s32 $0xC158  }
0x111: {  	[hbm4b:s13+s3] =	stream.linear.scatter [tilespmem:s14], [sflag:$0x3], $0x80, $0x38;
	[tilespmem:$0x14700] =	vst v63  }
0x112: {  	s13 =	sadd.s32 $0x40, s9;
	s14 =	simm.s32 $0xC3E0  }
0x113: {  	[hbm4b:s13+s3] =	stream.linear.scatter [tilespmem:s14], [sflag:$0x3], $0x80, $0x38;
	[tilespmem:$0x14700] =	vst v63  }
0x114: {  	s13 =	sadd.s32 $0x50, s9;
	s14 =	simm.s32 $0xC668  }
0x115: {  	[hbm4b:s13+s3] =	stream.linear.scatter [tilespmem:s14], [sflag:$0x3], $0x80, $0x38;
	[tilespmem:$0x14700] =	vst v63  }
0x116: {  	s12 =	sadd.s32 $0x60, s9;
	s13 =	simm.s32 $0xC8F0  }
0x117: {  	[hbm4b:s12+s3] =	stream.linear.scatter [tilespmem:s13], [sflag:$0x3], $0x80, $0x38;
	[tilespmem:$0x14700] =	vst v63  }
0x118: {  	s11 =	rddreg [dreg:$0xb];
	s9 =	sadd.s32 $0x70, s9;
	s14 =	simm.s32 $0xCB78  }
0x119: {  	[hbm4b:s9+s3] =	stream.linear.scatter [tilespmem:s14], [sflag:$0x3], $0x80, $0x38;
	[tilespmem:$0x14700] =	vst v63  }
0x11a: {  	s12 =	simm.s32 $0xBA40;
	s9 =	sadd.s32 s11, s5  }
0x11b: {  	[hbm4b:s9+s3] =	stream.linear.scatter [tilespmem:s12], [sflag:$0x3], $0x80, $0x38;
	[tilespmem:$0x14700] =	vst v63  }
0x11c: {  	s14 =	simm.s32 $0xBCC8;
	s13 =	sadd.s32 $0x10, s9  }
0x11d: {  	[hbm4b:s13+s3] =	stream.linear.scatter [tilespmem:s14], [sflag:$0x3], $0x80, $0x38;
	[tilespmem:$0x14700] =	vst v63  }
0x11e: {  	s13 =	sadd.s32 $0x20, s9;
	s14 =	simm.s32 $0xBF50  }
0x11f: {  	[hbm4b:s13+s3] =	stream.linear.scatter [tilespmem:s14], [sflag:$0x3], $0x80, $0x38;
	[tilespmem:$0x14700] =	vst v63  }
0x120: {  	s13 =	sadd.s32 $0x30, s9;
	s14 =	simm.s32 $0xC1D8  }
0x121: {  	[hbm4b:s13+s3] =	stream.linear.scatter [tilespmem:s14], [sflag:$0x3], $0x80, $0x38;
	[tilespmem:$0x14700] =	vst v63  }
0x122: {  	s13 =	sadd.s32 $0x40, s9;
	s14 =	simm.s32 $0xC460  }
0x123: {  	[hbm4b:s13+s3] =	stream.linear.scatter [tilespmem:s14], [sflag:$0x3], $0x80, $0x38;
	[tilespmem:$0x14700] =	vst v63  }
0x124: {  	s13 =	sadd.s32 $0x50, s9;
	s14 =	simm.s32 $0xC6E8  }
0x125: {  	[hbm4b:s13+s3] =	stream.linear.scatter [tilespmem:s14], [sflag:$0x3], $0x80, $0x38;
	[tilespmem:$0x14700] =	vst v63  }
0x126: {  	s12 =	sadd.s32 $0x60, s9;
	s13 =	simm.s32 $0xC970  }
0x127: {  	[hbm4b:s12+s3] =	stream.linear.scatter [tilespmem:s13], [sflag:$0x3], $0x80, $0x38;
	[tilespmem:$0x14700] =	vst v63  }
0x128: {  	s11 =	rddreg [dreg:$0xc];
	s9 =	sadd.s32 $0x70, s9;
	s14 =	simm.s32 $0xCBF8  }
0x129: {  	[hbm4b:s9+s3] =	stream.linear.scatter [tilespmem:s14], [sflag:$0x3], $0x80, $0x38;
	[tilespmem:$0x14700] =	vst v63  }
0x12a: {  	s12 =	simm.s32 $0xBAC0;
	s9 =	sadd.s32 s11, s5  }
0x12b: {  	[hbm4b:s9+s3] =	stream.linear.scatter [tilespmem:s12], [sflag:$0x3], $0x80, $0x38;
	[tilespmem:$0x14700] =	vst v63  }
0x12c: {  	s14 =	simm.s32 $0xBD48;
	s13 =	sadd.s32 $0x10, s9  }
0x12d: {  	[hbm4b:s13+s3] =	stream.linear.scatter [tilespmem:s14], [sflag:$0x3], $0x80, $0x38;
	[tilespmem:$0x14700] =	vst v63  }
0x12e: {  	s13 =	sadd.s32 $0x20, s9;
	s14 =	simm.s32 $0xBFD0  }
0x12f: {  	[hbm4b:s13+s3] =	stream.linear.scatter [tilespmem:s14], [sflag:$0x3], $0x80, $0x38;
	[tilespmem:$0x14700] =	vst v63  }
0x130: {  	s13 =	sadd.s32 $0x30, s9;
	s14 =	simm.s32 $0xC258  }
0x131: {  	[hbm4b:s13+s3] =	stream.linear.scatter [tilespmem:s14], [sflag:$0x3], $0x80, $0x38;
	[tilespmem:$0x14700] =	vst v63  }
0x132: {  	s13 =	sadd.s32 $0x40, s9;
	s14 =	simm.s32 $0xC4E0  }
0x133: {  	[hbm4b:s13+s3] =	stream.linear.scatter [tilespmem:s14], [sflag:$0x3], $0x80, $0x38;
	[tilespmem:$0x14700] =	vst v63  }
0x134: {  	s13 =	sadd.s32 $0x50, s9;
	s14 =	simm.s32 $0xC768  }
0x135: {  	[hbm4b:s13+s3] =	stream.linear.scatter [tilespmem:s14], [sflag:$0x3], $0x80, $0x38;
	[tilespmem:$0x14700] =	vst v63  }
0x136: {  	s12 =	sadd.s32 $0x60, s9;
	s13 =	simm.s32 $0xC9F0  }
0x137: {  	[hbm4b:s12+s3] =	stream.linear.scatter [tilespmem:s13], [sflag:$0x3], $0x80, $0x38;
	[tilespmem:$0x14700] =	vst v63  }
0x138: {  	s9 =	sadd.s32 $0x70, s9;
	s14 =	simm.s32 $0xCC78  }
0x139: {  	[hbm4b:s9+s3] =	stream.linear.scatter [tilespmem:s14], [sflag:$0x3], $0x80, $0x38;
	[tilespmem:$0x14700] =	vst v63  }
0x13a: {  	s12 =	simm.s32 $0xBB40;
	s9 =	sadd.s32 s16, s5  }
0x13b: {  	[hbm4b:s9+s3] =	stream.linear.scatter [tilespmem:s12], [sflag:$0x3], $0x80, $0x38;
	[tilespmem:$0x14700] =	vst v63  }
0x13c: {  	s14 =	simm.s32 $0xBDC8;
	s13 =	sadd.s32 $0x10, s9  }
0x13d: {  	[hbm4b:s13+s3] =	stream.linear.scatter [tilespmem:s14], [sflag:$0x3], $0x80, $0x38;
	[tilespmem:$0x14700] =	vst v63  }
0x13e: {  	s13 =	sadd.s32 $0x20, s9;
	s14 =	simm.s32 $0xC050  }
0x13f: {  	[hbm4b:s13+s3] =	stream.linear.scatter [tilespmem:s14], [sflag:$0x3], $0x80, $0x38;
	[tilespmem:$0x14700] =	vst v63  }
0x140: {  	s13 =	sadd.s32 $0x30, s9;
	s14 =	simm.s32 $0xC2D8  }
0x141: {  	[hbm4b:s13+s3] =	stream.linear.scatter [tilespmem:s14], [sflag:$0x3], $0x80, $0x38;
	[tilespmem:$0x14700] =	vst v63  }
0x142: {  	s13 =	sadd.s32 $0x40, s9;
	s14 =	simm.s32 $0xC560  }
0x143: {  	[hbm4b:s13+s3] =	stream.linear.scatter [tilespmem:s14], [sflag:$0x3], $0x80, $0x38;
	[tilespmem:$0x14700] =	vst v63  }
0x144: {  	s13 =	sadd.s32 $0x50, s9;
	s14 =	simm.s32 $0xC7E8  }
0x145: {  	[hbm4b:s13+s3] =	stream.linear.scatter [tilespmem:s14], [sflag:$0x3], $0x80, $0x38;
	[tilespmem:$0x14700] =	vst v63  }
0x146: {  	s12 =	sadd.s32 $0x60, s9;
	s13 =	simm.s32 $0xCA70  }
0x147: {  	[hbm4b:s12+s3] =	stream.linear.scatter [tilespmem:s13], [sflag:$0x3], $0x80, $0x38;
	[tilespmem:$0x14700] =	vst v63  }
0x148: {  	s9 =	sadd.s32 $0x70, s9;
	s14 =	simm.s32 $0xCCF8  }
0x149: {  	[hbm4b:s9+s3] =	stream.linear.scatter [tilespmem:s14], [sflag:$0x3], $0x80, $0x38;
	[tilespmem:$0x14700] =	vst v63  }
0x14a: {  	s12 =	simm.s32 $0xCD80;
	s9 =	sadd.s32 s21, s5  }
0x14b: {  	[hbm4b:s9+s3] =	stream.linear.scatter [tilespmem:s12], [sflag:$0x3], $0x80, $0x38;
	[tilespmem:$0x14700] =	vst v63  }
0x14c: {  	s14 =	simm.s32 $0xD008;
	s13 =	sadd.s32 $0x10, s9  }
0x14d: {  	[hbm4b:s13+s3] =	stream.linear.scatter [tilespmem:s14], [sflag:$0x3], $0x80, $0x38;
	[tilespmem:$0x14700] =	vst v63  }
0x14e: {  	s13 =	sadd.s32 $0x20, s9;
	s14 =	simm.s32 $0xD290  }
0x14f: {  	[hbm4b:s13+s3] =	stream.linear.scatter [tilespmem:s14], [sflag:$0x3], $0x80, $0x38;
	[tilespmem:$0x14700] =	vst v63  }
0x150: {  	s13 =	sadd.s32 $0x30, s9;
	s14 =	simm.s32 $0xD518  }
0x151: {  	[hbm4b:s13+s3] =	stream.linear.scatter [tilespmem:s14], [sflag:$0x3], $0x80, $0x38;
	[tilespmem:$0x14700] =	vst v63  }
0x152: {  	s13 =	sadd.s32 $0x40, s9;
	s14 =	simm.s32 $0xD7A0  }
0x153: {  	[hbm4b:s13+s3] =	stream.linear.scatter [tilespmem:s14], [sflag:$0x3], $0x80, $0x38;
	[tilespmem:$0x14700] =	vst v63  }
0x154: {  	s13 =	sadd.s32 $0x50, s9;
	s14 =	simm.s32 $0xDA28  }
0x155: {  	[hbm4b:s13+s3] =	stream.linear.scatter [tilespmem:s14], [sflag:$0x3], $0x80, $0x38;
	[tilespmem:$0x14700] =	vst v63  }
0x156: {  	s12 =	sadd.s32 $0x60, s9;
	s13 =	simm.s32 $0xDCB0  }
0x157: {  	[hbm4b:s12+s3] =	stream.linear.scatter [tilespmem:s13], [sflag:$0x3], $0x80, $0x38;
	[tilespmem:$0x14700] =	vst v63  }
0x158: {  	s9 =	sadd.s32 $0x70, s9;
	s14 =	simm.s32 $0xDF38  }
0x159: {  	[hbm4b:s9+s3] =	stream.linear.scatter [tilespmem:s14], [sflag:$0x3], $0x80, $0x38;
	[tilespmem:$0x14700] =	vst v63  }
0x15a: {  	s12 =	simm.s32 $0xCE00;
	s9 =	sadd.s32 s17, s5  }
0x15b: {  	[hbm4b:s9+s3] =	stream.linear.scatter [tilespmem:s12], [sflag:$0x3], $0x80, $0x38;
	[tilespmem:$0x14700] =	vst v63  }
0x15c: {  	s14 =	simm.s32 $0xD088;
	s13 =	sadd.s32 $0x10, s9  }
0x15d: {  	[hbm4b:s13+s3] =	stream.linear.scatter [tilespmem:s14], [sflag:$0x3], $0x80, $0x38;
	[tilespmem:$0x14700] =	vst v63  }
0x15e: {  	s13 =	sadd.s32 $0x20, s9;
	s14 =	simm.s32 $0xD310  }
0x15f: {  	[hbm4b:s13+s3] =	stream.linear.scatter [tilespmem:s14], [sflag:$0x3], $0x80, $0x38;
	[tilespmem:$0x14700] =	vst v63  }
0x160: {  	s13 =	sadd.s32 $0x30, s9;
	s14 =	simm.s32 $0xD598  }
0x161: {  	[hbm4b:s13+s3] =	stream.linear.scatter [tilespmem:s14], [sflag:$0x3], $0x80, $0x38;
	[tilespmem:$0x14700] =	vst v63  }
0x162: {  	s13 =	sadd.s32 $0x40, s9;
	s14 =	simm.s32 $0xD820  }
0x163: {  	[hbm4b:s13+s3] =	stream.linear.scatter [tilespmem:s14], [sflag:$0x3], $0x80, $0x38;
	[tilespmem:$0x14700] =	vst v63  }
0x164: {  	s13 =	sadd.s32 $0x50, s9;
	s14 =	simm.s32 $0xDAA8  }
0x165: {  	[hbm4b:s13+s3] =	stream.linear.scatter [tilespmem:s14], [sflag:$0x3], $0x80, $0x38;
	[tilespmem:$0x14700] =	vst v63  }
0x166: {  	s12 =	sadd.s32 $0x60, s9;
	s13 =	simm.s32 $0xDD30  }
0x167: {  	[hbm4b:s12+s3] =	stream.linear.scatter [tilespmem:s13], [sflag:$0x3], $0x80, $0x38;
	[tilespmem:$0x14700] =	vst v63  }
0x168: {  	s9 =	sadd.s32 $0x70, s9;
	s14 =	simm.s32 $0xDFB8  }
0x169: {  	[hbm4b:s9+s3] =	stream.linear.scatter [tilespmem:s14], [sflag:$0x3], $0x80, $0x38;
	[tilespmem:$0x14700] =	vst v63  }
0x16a: {  	s12 =	simm.s32 $0xCE80;
	s9 =	sadd.s32 s19, s5  }
0x16b: {  	[hbm4b:s9+s3] =	stream.linear.scatter [tilespmem:s12], [sflag:$0x3], $0x80, $0x38;
	[tilespmem:$0x14700] =	vst v63  }
0x16c: {  	s14 =	simm.s32 $0xD108;
	s13 =	sadd.s32 $0x10, s9  }
0x16d: {  	[hbm4b:s13+s3] =	stream.linear.scatter [tilespmem:s14], [sflag:$0x3], $0x80, $0x38;
	[tilespmem:$0x14700] =	vst v63  }
0x16e: {  	s13 =	sadd.s32 $0x20, s9;
	s14 =	simm.s32 $0xD390  }
0x16f: {  	[hbm4b:s13+s3] =	stream.linear.scatter [tilespmem:s14], [sflag:$0x3], $0x80, $0x38;
	[tilespmem:$0x14700] =	vst v63  }
0x170: {  	s13 =	sadd.s32 $0x30, s9;
	s14 =	simm.s32 $0xD618  }
0x171: {  	[hbm4b:s13+s3] =	stream.linear.scatter [tilespmem:s14], [sflag:$0x3], $0x80, $0x38;
	[tilespmem:$0x14700] =	vst v63  }
0x172: {  	s13 =	sadd.s32 $0x40, s9;
	s14 =	simm.s32 $0xD8A0  }
0x173: {  	[hbm4b:s13+s3] =	stream.linear.scatter [tilespmem:s14], [sflag:$0x3], $0x80, $0x38;
	[tilespmem:$0x14700] =	vst v63  }
0x174: {  	s13 =	sadd.s32 $0x50, s9;
	s14 =	simm.s32 $0xDB28  }
0x175: {  	[hbm4b:s13+s3] =	stream.linear.scatter [tilespmem:s14], [sflag:$0x3], $0x80, $0x38;
	[tilespmem:$0x14700] =	vst v63  }
0x176: {  	s12 =	sadd.s32 $0x60, s9;
	s13 =	simm.s32 $0xDDB0  }
0x177: {  	[hbm4b:s12+s3] =	stream.linear.scatter [tilespmem:s13], [sflag:$0x3], $0x80, $0x38;
	[tilespmem:$0x14700] =	vst v63  }
0x178: {  	s9 =	sadd.s32 $0x70, s9;
	s14 =	simm.s32 $0xE038  }
0x179: {  	[hbm4b:s9+s3] =	stream.linear.scatter [tilespmem:s14], [sflag:$0x3], $0x80, $0x38;
	[tilespmem:$0x14700] =	vst v63  }
0x17a: {  	s12 =	simm.s32 $0xCF00;
	s9 =	sadd.s32 s20, s5  }
0x17b: {  	[hbm4b:s9+s3] =	stream.linear.scatter [tilespmem:s12], [sflag:$0x3], $0x80, $0x38;
	[tilespmem:$0x14700] =	vst v63  }
0x17c: {  	s14 =	simm.s32 $0xD188;
	s13 =	sadd.s32 $0x10, s9  }
0x17d: {  	[hbm4b:s13+s3] =	stream.linear.scatter [tilespmem:s14], [sflag:$0x3], $0x80, $0x38;
	[tilespmem:$0x14700] =	vst v63  }
0x17e: {  	s13 =	sadd.s32 $0x20, s9;
	s14 =	simm.s32 $0xD410  }
0x17f: {  	[hbm4b:s13+s3] =	stream.linear.scatter [tilespmem:s14], [sflag:$0x3], $0x80, $0x38;
	[tilespmem:$0x14700] =	vst v63  }
0x180: {  	s13 =	sadd.s32 $0x30, s9;
	s14 =	simm.s32 $0xD698  }
0x181: {  	[hbm4b:s13+s3] =	stream.linear.scatter [tilespmem:s14], [sflag:$0x3], $0x80, $0x38;
	[tilespmem:$0x14700] =	vst v63  }
0x182: {  	s13 =	sadd.s32 $0x40, s9;
	s14 =	simm.s32 $0xD920  }
0x183: {  	[hbm4b:s13+s3] =	stream.linear.scatter [tilespmem:s14], [sflag:$0x3], $0x80, $0x38;
	[tilespmem:$0x14700] =	vst v63  }
0x184: {  	s13 =	sadd.s32 $0x50, s9;
	s14 =	simm.s32 $0xDBA8  }
0x185: {  	[hbm4b:s13+s3] =	stream.linear.scatter [tilespmem:s14], [sflag:$0x3], $0x80, $0x38;
	[tilespmem:$0x14700] =	vst v63  }
0x186: {  	s12 =	sadd.s32 $0x60, s9;
	s13 =	simm.s32 $0xDE30  }
0x187: {  	[hbm4b:s12+s3] =	stream.linear.scatter [tilespmem:s13], [sflag:$0x3], $0x80, $0x38;
	[tilespmem:$0x14700] =	vst v63  }
0x188: {  	s9 =	sadd.s32 $0x70, s9;
	s14 =	simm.s32 $0xE0B8  }
0x189: {  	[hbm4b:s9+s3] =	stream.linear.scatter [tilespmem:s14], [sflag:$0x3], $0x80, $0x38;
	[tilespmem:$0x14700] =	vst v63  }
0x18a: {  	s12 =	simm.s32 $0xCF80;
	s9 =	sadd.s32 s22, s5  }
0x18b: {  	[hbm4b:s9+s3] =	stream.linear.scatter [tilespmem:s12], [sflag:$0x3], $0x80, $0x38;
	[tilespmem:$0x14700] =	vst v63  }
0x18c: {  	s14 =	simm.s32 $0xD208;
	s13 =	sadd.s32 $0x10, s9  }
0x18d: {  	[hbm4b:s13+s3] =	stream.linear.scatter [tilespmem:s14], [sflag:$0x3], $0x80, $0x38;
	[tilespmem:$0x14700] =	vst v63  }
0x18e: {  	s13 =	sadd.s32 $0x20, s9;
	s14 =	simm.s32 $0xD490  }
0x18f: {  	[hbm4b:s13+s3] =	stream.linear.scatter [tilespmem:s14], [sflag:$0x3], $0x80, $0x38;
	[tilespmem:$0x14700] =	vst v63  }
0x190: {  	s13 =	sadd.s32 $0x30, s9;
	s14 =	simm.s32 $0xD718  }
0x191: {  	[hbm4b:s13+s3] =	stream.linear.scatter [tilespmem:s14], [sflag:$0x3], $0x80, $0x38;
	[tilespmem:$0x14700] =	vst v63  }
0x192: {  	s13 =	sadd.s32 $0x40, s9;
	s14 =	simm.s32 $0xD9A0  }
0x193: {  	[hbm4b:s13+s3] =	stream.linear.scatter [tilespmem:s14], [sflag:$0x3], $0x80, $0x38;
	[tilespmem:$0x14700] =	vst v63  }
0x194: {  	s13 =	sadd.s32 $0x50, s9;
	s14 =	simm.s32 $0xDC28  }
0x195: {  	[hbm4b:s13+s3] =	stream.linear.scatter [tilespmem:s14], [sflag:$0x3], $0x80, $0x38;
	[tilespmem:$0x14700] =	vst v63  }
0x196: {  	s12 =	sadd.s32 $0x60, s9;
	s13 =	simm.s32 $0xDEB0  }
0x197: {  	[hbm4b:s12+s3] =	stream.linear.scatter [tilespmem:s13], [sflag:$0x3], $0x80, $0x38;
	[tilespmem:$0x14700] =	vst v63  }
0x198: {  	s9 =	sadd.s32 $0x70, s9;
	s14 =	simm.s32 $0xE138  }
0x199: {  	[hbm4b:s9+s3] =	stream.linear.scatter [tilespmem:s14], [sflag:$0x3], $0x80, $0x38;
	[tilespmem:$0x14700] =	vst v63  }
0x19a: {  	s12 =	simm.s32 $0xE1C0;
	s9 =	sadd.s32 s23, s5  }
0x19b: {  	[hbm4b:s9+s3] =	stream.linear.scatter [tilespmem:s12], [sflag:$0x3], $0x80, $0x38;
	[tilespmem:$0x14700] =	vst v63  }
0x19c: {  	s14 =	simm.s32 $0xE448;
	s13 =	sadd.s32 $0x10, s9  }
0x19d: {  	[hbm4b:s13+s3] =	stream.linear.scatter [tilespmem:s14], [sflag:$0x3], $0x80, $0x38;
	[tilespmem:$0x14700] =	vst v63  }
0x19e: {  	s13 =	sadd.s32 $0x20, s9;
	s14 =	simm.s32 $0xE6D0  }
0x19f: {  	[hbm4b:s13+s3] =	stream.linear.scatter [tilespmem:s14], [sflag:$0x3], $0x80, $0x38;
	[tilespmem:$0x14700] =	vst v63  }
0x1a0: {  	s13 =	sadd.s32 $0x30, s9;
	s14 =	simm.s32 $0xE958  }
0x1a1: {  	[hbm4b:s13+s3] =	stream.linear.scatter [tilespmem:s14], [sflag:$0x3], $0x80, $0x38;
	[tilespmem:$0x14700] =	vst v63  }
0x1a2: {  	s13 =	sadd.s32 $0x40, s9;
	s14 =	simm.s32 $0xEBE0  }
0x1a3: {  	[hbm4b:s13+s3] =	stream.linear.scatter [tilespmem:s14], [sflag:$0x3], $0x80, $0x38;
	[tilespmem:$0x14700] =	vst v63  }
0x1a4: {  	s13 =	sadd.s32 $0x50, s9;
	s14 =	simm.s32 $0xEE68  }
0x1a5: {  	[hbm4b:s13+s3] =	stream.linear.scatter [tilespmem:s14], [sflag:$0x3], $0x80, $0x38;
	[tilespmem:$0x14700] =	vst v63  }
0x1a6: {  	s12 =	sadd.s32 $0x60, s9;
	s13 =	simm.s32 $0xF0F0  }
0x1a7: {  	[hbm4b:s12+s3] =	stream.linear.scatter [tilespmem:s13], [sflag:$0x3], $0x80, $0x38;
	[tilespmem:$0x14700] =	vst v63  }
0x1a8: {  	s9 =	sadd.s32 $0x70, s9;
	s14 =	simm.s32 $0xF378  }
0x1a9: {  	[hbm4b:s9+s3] =	stream.linear.scatter [tilespmem:s14], [sflag:$0x3], $0x80, $0x38;
	[tilespmem:$0x14700] =	vst v63  }
0x1aa: {  	s12 =	simm.s32 $0xE240;
	s9 =	sadd.s32 s25, s5  }
0x1ab: {  	[hbm4b:s9+s3] =	stream.linear.scatter [tilespmem:s12], [sflag:$0x3], $0x80, $0x38;
	[tilespmem:$0x14700] =	vst v63  }
0x1ac: {  	s14 =	simm.s32 $0xE4C8;
	s13 =	sadd.s32 $0x10, s9  }
0x1ad: {  	[hbm4b:s13+s3] =	stream.linear.scatter [tilespmem:s14], [sflag:$0x3], $0x80, $0x38;
	[tilespmem:$0x14700] =	vst v63  }
0x1ae: {  	s13 =	sadd.s32 $0x20, s9;
	s14 =	simm.s32 $0xE750  }
0x1af: {  	[hbm4b:s13+s3] =	stream.linear.scatter [tilespmem:s14], [sflag:$0x3], $0x80, $0x38;
	[tilespmem:$0x14700] =	vst v63  }
0x1b0: {  	s13 =	sadd.s32 $0x30, s9;
	s14 =	simm.s32 $0xE9D8  }
0x1b1: {  	[hbm4b:s13+s3] =	stream.linear.scatter [tilespmem:s14], [sflag:$0x3], $0x80, $0x38;
	[tilespmem:$0x14700] =	vst v63  }
0x1b2: {  	s13 =	sadd.s32 $0x40, s9;
	s14 =	simm.s32 $0xEC60  }
0x1b3: {  	[hbm4b:s13+s3] =	stream.linear.scatter [tilespmem:s14], [sflag:$0x3], $0x80, $0x38;
	[tilespmem:$0x14700] =	vst v63  }
0x1b4: {  	s13 =	sadd.s32 $0x50, s9;
	s14 =	simm.s32 $0xEEE8  }
0x1b5: {  	[hbm4b:s13+s3] =	stream.linear.scatter [tilespmem:s14], [sflag:$0x3], $0x80, $0x38;
	[tilespmem:$0x14700] =	vst v63  }
0x1b6: {  	s12 =	sadd.s32 $0x60, s9;
	s13 =	simm.s32 $0xF170  }
0x1b7: {  	[hbm4b:s12+s3] =	stream.linear.scatter [tilespmem:s13], [sflag:$0x3], $0x80, $0x38;
	[tilespmem:$0x14700] =	vst v63  }
0x1b8: {  	s9 =	sadd.s32 $0x70, s9;
	s14 =	simm.s32 $0xF3F8  }
0x1b9: {  	[hbm4b:s9+s3] =	stream.linear.scatter [tilespmem:s14], [sflag:$0x3], $0x80, $0x38;
	[tilespmem:$0x14700] =	vst v63  }
0x1ba: {  	s12 =	simm.s32 $0xE2C0;
	s9 =	sadd.s32 s26, s5  }
0x1bb: {  	[hbm4b:s9+s3] =	stream.linear.scatter [tilespmem:s12], [sflag:$0x3], $0x80, $0x38;
	[tilespmem:$0x14700] =	vst v63  }
0x1bc: {  	s14 =	simm.s32 $0xE548;
	s13 =	sadd.s32 $0x10, s9  }
0x1bd: {  	[hbm4b:s13+s3] =	stream.linear.scatter [tilespmem:s14], [sflag:$0x3], $0x80, $0x38;
	[tilespmem:$0x14700] =	vst v63  }
0x1be: {  	s13 =	sadd.s32 $0x20, s9;
	s14 =	simm.s32 $0xE7D0  }
0x1bf: {  	[hbm4b:s13+s3] =	stream.linear.scatter [tilespmem:s14], [sflag:$0x3], $0x80, $0x38;
	[tilespmem:$0x14700] =	vst v63  }
0x1c0: {  	s13 =	sadd.s32 $0x30, s9;
	s14 =	simm.s32 $0xEA58  }
0x1c1: {  	[hbm4b:s13+s3] =	stream.linear.scatter [tilespmem:s14], [sflag:$0x3], $0x80, $0x38;
	[tilespmem:$0x14700] =	vst v63  }
0x1c2: {  	s13 =	sadd.s32 $0x40, s9;
	s14 =	simm.s32 $0xECE0  }
0x1c3: {  	[hbm4b:s13+s3] =	stream.linear.scatter [tilespmem:s14], [sflag:$0x3], $0x80, $0x38;
	[tilespmem:$0x14700] =	vst v63  }
0x1c4: {  	s13 =	sadd.s32 $0x50, s9;
	s14 =	simm.s32 $0xEF68  }
0x1c5: {  	[hbm4b:s13+s3] =	stream.linear.scatter [tilespmem:s14], [sflag:$0x3], $0x80, $0x38;
	[tilespmem:$0x14700] =	vst v63  }
0x1c6: {  	s12 =	sadd.s32 $0x60, s9;
	s13 =	simm.s32 $0xF1F0  }
0x1c7: {  	[hbm4b:s12+s3] =	stream.linear.scatter [tilespmem:s13], [sflag:$0x3], $0x80, $0x38;
	[tilespmem:$0x14700] =	vst v63  }
0x1c8: {  	s9 =	sadd.s32 $0x70, s9;
	s14 =	simm.s32 $0xF478  }
0x1c9: {  	[hbm4b:s9+s3] =	stream.linear.scatter [tilespmem:s14], [sflag:$0x3], $0x80, $0x38;
	[tilespmem:$0x14700] =	vst v63  }
0x1ca: {  	s12 =	simm.s32 $0xE340;
	s9 =	sadd.s32 s29, s5  }
0x1cb: {  	[hbm4b:s9+s3] =	stream.linear.scatter [tilespmem:s12], [sflag:$0x3], $0x80, $0x38;
	[tilespmem:$0x14700] =	vst v63  }
0x1cc: {  	s14 =	simm.s32 $0xE5C8;
	s13 =	sadd.s32 $0x10, s9  }
0x1cd: {  	[hbm4b:s13+s3] =	stream.linear.scatter [tilespmem:s14], [sflag:$0x3], $0x80, $0x38;
	[tilespmem:$0x14700] =	vst v63  }
0x1ce: {  	s13 =	sadd.s32 $0x20, s9;
	s14 =	simm.s32 $0xE850  }
0x1cf: {  	[hbm4b:s13+s3] =	stream.linear.scatter [tilespmem:s14], [sflag:$0x3], $0x80, $0x38;
	[tilespmem:$0x14700] =	vst v63  }
0x1d0: {  	s13 =	sadd.s32 $0x30, s9;
	s14 =	simm.s32 $0xEAD8  }
0x1d1: {  	[hbm4b:s13+s3] =	stream.linear.scatter [tilespmem:s14], [sflag:$0x3], $0x80, $0x38;
	[tilespmem:$0x14700] =	vst v63  }
0x1d2: {  	s13 =	sadd.s32 $0x40, s9;
	s14 =	simm.s32 $0xED60  }
0x1d3: {  	[hbm4b:s13+s3] =	stream.linear.scatter [tilespmem:s14], [sflag:$0x3], $0x80, $0x38;
	[tilespmem:$0x14700] =	vst v63  }
0x1d4: {  	s13 =	sadd.s32 $0x50, s9;
	s14 =	simm.s32 $0xEFE8  }
0x1d5: {  	[hbm4b:s13+s3] =	stream.linear.scatter [tilespmem:s14], [sflag:$0x3], $0x80, $0x38;
	[tilespmem:$0x14700] =	vst v63  }
0x1d6: {  	s13 =	sadd.s32 $0x60, s9;
	s14 =	simm.s32 $0xF270  }
0x1d7: {  	[hbm4b:s13+s3] =	stream.linear.scatter [tilespmem:s14], [sflag:$0x3], $0x80, $0x38;
	[tilespmem:$0x14700] =	vst v63  }
0x1d8: {  	s9 =	sadd.s32 $0x70, s9;
	s13 =	simm.s32 $0xF4F8  }
0x1d9: {  	[hbm4b:s9+s3] =	stream.linear.scatter [tilespmem:s13], [sflag:$0x3], $0x80, $0x38;
	[tilespmem:$0x14700] =	vst v63  }
0x1da: {  	s5 =	sadd.s32 s30, s5;
	s14 =	simm.s32 $0xE3C0  }
0x1db: {  	[hbm4b:s5+s3] =	stream.linear.scatter [tilespmem:s14], [sflag:$0x3], $0x80, $0x38;
	[tilespmem:$0x14700] =	vst v63  }
0x1dc: {  	s11 =	sadd.s32 $0x10, s5;
	s12 =	simm.s32 $0xE648  }
0x1dd: {  	[hbm4b:s11+s3] =	stream.linear.scatter [tilespmem:s12], [sflag:$0x3], $0x80, $0x38;
	[tilespmem:$0x14700] =	vst v63  }
0x1de: {  	s13 =	sadd.s32 $0x20, s5;
	s14 =	simm.s32 $0xE8D0  }
0x1df: {  	[hbm4b:s13+s3] =	stream.linear.scatter [tilespmem:s14], [sflag:$0x3], $0x80, $0x38;
	[tilespmem:$0x14700] =	vst v63  }
0x1e0: {  	s11 =	sadd.s32 $0x30, s5;
	s12 =	simm.s32 $0xEB58  }
0x1e1: {  	[hbm4b:s11+s3] =	stream.linear.scatter [tilespmem:s12], [sflag:$0x3], $0x80, $0x38;
	[tilespmem:$0x14700] =	vst v63  }
0x1e2: {  	s13 =	sadd.s32 $0x40, s5;
	s14 =	simm.s32 $0xEDE0  }
0x1e3: {  	[hbm4b:s13+s3] =	stream.linear.scatter [tilespmem:s14], [sflag:$0x3], $0x80, $0x38;
	[tilespmem:$0x14700] =	vst v63  }
0x1e4: {  	s11 =	sadd.s32 $0x50, s5;
	s12 =	simm.s32 $0xF068  }
0x1e5: {  	[hbm4b:s11+s3] =	stream.linear.scatter [tilespmem:s12], [sflag:$0x3], $0x80, $0x38;
	[tilespmem:$0x14700] =	vst v63  }
0x1e6: {  	s13 =	sadd.s32 $0x60, s5;
	s14 =	simm.s32 $0xF2F0  }
0x1e7: {  	[hbm4b:s13+s3] =	stream.linear.scatter [tilespmem:s14], [sflag:$0x3], $0x80, $0x38;
	[tilespmem:$0x14700] =	vst v63  }
0x1e8: {  	s5 =	sadd.s32 $0x70, s5;
	s11 =	simm.s32 $0xF578  }
0x1e9: {  	[hbm4b:s5+s3] =	stream.linear.scatter [tilespmem:s11], [sflag:$0x3], $0x80, $0x38;
	[tilespmem:$0x14700] =	vst v63  }
0x1ea: {  	_ =	swait.ge [sflag:s4], $0x400  }
0x1eb: {  	[sflag:s4] =	ssyncset.done $0x0  }
0x1ec: {  	[sflag:s4] =	ssyncadd.s32 $0xFFFFFC00  }
0x1ed: {  	_ =	swait.ge [sflag:s4], $0x400  }
0x1ee: {  	[sflag:s4] =	ssyncset.done $0x0  }
0x1ef: {  	[sflag:s4] =	ssyncadd.s32 $0xFFFFFC00  }
0x1f0: {  	_ =	swait.ge [sflag:s4], $0x400  }
0x1f1: {  	[sflag:s4] =	ssyncset.done $0x0  }
0x1f2: {  	[sflag:s4] =	ssyncadd.s32 $0xFFFFFC00  }
0x1f3: {  	_ =	swait.ge [sflag:s4], $0x400  }
0x1f4: {  	[sflag:s4] =	ssyncset.done $0x0  }
0x1f5: {  	[sflag:s4] =	ssyncadd.s32 $0xFFFFFC00  }
0x1f6: {  	_ =	swait.ge [sflag:s4], $0x400  }
0x1f7: {  	[sflag:s4] =	ssyncset.done $0x0  }
0x1f8: {  	[sflag:s4] =	ssyncadd.s32 $0xFFFFFC00  }
0x1f9: {  	_ =	swait.ge [sflag:s4], $0x400  }
0x1fa: {  	[sflag:s4] =	ssyncset.done $0x0  }
0x1fb: {  	[sflag:s4] =	ssyncadd.s32 $0xFFFFFC00  }
0x1fc: {  	_ =	swait.ge [sflag:s4], $0x400  }
0x1fd: {  	[sflag:s4] =	ssyncset.done $0x0  }
0x1fe: {  	[sflag:s4] =	ssyncadd.s32 $0xFFFFFC00  }
0x1ff: {  	_ =	swait.ge [sflag:s4], $0x400  }
0x200: {  	[sflag:s4] =	ssyncset.done $0x0  }
0x201: {  	[sflag:s4] =	ssyncadd.s32 $0xFFFFFC00  }
0x202: {  	_ =	swait.ge [sflag:s4], $0x400  }
0x203: {  	[sflag:s4] =	ssyncset.done $0x0  }
0x204: {  	[sflag:s4] =	ssyncadd.s32 $0xFFFFFC00  }
0x205: {  	_ =	swait.ge [sflag:s4], $0x400  }
0x206: {  	[sflag:s4] =	ssyncset.done $0x0  }
0x207: {  	[sflag:s4] =	ssyncadd.s32 $0xFFFFFC00  }
0x208: {  	_ =	swait.ge [sflag:s4], $0x400  }
0x209: {  	[sflag:s4] =	ssyncset.done $0x0  }
0x20a: {  	[sflag:s4] =	ssyncadd.s32 $0xFFFFFC00  }
0x20b: {  	_ =	swait.ge [sflag:s4], $0x400  }
0x20c: {  	[sflag:s4] =	ssyncset.done $0x0  }
0x20d: {  	[sflag:s4] =	ssyncadd.s32 $0xFFFFFC00  }
0x20e: {  	_ =	swait.ge [sflag:s4], $0x400  }
0x20f: {  	[sflag:s4] =	ssyncset.done $0x0  }
0x210: {  	[sflag:s4] =	ssyncadd.s32 $0xFFFFFC00  }
0x211: {  	_ =	swait.ge [sflag:s4], $0x400  }
0x212: {  	[sflag:s4] =	ssyncset.done $0x0  }
0x213: {  	[sflag:s4] =	ssyncadd.s32 $0xFFFFFC00  }
0x214: {  	_ =	swait.ge [sflag:s4], $0x400  }
0x215: {  	[sflag:s4] =	ssyncset.done $0x0  }
0x216: {  	[sflag:s4] =	ssyncadd.s32 $0xFFFFFC00  }
0x217: {  	_ =	swait.ge [sflag:s4], $0x400  }
0x218: {  	[sflag:s4] =	ssyncset.done $0x0  }
0x219: {  	[sflag:s4] =	ssyncadd.s32 $0xFFFFFC00  }
0x21a: {  	_ =	swait.ge [sflag:s4], $0x400  }
0x21b: {  	[sflag:s4] =	ssyncset.done $0x0  }
0x21c: {  	[sflag:s4] =	ssyncadd.s32 $0xFFFFFC00  }
0x21d: {  	_ =	swait.ge [sflag:s4], $0x400  }
0x21e: {  	[sflag:s4] =	ssyncset.done $0x0  }
0x21f: {  	[sflag:s4] =	ssyncadd.s32 $0xFFFFFC00  }
0x220: {  	_ =	swait.ge [sflag:s4], $0x400  }
0x221: {  	[sflag:s4] =	ssyncset.done $0x0  }
0x222: {  	[sflag:s4] =	ssyncadd.s32 $0xFFFFFC00  }
0x223: {  	_ =	swait.ge [sflag:s4], $0x400  }
0x224: {  	p0 =	seq.s32 s0, $0x13;
	s5 =	rddreg [dreg:$0x7]  }
0x225: {  	s5 =	sadd.s32 @!p0 s31, s5  }
0x226: {  	[sflag:s4] =	ssyncset.done $0x0;
	s5 =	sshrl.u32 @!p0 s5, $0x3  }
0x227: {  	s9 =	simm.s32 @!p0 $0x0;
	[sflag:s4] =	ssyncadd.s32 $0xFFFFFC00;
	s5 =	sadd.s32 @!p0 s15, s5  }
0x228: {  	[tilespmem:s9], [sflag:$0x5] =	stream.linear.gather @!p0 [hbm4b:s5+s9], $0x280, $0x38;
	[tilespmem:$0x14700] =	vst v63  }
0x229: {  	s5 =	simm.s32 @!p0 $0x5  }
0x22a: {  	_ =	swait.ge @!p0 [sflag:s5], $0x280  }
0x22b: {  	[sflag:s5] =	ssyncset.done @!p0 $0x0  }
0x22c: {  	s11 =	simm.s32 @!p0 $0x500;
	[sflag:s5] =	ssyncadd.s32 @!p0 $0xFFFFFD80;
	s5 =	simm.s32 @!p0 $0x80  }
0x22d: {  	[tilespmem:s11], [sflag:$0x1] =	stream.indirect.gather @!p0 [hbm4b:s6+s5], $0x20, s9, s5, $0xb8;
	[tilespmem:$0x14700] =	vst v63  }
0x22e: {  	s9 =	simm.s32 @!p0 $0x1500  }
0x22f: {  	[tilespmem:s9], [sflag:$0x1] =	stream.indirect.gather @!p0 [hbm4b:s6+s5], $0x20, s5, s5, $0xb8;
	[tilespmem:$0x14700] =	vst v63  }
0x230: {  	s11 =	simm.s32 @!p0 $0x2500;
	s9 =	simm.s32 @!p0 $0x100  }
0x231: {  	[tilespmem:s11], [sflag:$0x1] =	stream.indirect.gather @!p0 [hbm4b:s6+s5], $0x20, s9, s5, $0xb8;
	[tilespmem:$0x14700] =	vst v63  }
0x232: {  	s9 =	simm.s32 @!p0 $0x180;
	s11 =	simm.s32 @!p0 $0x3500  }
0x233: {  	[tilespmem:s11], [sflag:$0x1] =	stream.indirect.gather @!p0 [hbm4b:s6+s5], $0x20, s9, s5, $0xb8;
	[tilespmem:$0x14700] =	vst v63  }
0x234: {  	s9 =	simm.s32 @!p0 $0x200;
	s11 =	simm.s32 @!p0 $0x4500  }
0x235: {  	[tilespmem:s11], [sflag:$0x1] =	stream.indirect.gather @!p0 [hbm4b:s6+s5], $0x20, s9, s5, $0xb8;
	[tilespmem:$0x14700] =	vst v63  }
0x236: {  	_ =	swait.ge [sflag:s2], $0x1000  }
0x237: {  	[sflag:s2] =	ssyncset.done $0x0  }
0x238: {  	[sflag:s2] =	ssyncadd.s32 $0xFFFFF000  }
0x239: {  	_ =	swait.ge [sflag:s2], $0x1000  }
0x23a: {  	[sflag:s2] =	ssyncset.done $0x0  }
0x23b: {  	[sflag:s2] =	ssyncadd.s32 $0xFFFFF000  }
0x23c: {  	_ =	swait.ge [sflag:s2], $0x1000  }
0x23d: {  	[sflag:s2] =	ssyncset.done $0x0  }
0x23e: {  	[sflag:s2] =	ssyncadd.s32 $0xFFFFF000  }
0x23f: {  	_ =	swait.ge [sflag:s2], $0x1000  }
0x240: {  	[sflag:s2] =	ssyncset.done $0x0  }
0x241: {  	[sflag:s2] =	ssyncadd.s32 $0xFFFFF000  }
0x242: {  	s12 =	simm.s32 $0x3;
	_ =	swait.ge [sflag:s2], $0x1000  }
0x243: {  	v2 =	vmov s12;
	s13 =	simm.s32 $0x0;
	[sflag:s2] =	ssyncset.done $0x0  }
0x244: {  	s14 =	simm.s32 $0x5570;
	v2 =	vand.u32 $0x3FF, v2;
	v3 =	vmov s13;
	[sflag:s2] =	ssyncadd.s32 $0xFFFFF000  }
0x245: {  	v5 =	vadd.s32 v0, v2;
	v3 =	vand.u32 $0x3FC, v3;
	v4 =	vld [tilespmem:s14+$0xFFFFFFF0]  }
0x246: {  	v7 =	vadd.s32 v0, v3;
	v6 =	vld [tilespmem:s14+$0xFFFFFF90]  }
0x247: {  	s9 =	simm.s32 $0x2  }
0x248: {  	v9 =	vmov s9  }
0x249: {  	s31 =	simm.s32 $0x1;
	v16 =	vand.u32 $0x3FE, v9  }
0x24a: {  	v8 =	vmov s31;
	v12 =	vadd.s32 v0, v16;
	v9 =	vld [tilespmem:s14+$0xFFFFFFD0];
	[tilespmem:v5+s8+$0x0] =	vst.idx.msk $0xffff, v4  }
0x24b: {  	v14 =	vadd.s32 v1, v2;
	v8 =	vand.u32 $0x3FD, v8;
	s11 =	simm.s32 $0x7;
	[tilespmem:v7+s8+$0x0] =	vst.idx.msk $0xffff, v6;
	v6 =	vld [tilespmem:s14+$0x0]  }
0x24c: {  	s12 =	simm.s32 $0x4;
	v11 =	vadd.s32 v0, v8;
	v10 =	vld [tilespmem:s14+$0xFFFFFFB0];
	v4 =	vmov s11  }
0x24d: {  	v2 =	vmov s12;
	s13 =	simm.s32 $0x5;
	v62 =	vadd.s32 v1, v3;
	s5 =	simm.s32 $0x55F0;
	v4 =	vand.u32 $0x3FF, v4;
	v17 =	vld [tilespmem:s14+$0xFFFFFFA0]  }
0x24e: {  	s31 =	simm.s32 $0x6;
	v63 =	vld [tilespmem:s5+$0xFFFFFFF0];
	v5 =	vand.u32 $0x3FC, v2;
	v2 =	vmov s13;
	v20 =	vadd.s32 v0, v4  }
0x24f: {  	v13 =	vld [tilespmem:s5+$0xFFFFFF90];
	[tilespmem:v12+s8+$0x0] =	vst.idx.msk $0xffff, v9;
	v7 =	vmov s31;
	v15 =	vadd.s32 v0, v5;
	v3 =	vand.u32 $0x3FD, v2  }
0x250: {  	v12 =	vld [tilespmem:s5+$0xFFFFFFB0];
	v2 =	vand.u32 $0x3FE, v7;
	[tilespmem:v14+s8+$0x0] =	vst.idx.msk $0xffff, v6;
	v14 =	vadd.s32 v0, v3  }
0x251: {  	[tilespmem:v11+s8+$0x0] =	vst.idx.msk $0xffff, v10;
	v7 =	vld [tilespmem:s5+$0xFFFFFFD0];
	v11 =	vadd.s32 v0, v2  }
0x252: {  	s12 =	simm.s32 $0xC;
	v8 =	vadd.s32 v1, v8;
	[tilespmem:v62+s8+$0x0] =	vst.idx.msk $0xffff, v17;
	v6 =	vld [tilespmem:s14+$0xFFFFFFC0]  }
0x253: {  	s9 =	simm.s32 $0x55F0;
	s11 =	simm.s32 $0x8;
	s13 =	simm.s32 $0xB;
	v10 =	vadd.s32 v1, v16;
	v9 =	vld [tilespmem:s14+$0xFFFFFFE0];
	[tilespmem:v20+s8+$0x0] =	vst.idx.msk $0xffff, v63  }
.LBB2_5:
0x254: {  	p0 =	slt.u32 s12, $0x27C;
	v16 =	vmov s13;
	[tilespmem:v15+s8+$0x0] =	vst.idx.msk $0xffff, v13;
	v17 =	vld [tilespmem:s5+$0x0];
	v18 =	vadd.s32 v1, v4  }
0x255: {  	v13 =	vmov s11;
	s13 =	sadd.s32 $0x1, s11;
	v19 =	vadd.s32 v1, v5;
	s5 =	sadd.s32 $0x80, s5;
	v4 =	vand.u32 $0x3FF, v16;
	v16 =	vld [tilespmem:s9+$0xFFFFFFA0];
	[tilespmem:v14+s8+$0x0] =	vst.idx.msk $0xffff, v12  }
0x256: {  	v5 =	vand.u32 $0x3FC, v13;
	v12 =	vmov s13;
	s13 =	sadd.s32 $0x2, s11;
	s11 =	smov.u32 s12;
	v20 =	vld [tilespmem:s5+$0xFFFFFFF0];
	v21 =	vadd.s32 v0, v4;
	[tilespmem:v11+s8+$0x0] =	vst.idx.msk $0xffff, v7  }
.Ltmp1:
0x257: {  	v15 =	vadd.s32 v0, v5;
	v22 =	vand.u32 $0x3FD, v12;
	v7 =	vmov s13;
	v13 =	vld [tilespmem:s5+$0xFFFFFF90];
	[tilespmem:v8+s8+$0x0] =	vst.idx.msk $0xffff, v6;
	(pc) =	sbr.rel @p0 .LBB2_5-.Ltmp1, $4  }
0x258: {  	v14 =	vadd.s32 v0, v22;
	v23 =	vand.u32 $0x3FE, v7;
	v12 =	vld [tilespmem:s5+$0xFFFFFFB0];
	[tilespmem:v10+s8+$0x0] =	vst.idx.msk $0xffff, v9  }
0x259: {  	v11 =	vadd.s32 v0, v23;
	v7 =	vld [tilespmem:s5+$0xFFFFFFD0];
	[tilespmem:v18+s8+$0x0] =	vst.idx.msk $0xffff, v17  }
0x25a: {  	v8 =	vadd.s32 v1, v3;
	v3 =	vmov v22;
	[tilespmem:v19+s8+$0x0] =	vst.idx.msk $0xffff, v16;
	v6 =	vld [tilespmem:s9+$0xFFFFFFC0]  }
0x25b: {  	s12 =	sadd.s32 $0x4, s12;
	s13 =	sadd.s32 $0x3, s11;
	v10 =	vadd.s32 v1, v2;
	v2 =	vmov v23;
	[tilespmem:v21+s8+$0x0] =	vst.idx.msk $0xffff, v20;
	v9 =	vld [tilespmem:s9+$0xFFFFFFE0];
	s9 =	smov.u32 s5  }
0x25c: {  	_ =	sdelay $0x3  }
0x25d: {  	v16 =	vmov s13;
	[tilespmem:v15+s8+$0x0] =	vst.idx.msk $0xffff, v13;
	v46 =	vld [tilespmem:s5+$0x0];
	v4 =	vadd.s32 v1, v4  }
0x25e: {  	v47 =	vmov s11;
	s12 =	sadd.s32 $0x1, s11;
	v5 =	vadd.s32 v1, v5;
	s14 =	sadd.s32 $0x80, s5;
	v16 =	vand.u32 $0x3FF, v16;
	v17 =	vld [tilespmem:s9+$0xFFFFFFA0];
	[tilespmem:v14+s8+$0x0] =	vst.idx.msk $0xffff, v12  }
0x25f: {  	s31 =	sadd.s32 $0x2, s11;
	v48 =	vmov s12;
	v49 =	vand.u32 $0x3FC, v47;
	v50 =	vld [tilespmem:s14+$0xFFFFFFF0];
	v18 =	vadd.s32 v0, v16;
	[tilespmem:v11+s8+$0x0] =	vst.idx.msk $0xffff, v7  }
0x260: {  	v51 =	vmov s31;
	v52 =	vld [tilespmem:s14+$0xFFFFFF90];
	v19 =	vadd.s32 v0, v49;
	v12 =	vand.u32 $0x3FD, v48;
	[tilespmem:v8+s8+$0x0] =	vst.idx.msk $0xffff, v6  }
0x261: {  	v53 =	vld [tilespmem:s14+$0xFFFFFFB0];
	v7 =	vand.u32 $0x3FE, v51;
	v54 =	vadd.s32 v0, v12;
	[tilespmem:v10+s8+$0x0] =	vst.idx.msk $0xffff, v9  }
0x262: {  	v55 =	vld [tilespmem:s14+$0xFFFFFFD0];
	v56 =	vadd.s32 v0, v7;
	[tilespmem:v4+s8+$0x0] =	vst.idx.msk $0xffff, v46  }
0x263: {  	v3 =	vadd.s32 v1, v3;
	v57 =	vld [tilespmem:s9+$0xFFFFFFC0];
	[tilespmem:v5+s8+$0x0] =	vst.idx.msk $0xffff, v17  }
0x264: {  	v2 =	vadd.s32 v1, v2;
	v58 =	vld [tilespmem:s9+$0xFFFFFFE0];
	[tilespmem:v18+s8+$0x0] =	vst.idx.msk $0xffff, v50  }
0x265: {  	v60 =	vadd.s32 v1, v16;
	[tilespmem:v19+s8+$0x0] =	vst.idx.msk $0xffff, v52;
	v59 =	vld [tilespmem:s14+$0x0]  }
0x266: {  	v14 =	vadd.s32 v1, v49;
	v61 =	vld [tilespmem:s14+$0xFFFFFFA0];
	[tilespmem:v54+s8+$0x0] =	vst.idx.msk $0xffff, v53  }
0x267: {  	v62 =	vadd.s32 v1, v12;
	[tilespmem:v56+s8+$0x0] =	vst.idx.msk $0xffff, v55;
	v6 =	vld [tilespmem:s14+$0xFFFFFFC0]  }
0x268: {  	v63 =	vadd.s32 v1, v7;
	[tilespmem:v3+s8+$0x0] =	vst.idx.msk $0xffff, v57;
	v3 =	vld [tilespmem:s14+$0xFFFFFFE0]  }
0x269: {  	[tilespmem:v2+s8+$0x0] =	vst.idx.msk $0xffff, v58  }
0x26a: {  	[tilespmem:v60+s8+$0x0] =	vst.idx.msk $0xffff, v59  }
0x26b: {  	[tilespmem:v14+s8+$0x0] =	vst.idx.msk $0xffff, v61  }
0x26c: {  	s11 =	rddreg [dreg:$0x1];
	[tilespmem:v62+s8+$0x0] =	vst.idx.msk $0xffff, v6  }
0x26d: {  	s5 =	sadd.s32 s11, s10;
	[tilespmem:v63+s8+$0x0] =	vst.idx.msk $0xffff, v3  }
0x26e: {  	[hbm4b:s5+s3] =	stream.linear.scatter [tilespmem:s8], [sflag:$0x4], $0x80, $0x38;
	[tilespmem:$0x14700] =	vst v63  }
0x26f: {  	s13 =	simm.s32 $0xF888;
	s12 =	sadd.s32 $0x10, s5  }
0x270: {  	[hbm4b:s12+s3] =	stream.linear.scatter [tilespmem:s13], [sflag:$0x4], $0x80, $0x38;
	[tilespmem:$0x14700] =	vst v63  }
0x271: {  	s31 =	simm.s32 $0xFB10;
	s14 =	sadd.s32 $0x20, s5  }
0x272: {  	[hbm4b:s14+s3] =	stream.linear.scatter [tilespmem:s31], [sflag:$0x4], $0x80, $0x38;
	[tilespmem:$0x14700] =	vst v63  }
0x273: {  	s12 =	sadd.s32 $0x30, s5;
	s13 =	simm.s32 $0xFD98  }
0x274: {  	[hbm4b:s12+s3] =	stream.linear.scatter [tilespmem:s13], [sflag:$0x4], $0x80, $0x38;
	[tilespmem:$0x14700] =	vst v63  }
0x275: {  	s14 =	sadd.s32 $0x40, s5;
	s31 =	simm.s32 $0x10020  }
0x276: {  	[hbm4b:s14+s3] =	stream.linear.scatter [tilespmem:s31], [sflag:$0x4], $0x80, $0x38;
	[tilespmem:$0x14700] =	vst v63  }
0x277: {  	s11 =	sadd.s32 $0x50, s5;
	s12 =	simm.s32 $0x102A8  }
0x278: {  	[hbm4b:s11+s3] =	stream.linear.scatter [tilespmem:s12], [sflag:$0x4], $0x80, $0x38;
	[tilespmem:$0x14700] =	vst v63  }
0x279: {  	s13 =	sadd.s32 $0x60, s5;
	s14 =	simm.s32 $0x10530  }
0x27a: {  	[hbm4b:s13+s3] =	stream.linear.scatter [tilespmem:s14], [sflag:$0x4], $0x80, $0x38;
	[tilespmem:$0x14700] =	vst v63  }
0x27b: {  	s9 =	rddreg [dreg:$0x6];
	s5 =	sadd.s32 $0x70, s5;
	s31 =	simm.s32 $0x107B8  }
0x27c: {  	[hbm4b:s5+s3] =	stream.linear.scatter [tilespmem:s31], [sflag:$0x4], $0x80, $0x38;
	[tilespmem:$0x14700] =	vst v63  }
0x27d: {  	s11 =	simm.s32 $0xF680;
	s5 =	sadd.s32 s9, s10  }
0x27e: {  	[hbm4b:s5+s3] =	stream.linear.scatter [tilespmem:s11], [sflag:$0x4], $0x80, $0x38;
	[tilespmem:$0x14700] =	vst v63  }
0x27f: {  	s13 =	simm.s32 $0xF908;
	s12 =	sadd.s32 $0x10, s5  }
0x280: {  	[hbm4b:s12+s3] =	stream.linear.scatter [tilespmem:s13], [sflag:$0x4], $0x80, $0x38;
	[tilespmem:$0x14700] =	vst v63  }
0x281: {  	s31 =	simm.s32 $0xFB90;
	s14 =	sadd.s32 $0x20, s5  }
0x282: {  	[hbm4b:s14+s3] =	stream.linear.scatter [tilespmem:s31], [sflag:$0x4], $0x80, $0x38;
	[tilespmem:$0x14700] =	vst v63  }
0x283: {  	s12 =	sadd.s32 $0x30, s5;
	s13 =	simm.s32 $0xFE18  }
0x284: {  	[hbm4b:s12+s3] =	stream.linear.scatter [tilespmem:s13], [sflag:$0x4], $0x80, $0x38;
	[tilespmem:$0x14700] =	vst v63  }
0x285: {  	s14 =	sadd.s32 $0x40, s5;
	s31 =	simm.s32 $0x100A0  }
0x286: {  	[hbm4b:s14+s3] =	stream.linear.scatter [tilespmem:s31], [sflag:$0x4], $0x80, $0x38;
	[tilespmem:$0x14700] =	vst v63  }
0x287: {  	s11 =	sadd.s32 $0x50, s5;
	s12 =	simm.s32 $0x10328  }
0x288: {  	[hbm4b:s11+s3] =	stream.linear.scatter [tilespmem:s12], [sflag:$0x4], $0x80, $0x38;
	[tilespmem:$0x14700] =	vst v63  }
0x289: {  	s13 =	sadd.s32 $0x60, s5;
	s14 =	simm.s32 $0x105B0  }
0x28a: {  	[hbm4b:s13+s3] =	stream.linear.scatter [tilespmem:s14], [sflag:$0x4], $0x80, $0x38;
	[tilespmem:$0x14700] =	vst v63  }
0x28b: {  	s5 =	sadd.s32 $0x70, s5;
	s31 =	simm.s32 $0x10838  }
0x28c: {  	[hbm4b:s5+s3] =	stream.linear.scatter [tilespmem:s31], [sflag:$0x4], $0x80, $0x38;
	[tilespmem:$0x14700] =	vst v63  }
0x28d: {  	s11 =	simm.s32 $0xF700;
	s5 =	sadd.s32 s28, s10  }
0x28e: {  	[hbm4b:s5+s3] =	stream.linear.scatter [tilespmem:s11], [sflag:$0x4], $0x80, $0x38;
	[tilespmem:$0x14700] =	vst v63  }
0x28f: {  	s13 =	simm.s32 $0xF988;
	s12 =	sadd.s32 $0x10, s5  }
0x290: {  	[hbm4b:s12+s3] =	stream.linear.scatter [tilespmem:s13], [sflag:$0x4], $0x80, $0x38;
	[tilespmem:$0x14700] =	vst v63  }
0x291: {  	s31 =	simm.s32 $0xFC10;
	s14 =	sadd.s32 $0x20, s5  }
0x292: {  	[hbm4b:s14+s3] =	stream.linear.scatter [tilespmem:s31], [sflag:$0x4], $0x80, $0x38;
	[tilespmem:$0x14700] =	vst v63  }
0x293: {  	s12 =	sadd.s32 $0x30, s5;
	s13 =	simm.s32 $0xFE98  }
0x294: {  	[hbm4b:s12+s3] =	stream.linear.scatter [tilespmem:s13], [sflag:$0x4], $0x80, $0x38;
	[tilespmem:$0x14700] =	vst v63  }
0x295: {  	s14 =	sadd.s32 $0x40, s5;
	s31 =	simm.s32 $0x10120  }
0x296: {  	[hbm4b:s14+s3] =	stream.linear.scatter [tilespmem:s31], [sflag:$0x4], $0x80, $0x38;
	[tilespmem:$0x14700] =	vst v63  }
0x297: {  	s11 =	sadd.s32 $0x50, s5;
	s12 =	simm.s32 $0x103A8  }
0x298: {  	[hbm4b:s11+s3] =	stream.linear.scatter [tilespmem:s12], [sflag:$0x4], $0x80, $0x38;
	[tilespmem:$0x14700] =	vst v63  }
0x299: {  	s13 =	sadd.s32 $0x60, s5;
	s14 =	simm.s32 $0x10630  }
0x29a: {  	[hbm4b:s13+s3] =	stream.linear.scatter [tilespmem:s14], [sflag:$0x4], $0x80, $0x38;
	[tilespmem:$0x14700] =	vst v63  }
0x29b: {  	s5 =	sadd.s32 $0x70, s5;
	s31 =	simm.s32 $0x108B8  }
0x29c: {  	[hbm4b:s5+s3] =	stream.linear.scatter [tilespmem:s31], [sflag:$0x4], $0x80, $0x38;
	[tilespmem:$0x14700] =	vst v63  }
0x29d: {  	s11 =	simm.s32 $0xF780;
	s5 =	sadd.s32 s18, s10  }
0x29e: {  	[hbm4b:s5+s3] =	stream.linear.scatter [tilespmem:s11], [sflag:$0x4], $0x80, $0x38;
	[tilespmem:$0x14700] =	vst v63  }
0x29f: {  	s13 =	simm.s32 $0xFA08;
	s12 =	sadd.s32 $0x10, s5  }
0x2a0: {  	[hbm4b:s12+s3] =	stream.linear.scatter [tilespmem:s13], [sflag:$0x4], $0x80, $0x38;
	[tilespmem:$0x14700] =	vst v63  }
0x2a1: {  	s31 =	simm.s32 $0xFC90;
	s14 =	sadd.s32 $0x20, s5  }
0x2a2: {  	[hbm4b:s14+s3] =	stream.linear.scatter [tilespmem:s31], [sflag:$0x4], $0x80, $0x38;
	[tilespmem:$0x14700] =	vst v63  }
0x2a3: {  	s12 =	sadd.s32 $0x30, s5;
	s13 =	simm.s32 $0xFF18  }
0x2a4: {  	[hbm4b:s12+s3] =	stream.linear.scatter [tilespmem:s13], [sflag:$0x4], $0x80, $0x38;
	[tilespmem:$0x14700] =	vst v63  }
0x2a5: {  	s14 =	sadd.s32 $0x40, s5;
	s31 =	simm.s32 $0x101A0  }
0x2a6: {  	[hbm4b:s14+s3] =	stream.linear.scatter [tilespmem:s31], [sflag:$0x4], $0x80, $0x38;
	[tilespmem:$0x14700] =	vst v63  }
0x2a7: {  	s11 =	sadd.s32 $0x50, s5;
	s12 =	simm.s32 $0x10428  }
0x2a8: {  	[hbm4b:s11+s3] =	stream.linear.scatter [tilespmem:s12], [sflag:$0x4], $0x80, $0x38;
	[tilespmem:$0x14700] =	vst v63  }
0x2a9: {  	s13 =	sadd.s32 $0x60, s5;
	s14 =	simm.s32 $0x106B0  }
0x2aa: {  	[hbm4b:s13+s3] =	stream.linear.scatter [tilespmem:s14], [sflag:$0x4], $0x80, $0x38;
	[tilespmem:$0x14700] =	vst v63  }
0x2ab: {  	s9 =	rddreg [dreg:$0x8];
	s5 =	sadd.s32 $0x70, s5;
	s31 =	simm.s32 $0x10938  }
0x2ac: {  	[hbm4b:s5+s3] =	stream.linear.scatter [tilespmem:s31], [sflag:$0x4], $0x80, $0x38;
	[tilespmem:$0x14700] =	vst v63  }
0x2ad: {  	s11 =	simm.s32 $0xF800;
	s5 =	sadd.s32 s9, s10  }
0x2ae: {  	[hbm4b:s5+s3] =	stream.linear.scatter [tilespmem:s11], [sflag:$0x4], $0x80, $0x38;
	[tilespmem:$0x14700] =	vst v63  }
0x2af: {  	s13 =	simm.s32 $0xFA88;
	s12 =	sadd.s32 $0x10, s5  }
0x2b0: {  	[hbm4b:s12+s3] =	stream.linear.scatter [tilespmem:s13], [sflag:$0x4], $0x80, $0x38;
	[tilespmem:$0x14700] =	vst v63  }
0x2b1: {  	s31 =	simm.s32 $0xFD10;
	s14 =	sadd.s32 $0x20, s5  }
0x2b2: {  	[hbm4b:s14+s3] =	stream.linear.scatter [tilespmem:s31], [sflag:$0x4], $0x80, $0x38;
	[tilespmem:$0x14700] =	vst v63  }
0x2b3: {  	s12 =	sadd.s32 $0x30, s5;
	s13 =	simm.s32 $0xFF98  }
0x2b4: {  	[hbm4b:s12+s3] =	stream.linear.scatter [tilespmem:s13], [sflag:$0x4], $0x80, $0x38;
	[tilespmem:$0x14700] =	vst v63  }
0x2b5: {  	s14 =	sadd.s32 $0x40, s5;
	s31 =	simm.s32 $0x10220  }
0x2b6: {  	[hbm4b:s14+s3] =	stream.linear.scatter [tilespmem:s31], [sflag:$0x4], $0x80, $0x38;
	[tilespmem:$0x14700] =	vst v63  }
0x2b7: {  	s11 =	sadd.s32 $0x50, s5;
	s12 =	simm.s32 $0x104A8  }
0x2b8: {  	[hbm4b:s11+s3] =	stream.linear.scatter [tilespmem:s12], [sflag:$0x4], $0x80, $0x38;
	[tilespmem:$0x14700] =	vst v63  }
0x2b9: {  	s13 =	sadd.s32 $0x60, s5;
	s14 =	simm.s32 $0x10730  }
0x2ba: {  	[hbm4b:s13+s3] =	stream.linear.scatter [tilespmem:s14], [sflag:$0x4], $0x80, $0x38;
	[tilespmem:$0x14700] =	vst v63  }
0x2bb: {  	s9 =	rddreg [dreg:$0x9];
	s5 =	sadd.s32 $0x70, s5;
	s31 =	simm.s32 $0x109B8  }
0x2bc: {  	[hbm4b:s5+s3] =	stream.linear.scatter [tilespmem:s31], [sflag:$0x4], $0x80, $0x38;
	[tilespmem:$0x14700] =	vst v63  }
0x2bd: {  	s11 =	simm.s32 $0x10A40;
	s5 =	sadd.s32 s9, s10  }
0x2be: {  	[hbm4b:s5+s3] =	stream.linear.scatter [tilespmem:s11], [sflag:$0x4], $0x80, $0x38;
	[tilespmem:$0x14700] =	vst v63  }
0x2bf: {  	s13 =	simm.s32 $0x10CC8;
	s12 =	sadd.s32 $0x10, s5  }
0x2c0: {  	[hbm4b:s12+s3] =	stream.linear.scatter [tilespmem:s13], [sflag:$0x4], $0x80, $0x38;
	[tilespmem:$0x14700] =	vst v63  }
0x2c1: {  	s31 =	simm.s32 $0x10F50;
	s14 =	sadd.s32 $0x20, s5  }
0x2c2: {  	[hbm4b:s14+s3] =	stream.linear.scatter [tilespmem:s31], [sflag:$0x4], $0x80, $0x38;
	[tilespmem:$0x14700] =	vst v63  }
0x2c3: {  	s12 =	sadd.s32 $0x30, s5;
	s13 =	simm.s32 $0x111D8  }
0x2c4: {  	[hbm4b:s12+s3] =	stream.linear.scatter [tilespmem:s13], [sflag:$0x4], $0x80, $0x38;
	[tilespmem:$0x14700] =	vst v63  }
0x2c5: {  	s14 =	sadd.s32 $0x40, s5;
	s31 =	simm.s32 $0x11460  }
0x2c6: {  	[hbm4b:s14+s3] =	stream.linear.scatter [tilespmem:s31], [sflag:$0x4], $0x80, $0x38;
	[tilespmem:$0x14700] =	vst v63  }
0x2c7: {  	s11 =	sadd.s32 $0x50, s5;
	s12 =	simm.s32 $0x116E8  }
0x2c8: {  	[hbm4b:s11+s3] =	stream.linear.scatter [tilespmem:s12], [sflag:$0x4], $0x80, $0x38;
	[tilespmem:$0x14700] =	vst v63  }
0x2c9: {  	s13 =	sadd.s32 $0x60, s5;
	s14 =	simm.s32 $0x11970  }
0x2ca: {  	[hbm4b:s13+s3] =	stream.linear.scatter [tilespmem:s14], [sflag:$0x4], $0x80, $0x38;
	[tilespmem:$0x14700] =	vst v63  }
0x2cb: {  	s9 =	rddreg [dreg:$0xa];
	s5 =	sadd.s32 $0x70, s5;
	s31 =	simm.s32 $0x11BF8  }
0x2cc: {  	[hbm4b:s5+s3] =	stream.linear.scatter [tilespmem:s31], [sflag:$0x4], $0x80, $0x38;
	[tilespmem:$0x14700] =	vst v63  }
0x2cd: {  	s11 =	simm.s32 $0x10AC0;
	s5 =	sadd.s32 s9, s10  }
0x2ce: {  	[hbm4b:s5+s3] =	stream.linear.scatter [tilespmem:s11], [sflag:$0x4], $0x80, $0x38;
	[tilespmem:$0x14700] =	vst v63  }
0x2cf: {  	s13 =	simm.s32 $0x10D48;
	s12 =	sadd.s32 $0x10, s5  }
0x2d0: {  	[hbm4b:s12+s3] =	stream.linear.scatter [tilespmem:s13], [sflag:$0x4], $0x80, $0x38;
	[tilespmem:$0x14700] =	vst v63  }
0x2d1: {  	s31 =	simm.s32 $0x10FD0;
	s14 =	sadd.s32 $0x20, s5  }
0x2d2: {  	[hbm4b:s14+s3] =	stream.linear.scatter [tilespmem:s31], [sflag:$0x4], $0x80, $0x38;
	[tilespmem:$0x14700] =	vst v63  }
0x2d3: {  	s12 =	sadd.s32 $0x30, s5;
	s13 =	simm.s32 $0x11258  }
0x2d4: {  	[hbm4b:s12+s3] =	stream.linear.scatter [tilespmem:s13], [sflag:$0x4], $0x80, $0x38;
	[tilespmem:$0x14700] =	vst v63  }
0x2d5: {  	s14 =	sadd.s32 $0x40, s5;
	s31 =	simm.s32 $0x114E0  }
0x2d6: {  	[hbm4b:s14+s3] =	stream.linear.scatter [tilespmem:s31], [sflag:$0x4], $0x80, $0x38;
	[tilespmem:$0x14700] =	vst v63  }
0x2d7: {  	s11 =	sadd.s32 $0x50, s5;
	s12 =	simm.s32 $0x11768  }
0x2d8: {  	[hbm4b:s11+s3] =	stream.linear.scatter [tilespmem:s12], [sflag:$0x4], $0x80, $0x38;
	[tilespmem:$0x14700] =	vst v63  }
0x2d9: {  	s13 =	sadd.s32 $0x60, s5;
	s14 =	simm.s32 $0x119F0  }
0x2da: {  	[hbm4b:s13+s3] =	stream.linear.scatter [tilespmem:s14], [sflag:$0x4], $0x80, $0x38;
	[tilespmem:$0x14700] =	vst v63  }
0x2db: {  	s9 =	rddreg [dreg:$0xb];
	s5 =	sadd.s32 $0x70, s5;
	s31 =	simm.s32 $0x11C78  }
0x2dc: {  	[hbm4b:s5+s3] =	stream.linear.scatter [tilespmem:s31], [sflag:$0x4], $0x80, $0x38;
	[tilespmem:$0x14700] =	vst v63  }
0x2dd: {  	s11 =	simm.s32 $0x10B40;
	s5 =	sadd.s32 s9, s10  }
0x2de: {  	[hbm4b:s5+s3] =	stream.linear.scatter [tilespmem:s11], [sflag:$0x4], $0x80, $0x38;
	[tilespmem:$0x14700] =	vst v63  }
0x2df: {  	s13 =	simm.s32 $0x10DC8;
	s12 =	sadd.s32 $0x10, s5  }
0x2e0: {  	[hbm4b:s12+s3] =	stream.linear.scatter [tilespmem:s13], [sflag:$0x4], $0x80, $0x38;
	[tilespmem:$0x14700] =	vst v63  }
0x2e1: {  	s31 =	simm.s32 $0x11050;
	s14 =	sadd.s32 $0x20, s5  }
0x2e2: {  	[hbm4b:s14+s3] =	stream.linear.scatter [tilespmem:s31], [sflag:$0x4], $0x80, $0x38;
	[tilespmem:$0x14700] =	vst v63  }
0x2e3: {  	s12 =	sadd.s32 $0x30, s5;
	s13 =	simm.s32 $0x112D8  }
0x2e4: {  	[hbm4b:s12+s3] =	stream.linear.scatter [tilespmem:s13], [sflag:$0x4], $0x80, $0x38;
	[tilespmem:$0x14700] =	vst v63  }
0x2e5: {  	s14 =	sadd.s32 $0x40, s5;
	s31 =	simm.s32 $0x11560  }
0x2e6: {  	[hbm4b:s14+s3] =	stream.linear.scatter [tilespmem:s31], [sflag:$0x4], $0x80, $0x38;
	[tilespmem:$0x14700] =	vst v63  }
0x2e7: {  	s11 =	sadd.s32 $0x50, s5;
	s12 =	simm.s32 $0x117E8  }
0x2e8: {  	[hbm4b:s11+s3] =	stream.linear.scatter [tilespmem:s12], [sflag:$0x4], $0x80, $0x38;
	[tilespmem:$0x14700] =	vst v63  }
0x2e9: {  	s13 =	sadd.s32 $0x60, s5;
	s14 =	simm.s32 $0x11A70  }
0x2ea: {  	[hbm4b:s13+s3] =	stream.linear.scatter [tilespmem:s14], [sflag:$0x4], $0x80, $0x38;
	[tilespmem:$0x14700] =	vst v63  }
0x2eb: {  	s9 =	rddreg [dreg:$0xc];
	s5 =	sadd.s32 $0x70, s5;
	s31 =	simm.s32 $0x11CF8  }
0x2ec: {  	[hbm4b:s5+s3] =	stream.linear.scatter [tilespmem:s31], [sflag:$0x4], $0x80, $0x38;
	[tilespmem:$0x14700] =	vst v63  }
0x2ed: {  	s11 =	simm.s32 $0x10BC0;
	s5 =	sadd.s32 s9, s10  }
0x2ee: {  	[hbm4b:s5+s3] =	stream.linear.scatter [tilespmem:s11], [sflag:$0x4], $0x80, $0x38;
	[tilespmem:$0x14700] =	vst v63  }
0x2ef: {  	s13 =	simm.s32 $0x10E48;
	s12 =	sadd.s32 $0x10, s5  }
0x2f0: {  	[hbm4b:s12+s3] =	stream.linear.scatter [tilespmem:s13], [sflag:$0x4], $0x80, $0x38;
	[tilespmem:$0x14700] =	vst v63  }
0x2f1: {  	s31 =	simm.s32 $0x110D0;
	s14 =	sadd.s32 $0x20, s5  }
0x2f2: {  	[hbm4b:s14+s3] =	stream.linear.scatter [tilespmem:s31], [sflag:$0x4], $0x80, $0x38;
	[tilespmem:$0x14700] =	vst v63  }
0x2f3: {  	s12 =	sadd.s32 $0x30, s5;
	s13 =	simm.s32 $0x11358  }
0x2f4: {  	[hbm4b:s12+s3] =	stream.linear.scatter [tilespmem:s13], [sflag:$0x4], $0x80, $0x38;
	[tilespmem:$0x14700] =	vst v63  }
0x2f5: {  	s14 =	sadd.s32 $0x40, s5;
	s31 =	simm.s32 $0x115E0  }
0x2f6: {  	[hbm4b:s14+s3] =	stream.linear.scatter [tilespmem:s31], [sflag:$0x4], $0x80, $0x38;
	[tilespmem:$0x14700] =	vst v63  }
0x2f7: {  	s11 =	sadd.s32 $0x50, s5;
	s12 =	simm.s32 $0x11868  }
0x2f8: {  	[hbm4b:s11+s3] =	stream.linear.scatter [tilespmem:s12], [sflag:$0x4], $0x80, $0x38;
	[tilespmem:$0x14700] =	vst v63  }
0x2f9: {  	s13 =	sadd.s32 $0x60, s5;
	s14 =	simm.s32 $0x11AF0  }
0x2fa: {  	[hbm4b:s13+s3] =	stream.linear.scatter [tilespmem:s14], [sflag:$0x4], $0x80, $0x38;
	[tilespmem:$0x14700] =	vst v63  }
0x2fb: {  	s5 =	sadd.s32 $0x70, s5;
	s31 =	simm.s32 $0x11D78  }
0x2fc: {  	[hbm4b:s5+s3] =	stream.linear.scatter [tilespmem:s31], [sflag:$0x4], $0x80, $0x38;
	[tilespmem:$0x14700] =	vst v63  }
0x2fd: {  	s11 =	simm.s32 $0x10C40;
	s5 =	sadd.s32 s16, s10  }
0x2fe: {  	[hbm4b:s5+s3] =	stream.linear.scatter [tilespmem:s11], [sflag:$0x4], $0x80, $0x38;
	[tilespmem:$0x14700] =	vst v63  }
0x2ff: {  	s13 =	simm.s32 $0x10EC8;
	s12 =	sadd.s32 $0x10, s5  }
0x300: {  	[hbm4b:s12+s3] =	stream.linear.scatter [tilespmem:s13], [sflag:$0x4], $0x80, $0x38;
	[tilespmem:$0x14700] =	vst v63  }
0x301: {  	s31 =	simm.s32 $0x11150;
	s14 =	sadd.s32 $0x20, s5  }
0x302: {  	[hbm4b:s14+s3] =	stream.linear.scatter [tilespmem:s31], [sflag:$0x4], $0x80, $0x38;
	[tilespmem:$0x14700] =	vst v63  }
0x303: {  	s12 =	sadd.s32 $0x30, s5;
	s13 =	simm.s32 $0x113D8  }
0x304: {  	[hbm4b:s12+s3] =	stream.linear.scatter [tilespmem:s13], [sflag:$0x4], $0x80, $0x38;
	[tilespmem:$0x14700] =	vst v63  }
0x305: {  	s14 =	sadd.s32 $0x40, s5;
	s31 =	simm.s32 $0x11660  }
0x306: {  	[hbm4b:s14+s3] =	stream.linear.scatter [tilespmem:s31], [sflag:$0x4], $0x80, $0x38;
	[tilespmem:$0x14700] =	vst v63  }
0x307: {  	s11 =	sadd.s32 $0x50, s5;
	s12 =	simm.s32 $0x118E8  }
0x308: {  	[hbm4b:s11+s3] =	stream.linear.scatter [tilespmem:s12], [sflag:$0x4], $0x80, $0x38;
	[tilespmem:$0x14700] =	vst v63  }
0x309: {  	s13 =	sadd.s32 $0x60, s5;
	s14 =	simm.s32 $0x11B70  }
0x30a: {  	[hbm4b:s13+s3] =	stream.linear.scatter [tilespmem:s14], [sflag:$0x4], $0x80, $0x38;
	[tilespmem:$0x14700] =	vst v63  }
0x30b: {  	s5 =	sadd.s32 $0x70, s5;
	s31 =	simm.s32 $0x11DF8  }
0x30c: {  	[hbm4b:s5+s3] =	stream.linear.scatter [tilespmem:s31], [sflag:$0x4], $0x80, $0x38;
	[tilespmem:$0x14700] =	vst v63  }
0x30d: {  	s11 =	simm.s32 $0x11E80;
	s5 =	sadd.s32 s21, s10  }
0x30e: {  	[hbm4b:s5+s3] =	stream.linear.scatter [tilespmem:s11], [sflag:$0x4], $0x80, $0x38;
	[tilespmem:$0x14700] =	vst v63  }
0x30f: {  	s13 =	simm.s32 $0x12108;
	s12 =	sadd.s32 $0x10, s5  }
0x310: {  	[hbm4b:s12+s3] =	stream.linear.scatter [tilespmem:s13], [sflag:$0x4], $0x80, $0x38;
	[tilespmem:$0x14700] =	vst v63  }
0x311: {  	s31 =	simm.s32 $0x12390;
	s14 =	sadd.s32 $0x20, s5  }
0x312: {  	[hbm4b:s14+s3] =	stream.linear.scatter [tilespmem:s31], [sflag:$0x4], $0x80, $0x38;
	[tilespmem:$0x14700] =	vst v63  }
0x313: {  	s12 =	sadd.s32 $0x30, s5;
	s13 =	simm.s32 $0x12618  }
0x314: {  	[hbm4b:s12+s3] =	stream.linear.scatter [tilespmem:s13], [sflag:$0x4], $0x80, $0x38;
	[tilespmem:$0x14700] =	vst v63  }
0x315: {  	s14 =	sadd.s32 $0x40, s5;
	s31 =	simm.s32 $0x128A0  }
0x316: {  	[hbm4b:s14+s3] =	stream.linear.scatter [tilespmem:s31], [sflag:$0x4], $0x80, $0x38;
	[tilespmem:$0x14700] =	vst v63  }
0x317: {  	s11 =	sadd.s32 $0x50, s5;
	s12 =	simm.s32 $0x12B28  }
0x318: {  	[hbm4b:s11+s3] =	stream.linear.scatter [tilespmem:s12], [sflag:$0x4], $0x80, $0x38;
	[tilespmem:$0x14700] =	vst v63  }
0x319: {  	s13 =	sadd.s32 $0x60, s5;
	s14 =	simm.s32 $0x12DB0  }
0x31a: {  	[hbm4b:s13+s3] =	stream.linear.scatter [tilespmem:s14], [sflag:$0x4], $0x80, $0x38;
	[tilespmem:$0x14700] =	vst v63  }
0x31b: {  	s5 =	sadd.s32 $0x70, s5;
	s31 =	simm.s32 $0x13038  }
0x31c: {  	[hbm4b:s5+s3] =	stream.linear.scatter [tilespmem:s31], [sflag:$0x4], $0x80, $0x38;
	[tilespmem:$0x14700] =	vst v63  }
0x31d: {  	s11 =	simm.s32 $0x11F00;
	s5 =	sadd.s32 s17, s10  }
0x31e: {  	[hbm4b:s5+s3] =	stream.linear.scatter [tilespmem:s11], [sflag:$0x4], $0x80, $0x38;
	[tilespmem:$0x14700] =	vst v63  }
0x31f: {  	s13 =	simm.s32 $0x12188;
	s12 =	sadd.s32 $0x10, s5  }
0x320: {  	[hbm4b:s12+s3] =	stream.linear.scatter [tilespmem:s13], [sflag:$0x4], $0x80, $0x38;
	[tilespmem:$0x14700] =	vst v63  }
0x321: {  	s31 =	simm.s32 $0x12410;
	s14 =	sadd.s32 $0x20, s5  }
0x322: {  	[hbm4b:s14+s3] =	stream.linear.scatter [tilespmem:s31], [sflag:$0x4], $0x80, $0x38;
	[tilespmem:$0x14700] =	vst v63  }
0x323: {  	s12 =	sadd.s32 $0x30, s5;
	s13 =	simm.s32 $0x12698  }
0x324: {  	[hbm4b:s12+s3] =	stream.linear.scatter [tilespmem:s13], [sflag:$0x4], $0x80, $0x38;
	[tilespmem:$0x14700] =	vst v63  }
0x325: {  	s14 =	sadd.s32 $0x40, s5;
	s31 =	simm.s32 $0x12920  }
0x326: {  	[hbm4b:s14+s3] =	stream.linear.scatter [tilespmem:s31], [sflag:$0x4], $0x80, $0x38;
	[tilespmem:$0x14700] =	vst v63  }
0x327: {  	s11 =	sadd.s32 $0x50, s5;
	s12 =	simm.s32 $0x12BA8  }
0x328: {  	[hbm4b:s11+s3] =	stream.linear.scatter [tilespmem:s12], [sflag:$0x4], $0x80, $0x38;
	[tilespmem:$0x14700] =	vst v63  }
0x329: {  	s13 =	sadd.s32 $0x60, s5;
	s14 =	simm.s32 $0x12E30  }
0x32a: {  	[hbm4b:s13+s3] =	stream.linear.scatter [tilespmem:s14], [sflag:$0x4], $0x80, $0x38;
	[tilespmem:$0x14700] =	vst v63  }
0x32b: {  	s5 =	sadd.s32 $0x70, s5;
	s31 =	simm.s32 $0x130B8  }
0x32c: {  	[hbm4b:s5+s3] =	stream.linear.scatter [tilespmem:s31], [sflag:$0x4], $0x80, $0x38;
	[tilespmem:$0x14700] =	vst v63  }
0x32d: {  	s11 =	simm.s32 $0x11F80;
	s5 =	sadd.s32 s19, s10  }
0x32e: {  	[hbm4b:s5+s3] =	stream.linear.scatter [tilespmem:s11], [sflag:$0x4], $0x80, $0x38;
	[tilespmem:$0x14700] =	vst v63  }
0x32f: {  	s13 =	simm.s32 $0x12208;
	s12 =	sadd.s32 $0x10, s5  }
0x330: {  	[hbm4b:s12+s3] =	stream.linear.scatter [tilespmem:s13], [sflag:$0x4], $0x80, $0x38;
	[tilespmem:$0x14700] =	vst v63  }
0x331: {  	s31 =	simm.s32 $0x12490;
	s14 =	sadd.s32 $0x20, s5  }
0x332: {  	[hbm4b:s14+s3] =	stream.linear.scatter [tilespmem:s31], [sflag:$0x4], $0x80, $0x38;
	[tilespmem:$0x14700] =	vst v63  }
0x333: {  	s12 =	sadd.s32 $0x30, s5;
	s13 =	simm.s32 $0x12718  }
0x334: {  	[hbm4b:s12+s3] =	stream.linear.scatter [tilespmem:s13], [sflag:$0x4], $0x80, $0x38;
	[tilespmem:$0x14700] =	vst v63  }
0x335: {  	s14 =	sadd.s32 $0x40, s5;
	s31 =	simm.s32 $0x129A0  }
0x336: {  	[hbm4b:s14+s3] =	stream.linear.scatter [tilespmem:s31], [sflag:$0x4], $0x80, $0x38;
	[tilespmem:$0x14700] =	vst v63  }
0x337: {  	s11 =	sadd.s32 $0x50, s5;
	s12 =	simm.s32 $0x12C28  }
0x338: {  	[hbm4b:s11+s3] =	stream.linear.scatter [tilespmem:s12], [sflag:$0x4], $0x80, $0x38;
	[tilespmem:$0x14700] =	vst v63  }
0x339: {  	s13 =	sadd.s32 $0x60, s5;
	s14 =	simm.s32 $0x12EB0  }
0x33a: {  	[hbm4b:s13+s3] =	stream.linear.scatter [tilespmem:s14], [sflag:$0x4], $0x80, $0x38;
	[tilespmem:$0x14700] =	vst v63  }
0x33b: {  	s5 =	sadd.s32 $0x70, s5;
	s31 =	simm.s32 $0x13138  }
0x33c: {  	[hbm4b:s5+s3] =	stream.linear.scatter [tilespmem:s31], [sflag:$0x4], $0x80, $0x38;
	[tilespmem:$0x14700] =	vst v63  }
0x33d: {  	s11 =	simm.s32 $0x12000;
	s5 =	sadd.s32 s20, s10  }
0x33e: {  	[hbm4b:s5+s3] =	stream.linear.scatter [tilespmem:s11], [sflag:$0x4], $0x80, $0x38;
	[tilespmem:$0x14700] =	vst v63  }
0x33f: {  	s13 =	simm.s32 $0x12288;
	s12 =	sadd.s32 $0x10, s5  }
0x340: {  	[hbm4b:s12+s3] =	stream.linear.scatter [tilespmem:s13], [sflag:$0x4], $0x80, $0x38;
	[tilespmem:$0x14700] =	vst v63  }
0x341: {  	s31 =	simm.s32 $0x12510;
	s14 =	sadd.s32 $0x20, s5  }
0x342: {  	[hbm4b:s14+s3] =	stream.linear.scatter [tilespmem:s31], [sflag:$0x4], $0x80, $0x38;
	[tilespmem:$0x14700] =	vst v63  }
0x343: {  	s12 =	sadd.s32 $0x30, s5;
	s13 =	simm.s32 $0x12798  }
0x344: {  	[hbm4b:s12+s3] =	stream.linear.scatter [tilespmem:s13], [sflag:$0x4], $0x80, $0x38;
	[tilespmem:$0x14700] =	vst v63  }
0x345: {  	s14 =	sadd.s32 $0x40, s5;
	s31 =	simm.s32 $0x12A20  }
0x346: {  	[hbm4b:s14+s3] =	stream.linear.scatter [tilespmem:s31], [sflag:$0x4], $0x80, $0x38;
	[tilespmem:$0x14700] =	vst v63  }
0x347: {  	s11 =	sadd.s32 $0x50, s5;
	s12 =	simm.s32 $0x12CA8  }
0x348: {  	[hbm4b:s11+s3] =	stream.linear.scatter [tilespmem:s12], [sflag:$0x4], $0x80, $0x38;
	[tilespmem:$0x14700] =	vst v63  }
0x349: {  	s13 =	sadd.s32 $0x60, s5;
	s14 =	simm.s32 $0x12F30  }
0x34a: {  	[hbm4b:s13+s3] =	stream.linear.scatter [tilespmem:s14], [sflag:$0x4], $0x80, $0x38;
	[tilespmem:$0x14700] =	vst v63  }
0x34b: {  	s5 =	sadd.s32 $0x70, s5;
	s31 =	simm.s32 $0x131B8  }
0x34c: {  	[hbm4b:s5+s3] =	stream.linear.scatter [tilespmem:s31], [sflag:$0x4], $0x80, $0x38;
	[tilespmem:$0x14700] =	vst v63  }
0x34d: {  	s11 =	simm.s32 $0x12080;
	s5 =	sadd.s32 s22, s10  }
0x34e: {  	[hbm4b:s5+s3] =	stream.linear.scatter [tilespmem:s11], [sflag:$0x4], $0x80, $0x38;
	[tilespmem:$0x14700] =	vst v63  }
0x34f: {  	s13 =	simm.s32 $0x12308;
	s12 =	sadd.s32 $0x10, s5  }
0x350: {  	[hbm4b:s12+s3] =	stream.linear.scatter [tilespmem:s13], [sflag:$0x4], $0x80, $0x38;
	[tilespmem:$0x14700] =	vst v63  }
0x351: {  	s31 =	simm.s32 $0x12590;
	s14 =	sadd.s32 $0x20, s5  }
0x352: {  	[hbm4b:s14+s3] =	stream.linear.scatter [tilespmem:s31], [sflag:$0x4], $0x80, $0x38;
	[tilespmem:$0x14700] =	vst v63  }
0x353: {  	s12 =	sadd.s32 $0x30, s5;
	s13 =	simm.s32 $0x12818  }
0x354: {  	[hbm4b:s12+s3] =	stream.linear.scatter [tilespmem:s13], [sflag:$0x4], $0x80, $0x38;
	[tilespmem:$0x14700] =	vst v63  }
0x355: {  	s14 =	sadd.s32 $0x40, s5;
	s31 =	simm.s32 $0x12AA0  }
0x356: {  	[hbm4b:s14+s3] =	stream.linear.scatter [tilespmem:s31], [sflag:$0x4], $0x80, $0x38;
	[tilespmem:$0x14700] =	vst v63  }
0x357: {  	s11 =	sadd.s32 $0x50, s5;
	s12 =	simm.s32 $0x12D28  }
0x358: {  	[hbm4b:s11+s3] =	stream.linear.scatter [tilespmem:s12], [sflag:$0x4], $0x80, $0x38;
	[tilespmem:$0x14700] =	vst v63  }
0x359: {  	s13 =	sadd.s32 $0x60, s5;
	s14 =	simm.s32 $0x12FB0  }
0x35a: {  	[hbm4b:s13+s3] =	stream.linear.scatter [tilespmem:s14], [sflag:$0x4], $0x80, $0x38;
	[tilespmem:$0x14700] =	vst v63  }
0x35b: {  	s5 =	sadd.s32 $0x70, s5;
	s31 =	simm.s32 $0x13238  }
0x35c: {  	[hbm4b:s5+s3] =	stream.linear.scatter [tilespmem:s31], [sflag:$0x4], $0x80, $0x38;
	[tilespmem:$0x14700] =	vst v63  }
0x35d: {  	s11 =	simm.s32 $0x132C0;
	s5 =	sadd.s32 s23, s10  }
0x35e: {  	[hbm4b:s5+s3] =	stream.linear.scatter [tilespmem:s11], [sflag:$0x4], $0x80, $0x38;
	[tilespmem:$0x14700] =	vst v63  }
0x35f: {  	s13 =	simm.s32 $0x13548;
	s12 =	sadd.s32 $0x10, s5  }
0x360: {  	[hbm4b:s12+s3] =	stream.linear.scatter [tilespmem:s13], [sflag:$0x4], $0x80, $0x38;
	[tilespmem:$0x14700] =	vst v63  }
0x361: {  	s31 =	simm.s32 $0x137D0;
	s14 =	sadd.s32 $0x20, s5  }
0x362: {  	[hbm4b:s14+s3] =	stream.linear.scatter [tilespmem:s31], [sflag:$0x4], $0x80, $0x38;
	[tilespmem:$0x14700] =	vst v63  }
0x363: {  	s12 =	sadd.s32 $0x30, s5;
	s13 =	simm.s32 $0x13A58  }
0x364: {  	[hbm4b:s12+s3] =	stream.linear.scatter [tilespmem:s13], [sflag:$0x4], $0x80, $0x38;
	[tilespmem:$0x14700] =	vst v63  }
0x365: {  	s14 =	sadd.s32 $0x40, s5;
	s31 =	simm.s32 $0x13CE0  }
0x366: {  	[hbm4b:s14+s3] =	stream.linear.scatter [tilespmem:s31], [sflag:$0x4], $0x80, $0x38;
	[tilespmem:$0x14700] =	vst v63  }
0x367: {  	s11 =	sadd.s32 $0x50, s5;
	s12 =	simm.s32 $0x13F68  }
0x368: {  	[hbm4b:s11+s3] =	stream.linear.scatter [tilespmem:s12], [sflag:$0x4], $0x80, $0x38;
	[tilespmem:$0x14700] =	vst v63  }
0x369: {  	s13 =	sadd.s32 $0x60, s5;
	s14 =	simm.s32 $0x141F0  }
0x36a: {  	[hbm4b:s13+s3] =	stream.linear.scatter [tilespmem:s14], [sflag:$0x4], $0x80, $0x38;
	[tilespmem:$0x14700] =	vst v63  }
0x36b: {  	s5 =	sadd.s32 $0x70, s5;
	s31 =	simm.s32 $0x14478  }
0x36c: {  	[hbm4b:s5+s3] =	stream.linear.scatter [tilespmem:s31], [sflag:$0x4], $0x80, $0x38;
	[tilespmem:$0x14700] =	vst v63  }
0x36d: {  	s11 =	simm.s32 $0x13340;
	s5 =	sadd.s32 s25, s10  }
0x36e: {  	[hbm4b:s5+s3] =	stream.linear.scatter [tilespmem:s11], [sflag:$0x4], $0x80, $0x38;
	[tilespmem:$0x14700] =	vst v63  }
0x36f: {  	s13 =	simm.s32 $0x135C8;
	s12 =	sadd.s32 $0x10, s5  }
0x370: {  	[hbm4b:s12+s3] =	stream.linear.scatter [tilespmem:s13], [sflag:$0x4], $0x80, $0x38;
	[tilespmem:$0x14700] =	vst v63  }
0x371: {  	s31 =	simm.s32 $0x13850;
	s14 =	sadd.s32 $0x20, s5  }
0x372: {  	[hbm4b:s14+s3] =	stream.linear.scatter [tilespmem:s31], [sflag:$0x4], $0x80, $0x38;
	[tilespmem:$0x14700] =	vst v63  }
0x373: {  	s12 =	sadd.s32 $0x30, s5;
	s13 =	simm.s32 $0x13AD8  }
0x374: {  	[hbm4b:s12+s3] =	stream.linear.scatter [tilespmem:s13], [sflag:$0x4], $0x80, $0x38;
	[tilespmem:$0x14700] =	vst v63  }
0x375: {  	s14 =	sadd.s32 $0x40, s5;
	s31 =	simm.s32 $0x13D60  }
0x376: {  	[hbm4b:s14+s3] =	stream.linear.scatter [tilespmem:s31], [sflag:$0x4], $0x80, $0x38;
	[tilespmem:$0x14700] =	vst v63  }
0x377: {  	s11 =	sadd.s32 $0x50, s5;
	s12 =	simm.s32 $0x13FE8  }
0x378: {  	[hbm4b:s11+s3] =	stream.linear.scatter [tilespmem:s12], [sflag:$0x4], $0x80, $0x38;
	[tilespmem:$0x14700] =	vst v63  }
0x379: {  	s13 =	sadd.s32 $0x60, s5;
	s14 =	simm.s32 $0x14270  }
0x37a: {  	[hbm4b:s13+s3] =	stream.linear.scatter [tilespmem:s14], [sflag:$0x4], $0x80, $0x38;
	[tilespmem:$0x14700] =	vst v63  }
0x37b: {  	s5 =	sadd.s32 $0x70, s5;
	s31 =	simm.s32 $0x144F8  }
0x37c: {  	[hbm4b:s5+s3] =	stream.linear.scatter [tilespmem:s31], [sflag:$0x4], $0x80, $0x38;
	[tilespmem:$0x14700] =	vst v63  }
0x37d: {  	s11 =	simm.s32 $0x133C0;
	s5 =	sadd.s32 s26, s10  }
0x37e: {  	[hbm4b:s5+s3] =	stream.linear.scatter [tilespmem:s11], [sflag:$0x4], $0x80, $0x38;
	[tilespmem:$0x14700] =	vst v63  }
0x37f: {  	s13 =	simm.s32 $0x13648;
	s12 =	sadd.s32 $0x10, s5  }
0x380: {  	[hbm4b:s12+s3] =	stream.linear.scatter [tilespmem:s13], [sflag:$0x4], $0x80, $0x38;
	[tilespmem:$0x14700] =	vst v63  }
0x381: {  	s31 =	simm.s32 $0x138D0;
	s14 =	sadd.s32 $0x20, s5  }
0x382: {  	[hbm4b:s14+s3] =	stream.linear.scatter [tilespmem:s31], [sflag:$0x4], $0x80, $0x38;
	[tilespmem:$0x14700] =	vst v63  }
0x383: {  	s12 =	sadd.s32 $0x30, s5;
	s13 =	simm.s32 $0x13B58  }
0x384: {  	[hbm4b:s12+s3] =	stream.linear.scatter [tilespmem:s13], [sflag:$0x4], $0x80, $0x38;
	[tilespmem:$0x14700] =	vst v63  }
0x385: {  	s14 =	sadd.s32 $0x40, s5;
	s31 =	simm.s32 $0x13DE0  }
0x386: {  	[hbm4b:s14+s3] =	stream.linear.scatter [tilespmem:s31], [sflag:$0x4], $0x80, $0x38;
	[tilespmem:$0x14700] =	vst v63  }
0x387: {  	s11 =	sadd.s32 $0x50, s5;
	s12 =	simm.s32 $0x14068  }
0x388: {  	[hbm4b:s11+s3] =	stream.linear.scatter [tilespmem:s12], [sflag:$0x4], $0x80, $0x38;
	[tilespmem:$0x14700] =	vst v63  }
0x389: {  	s13 =	sadd.s32 $0x60, s5;
	s14 =	simm.s32 $0x142F0  }
0x38a: {  	[hbm4b:s13+s3] =	stream.linear.scatter [tilespmem:s14], [sflag:$0x4], $0x80, $0x38;
	[tilespmem:$0x14700] =	vst v63  }
0x38b: {  	s5 =	sadd.s32 $0x70, s5;
	s31 =	simm.s32 $0x14578  }
0x38c: {  	[hbm4b:s5+s3] =	stream.linear.scatter [tilespmem:s31], [sflag:$0x4], $0x80, $0x38;
	[tilespmem:$0x14700] =	vst v63  }
0x38d: {  	s11 =	simm.s32 $0x13440;
	s5 =	sadd.s32 s29, s10  }
0x38e: {  	[hbm4b:s5+s3] =	stream.linear.scatter [tilespmem:s11], [sflag:$0x4], $0x80, $0x38;
	[tilespmem:$0x14700] =	vst v63  }
0x38f: {  	s13 =	simm.s32 $0x136C8;
	s12 =	sadd.s32 $0x10, s5  }
0x390: {  	[hbm4b:s12+s3] =	stream.linear.scatter [tilespmem:s13], [sflag:$0x4], $0x80, $0x38;
	[tilespmem:$0x14700] =	vst v63  }
0x391: {  	s31 =	simm.s32 $0x13950;
	s14 =	sadd.s32 $0x20, s5  }
0x392: {  	[hbm4b:s14+s3] =	stream.linear.scatter [tilespmem:s31], [sflag:$0x4], $0x80, $0x38;
	[tilespmem:$0x14700] =	vst v63  }
0x393: {  	s12 =	sadd.s32 $0x30, s5;
	s13 =	simm.s32 $0x13BD8  }
0x394: {  	[hbm4b:s12+s3] =	stream.linear.scatter [tilespmem:s13], [sflag:$0x4], $0x80, $0x38;
	[tilespmem:$0x14700] =	vst v63  }
0x395: {  	s14 =	sadd.s32 $0x40, s5;
	s31 =	simm.s32 $0x13E60  }
0x396: {  	[hbm4b:s14+s3] =	stream.linear.scatter [tilespmem:s31], [sflag:$0x4], $0x80, $0x38;
	[tilespmem:$0x14700] =	vst v63  }
0x397: {  	s12 =	sadd.s32 $0x50, s5;
	s13 =	simm.s32 $0x140E8  }
0x398: {  	[hbm4b:s12+s3] =	stream.linear.scatter [tilespmem:s13], [sflag:$0x4], $0x80, $0x38;
	[tilespmem:$0x14700] =	vst v63  }
0x399: {  	s14 =	sadd.s32 $0x60, s5;
	s31 =	simm.s32 $0x14370  }
0x39a: {  	[hbm4b:s14+s3] =	stream.linear.scatter [tilespmem:s31], [sflag:$0x4], $0x80, $0x38;
	[tilespmem:$0x14700] =	vst v63  }
0x39b: {  	s5 =	sadd.s32 $0x70, s5;
	s12 =	simm.s32 $0x145F8  }
0x39c: {  	[hbm4b:s5+s3] =	stream.linear.scatter [tilespmem:s12], [sflag:$0x4], $0x80, $0x38;
	[tilespmem:$0x14700] =	vst v63  }
0x39d: {  	s13 =	simm.s32 $0x134C0;
	s5 =	sadd.s32 s30, s10  }
0x39e: {  	[hbm4b:s5+s3] =	stream.linear.scatter [tilespmem:s13], [sflag:$0x4], $0x80, $0x38;
	[tilespmem:$0x14700] =	vst v63  }
0x39f: {  	s31 =	simm.s32 $0x13748;
	s14 =	sadd.s32 $0x10, s5  }
0x3a0: {  	[hbm4b:s14+s3] =	stream.linear.scatter [tilespmem:s31], [sflag:$0x4], $0x80, $0x38;
	[tilespmem:$0x14700] =	vst v63  }
0x3a1: {  	s11 =	simm.s32 $0x139D0;
	s10 =	sadd.s32 $0x20, s5  }
0x3a2: {  	[hbm4b:s10+s3] =	stream.linear.scatter [tilespmem:s11], [sflag:$0x4], $0x80, $0x38;
	[tilespmem:$0x14700] =	vst v63  }
0x3a3: {  	s12 =	sadd.s32 $0x30, s5;
	s13 =	simm.s32 $0x13C58  }
0x3a4: {  	[hbm4b:s12+s3] =	stream.linear.scatter [tilespmem:s13], [sflag:$0x4], $0x80, $0x38;
	[tilespmem:$0x14700] =	vst v63  }
0x3a5: {  	s0 =	sadd.s32 $0x1, s0;
	s14 =	sadd.s32 $0x40, s5;
	s31 =	simm.s32 $0x13EE0  }
0x3a6: {  	[hbm4b:s14+s3] =	stream.linear.scatter [tilespmem:s31], [sflag:$0x4], $0x80, $0x38;
	[tilespmem:$0x14700] =	vst v63  }
0x3a7: {  	p0 =	sne.s32 s0, $0x14;
	s11 =	sadd.s32 $0x50, s5;
	s12 =	simm.s32 $0x14168  }
0x3a8: {  	[hbm4b:s11+s3] =	stream.linear.scatter [tilespmem:s12], [sflag:$0x4], $0x80, $0x38;
	[tilespmem:$0x14700] =	vst v63  }
.Ltmp2:
0x3a9: {  	_ = 	snop;
	(pc) =	sbr.rel @p0 .LBB2_2-.Ltmp2, $4  }
0x3aa: {  	s13 =	sadd.s32 $0x60, s5;
	s14 =	simm.s32 $0x143F0  }
0x3ab: {  	[hbm4b:s13+s3] =	stream.linear.scatter [tilespmem:s14], [sflag:$0x4], $0x80, $0x38;
	[tilespmem:$0x14700] =	vst v63  }
0x3ac: {  	s5 =	sadd.s32 $0x70, s5;
	s31 =	simm.s32 $0x14678  }
0x3ad: {  	[hbm4b:s5+s3] =	stream.linear.scatter [tilespmem:s31], [sflag:$0x4], $0x80, $0x38;
	[tilespmem:$0x14700] =	vst v63  }
0x3ae: {  	s5 =	simm.s32 $0x4  }
0x3af: {  	_ =	swait.ge [sflag:s5], $0x400  }
0x3b0: {  	[sflag:s5] =	ssyncset.done $0x0  }
0x3b1: {  	[sflag:s5] =	ssyncadd.s32 $0xFFFFFC00  }
0x3b2: {  	_ =	swait.ge [sflag:s5], $0x400  }
0x3b3: {  	[sflag:s5] =	ssyncset.done $0x0  }
0x3b4: {  	[sflag:s5] =	ssyncadd.s32 $0xFFFFFC00  }
0x3b5: {  	_ =	swait.ge [sflag:s5], $0x400  }
0x3b6: {  	[sflag:s5] =	ssyncset.done $0x0  }
0x3b7: {  	[sflag:s5] =	ssyncadd.s32 $0xFFFFFC00  }
0x3b8: {  	_ =	swait.ge [sflag:s5], $0x400  }
0x3b9: {  	[sflag:s5] =	ssyncset.done $0x0  }
0x3ba: {  	[sflag:s5] =	ssyncadd.s32 $0xFFFFFC00  }
0x3bb: {  	_ =	swait.ge [sflag:s5], $0x400  }
0x3bc: {  	[sflag:s5] =	ssyncset.done $0x0  }
0x3bd: {  	[sflag:s5] =	ssyncadd.s32 $0xFFFFFC00  }
0x3be: {  	_ =	swait.ge [sflag:s5], $0x400  }
0x3bf: {  	[sflag:s5] =	ssyncset.done $0x0  }
0x3c0: {  	[sflag:s5] =	ssyncadd.s32 $0xFFFFFC00  }
0x3c1: {  	_ =	swait.ge [sflag:s5], $0x400  }
0x3c2: {  	[sflag:s5] =	ssyncset.done $0x0  }
0x3c3: {  	[sflag:s5] =	ssyncadd.s32 $0xFFFFFC00  }
0x3c4: {  	_ =	swait.ge [sflag:s5], $0x400  }
0x3c5: {  	[sflag:s5] =	ssyncset.done $0x0  }
0x3c6: {  	[sflag:s5] =	ssyncadd.s32 $0xFFFFFC00  }
0x3c7: {  	_ =	swait.ge [sflag:s5], $0x400  }
0x3c8: {  	[sflag:s5] =	ssyncset.done $0x0  }
0x3c9: {  	[sflag:s5] =	ssyncadd.s32 $0xFFFFFC00  }
0x3ca: {  	_ =	swait.ge [sflag:s5], $0x400  }
0x3cb: {  	[sflag:s5] =	ssyncset.done $0x0  }
0x3cc: {  	[sflag:s5] =	ssyncadd.s32 $0xFFFFFC00  }
0x3cd: {  	_ =	swait.ge [sflag:s5], $0x400  }
0x3ce: {  	[sflag:s5] =	ssyncset.done $0x0  }
0x3cf: {  	[sflag:s5] =	ssyncadd.s32 $0xFFFFFC00  }
0x3d0: {  	_ =	swait.ge [sflag:s5], $0x400  }
0x3d1: {  	[sflag:s5] =	ssyncset.done $0x0  }
0x3d2: {  	[sflag:s5] =	ssyncadd.s32 $0xFFFFFC00  }
0x3d3: {  	_ =	swait.ge [sflag:s5], $0x400  }
0x3d4: {  	[sflag:s5] =	ssyncset.done $0x0  }
0x3d5: {  	[sflag:s5] =	ssyncadd.s32 $0xFFFFFC00  }
0x3d6: {  	_ =	swait.ge [sflag:s5], $0x400  }
0x3d7: {  	[sflag:s5] =	ssyncset.done $0x0  }
0x3d8: {  	[sflag:s5] =	ssyncadd.s32 $0xFFFFFC00  }
0x3d9: {  	_ =	swait.ge [sflag:s5], $0x400  }
0x3da: {  	[sflag:s5] =	ssyncset.done $0x0  }
0x3db: {  	[sflag:s5] =	ssyncadd.s32 $0xFFFFFC00  }
0x3dc: {  	_ =	swait.ge [sflag:s5], $0x400  }
0x3dd: {  	[sflag:s5] =	ssyncset.done $0x0  }
0x3de: {  	[sflag:s5] =	ssyncadd.s32 $0xFFFFFC00  }
0x3df: {  	_ =	swait.ge [sflag:s5], $0x400  }
0x3e0: {  	[sflag:s5] =	ssyncset.done $0x0  }
0x3e1: {  	[sflag:s5] =	ssyncadd.s32 $0xFFFFFC00  }
0x3e2: {  	_ =	swait.ge [sflag:s5], $0x400  }
0x3e3: {  	[sflag:s5] =	ssyncset.done $0x0  }
0x3e4: {  	[sflag:s5] =	ssyncadd.s32 $0xFFFFFC00  }
0x3e5: {  	_ =	swait.ge [sflag:s5], $0x400  }
0x3e6: {  	[sflag:s5] =	ssyncset.done $0x0  }
0x3e7: {  	[sflag:s5] =	ssyncadd.s32 $0xFFFFFC00  }
0x3e8: {  	_ =	swait.ge [sflag:s5], $0x400  }
0x3e9: {  	s9 =	rddreg [dreg:$0xe]  }
0x3ea: {  	s0 =	rddreg [dreg:$0xd];
	s9 =	sadd.s32 $0x1, s9  }
0x3eb: {  	p0 =	sne.s32 s9, s0  }
.Ltmp3:
0x3ec: {  	_ = 	snop;
	(pc) =	sbr.rel @p0 .LBB2_1-.Ltmp3, $3  }
0x3ed: {  	_ =	sdelay $0x1  }
0x3ee: {  	[sflag:s5] =	ssyncset.done $0x0  }
0x3ef: {  	[sflag:s5] =	ssyncadd.s32 $0xFFFFFC00  }
0x3f0: {  	_ =	sfence.sel $0x180000  }
0x3f1: {  	[bflag:$0x0] =	sbarrier.arrive $0xFFFF  }
0x3f2: {  	_ =	strace $0x90000047  }
0x3f3: {  	s0 =	stileid.u32;
	[bflag:$0x2] =	sbarrier.arrive $0xFFFF  }
0x3f4: {  	p0 =	sne.s32 s0, $0x0;
	s0 =	rddreg [dreg:$0x2]  }
0x3f5: {  	s0 =	sadd.s32 @!p0 $0x100000, s0  }
0x3f6: {  	[sflag:s0] =	ssyncadd.tile.s32 @!p0 $0x1;
	_ =	shalt  }
.Lfunc_end2:
_tile_overlayer_lowered:
.L_overlay_start_2:
0x3f7: {  	(tag) =	ssettag $0x2  }
0x3f8: {  	s0 =	rddreg [dreg:$0x0];
	s2 =	stileid.u32  }
0x3f9: {  	s1 =	rddreg [dreg:$0x1];
	p0 =	sne.s32 s2, $0x0  }
0x3fa: {  	s3 =	rddreg [dreg:$0x2];
	[bflag:$0x3] =	sbarrier.arrive $0xFFFF;
	s2 =	simm.s32 @!p0 $0x1C05  }
0x3fb: {  	[timem:s3], [sflag:s2] =	dma.local @!p0 [hbm:s0], s1  }
0x3fc: {  	s0 =	simm.s32 @!p0 $0x5  }
0x3fd: {  	_ =	swait.ge @!p0 [sflag:s0], s1  }
0x3fe: {  	s1 =	ssub.s32 @!p0 $0x0, s1;
	[sflag:s0] =	ssyncset.done @!p0 $0x0  }
0x3ff: {  	[sflag:s0] =	ssyncadd.s32 @!p0 s1  }
0x400: {  	[bflag:$0x3] =	sbarrier.arrive $0xFFFF  }
0x401: {  	_ =	shalt  }

</sc_bundles>
